<compile_context>
chip_gen: v7x
topology: tpu7x:2x2x1
jax: 0.10.2.dev20260603
libtpu: 0.0.44.dev20260713+nightly
codegen_flags: <defaults>
</compile_context>

<pallas_src>
import functools

import jax
import jax.numpy as jnp
from jax import lax
from jax.experimental import pallas as pl
from jax.experimental.pallas import tpu as pltpu
from jax.experimental.pallas import tpu_sc as plsc

N = 10000
E = 320000
D_NODE = 128
D_EDGE = 16
H = 64

N_PAD = 10240
EB = 6400
NB = 2048
EB_SC = 640
E_QUARTER = E // 4
NCHUNK = E_QUARTER // EB_SC
COLS = 8
ACC = COLS * N
TMP = 16000


def _edge_mlp_kernel(x_ref, w1_ref, b1_ref, w2_ref, b2_ref, out_ref):
    h = lax.dot_general(w1_ref[...], x_ref[...], (((1,), (1,)), ((), ())),
                        preferred_element_type=jnp.float32)
    h = jax.nn.relu(h + b1_ref[...])
    o = lax.dot_general(w2_ref[...], h, (((1,), (0,)), ((), ())),
                        preferred_element_type=jnp.float32)
    out_ref[...] = jax.nn.relu(o + b2_ref[...])


def _edge_mlp_T(edge_features, We1, be1, We2, be2):
    grid = (E // EB,)
    return pl.pallas_call(
        _edge_mlp_kernel,
        grid=grid,
        in_specs=[
            pl.BlockSpec((EB, D_EDGE), lambda i: (i, 0)),
            pl.BlockSpec((H, D_EDGE), lambda i: (0, 0)),
            pl.BlockSpec((H, 1), lambda i: (0, 0)),
            pl.BlockSpec((H, H), lambda i: (0, 0)),
            pl.BlockSpec((H, 1), lambda i: (0, 0)),
        ],
        out_specs=pl.BlockSpec((H, EB), lambda i: (0, i)),
        out_shape=jax.ShapeDtypeStruct((H, E), jnp.float32),
    )(edge_features, We1, be1.reshape(H, 1), We2, be2.reshape(H, 1))


def _sc_agg_body(src_hbm, embT_hbm, out_hbm, src_v, emb_v, acc_v, tmp_v,
                 sem_s, sem_e, spmem):
    cid = lax.axis_index("c")
    sid = lax.axis_index("s")
    eg = sid // 8
    cg = sid % 8
    q = cid * 2 + eg
    col0 = cg * COLS
    ebase = q * E_QUARTER

    def zinit(j, c):
        acc_v[pl.ds(j * 16, 16)] = jnp.zeros((16,), jnp.float32)
        return c
    lax.fori_loop(0, ACC // 16, zinit, 0)

    def dma_pair(t, slot):
        e0 = ebase + t * EB_SC
        return (
            pltpu.make_async_copy(src_hbm.at[pl.ds(e0, EB_SC)],
                                  src_v.at[slot], sem_s.at[slot]),
            pltpu.make_async_copy(
                embT_hbm.at[pl.ds(col0, COLS), pl.ds(e0, EB_SC)],
                emb_v.at[slot], sem_e.at[slot]),
        )

    def start_chunk(t, slot):
        a, b = dma_pair(t, slot)
        a.start()
        b.start()

    def wait_chunk(t, slot):
        a, b = dma_pair(t, slot)
        a.wait()
        b.wait()

    def process(slot):
        def vec_body(i, c2):
            def one(i):
                idx = src_v[slot, pl.ds(i * 16, 16)]
                occ, _ = plsc.scan_count(idx)

                def do_round(mask):
                    for cc in range(COLS):
                        a = idx + (cc * N)
                        v = emb_v[slot, cc, pl.ds(i * 16, 16)]
                        old = plsc.load_gather(acc_v, [a], mask=mask)
                        plsc.store_scatter(acc_v, [a], jnp.maximum(old, v),
                                           mask=mask)

                do_round(occ == 1)
                nmax = jnp.max(occ)

                def wbody(r):
                    do_round(occ == r)
                    return r + 1

                lax.while_loop(lambda r: r <= nmax, wbody, jnp.int32(2))

            one(2 * i)
            one(2 * i + 1)
            return c2

        lax.fori_loop(0, EB_SC // 32, vec_body, 0)

    start_chunk(0, 0)

    def chunk_pair(tt, c):
        t = 2 * tt
        start_chunk(t + 1, 1)
        wait_chunk(t, 0)
        process(0)
        start_chunk(t + 2, 0)
        wait_chunk(t + 1, 1)
        process(1)
        return c

    lax.fori_loop(0, (NCHUNK - 1) // 2, chunk_pair, 0)
    wait_chunk(NCHUNK - 1, 0)
    process(0)

    for k in range(ACC // TMP):
        @pl.when(eg == 1)
        def _():
            pltpu.sync_copy(acc_v.at[pl.ds(k * TMP, TMP)], spmem.at[cg])

        plsc.subcore_barrier()

        @pl.when(eg == 0)
        def _():
            pltpu.sync_copy(spmem.at[cg], tmp_v)

            def mbody(j, c):
                o = k * TMP + j * 16
                acc_v[pl.ds(o, 16)] = jnp.maximum(
                    acc_v[pl.ds(o, 16)], tmp_v[pl.ds(j * 16, 16)])
                return c
            lax.fori_loop(0, TMP // 16, mbody, 0)

        plsc.subcore_barrier()

    @pl.when(eg == 0)
    def _():
        for cc in range(COLS):
            pltpu.sync_copy(acc_v.at[pl.ds(cc * N, N)],
                            out_hbm.at[pl.ds(cid * (H * N_PAD) + (col0 + cc) * N_PAD, N)])


def _sc_agg(src, embT):
    mesh = plsc.VectorSubcoreMesh(core_axis_name="c", subcore_axis_name="s",
                                  num_cores=2, num_subcores=16)
    kfn = pl.kernel(
        _sc_agg_body,
        out_type=jax.ShapeDtypeStruct((2 * H * N_PAD,), jnp.float32),
        mesh=mesh,
        compiler_params=pltpu.CompilerParams(needs_layout_passes=False),
        scratch_types=[
            pltpu.VMEM((2, EB_SC), jnp.int32),
            pltpu.VMEM((2, COLS, EB_SC), jnp.float32),
            pltpu.VMEM((ACC,), jnp.float32),
            pltpu.VMEM((TMP,), jnp.float32),
            pltpu.SemaphoreType.DMA((2,)),
            pltpu.SemaphoreType.DMA((2,)),
            pltpu.VMEM_SHARED((8, TMP), jnp.float32),
        ],
    )
    return kfn(src, embT)


def _node_kernel(x_ref, w1_ref, b1_ref, w2_ref, b2_ref, p0_ref, p1_ref, out_ref):
    h = lax.dot_general(w1_ref[...], x_ref[...], (((1,), (1,)), ((), ())),
                        preferred_element_type=jnp.float32)
    h = jax.nn.relu(h + b1_ref[...])
    o = lax.dot_general(w2_ref[...], h, (((1,), (0,)), ((), ())),
                        preferred_element_type=jnp.float32)
    out_ref[0:H, :] = jax.nn.relu(o + b2_ref[...])
    out_ref[H:2 * H, :] = jnp.maximum(p0_ref[...], p1_ref[...])


def _node_mlp_concat_T(node_features_pad, Wn1, bn1, Wn2, bn2, part0, part1):
    grid = (N_PAD // NB,)
    return pl.pallas_call(
        _node_kernel,
        grid=grid,
        in_specs=[
            pl.BlockSpec((NB, D_NODE), lambda i: (i, 0)),
            pl.BlockSpec((H, D_NODE), lambda i: (0, 0)),
            pl.BlockSpec((H, 1), lambda i: (0, 0)),
            pl.BlockSpec((H, H), lambda i: (0, 0)),
            pl.BlockSpec((H, 1), lambda i: (0, 0)),
            pl.BlockSpec((H, NB), lambda i: (0, i)),
            pl.BlockSpec((H, NB), lambda i: (0, i)),
        ],
        out_specs=pl.BlockSpec((2 * H, NB), lambda i: (0, i)),
        out_shape=jax.ShapeDtypeStruct((2 * H, N_PAD), jnp.float32),
    )(node_features_pad, Wn1, bn1.reshape(H, 1), Wn2, bn2.reshape(H, 1),
      part0, part1)


@jax.jit
def kernel(node_features, edge_features, edge_index, Wn1, bn1, Wn2, bn2,
           We1, be1, We2, be2):
    src = edge_index[0]
    embT = _edge_mlp_T(edge_features, We1, be1, We2, be2)
    parts = _sc_agg(src, embT).reshape(2, H, N_PAD)
    part0 = parts[0]
    part1 = parts[1]
    x_pad = jnp.pad(node_features, ((0, N_PAD - N), (0, 0)))
    outT = _node_mlp_concat_T(x_pad, Wn1, bn1, Wn2, bn2, part0, part1)
    return outT[:, :N].T

# --- scband reference (transcript-rebuilt; emitter-appended) ---
"""Pipeline reference for scband-node-edge-feature-enhancer-35287451304770 (READ-ONLY COPY).

The authoritative reference and input builder live on the scoring server;
editing this copy changes nothing except your own understanding.
"""

import jax, jax.numpy as jnp
import numpy as np


def _mlp(x, W1, b1, W2, b2):
    h = jax.nn.relu(x @ W1.T + b1)
    return jax.nn.relu(h @ W2.T + b2)


def setup_inputs(seed: int = 0) -> dict:
    key = jax.random.key(seed)
    ks = jax.random.split(key, 12)
    N, E = 10000, 320000
    d_node, d_edge, half = 128, 16, 64
    node_features = jax.random.normal(ks[0], (N, d_node), dtype=jnp.float32)
    edge_features = jax.random.normal(ks[1], (E, d_edge), dtype=jnp.float32)
    edge_index = jax.random.randint(ks[2], (2, E), 0, N)
    # node MLP params (fc1: d_node->half, fc2: half->half), torch Linear layout [out, in]
    Wn1 = jax.random.normal(ks[3], (half, d_node), dtype=jnp.float32) * (1.0 / np.sqrt(d_node))
    bn1 = jnp.zeros((half,), dtype=jnp.float32)
    Wn2 = jax.random.normal(ks[4], (half, half), dtype=jnp.float32) * (1.0 / np.sqrt(half))
    bn2 = jnp.zeros((half,), dtype=jnp.float32)
    # edge MLP params (fc1: d_edge->half, fc2: half->half)
    We1 = jax.random.normal(ks[5], (half, d_edge), dtype=jnp.float32) * (1.0 / np.sqrt(d_edge))
    be1 = jnp.zeros((half,), dtype=jnp.float32)
    We2 = jax.random.normal(ks[6], (half, half), dtype=jnp.float32) * (1.0 / np.sqrt(half))
    be2 = jnp.zeros((half,), dtype=jnp.float32)
    return {
        "node_features": node_features,
        "edge_features": edge_features,
        "edge_index": edge_index,
        "Wn1": Wn1, "bn1": bn1, "Wn2": Wn2, "bn2": bn2,
        "We1": We1, "be1": be1, "We2": We2, "be2": be2,
    }


def reference(node_features, edge_features, edge_index, Wn1, bn1, Wn2, bn2, We1, be1, We2, be2):
    node_emb = _mlp(node_features, Wn1, bn1, Wn2, bn2)
    edge_emb = _mlp(edge_features, We1, be1, We2, be2)
    num_nodes = node_features.shape[0]
    src = edge_index[0]
    # per-source-node max over incident edge embeddings (equivalent to the torch loop)
    seg_max = jax.ops.segment_max(edge_emb, src, num_segments=num_nodes)
    counts = jnp.zeros((num_nodes,), dtype=edge_emb.dtype).at[src].add(1.0)
    aggregated = jnp.where(counts[:, None] > 0, seg_max, jnp.zeros_like(seg_max))
    return jnp.concatenate([node_emb, aggregated], axis=1)

if __name__ == "__main__":
    import jax
    _d = setup_inputs()
    print(jax.jit(kernel)(*tuple(_d.values())))

</pallas_src>

<mosaic_0001>
#map = affine_map<(d0, d1) -> (0)>
#map1 = affine_map<(d0, d1) -> (0, 0)>
module attributes {stable_mosaic.version = 14 : i64} {
  func.func @_sc_agg_body(%arg0: i32, %arg1: i32, %arg2: memref<320000xi32, #tpu.memory_space<hbm>>, %arg3: memref<64x320000xf32, #tpu.memory_space<hbm>>, %arg4: memref<1310720xf32, #tpu.memory_space<hbm>>, %arg5: memref<2x640xi32, #tpu.memory_space<vmem>>, %arg6: memref<2x8x640xf32, #tpu.memory_space<vmem>>, %arg7: memref<80000xf32, #tpu.memory_space<vmem>>, %arg8: memref<16000xf32, #tpu.memory_space<vmem>>, %arg9: memref<2x!tpu.dma_semaphore, #tpu.memory_space<semaphore_mem>>, %arg10: memref<2x!tpu.dma_semaphore, #tpu.memory_space<semaphore_mem>>, %arg11: memref<8x16000xf32, #tpu.memory_space<vmem_shared>>) attributes {dimension_semantics = [#tpu.dimension_semantics<core_parallel>, #tpu.dimension_semantics<subcore_parallel>], iteration_bounds = array<i64: 2, 16>, scalar_prefetch = 0 : i64, scratch_operands = 7 : i64, tpu.core_type = #tpu.core_type<sc_vector_subcore>, window_params = [{transform_indices = #map}, {transform_indices = #map1}, {transform_indices = #map}]} {
    %jit3A = arith.constant 8 : i32
    %div3A = arith.divsi %arg1, %jit3A : i32
    %sign3A = arith.constant 0 : i32
    %sign3A_0 = arith.cmpi sgt, %arg1, %sign3A : i32
    %sign3A_1 = arith.extui %sign3A_0 : i1 to i32
    %sign3A_2 = arith.constant 0 : i32
    %sign3A_3 = arith.cmpi slt, %arg1, %sign3A_2 : i32
    %sign3A_4 = arith.extui %sign3A_3 : i1 to i32
    %sign3A_5 = arith.subi %sign3A_1, %sign3A_4 : i32
    %sign3A_6 = arith.constant 0 : i32
    %sign3A_7 = arith.cmpi sgt, %jit3A, %sign3A_6 : i32
    %sign3A_8 = arith.extui %sign3A_7 : i1 to i32
    %sign3A_9 = arith.constant 0 : i32
    %sign3A_10 = arith.cmpi slt, %jit3A, %sign3A_9 : i32
    %sign3A_11 = arith.extui %sign3A_10 : i1 to i32
    %sign3A_12 = arith.subi %sign3A_8, %sign3A_11 : i32
    %ne3A = arith.cmpi ne, %sign3A_5, %sign3A_12 : i32
    %rem3A = arith.remsi %arg1, %jit3A : i32
    %ne3A_13 = arith.constant 0 : i32
    %ne3A_14 = arith.cmpi ne, %rem3A, %ne3A_13 : i32
    %and3A = arith.andi %ne3A, %ne3A_14 : i1
    %sub3A = arith.constant 1 : i32
    %sub3A_15 = arith.subi %div3A, %sub3A : i32
    %select_n3A = arith.select %and3A, %sub3A_15, %div3A : i32
    %jit3A_16 = arith.constant 8 : i32
    %eq3A = arith.constant 0 : i32
    %eq3A_17 = arith.cmpi eq, %jit3A_16, %eq3A : i32
    %jit3A_18 = arith.constant 1 : i32
    %select_n3A_19 = arith.select %eq3A_17, %jit3A_18, %jit3A_16 : i32
    %rem3A_20 = arith.remsi %arg1, %select_n3A_19 : i32
    %ne3A_21 = arith.constant 0 : i32
    %ne3A_22 = arith.cmpi ne, %rem3A_20, %ne3A_21 : i32
    %lt3A = arith.constant 0 : i32
    %lt3A_23 = arith.cmpi slt, %rem3A_20, %lt3A : i32
    %lt3A_24 = arith.constant 0 : i32
    %lt3A_25 = arith.cmpi slt, %select_n3A_19, %lt3A_24 : i32
    %ne3A_26 = arith.xori %lt3A_23, %lt3A_25 : i1
    %and3A_27 = arith.andi %ne3A_26, %ne3A_22 : i1
    %add3A = arith.addi %rem3A_20, %select_n3A_19 : i32
    %select_n3A_28 = arith.select %and3A_27, %add3A, %rem3A_20 : i32
    %mul3A = arith.constant 2 : i32
    %mul3A_29 = arith.muli %arg0, %mul3A : i32
    %add3A_30 = arith.addi %mul3A_29, %select_n3A : i32
    %mul3A_31 = arith.constant 8 : i32
    %mul3A_32 = arith.muli %select_n3A_28, %mul3A_31 : i32
    %mul3A_33 = arith.constant 80000 : i32
    %mul3A_34 = arith.muli %add3A_30, %mul3A_33 : i32
    %scan3A = arith.constant 0 : i32
    %scan3A_35 = arith.constant 0 : i32
    %scan3A_36 = arith.constant 5000 : i32
    %scan3A_37 = arith.addi %scan3A_35, %scan3A_36 : i32
    %scan3A_38 = arith.constant 1 : i32
    scf.for %scan3A_168 = %scan3A_35 to %scan3A_37 step %scan3A_38  : i32 {
      %broadcast_in_dim3A = arith.constant 0.000000e+00 : f32
      %broadcast_in_dim3A_169 = vector.broadcast %broadcast_in_dim3A : f32 to vector<16xf32>
      %mul3A_170 = arith.constant 16 : i32
      %mul3A_171 = arith.muli %scan3A_168, %mul3A_170 : i32
      %swap3A = arith.index_cast %mul3A_171 : i32 to index
      %swap3A_172 = tpu.vector_load %arg7[%swap3A] {strides = array<i32>} : memref<80000xf32, #tpu.memory_space<vmem>>, vector<16xf32>,
      tpu.vector_store %arg7[%swap3A], %broadcast_in_dim3A_169 {strides = array<i32>} : memref<80000xf32, #tpu.memory_space<vmem>>, vector<16xf32>,
    }
    %scan3A_39 = arith.constant 5000 : i32
    %add3A_40 = arith.constant 0 : i32
    %add3A_41 = arith.addi %mul3A_34, %add3A_40 : i32
    %dma_start3A = arith.constant 0 : i32
    %dma_start3A_42 = arith.constant 0 : i32
    %dma_start3A_43 = arith.constant 0 : i32
    %dma_start3A_44 = tpu.memref_slice %arg5[%dma_start3A, %dma_start3A_43] : memref<2x640xi32, #tpu.memory_space<vmem>> -> memref<1x640xi32, #tpu.memory_space<vmem>>
    %dma_start3A_45 = tpu.memref_squeeze %dma_start3A_44 : memref<1x640xi32, #tpu.memory_space<vmem>> -> memref<640xi32, #tpu.memory_space<vmem>>
    %dma_start3A_46 = tpu.memref_slice %arg2[%add3A_41] : memref<320000xi32, #tpu.memory_space<hbm>> -> memref<640xi32, #tpu.memory_space<hbm>>
    %dma_start3A_47 = tpu.memref_slice %arg9[%dma_start3A_42] : memref<2x!tpu.dma_semaphore, #tpu.memory_space<semaphore_mem>> -> memref<1x!tpu.dma_semaphore, #tpu.memory_space<semaphore_mem>>
    %dma_start3A_48 = tpu.memref_squeeze %dma_start3A_47 : memref<1x!tpu.dma_semaphore, #tpu.memory_space<semaphore_mem>> -> memref<!tpu.dma_semaphore, #tpu.memory_space<semaphore_mem>>
    %dma_start3A_49 = arith.constant 0 : i32
    %dma_start3A_50 = tpu.memref_slice %arg5[%dma_start3A, %dma_start3A_49] : memref<2x640xi32, #tpu.memory_space<vmem>> -> memref<1x640xi32, #tpu.memory_space<vmem>>
    %dma_start3A_51 = tpu.memref_squeeze %dma_start3A_50 : memref<1x640xi32, #tpu.memory_space<vmem>> -> memref<640xi32, #tpu.memory_space<vmem>>
    %dma_start3A_52 = tpu.memref_slice %arg2[%add3A_41] : memref<320000xi32, #tpu.memory_space<hbm>> -> memref<640xi32, #tpu.memory_space<hbm>>
    tpu.enqueue_dma source(%dma_start3A_52 : memref<640xi32, #tpu.memory_space<hbm>>) target(%dma_start3A_51 : memref<640xi32, #tpu.memory_space<vmem>>) target_semaphore(%dma_start3A_48 : memref<!tpu.dma_semaphore, #tpu.memory_space<semaphore_mem>>)
    %dma_start3A_53 = arith.constant 0 : i32
    %dma_start3A_54 = arith.constant 0 : i32
    %dma_start3A_55 = arith.constant 0 : i32
    %dma_start3A_56 = arith.constant 0 : i32
    %dma_start3A_57 = tpu.memref_slice %arg6[%dma_start3A_53, %dma_start3A_55, %dma_start3A_56] : memref<2x8x640xf32, #tpu.memory_space<vmem>> -> memref<1x8x640xf32, #tpu.memory_space<vmem>>
    %dma_start3A_58 = tpu.memref_squeeze %dma_start3A_57 : memref<1x8x640xf32, #tpu.memory_space<vmem>> -> memref<8x640xf32, #tpu.memory_space<vmem>>
    %dma_start3A_59 = tpu.memref_slice %arg3[%mul3A_32, %add3A_41] : memref<64x320000xf32, #tpu.memory_space<hbm>> -> memref<8x640xf32, #tpu.memory_space<hbm>>
    %dma_start3A_60 = tpu.memref_slice %arg10[%dma_start3A_54] : memref<2x!tpu.dma_semaphore, #tpu.memory_space<semaphore_mem>> -> memref<1x!tpu.dma_semaphore, #tpu.memory_space<semaphore_mem>>
    %dma_start3A_61 = tpu.memref_squeeze %dma_start3A_60 : memref<1x!tpu.dma_semaphore, #tpu.memory_space<semaphore_mem>> -> memref<!tpu.dma_semaphore, #tpu.memory_space<semaphore_mem>>
    %dma_start3A_62 = arith.constant 0 : i32
    %dma_start3A_63 = arith.constant 0 : i32
    %dma_start3A_64 = tpu.memref_slice %arg6[%dma_start3A_53, %dma_start3A_62, %dma_start3A_63] : memref<2x8x640xf32, #tpu.memory_space<vmem>> -> memref<1x8x640xf32, #tpu.memory_space<vmem>>
    %dma_start3A_65 = tpu.memref_squeeze %dma_start3A_64 : memref<1x8x640xf32, #tpu.memory_space<vmem>> -> memref<8x640xf32, #tpu.memory_space<vmem>>
    %dma_start3A_66 = tpu.memref_slice %arg3[%mul3A_32, %add3A_41] : memref<64x320000xf32, #tpu.memory_space<hbm>> -> memref<8x640xf32, #tpu.memory_space<hbm>>
    tpu.enqueue_dma source(%dma_start3A_66 : memref<8x640xf32, #tpu.memory_space<hbm>>) target(%dma_start3A_65 : memref<8x640xf32, #tpu.memory_space<vmem>>) target_semaphore(%dma_start3A_61 : memref<!tpu.dma_semaphore, #tpu.memory_space<semaphore_mem>>)
    %scan3A_67 = arith.constant 0 : i32
    %scan3A_68 = arith.constant 0 : i32
    %scan3A_69 = arith.constant 62 : i32
    %scan3A_70 = arith.addi %scan3A_68, %scan3A_69 : i32
    %scan3A_71 = arith.constant 1 : i32
    scf.for %scan3A_168 = %scan3A_68 to %scan3A_70 step %scan3A_71  : i32 {
      %mul3A_169 = arith.constant 2 : i32
      %mul3A_170 = arith.muli %mul3A_169, %scan3A_168 : i32
      %add3A_171 = arith.constant 1 : i32
      %add3A_172 = arith.addi %mul3A_170, %add3A_171 : i32
      %mul3A_173 = arith.constant 640 : i32
      %mul3A_174 = arith.muli %add3A_172, %mul3A_173 : i32
      %add3A_175 = arith.addi %mul3A_34, %mul3A_174 : i32
      %dma_start3A_176 = arith.constant 1 : i32
      %dma_start3A_177 = arith.constant 1 : i32
      %dma_start3A_178 = arith.constant 0 : i32
      %dma_start3A_179 = tpu.memref_slice %arg5[%dma_start3A_176, %dma_start3A_178] : memref<2x640xi32, #tpu.memory_space<vmem>> -> memref<1x640xi32, #tpu.memory_space<vmem>>
      %dma_start3A_180 = tpu.memref_squeeze %dma_start3A_179 : memref<1x640xi32, #tpu.memory_space<vmem>> -> memref<640xi32, #tpu.memory_space<vmem>>
      %dma_start3A_181 = tpu.memref_slice %arg2[%add3A_175] : memref<320000xi32, #tpu.memory_space<hbm>> -> memref<640xi32, #tpu.memory_space<hbm>>
      %dma_start3A_182 = tpu.memref_slice %arg9[%dma_start3A_177] : memref<2x!tpu.dma_semaphore, #tpu.memory_space<semaphore_mem>> -> memref<1x!tpu.dma_semaphore, #tpu.memory_space<semaphore_mem>>
      %dma_start3A_183 = tpu.memref_squeeze %dma_start3A_182 : memref<1x!tpu.dma_semaphore, #tpu.memory_space<semaphore_mem>> -> memref<!tpu.dma_semaphore, #tpu.memory_space<semaphore_mem>>
      %dma_start3A_184 = arith.constant 0 : i32
      %dma_start3A_185 = tpu.memref_slice %arg5[%dma_start3A_176, %dma_start3A_184] : memref<2x640xi32, #tpu.memory_space<vmem>> -> memref<1x640xi32, #tpu.memory_space<vmem>>
      %dma_start3A_186 = tpu.memref_squeeze %dma_start3A_185 : memref<1x640xi32, #tpu.memory_space<vmem>> -> memref<640xi32, #tpu.memory_space<vmem>>
      %dma_start3A_187 = tpu.memref_slice %arg2[%add3A_175] : memref<320000xi32, #tpu.memory_space<hbm>> -> memref<640xi32, #tpu.memory_space<hbm>>
      tpu.enqueue_dma source(%dma_start3A_187 : memref<640xi32, #tpu.memory_space<hbm>>) target(%dma_start3A_186 : memref<640xi32, #tpu.memory_space<vmem>>) target_semaphore(%dma_start3A_183 : memref<!tpu.dma_semaphore, #tpu.memory_space<semaphore_mem>>)
      %dma_start3A_188 = arith.constant 1 : i32
      %dma_start3A_189 = arith.constant 1 : i32
      %dma_start3A_190 = arith.constant 0 : i32
      %dma_start3A_191 = arith.constant 0 : i32
      %dma_start3A_192 = tpu.memref_slice %arg6[%dma_start3A_188, %dma_start3A_190, %dma_start3A_191] : memref<2x8x640xf32, #tpu.memory_space<vmem>> -> memref<1x8x640xf32, #tpu.memory_space<vmem>>
      %dma_start3A_193 = tpu.memref_squeeze %dma_start3A_192 : memref<1x8x640xf32, #tpu.memory_space<vmem>> -> memref<8x640xf32, #tpu.memory_space<vmem>>
      %dma_start3A_194 = tpu.memref_slice %arg3[%mul3A_32, %add3A_175] : memref<64x320000xf32, #tpu.memory_space<hbm>> -> memref<8x640xf32, #tpu.memory_space<hbm>>
      %dma_start3A_195 = tpu.memref_slice %arg10[%dma_start3A_189] : memref<2x!tpu.dma_semaphore, #tpu.memory_space<semaphore_mem>> -> memref<1x!tpu.dma_semaphore, #tpu.memory_space<semaphore_mem>>
      %dma_start3A_196 = tpu.memref_squeeze %dma_start3A_195 : memref<1x!tpu.dma_semaphore, #tpu.memory_space<semaphore_mem>> -> memref<!tpu.dma_semaphore, #tpu.memory_space<semaphore_mem>>
      %dma_start3A_197 = arith.constant 0 : i32
      %dma_start3A_198 = arith.constant 0 : i32
      %dma_start3A_199 = tpu.memref_slice %arg6[%dma_start3A_188, %dma_start3A_197, %dma_start3A_198] : memref<2x8x640xf32, #tpu.memory_space<vmem>> -> memref<1x8x640xf32, #tpu.memory_space<vmem>>
      %dma_start3A_200 = tpu.memref_squeeze %dma_start3A_199 : memref<1x8x640xf32, #tpu.memory_space<vmem>> -> memref<8x640xf32, #tpu.memory_space<vmem>>
      %dma_start3A_201 = tpu.memref_slice %arg3[%mul3A_32, %add3A_175] : memref<64x320000xf32, #tpu.memory_space<hbm>> -> memref<8x640xf32, #tpu.memory_space<hbm>>
      tpu.enqueue_dma source(%dma_start3A_201 : memref<8x640xf32, #tpu.memory_space<hbm>>) target(%dma_start3A_200 : memref<8x640xf32, #tpu.memory_space<vmem>>) target_semaphore(%dma_start3A_196 : memref<!tpu.dma_semaphore, #tpu.memory_space<semaphore_mem>>)
      %mul3A_202 = arith.constant 640 : i32
      %mul3A_203 = arith.muli %mul3A_170, %mul3A_202 : i32
      %add3A_204 = arith.addi %mul3A_34, %mul3A_203 : i32
      %dma_wait3A_205 = arith.constant 0 : i32
      %dma_wait3A_206 = arith.constant 0 : i32
      %dma_wait3A_207 = arith.constant 0 : i32
      %dma_wait3A_208 = tpu.memref_slice %arg5[%dma_wait3A_205, %dma_wait3A_207] : memref<2x640xi32, #tpu.memory_space<vmem>> -> memref<1x640xi32, #tpu.memory_space<vmem>>
      %dma_wait3A_209 = tpu.memref_squeeze %dma_wait3A_208 : memref<1x640xi32, #tpu.memory_space<vmem>> -> memref<640xi32, #tpu.memory_space<vmem>>
      %dma_wait3A_210 = tpu.memref_slice %arg2[%add3A_204] : memref<320000xi32, #tpu.memory_space<hbm>> -> memref<640xi32, #tpu.memory_space<hbm>>
      %dma_wait3A_211 = tpu.memref_slice %arg9[%dma_wait3A_206] : memref<2x!tpu.dma_semaphore, #tpu.memory_space<semaphore_mem>> -> memref<1x!tpu.dma_semaphore, #tpu.memory_space<semaphore_mem>>
      %dma_wait3A_212 = tpu.memref_squeeze %dma_wait3A_211 : memref<1x!tpu.dma_semaphore, #tpu.memory_space<semaphore_mem>> -> memref<!tpu.dma_semaphore, #tpu.memory_space<semaphore_mem>>
      %dma_wait3A_213 = arith.constant 0 : i32
      %dma_wait3A_214 = tpu.memref_slice %arg5[%dma_wait3A_205, %dma_wait3A_213] : memref<2x640xi32, #tpu.memory_space<vmem>> -> memref<1x640xi32, #tpu.memory_space<vmem>>
      %dma_wait3A_215 = tpu.memref_squeeze %dma_wait3A_214 : memref<1x640xi32, #tpu.memory_space<vmem>> -> memref<640xi32, #tpu.memory_space<vmem>>
      %dma_wait3A_216 = tpu.memref_slice %arg2[%add3A_204] : memref<320000xi32, #tpu.memory_space<hbm>> -> memref<640xi32, #tpu.memory_space<hbm>>
      tpu.wait_dma2 semaphore(%dma_wait3A_212 : memref<!tpu.dma_semaphore, #tpu.memory_space<semaphore_mem>>) src(%dma_wait3A_216 : memref<640xi32, #tpu.memory_space<hbm>>) dst(%dma_wait3A_215 : memref<640xi32, #tpu.memory_space<vmem>>)
      %dma_wait3A_217 = arith.constant 0 : i32
      %dma_wait3A_218 = arith.constant 0 : i32
      %dma_wait3A_219 = arith.constant 0 : i32
      %dma_wait3A_220 = arith.constant 0 : i32
      %dma_wait3A_221 = tpu.memref_slice %arg6[%dma_wait3A_217, %dma_wait3A_219, %dma_wait3A_220] : memref<2x8x640xf32, #tpu.memory_space<vmem>> -> memref<1x8x640xf32, #tpu.memory_space<vmem>>
      %dma_wait3A_222 = tpu.memref_squeeze %dma_wait3A_221 : memref<1x8x640xf32, #tpu.memory_space<vmem>> -> memref<8x640xf32, #tpu.memory_space<vmem>>
      %dma_wait3A_223 = tpu.memref_slice %arg3[%mul3A_32, %add3A_204] : memref<64x320000xf32, #tpu.memory_space<hbm>> -> memref<8x640xf32, #tpu.memory_space<hbm>>
      %dma_wait3A_224 = tpu.memref_slice %arg10[%dma_wait3A_218] : memref<2x!tpu.dma_semaphore, #tpu.memory_space<semaphore_mem>> -> memref<1x!tpu.dma_semaphore, #tpu.memory_space<semaphore_mem>>
      %dma_wait3A_225 = tpu.memref_squeeze %dma_wait3A_224 : memref<1x!tpu.dma_semaphore, #tpu.memory_space<semaphore_mem>> -> memref<!tpu.dma_semaphore, #tpu.memory_space<semaphore_mem>>
      %dma_wait3A_226 = arith.constant 0 : i32
      %dma_wait3A_227 = arith.constant 0 : i32
      %dma_wait3A_228 = tpu.memref_slice %arg6[%dma_wait3A_217, %dma_wait3A_226, %dma_wait3A_227] : memref<2x8x640xf32, #tpu.memory_space<vmem>> -> memref<1x8x640xf32, #tpu.memory_space<vmem>>
      %dma_wait3A_229 = tpu.memref_squeeze %dma_wait3A_228 : memref<1x8x640xf32, #tpu.memory_space<vmem>> -> memref<8x640xf32, #tpu.memory_space<vmem>>
      %dma_wait3A_230 = tpu.memref_slice %arg3[%mul3A_32, %add3A_204] : memref<64x320000xf32, #tpu.memory_space<hbm>> -> memref<8x640xf32, #tpu.memory_space<hbm>>
      tpu.wait_dma2 semaphore(%dma_wait3A_225 : memref<!tpu.dma_semaphore, #tpu.memory_space<semaphore_mem>>) src(%dma_wait3A_230 : memref<8x640xf32, #tpu.memory_space<hbm>>) dst(%dma_wait3A_229 : memref<8x640xf32, #tpu.memory_space<vmem>>)
      %scan3A_231 = arith.constant 0 : i32
      %scan3A_232 = arith.constant 0 : i32
      %scan3A_233 = arith.constant 20 : i32
      %scan3A_234 = arith.addi %scan3A_232, %scan3A_233 : i32
      %scan3A_235 = arith.constant 1 : i32
      scf.for %scan3A_305 = %scan3A_232 to %scan3A_234 step %scan3A_235  : i32 {
        %mul3A_306 = arith.constant 2 : i32
        %mul3A_307 = arith.muli %mul3A_306, %scan3A_305 : i32
        %mul3A_308 = arith.constant 16 : i32
        %mul3A_309 = arith.muli %mul3A_307, %mul3A_308 : i32
        %get3A = arith.constant 0 : i32
        %get3A_310 = arith.index_cast %get3A : i32 to index
        %get3A_311 = arith.index_cast %mul3A_309 : i32 to index
        %get3A_312 = tpu.vector_load %arg5[%get3A_310, %get3A_311] {strides = array<i32>} : memref<2x640xi32, #tpu.memory_space<vmem>>, vector<16xi32>,
        %broadcast_in_dim3A = arith.constant true
        %broadcast_in_dim3A_313 = vector.broadcast %broadcast_in_dim3A : i1 to vector<16xi1>
        %unique3A, %unique3A_314 = tpu.scan_count mask(%broadcast_in_dim3A_313 : vector<16xi1>) value(%get3A_312 : vector<16xi32>) : vector<16xi1>, vector<16xi32>
        %eq3A_315 = arith.constant 1 : i32
        %eq3A_316 = vector.broadcast %eq3A_315 : i32 to vector<16xi32>
        %eq3A_317 = arith.cmpi eq, %unique3A_314, %eq3A_316 : vector<16xi32>
        %add3A_318 = arith.constant 0 : i32
        %add3A_319 = vector.broadcast %add3A_318 : i32 to vector<16xi32>
        %add3A_320 = arith.addi %get3A_312, %add3A_319 : vector<16xi32>
        %mul3A_321 = arith.constant 16 : i32
        %mul3A_322 = arith.muli %mul3A_307, %mul3A_321 : i32
        %get3A_323 = arith.constant 0 : i32
        %get3A_324 = arith.constant 0 : i32
        %get3A_325 = arith.index_cast %get3A_323 : i32 to index
        %get3A_326 = arith.index_cast %get3A_324 : i32 to index
        %get3A_327 = arith.index_cast %mul3A_322 : i32 to index
        %get3A_328 = tpu.vector_load %arg6[%get3A_325, %get3A_326, %get3A_327] {strides = array<i32>} : memref<2x8x640xf32, #tpu.memory_space<vmem>>, vector<16xf32>,
        %gather3A = tpu.vector_load_idx %arg7[%add3A_320] masked %eq3A_317 : memref<80000xf32, #tpu.memory_space<vmem>>[vector<16xi32>], vector<16xf32>, vector<16xi1>
        %max3A = arith.maximumf %gather3A, %get3A_328 : vector<16xf32>
        tpu.vector_store_idx %arg7[%add3A_320], %max3A masked %eq3A_317 : memref<80000xf32, #tpu.memory_space<vmem>>[vector<16xi32>], vector<16xf32>, vector<16xi1>
        %add3A_329 = arith.constant 10000 : i32
        %add3A_330 = vector.broadcast %add3A_329 : i32 to vector<16xi32>
        %add3A_331 = arith.addi %get3A_312, %add3A_330 : vector<16xi32>
        %mul3A_332 = arith.constant 16 : i32
        %mul3A_333 = arith.muli %mul3A_307, %mul3A_332 : i32
        %get3A_334 = arith.constant 0 : i32
        %get3A_335 = arith.constant 1 : i32
        %get3A_336 = arith.index_cast %get3A_334 : i32 to index
        %get3A_337 = arith.index_cast %get3A_335 : i32 to index
        %get3A_338 = arith.index_cast %mul3A_333 : i32 to index
        %get3A_339 = tpu.vector_load %arg6[%get3A_336, %get3A_337, %get3A_338] {strides = array<i32>} : memref<2x8x640xf32, #tpu.memory_space<vmem>>, vector<16xf32>,
        %gather3A_340 = tpu.vector_load_idx %arg7[%add3A_331] masked %eq3A_317 : memref<80000xf32, #tpu.memory_space<vmem>>[vector<16xi32>], vector<16xf32>, vector<16xi1>
        %max3A_341 = arith.maximumf %gather3A_340, %get3A_339 : vector<16xf32>
        tpu.vector_store_idx %arg7[%add3A_331], %max3A_341 masked %eq3A_317 : memref<80000xf32, #tpu.memory_space<vmem>>[vector<16xi32>], vector<16xf32>, vector<16xi1>
        %add3A_342 = arith.constant 20000 : i32
        %add3A_343 = vector.broadcast %add3A_342 : i32 to vector<16xi32>
        %add3A_344 = arith.addi %get3A_312, %add3A_343 : vector<16xi32>
        %mul3A_345 = arith.constant 16 : i32
        %mul3A_346 = arith.muli %mul3A_307, %mul3A_345 : i32
        %get3A_347 = arith.constant 0 : i32
        %get3A_348 = arith.constant 2 : i32
        %get3A_349 = arith.index_cast %get3A_347 : i32 to index
        %get3A_350 = arith.index_cast %get3A_348 : i32 to index
        %get3A_351 = arith.index_cast %mul3A_346 : i32 to index
        %get3A_352 = tpu.vector_load %arg6[%get3A_349, %get3A_350, %get3A_351] {strides = array<i32>} : memref<2x8x640xf32, #tpu.memory_space<vmem>>, vector<16xf32>,
        %gather3A_353 = tpu.vector_load_idx %arg7[%add3A_344] masked %eq3A_317 : memref<80000xf32, #tpu.memory_space<vmem>>[vector<16xi32>], vector<16xf32>, vector<16xi1>
        %max3A_354 = arith.maximumf %gather3A_353, %get3A_352 : vector<16xf32>
        tpu.vector_store_idx %arg7[%add3A_344], %max3A_354 masked %eq3A_317 : memref<80000xf32, #tpu.memory_space<vmem>>[vector<16xi32>], vector<16xf32>, vector<16xi1>
        %add3A_355 = arith.constant 30000 : i32
        %add3A_356 = vector.broadcast %add3A_355 : i32 to vector<16xi32>
        %add3A_357 = arith.addi %get3A_312, %add3A_356 : vector<16xi32>
        %mul3A_358 = arith.constant 16 : i32
        %mul3A_359 = arith.muli %mul3A_307, %mul3A_358 : i32
        %get3A_360 = arith.constant 0 : i32
        %get3A_361 = arith.constant 3 : i32
        %get3A_362 = arith.index_cast %get3A_360 : i32 to index
        %get3A_363 = arith.index_cast %get3A_361 : i32 to index
        %get3A_364 = arith.index_cast %mul3A_359 : i32 to index
        %get3A_365 = tpu.vector_load %arg6[%get3A_362, %get3A_363, %get3A_364] {strides = array<i32>} : memref<2x8x640xf32, #tpu.memory_space<vmem>>, vector<16xf32>,
        %gather3A_366 = tpu.vector_load_idx %arg7[%add3A_357] masked %eq3A_317 : memref<80000xf32, #tpu.memory_space<vmem>>[vector<16xi32>], vector<16xf32>, vector<16xi1>
        %max3A_367 = arith.maximumf %gather3A_366, %get3A_365 : vector<16xf32>
        tpu.vector_store_idx %arg7[%add3A_357], %max3A_367 masked %eq3A_317 : memref<80000xf32, #tpu.memory_space<vmem>>[vector<16xi32>], vector<16xf32>, vector<16xi1>
        %add3A_368 = arith.constant 40000 : i32
        %add3A_369 = vector.broadcast %add3A_368 : i32 to vector<16xi32>
        %add3A_370 = arith.addi %get3A_312, %add3A_369 : vector<16xi32>
        %mul3A_371 = arith.constant 16 : i32
        %mul3A_372 = arith.muli %mul3A_307, %mul3A_371 : i32
        %get3A_373 = arith.constant 0 : i32
        %get3A_374 = arith.constant 4 : i32
        %get3A_375 = arith.index_cast %get3A_373 : i32 to index
        %get3A_376 = arith.index_cast %get3A_374 : i32 to index
        %get3A_377 = arith.index_cast %mul3A_372 : i32 to index
        %get3A_378 = tpu.vector_load %arg6[%get3A_375, %get3A_376, %get3A_377] {strides = array<i32>} : memref<2x8x640xf32, #tpu.memory_space<vmem>>, vector<16xf32>,
        %gather3A_379 = tpu.vector_load_idx %arg7[%add3A_370] masked %eq3A_317 : memref<80000xf32, #tpu.memory_space<vmem>>[vector<16xi32>], vector<16xf32>, vector<16xi1>
        %max3A_380 = arith.maximumf %gather3A_379, %get3A_378 : vector<16xf32>
        tpu.vector_store_idx %arg7[%add3A_370], %max3A_380 masked %eq3A_317 : memref<80000xf32, #tpu.memory_space<vmem>>[vector<16xi32>], vector<16xf32>, vector<16xi1>
        %add3A_381 = arith.constant 50000 : i32
        %add3A_382 = vector.broadcast %add3A_381 : i32 to vector<16xi32>
        %add3A_383 = arith.addi %get3A_312, %add3A_382 : vector<16xi32>
        %mul3A_384 = arith.constant 16 : i32
        %mul3A_385 = arith.muli %mul3A_307, %mul3A_384 : i32
        %get3A_386 = arith.constant 0 : i32
        %get3A_387 = arith.constant 5 : i32
        %get3A_388 = arith.index_cast %get3A_386 : i32 to index
        %get3A_389 = arith.index_cast %get3A_387 : i32 to index
        %get3A_390 = arith.index_cast %mul3A_385 : i32 to index
        %get3A_391 = tpu.vector_load %arg6[%get3A_388, %get3A_389, %get3A_390] {strides = array<i32>} : memref<2x8x640xf32, #tpu.memory_space<vmem>>, vector<16xf32>,
        %gather3A_392 = tpu.vector_load_idx %arg7[%add3A_383] masked %eq3A_317 : memref<80000xf32, #tpu.memory_space<vmem>>[vector<16xi32>], vector<16xf32>, vector<16xi1>
        %max3A_393 = arith.maximumf %gather3A_392, %get3A_391 : vector<16xf32>
        tpu.vector_store_idx %arg7[%add3A_383], %max3A_393 masked %eq3A_317 : memref<80000xf32, #tpu.memory_space<vmem>>[vector<16xi32>], vector<16xf32>, vector<16xi1>
        %add3A_394 = arith.constant 60000 : i32
        %add3A_395 = vector.broadcast %add3A_394 : i32 to vector<16xi32>
        %add3A_396 = arith.addi %get3A_312, %add3A_395 : vector<16xi32>
        %mul3A_397 = arith.constant 16 : i32
        %mul3A_398 = arith.muli %mul3A_307, %mul3A_397 : i32
        %get3A_399 = arith.constant 0 : i32
        %get3A_400 = arith.constant 6 : i32
        %get3A_401 = arith.index_cast %get3A_399 : i32 to index
        %get3A_402 = arith.index_cast %get3A_400 : i32 to index
        %get3A_403 = arith.index_cast %mul3A_398 : i32 to index
        %get3A_404 = tpu.vector_load %arg6[%get3A_401, %get3A_402, %get3A_403] {strides = array<i32>} : memref<2x8x640xf32, #tpu.memory_space<vmem>>, vector<16xf32>,
        %gather3A_405 = tpu.vector_load_idx %arg7[%add3A_396] masked %eq3A_317 : memref<80000xf32, #tpu.memory_space<vmem>>[vector<16xi32>], vector<16xf32>, vector<16xi1>
        %max3A_406 = arith.maximumf %gather3A_405, %get3A_404 : vector<16xf32>
        tpu.vector_store_idx %arg7[%add3A_396], %max3A_406 masked %eq3A_317 : memref<80000xf32, #tpu.memory_space<vmem>>[vector<16xi32>], vector<16xf32>, vector<16xi1>
        %add3A_407 = arith.constant 70000 : i32
        %add3A_408 = vector.broadcast %add3A_407 : i32 to vector<16xi32>
        %add3A_409 = arith.addi %get3A_312, %add3A_408 : vector<16xi32>
        %mul3A_410 = arith.constant 16 : i32
        %mul3A_411 = arith.muli %mul3A_307, %mul3A_410 : i32
        %get3A_412 = arith.constant 0 : i32
        %get3A_413 = arith.constant 7 : i32
        %get3A_414 = arith.index_cast %get3A_412 : i32 to index
        %get3A_415 = arith.index_cast %get3A_413 : i32 to index
        %get3A_416 = arith.index_cast %mul3A_411 : i32 to index
        %get3A_417 = tpu.vector_load %arg6[%get3A_414, %get3A_415, %get3A_416] {strides = array<i32>} : memref<2x8x640xf32, #tpu.memory_space<vmem>>, vector<16xf32>,
        %gather3A_418 = tpu.vector_load_idx %arg7[%add3A_409] masked %eq3A_317 : memref<80000xf32, #tpu.memory_space<vmem>>[vector<16xi32>], vector<16xf32>, vector<16xi1>
        %max3A_419 = arith.maximumf %gather3A_418, %get3A_417 : vector<16xf32>
        tpu.vector_store_idx %arg7[%add3A_409], %max3A_419 masked %eq3A_317 : memref<80000xf32, #tpu.memory_space<vmem>>[vector<16xi32>], vector<16xf32>, vector<16xi1>
        %reduce_max3A = arith.constant true
        %reduce_max3A_420 = vector.broadcast %reduce_max3A : i1 to vector<16xi1>
        %reduce_max3A_421 = arith.constant -2147483648 : i32
        %reduce_max3A_422 = vector.broadcast %reduce_max3A_421 : i32 to vector<16xi32>
        %reduce_max3A_423 = arith.xori %unique3A_314, %reduce_max3A_422 : vector<16xi32>
        %reduce_max3A_424 = tpu.scan <max>, %reduce_max3A_423 masked %reduce_max3A_420 : vector<16xi32>, vector<16xi1> -> vector<16xi32>
        %reduce_max3A_425 = arith.xori %reduce_max3A_424, %reduce_max3A_422 : vector<16xi32>
        %reduce_max3A_426 = vector.extract %reduce_max3A_425[15] : i32 from vector<16xi32>
        %while3A = arith.constant 2 : i32
        %while3A_427 = scf.while (%while3A_559 = %while3A) : (i32) -> i32 {
          %le3A = arith.cmpi sle, %while3A_559, %reduce_max3A_426 : i32
          scf.condition(%le3A) %while3A_559 : i32
        } do {
        ^bb0(%while3A_559: i32):
          %eq3A_560 = vector.broadcast %while3A_559 : i32 to vector<16xi32>
          %eq3A_561 = arith.cmpi eq, %unique3A_314, %eq3A_560 : vector<16xi32>
          %add3A_562 = arith.constant 0 : i32
          %add3A_563 = vector.broadcast %add3A_562 : i32 to vector<16xi32>
          %add3A_564 = arith.addi %get3A_312, %add3A_563 : vector<16xi32>
          %mul3A_565 = arith.constant 16 : i32
          %mul3A_566 = arith.muli %mul3A_307, %mul3A_565 : i32
          %get3A_567 = arith.constant 0 : i32
          %get3A_568 = arith.constant 0 : i32
          %get3A_569 = arith.index_cast %get3A_567 : i32 to index
          %get3A_570 = arith.index_cast %get3A_568 : i32 to index
          %get3A_571 = arith.index_cast %mul3A_566 : i32 to index
          %get3A_572 = tpu.vector_load %arg6[%get3A_569, %get3A_570, %get3A_571] {strides = array<i32>} : memref<2x8x640xf32, #tpu.memory_space<vmem>>, vector<16xf32>,
          %gather3A_573 = tpu.vector_load_idx %arg7[%add3A_564] masked %eq3A_561 : memref<80000xf32, #tpu.memory_space<vmem>>[vector<16xi32>], vector<16xf32>, vector<16xi1>
          %max3A_574 = arith.maximumf %gather3A_573, %get3A_572 : vector<16xf32>
          tpu.vector_store_idx %arg7[%add3A_564], %max3A_574 masked %eq3A_561 : memref<80000xf32, #tpu.memory_space<vmem>>[vector<16xi32>], vector<16xf32>, vector<16xi1>
          %add3A_575 = arith.constant 10000 : i32
          %add3A_576 = vector.broadcast %add3A_575 : i32 to vector<16xi32>
          %add3A_577 = arith.addi %get3A_312, %add3A_576 : vector<16xi32>
          %mul3A_578 = arith.constant 16 : i32
          %mul3A_579 = arith.muli %mul3A_307, %mul3A_578 : i32
          %get3A_580 = arith.constant 0 : i32
          %get3A_581 = arith.constant 1 : i32
          %get3A_582 = arith.index_cast %get3A_580 : i32 to index
          %get3A_583 = arith.index_cast %get3A_581 : i32 to index
          %get3A_584 = arith.index_cast %mul3A_579 : i32 to index
          %get3A_585 = tpu.vector_load %arg6[%get3A_582, %get3A_583, %get3A_584] {strides = array<i32>} : memref<2x8x640xf32, #tpu.memory_space<vmem>>, vector<16xf32>,
          %gather3A_586 = tpu.vector_load_idx %arg7[%add3A_577] masked %eq3A_561 : memref<80000xf32, #tpu.memory_space<vmem>>[vector<16xi32>], vector<16xf32>, vector<16xi1>
          %max3A_587 = arith.maximumf %gather3A_586, %get3A_585 : vector<16xf32>
          tpu.vector_store_idx %arg7[%add3A_577], %max3A_587 masked %eq3A_561 : memref<80000xf32, #tpu.memory_space<vmem>>[vector<16xi32>], vector<16xf32>, vector<16xi1>
          %add3A_588 = arith.constant 20000 : i32
          %add3A_589 = vector.broadcast %add3A_588 : i32 to vector<16xi32>
          %add3A_590 = arith.addi %get3A_312, %add3A_589 : vector<16xi32>
          %mul3A_591 = arith.constant 16 : i32
          %mul3A_592 = arith.muli %mul3A_307, %mul3A_591 : i32
          %get3A_593 = arith.constant 0 : i32
          %get3A_594 = arith.constant 2 : i32
          %get3A_595 = arith.index_cast %get3A_593 : i32 to index
          %get3A_596 = arith.index_cast %get3A_594 : i32 to index
          %get3A_597 = arith.index_cast %mul3A_592 : i32 to index
          %get3A_598 = tpu.vector_load %arg6[%get3A_595, %get3A_596, %get3A_597] {strides = array<i32>} : memref<2x8x640xf32, #tpu.memory_space<vmem>>, vector<16xf32>,
          %gather3A_599 = tpu.vector_load_idx %arg7[%add3A_590] masked %eq3A_561 : memref<80000xf32, #tpu.memory_space<vmem>>[vector<16xi32>], vector<16xf32>, vector<16xi1>
          %max3A_600 = arith.maximumf %gather3A_599, %get3A_598 : vector<16xf32>
          tpu.vector_store_idx %arg7[%add3A_590], %max3A_600 masked %eq3A_561 : memref<80000xf32, #tpu.memory_space<vmem>>[vector<16xi32>], vector<16xf32>, vector<16xi1>
          %add3A_601 = arith.constant 30000 : i32
          %add3A_602 = vector.broadcast %add3A_601 : i32 to vector<16xi32>
          %add3A_603 = arith.addi %get3A_312, %add3A_602 : vector<16xi32>
          %mul3A_604 = arith.constant 16 : i32
          %mul3A_605 = arith.muli %mul3A_307, %mul3A_604 : i32
          %get3A_606 = arith.constant 0 : i32
          %get3A_607 = arith.constant 3 : i32
          %get3A_608 = arith.index_cast %get3A_606 : i32 to index
          %get3A_609 = arith.index_cast %get3A_607 : i32 to index
          %get3A_610 = arith.index_cast %mul3A_605 : i32 to index
          %get3A_611 = tpu.vector_load %arg6[%get3A_608, %get3A_609, %get3A_610] {strides = array<i32>} : memref<2x8x640xf32, #tpu.memory_space<vmem>>, vector<16xf32>,
          %gather3A_612 = tpu.vector_load_idx %arg7[%add3A_603] masked %eq3A_561 : memref<80000xf32, #tpu.memory_space<vmem>>[vector<16xi32>], vector<16xf32>, vector<16xi1>
          %max3A_613 = arith.maximumf %gather3A_612, %get3A_611 : vector<16xf32>
          tpu.vector_store_idx %arg7[%add3A_603], %max3A_613 masked %eq3A_561 : memref<80000xf32, #tpu.memory_space<vmem>>[vector<16xi32>], vector<16xf32>, vector<16xi1>
          %add3A_614 = arith.constant 40000 : i32
          %add3A_615 = vector.broadcast %add3A_614 : i32 to vector<16xi32>
          %add3A_616 = arith.addi %get3A_312, %add3A_615 : vector<16xi32>
          %mul3A_617 = arith.constant 16 : i32
          %mul3A_618 = arith.muli %mul3A_307, %mul3A_617 : i32
          %get3A_619 = arith.constant 0 : i32
          %get3A_620 = arith.constant 4 : i32
          %get3A_621 = arith.index_cast %get3A_619 : i32 to index
          %get3A_622 = arith.index_cast %get3A_620 : i32 to index
          %get3A_623 = arith.index_cast %mul3A_618 : i32 to index
          %get3A_624 = tpu.vector_load %arg6[%get3A_621, %get3A_622, %get3A_623] {strides = array<i32>} : memref<2x8x640xf32, #tpu.memory_space<vmem>>, vector<16xf32>,
          %gather3A_625 = tpu.vector_load_idx %arg7[%add3A_616] masked %eq3A_561 : memref<80000xf32, #tpu.memory_space<vmem>>[vector<16xi32>], vector<16xf32>, vector<16xi1>
          %max3A_626 = arith.maximumf %gather3A_625, %get3A_624 : vector<16xf32>
          tpu.vector_store_idx %arg7[%add3A_616], %max3A_626 masked %eq3A_561 : memref<80000xf32, #tpu.memory_space<vmem>>[vector<16xi32>], vector<16xf32>, vector<16xi1>
          %add3A_627 = arith.constant 50000 : i32
          %add3A_628 = vector.broadcast %add3A_627 : i32 to vector<16xi32>
          %add3A_629 = arith.addi %get3A_312, %add3A_628 : vector<16xi32>
          %mul3A_630 = arith.constant 16 : i32
          %mul3A_631 = arith.muli %mul3A_307, %mul3A_630 : i32
          %get3A_632 = arith.constant 0 : i32
          %get3A_633 = arith.constant 5 : i32
          %get3A_634 = arith.index_cast %get3A_632 : i32 to index
          %get3A_635 = arith.index_cast %get3A_633 : i32 to index
          %get3A_636 = arith.index_cast %mul3A_631 : i32 to index
          %get3A_637 = tpu.vector_load %arg6[%get3A_634, %get3A_635, %get3A_636] {strides = array<i32>} : memref<2x8x640xf32, #tpu.memory_space<vmem>>, vector<16xf32>,
          %gather3A_638 = tpu.vector_load_idx %arg7[%add3A_629] masked %eq3A_561 : memref<80000xf32, #tpu.memory_space<vmem>>[vector<16xi32>], vector<16xf32>, vector<16xi1>
          %max3A_639 = arith.maximumf %gather3A_638, %get3A_637 : vector<16xf32>
          tpu.vector_store_idx %arg7[%add3A_629], %max3A_639 masked %eq3A_561 : memref<80000xf32, #tpu.memory_space<vmem>>[vector<16xi32>], vector<16xf32>, vector<16xi1>
          %add3A_640 = arith.constant 60000 : i32
          %add3A_641 = vector.broadcast %add3A_640 : i32 to vector<16xi32>
          %add3A_642 = arith.addi %get3A_312, %add3A_641 : vector<16xi32>
          %mul3A_643 = arith.constant 16 : i32
          %mul3A_644 = arith.muli %mul3A_307, %mul3A_643 : i32
          %get3A_645 = arith.constant 0 : i32
          %get3A_646 = arith.constant 6 : i32
          %get3A_647 = arith.index_cast %get3A_645 : i32 to index
          %get3A_648 = arith.index_cast %get3A_646 : i32 to index
          %get3A_649 = arith.index_cast %mul3A_644 : i32 to index
          %get3A_650 = tpu.vector_load %arg6[%get3A_647, %get3A_648, %get3A_649] {strides = array<i32>} : memref<2x8x640xf32, #tpu.memory_space<vmem>>, vector<16xf32>,
          %gather3A_651 = tpu.vector_load_idx %arg7[%add3A_642] masked %eq3A_561 : memref<80000xf32, #tpu.memory_space<vmem>>[vector<16xi32>], vector<16xf32>, vector<16xi1>
          %max3A_652 = arith.maximumf %gather3A_651, %get3A_650 : vector<16xf32>
          tpu.vector_store_idx %arg7[%add3A_642], %max3A_652 masked %eq3A_561 : memref<80000xf32, #tpu.memory_space<vmem>>[vector<16xi32>], vector<16xf32>, vector<16xi1>
          %add3A_653 = arith.constant 70000 : i32
          %add3A_654 = vector.broadcast %add3A_653 : i32 to vector<16xi32>
          %add3A_655 = arith.addi %get3A_312, %add3A_654 : vector<16xi32>
          %mul3A_656 = arith.constant 16 : i32
          %mul3A_657 = arith.muli %mul3A_307, %mul3A_656 : i32
          %get3A_658 = arith.constant 0 : i32
          %get3A_659 = arith.constant 7 : i32
          %get3A_660 = arith.index_cast %get3A_658 : i32 to index
          %get3A_661 = arith.index_cast %get3A_659 : i32 to index
          %get3A_662 = arith.index_cast %mul3A_657 : i32 to index
          %get3A_663 = tpu.vector_load %arg6[%get3A_660, %get3A_661, %get3A_662] {strides = array<i32>} : memref<2x8x640xf32, #tpu.memory_space<vmem>>, vector<16xf32>,
          %gather3A_664 = tpu.vector_load_idx %arg7[%add3A_655] masked %eq3A_561 : memref<80000xf32, #tpu.memory_space<vmem>>[vector<16xi32>], vector<16xf32>, vector<16xi1>
          %max3A_665 = arith.maximumf %gather3A_664, %get3A_663 : vector<16xf32>
          tpu.vector_store_idx %arg7[%add3A_655], %max3A_665 masked %eq3A_561 : memref<80000xf32, #tpu.memory_space<vmem>>[vector<16xi32>], vector<16xf32>, vector<16xi1>
          %add3A_666 = arith.constant 1 : i32
          %add3A_667 = arith.addi %while3A_559, %add3A_666 : i32
          scf.yield %add3A_667 : i32
        }
        %mul3A_428 = arith.constant 2 : i32
        %mul3A_429 = arith.muli %mul3A_428, %scan3A_305 : i32
        %add3A_430 = arith.constant 1 : i32
        %add3A_431 = arith.addi %mul3A_429, %add3A_430 : i32
        %mul3A_432 = arith.constant 16 : i32
        %mul3A_433 = arith.muli %add3A_431, %mul3A_432 : i32
        %get3A_434 = arith.constant 0 : i32
        %get3A_435 = arith.index_cast %get3A_434 : i32 to index
        %get3A_436 = arith.index_cast %mul3A_433 : i32 to index
        %get3A_437 = tpu.vector_load %arg5[%get3A_435, %get3A_436] {strides = array<i32>} : memref<2x640xi32, #tpu.memory_space<vmem>>, vector<16xi32>,
        %broadcast_in_dim3A_438 = arith.constant true
        %broadcast_in_dim3A_439 = vector.broadcast %broadcast_in_dim3A_438 : i1 to vector<16xi1>
        %unique3A_440, %unique3A_441 = tpu.scan_count mask(%broadcast_in_dim3A_439 : vector<16xi1>) value(%get3A_437 : vector<16xi32>) : vector<16xi1>, vector<16xi32>
        %eq3A_442 = arith.constant 1 : i32
        %eq3A_443 = vector.broadcast %eq3A_442 : i32 to vector<16xi32>
        %eq3A_444 = arith.cmpi eq, %unique3A_441, %eq3A_443 : vector<16xi32>
        %add3A_445 = arith.constant 0 : i32
        %add3A_446 = vector.broadcast %add3A_445 : i32 to vector<16xi32>
        %add3A_447 = arith.addi %get3A_437, %add3A_446 : vector<16xi32>
        %mul3A_448 = arith.constant 16 : i32
        %mul3A_449 = arith.muli %add3A_431, %mul3A_448 : i32
        %get3A_450 = arith.constant 0 : i32
        %get3A_451 = arith.constant 0 : i32
        %get3A_452 = arith.index_cast %get3A_450 : i32 to index
        %get3A_453 = arith.index_cast %get3A_451 : i32 to index
        %get3A_454 = arith.index_cast %mul3A_449 : i32 to index
        %get3A_455 = tpu.vector_load %arg6[%get3A_452, %get3A_453, %get3A_454] {strides = array<i32>} : memref<2x8x640xf32, #tpu.memory_space<vmem>>, vector<16xf32>,
        %gather3A_456 = tpu.vector_load_idx %arg7[%add3A_447] masked %eq3A_444 : memref<80000xf32, #tpu.memory_space<vmem>>[vector<16xi32>], vector<16xf32>, vector<16xi1>
        %max3A_457 = arith.maximumf %gather3A_456, %get3A_455 : vector<16xf32>
        tpu.vector_store_idx %arg7[%add3A_447], %max3A_457 masked %eq3A_444 : memref<80000xf32, #tpu.memory_space<vmem>>[vector<16xi32>], vector<16xf32>, vector<16xi1>
        %add3A_458 = arith.constant 10000 : i32
        %add3A_459 = vector.broadcast %add3A_458 : i32 to vector<16xi32>
        %add3A_460 = arith.addi %get3A_437, %add3A_459 : vector<16xi32>
        %mul3A_461 = arith.constant 16 : i32
        %mul3A_462 = arith.muli %add3A_431, %mul3A_461 : i32
        %get3A_463 = arith.constant 0 : i32
        %get3A_464 = arith.constant 1 : i32
        %get3A_465 = arith.index_cast %get3A_463 : i32 to index
        %get3A_466 = arith.index_cast %get3A_464 : i32 to index
        %get3A_467 = arith.index_cast %mul3A_462 : i32 to index
        %get3A_468 = tpu.vector_load %arg6[%get3A_465, %get3A_466, %get3A_467] {strides = array<i32>} : memref<2x8x640xf32, #tpu.memory_space<vmem>>, vector<16xf32>,
        %gather3A_469 = tpu.vector_load_idx %arg7[%add3A_460] masked %eq3A_444 : memref<80000xf32, #tpu.memory_space<vmem>>[vector<16xi32>], vector<16xf32>, vector<16xi1>
        %max3A_470 = arith.maximumf %gather3A_469, %get3A_468 : vector<16xf32>
        tpu.vector_store_idx %arg7[%add3A_460], %max3A_470 masked %eq3A_444 : memref<80000xf32, #tpu.memory_space<vmem>>[vector<16xi32>], vector<16xf32>, vector<16xi1>
        %add3A_471 = arith.constant 20000 : i32
        %add3A_472 = vector.broadcast %add3A_471 : i32 to vector<16xi32>
        %add3A_473 = arith.addi %get3A_437, %add3A_472 : vector<16xi32>
        %mul3A_474 = arith.constant 16 : i32
        %mul3A_475 = arith.muli %add3A_431, %mul3A_474 : i32
        %get3A_476 = arith.constant 0 : i32
        %get3A_477 = arith.constant 2 : i32
        %get3A_478 = arith.index_cast %get3A_476 : i32 to index
        %get3A_479 = arith.index_cast %get3A_477 : i32 to index
        %get3A_480 = arith.index_cast %mul3A_475 : i32 to index
        %get3A_481 = tpu.vector_load %arg6[%get3A_478, %get3A_479, %get3A_480] {strides = array<i32>} : memref<2x8x640xf32, #tpu.memory_space<vmem>>, vector<16xf32>,
        %gather3A_482 = tpu.vector_load_idx %arg7[%add3A_473] masked %eq3A_444 : memref<80000xf32, #tpu.memory_space<vmem>>[vector<16xi32>], vector<16xf32>, vector<16xi1>
        %max3A_483 = arith.maximumf %gather3A_482, %get3A_481 : vector<16xf32>
        tpu.vector_store_idx %arg7[%add3A_473], %max3A_483 masked %eq3A_444 : memref<80000xf32, #tpu.memory_space<vmem>>[vector<16xi32>], vector<16xf32>, vector<16xi1>
        %add3A_484 = arith.constant 30000 : i32
        %add3A_485 = vector.broadcast %add3A_484 : i32 to vector<16xi32>
        %add3A_486 = arith.addi %get3A_437, %add3A_485 : vector<16xi32>
        %mul3A_487 = arith.constant 16 : i32
        %mul3A_488 = arith.muli %add3A_431, %mul3A_487 : i32
        %get3A_489 = arith.constant 0 : i32
        %get3A_490 = arith.constant 3 : i32
        %get3A_491 = arith.index_cast %get3A_489 : i32 to index
        %get3A_492 = arith.index_cast %get3A_490 : i32 to index
        %get3A_493 = arith.index_cast %mul3A_488 : i32 to index
        %get3A_494 = tpu.vector_load %arg6[%get3A_491, %get3A_492, %get3A_493] {strides = array<i32>} : memref<2x8x640xf32, #tpu.memory_space<vmem>>, vector<16xf32>,
        %gather3A_495 = tpu.vector_load_idx %arg7[%add3A_486] masked %eq3A_444 : memref<80000xf32, #tpu.memory_space<vmem>>[vector<16xi32>], vector<16xf32>, vector<16xi1>
        %max3A_496 = arith.maximumf %gather3A_495, %get3A_494 : vector<16xf32>
        tpu.vector_store_idx %arg7[%add3A_486], %max3A_496 masked %eq3A_444 : memref<80000xf32, #tpu.memory_space<vmem>>[vector<16xi32>], vector<16xf32>, vector<16xi1>
        %add3A_497 = arith.constant 40000 : i32
        %add3A_498 = vector.broadcast %add3A_497 : i32 to vector<16xi32>
        %add3A_499 = arith.addi %get3A_437, %add3A_498 : vector<16xi32>
        %mul3A_500 = arith.constant 16 : i32
        %mul3A_501 = arith.muli %add3A_431, %mul3A_500 : i32
        %get3A_502 = arith.constant 0 : i32
        %get3A_503 = arith.constant 4 : i32
        %get3A_504 = arith.index_cast %get3A_502 : i32 to index
        %get3A_505 = arith.index_cast %get3A_503 : i32 to index
        %get3A_506 = arith.index_cast %mul3A_501 : i32 to index
        %get3A_507 = tpu.vector_load %arg6[%get3A_504, %get3A_505, %get3A_506] {strides = array<i32>} : memref<2x8x640xf32, #tpu.memory_space<vmem>>, vector<16xf32>,
        %gather3A_508 = tpu.vector_load_idx %arg7[%add3A_499] masked %eq3A_444 : memref<80000xf32, #tpu.memory_space<vmem>>[vector<16xi32>], vector<16xf32>, vector<16xi1>
        %max3A_509 = arith.maximumf %gather3A_508, %get3A_507 : vector<16xf32>
        tpu.vector_store_idx %arg7[%add3A_499], %max3A_509 masked %eq3A_444 : memref<80000xf32, #tpu.memory_space<vmem>>[vector<16xi32>], vector<16xf32>, vector<16xi1>
        %add3A_510 = arith.constant 50000 : i32
        %add3A_511 = vector.broadcast %add3A_510 : i32 to vector<16xi32>
        %add3A_512 = arith.addi %get3A_437, %add3A_511 : vector<16xi32>
        %mul3A_513 = arith.constant 16 : i32
        %mul3A_514 = arith.muli %add3A_431, %mul3A_513 : i32
        %get3A_515 = arith.constant 0 : i32
        %get3A_516 = arith.constant 5 : i32
        %get3A_517 = arith.index_cast %get3A_515 : i32 to index
        %get3A_518 = arith.index_cast %get3A_516 : i32 to index
        %get3A_519 = arith.index_cast %mul3A_514 : i32 to index
        %get3A_520 = tpu.vector_load %arg6[%get3A_517, %get3A_518, %get3A_519] {strides = array<i32>} : memref<2x8x640xf32, #tpu.memory_space<vmem>>, vector<16xf32>,
        %gather3A_521 = tpu.vector_load_idx %arg7[%add3A_512] masked %eq3A_444 : memref<80000xf32, #tpu.memory_space<vmem>>[vector<16xi32>], vector<16xf32>, vector<16xi1>
        %max3A_522 = arith.maximumf %gather3A_521, %get3A_520 : vector<16xf32>
        tpu.vector_store_idx %arg7[%add3A_512], %max3A_522 masked %eq3A_444 : memref<80000xf32, #tpu.memory_space<vmem>>[vector<16xi32>], vector<16xf32>, vector<16xi1>
        %add3A_523 = arith.constant 60000 : i32
        %add3A_524 = vector.broadcast %add3A_523 : i32 to vector<16xi32>
        %add3A_525 = arith.addi %get3A_437, %add3A_524 : vector<16xi32>
        %mul3A_526 = arith.constant 16 : i32
        %mul3A_527 = arith.muli %add3A_431, %mul3A_526 : i32
        %get3A_528 = arith.constant 0 : i32
        %get3A_529 = arith.constant 6 : i32
        %get3A_530 = arith.index_cast %get3A_528 : i32 to index
        %get3A_531 = arith.index_cast %get3A_529 : i32 to index
        %get3A_532 = arith.index_cast %mul3A_527 : i32 to index
        %get3A_533 = tpu.vector_load %arg6[%get3A_530, %get3A_531, %get3A_532] {strides = array<i32>} : memref<2x8x640xf32, #tpu.memory_space<vmem>>, vector<16xf32>,
        %gather3A_534 = tpu.vector_load_idx %arg7[%add3A_525] masked %eq3A_444 : memref<80000xf32, #tpu.memory_space<vmem>>[vector<16xi32>], vector<16xf32>, vector<16xi1>
        %max3A_535 = arith.maximumf %gather3A_534, %get3A_533 : vector<16xf32>
        tpu.vector_store_idx %arg7[%add3A_525], %max3A_535 masked %eq3A_444 : memref<80000xf32, #tpu.memory_space<vmem>>[vector<16xi32>], vector<16xf32>, vector<16xi1>
        %add3A_536 = arith.constant 70000 : i32
        %add3A_537 = vector.broadcast %add3A_536 : i32 to vector<16xi32>
        %add3A_538 = arith.addi %get3A_437, %add3A_537 : vector<16xi32>
        %mul3A_539 = arith.constant 16 : i32
        %mul3A_540 = arith.muli %add3A_431, %mul3A_539 : i32
        %get3A_541 = arith.constant 0 : i32
        %get3A_542 = arith.constant 7 : i32
        %get3A_543 = arith.index_cast %get3A_541 : i32 to index
        %get3A_544 = arith.index_cast %get3A_542 : i32 to index
        %get3A_545 = arith.index_cast %mul3A_540 : i32 to index
        %get3A_546 = tpu.vector_load %arg6[%get3A_543, %get3A_544, %get3A_545] {strides = array<i32>} : memref<2x8x640xf32, #tpu.memory_space<vmem>>, vector<16xf32>,
        %gather3A_547 = tpu.vector_load_idx %arg7[%add3A_538] masked %eq3A_444 : memref<80000xf32, #tpu.memory_space<vmem>>[vector<16xi32>], vector<16xf32>, vector<16xi1>
        %max3A_548 = arith.maximumf %gather3A_547, %get3A_546 : vector<16xf32>
        tpu.vector_store_idx %arg7[%add3A_538], %max3A_548 masked %eq3A_444 : memref<80000xf32, #tpu.memory_space<vmem>>[vector<16xi32>], vector<16xf32>, vector<16xi1>
        %reduce_max3A_549 = arith.constant true
        %reduce_max3A_550 = vector.broadcast %reduce_max3A_549 : i1 to vector<16xi1>
        %reduce_max3A_551 = arith.constant -2147483648 : i32
        %reduce_max3A_552 = vector.broadcast %reduce_max3A_551 : i32 to vector<16xi32>
        %reduce_max3A_553 = arith.xori %unique3A_441, %reduce_max3A_552 : vector<16xi32>
        %reduce_max3A_554 = tpu.scan <max>, %reduce_max3A_553 masked %reduce_max3A_550 : vector<16xi32>, vector<16xi1> -> vector<16xi32>
        %reduce_max3A_555 = arith.xori %reduce_max3A_554, %reduce_max3A_552 : vector<16xi32>
        %reduce_max3A_556 = vector.extract %reduce_max3A_555[15] : i32 from vector<16xi32>
        %while3A_557 = arith.constant 2 : i32
        %while3A_558 = scf.while (%while3A_559 = %while3A_557) : (i32) -> i32 {
          %le3A = arith.cmpi sle, %while3A_559, %reduce_max3A_556 : i32
          scf.condition(%le3A) %while3A_559 : i32
        } do {
        ^bb0(%while3A_559: i32):
          %eq3A_560 = vector.broadcast %while3A_559 : i32 to vector<16xi32>
          %eq3A_561 = arith.cmpi eq, %unique3A_441, %eq3A_560 : vector<16xi32>
          %add3A_562 = arith.constant 0 : i32
          %add3A_563 = vector.broadcast %add3A_562 : i32 to vector<16xi32>
          %add3A_564 = arith.addi %get3A_437, %add3A_563 : vector<16xi32>
          %mul3A_565 = arith.constant 16 : i32
          %mul3A_566 = arith.muli %add3A_431, %mul3A_565 : i32
          %get3A_567 = arith.constant 0 : i32
          %get3A_568 = arith.constant 0 : i32
          %get3A_569 = arith.index_cast %get3A_567 : i32 to index
          %get3A_570 = arith.index_cast %get3A_568 : i32 to index
          %get3A_571 = arith.index_cast %mul3A_566 : i32 to index
          %get3A_572 = tpu.vector_load %arg6[%get3A_569, %get3A_570, %get3A_571] {strides = array<i32>} : memref<2x8x640xf32, #tpu.memory_space<vmem>>, vector<16xf32>,
          %gather3A_573 = tpu.vector_load_idx %arg7[%add3A_564] masked %eq3A_561 : memref<80000xf32, #tpu.memory_space<vmem>>[vector<16xi32>], vector<16xf32>, vector<16xi1>
          %max3A_574 = arith.maximumf %gather3A_573, %get3A_572 : vector<16xf32>
          tpu.vector_store_idx %arg7[%add3A_564], %max3A_574 masked %eq3A_561 : memref<80000xf32, #tpu.memory_space<vmem>>[vector<16xi32>], vector<16xf32>, vector<16xi1>
          %add3A_575 = arith.constant 10000 : i32
          %add3A_576 = vector.broadcast %add3A_575 : i32 to vector<16xi32>
          %add3A_577 = arith.addi %get3A_437, %add3A_576 : vector<16xi32>
          %mul3A_578 = arith.constant 16 : i32
          %mul3A_579 = arith.muli %add3A_431, %mul3A_578 : i32
          %get3A_580 = arith.constant 0 : i32
          %get3A_581 = arith.constant 1 : i32
          %get3A_582 = arith.index_cast %get3A_580 : i32 to index
          %get3A_583 = arith.index_cast %get3A_581 : i32 to index
          %get3A_584 = arith.index_cast %mul3A_579 : i32 to index
          %get3A_585 = tpu.vector_load %arg6[%get3A_582, %get3A_583, %get3A_584] {strides = array<i32>} : memref<2x8x640xf32, #tpu.memory_space<vmem>>, vector<16xf32>,
          %gather3A_586 = tpu.vector_load_idx %arg7[%add3A_577] masked %eq3A_561 : memref<80000xf32, #tpu.memory_space<vmem>>[vector<16xi32>], vector<16xf32>, vector<16xi1>
          %max3A_587 = arith.maximumf %gather3A_586, %get3A_585 : vector<16xf32>
          tpu.vector_store_idx %arg7[%add3A_577], %max3A_587 masked %eq3A_561 : memref<80000xf32, #tpu.memory_space<vmem>>[vector<16xi32>], vector<16xf32>, vector<16xi1>
          %add3A_588 = arith.constant 20000 : i32
          %add3A_589 = vector.broadcast %add3A_588 : i32 to vector<16xi32>
          %add3A_590 = arith.addi %get3A_437, %add3A_589 : vector<16xi32>
          %mul3A_591 = arith.constant 16 : i32
          %mul3A_592 = arith.muli %add3A_431, %mul3A_591 : i32
          %get3A_593 = arith.constant 0 : i32
          %get3A_594 = arith.constant 2 : i32
          %get3A_595 = arith.index_cast %get3A_593 : i32 to index
          %get3A_596 = arith.index_cast %get3A_594 : i32 to index
          %get3A_597 = arith.index_cast %mul3A_592 : i32 to index
          %get3A_598 = tpu.vector_load %arg6[%get3A_595, %get3A_596, %get3A_597] {strides = array<i32>} : memref<2x8x640xf32, #tpu.memory_space<vmem>>, vector<16xf32>,
          %gather3A_599 = tpu.vector_load_idx %arg7[%add3A_590] masked %eq3A_561 : memref<80000xf32, #tpu.memory_space<vmem>>[vector<16xi32>], vector<16xf32>, vector<16xi1>
          %max3A_600 = arith.maximumf %gather3A_599, %get3A_598 : vector<16xf32>
          tpu.vector_store_idx %arg7[%add3A_590], %max3A_600 masked %eq3A_561 : memref<80000xf32, #tpu.memory_space<vmem>>[vector<16xi32>], vector<16xf32>, vector<16xi1>
          %add3A_601 = arith.constant 30000 : i32
          %add3A_602 = vector.broadcast %add3A_601 : i32 to vector<16xi32>
          %add3A_603 = arith.addi %get3A_437, %add3A_602 : vector<16xi32>
          %mul3A_604 = arith.constant 16 : i32
          %mul3A_605 = arith.muli %add3A_431, %mul3A_604 : i32
          %get3A_606 = arith.constant 0 : i32
          %get3A_607 = arith.constant 3 : i32
          %get3A_608 = arith.index_cast %get3A_606 : i32 to index
          %get3A_609 = arith.index_cast %get3A_607 : i32 to index
          %get3A_610 = arith.index_cast %mul3A_605 : i32 to index
          %get3A_611 = tpu.vector_load %arg6[%get3A_608, %get3A_609, %get3A_610] {strides = array<i32>} : memref<2x8x640xf32, #tpu.memory_space<vmem>>, vector<16xf32>,
          %gather3A_612 = tpu.vector_load_idx %arg7[%add3A_603] masked %eq3A_561 : memref<80000xf32, #tpu.memory_space<vmem>>[vector<16xi32>], vector<16xf32>, vector<16xi1>
          %max3A_613 = arith.maximumf %gather3A_612, %get3A_611 : vector<16xf32>
          tpu.vector_store_idx %arg7[%add3A_603], %max3A_613 masked %eq3A_561 : memref<80000xf32, #tpu.memory_space<vmem>>[vector<16xi32>], vector<16xf32>, vector<16xi1>
          %add3A_614 = arith.constant 40000 : i32
          %add3A_615 = vector.broadcast %add3A_614 : i32 to vector<16xi32>
          %add3A_616 = arith.addi %get3A_437, %add3A_615 : vector<16xi32>
          %mul3A_617 = arith.constant 16 : i32
          %mul3A_618 = arith.muli %add3A_431, %mul3A_617 : i32
          %get3A_619 = arith.constant 0 : i32
          %get3A_620 = arith.constant 4 : i32
          %get3A_621 = arith.index_cast %get3A_619 : i32 to index
          %get3A_622 = arith.index_cast %get3A_620 : i32 to index
          %get3A_623 = arith.index_cast %mul3A_618 : i32 to index
          %get3A_624 = tpu.vector_load %arg6[%get3A_621, %get3A_622, %get3A_623] {strides = array<i32>} : memref<2x8x640xf32, #tpu.memory_space<vmem>>, vector<16xf32>,
          %gather3A_625 = tpu.vector_load_idx %arg7[%add3A_616] masked %eq3A_561 : memref<80000xf32, #tpu.memory_space<vmem>>[vector<16xi32>], vector<16xf32>, vector<16xi1>
          %max3A_626 = arith.maximumf %gather3A_625, %get3A_624 : vector<16xf32>
          tpu.vector_store_idx %arg7[%add3A_616], %max3A_626 masked %eq3A_561 : memref<80000xf32, #tpu.memory_space<vmem>>[vector<16xi32>], vector<16xf32>, vector<16xi1>
          %add3A_627 = arith.constant 50000 : i32
          %add3A_628 = vector.broadcast %add3A_627 : i32 to vector<16xi32>
          %add3A_629 = arith.addi %get3A_437, %add3A_628 : vector<16xi32>
          %mul3A_630 = arith.constant 16 : i32
          %mul3A_631 = arith.muli %add3A_431, %mul3A_630 : i32
          %get3A_632 = arith.constant 0 : i32
          %get3A_633 = arith.constant 5 : i32
          %get3A_634 = arith.index_cast %get3A_632 : i32 to index
          %get3A_635 = arith.index_cast %get3A_633 : i32 to index
          %get3A_636 = arith.index_cast %mul3A_631 : i32 to index
          %get3A_637 = tpu.vector_load %arg6[%get3A_634, %get3A_635, %get3A_636] {strides = array<i32>} : memref<2x8x640xf32, #tpu.memory_space<vmem>>, vector<16xf32>,
          %gather3A_638 = tpu.vector_load_idx %arg7[%add3A_629] masked %eq3A_561 : memref<80000xf32, #tpu.memory_space<vmem>>[vector<16xi32>], vector<16xf32>, vector<16xi1>
          %max3A_639 = arith.maximumf %gather3A_638, %get3A_637 : vector<16xf32>
          tpu.vector_store_idx %arg7[%add3A_629], %max3A_639 masked %eq3A_561 : memref<80000xf32, #tpu.memory_space<vmem>>[vector<16xi32>], vector<16xf32>, vector<16xi1>
          %add3A_640 = arith.constant 60000 : i32
          %add3A_641 = vector.broadcast %add3A_640 : i32 to vector<16xi32>
          %add3A_642 = arith.addi %get3A_437, %add3A_641 : vector<16xi32>
          %mul3A_643 = arith.constant 16 : i32
          %mul3A_644 = arith.muli %add3A_431, %mul3A_643 : i32
          %get3A_645 = arith.constant 0 : i32
          %get3A_646 = arith.constant 6 : i32
          %get3A_647 = arith.index_cast %get3A_645 : i32 to index
          %get3A_648 = arith.index_cast %get3A_646 : i32 to index
          %get3A_649 = arith.index_cast %mul3A_644 : i32 to index
          %get3A_650 = tpu.vector_load %arg6[%get3A_647, %get3A_648, %get3A_649] {strides = array<i32>} : memref<2x8x640xf32, #tpu.memory_space<vmem>>, vector<16xf32>,
          %gather3A_651 = tpu.vector_load_idx %arg7[%add3A_642] masked %eq3A_561 : memref<80000xf32, #tpu.memory_space<vmem>>[vector<16xi32>], vector<16xf32>, vector<16xi1>
          %max3A_652 = arith.maximumf %gather3A_651, %get3A_650 : vector<16xf32>
          tpu.vector_store_idx %arg7[%add3A_642], %max3A_652 masked %eq3A_561 : memref<80000xf32, #tpu.memory_space<vmem>>[vector<16xi32>], vector<16xf32>, vector<16xi1>
          %add3A_653 = arith.constant 70000 : i32
          %add3A_654 = vector.broadcast %add3A_653 : i32 to vector<16xi32>
          %add3A_655 = arith.addi %get3A_437, %add3A_654 : vector<16xi32>
          %mul3A_656 = arith.constant 16 : i32
          %mul3A_657 = arith.muli %add3A_431, %mul3A_656 : i32
          %get3A_658 = arith.constant 0 : i32
          %get3A_659 = arith.constant 7 : i32
          %get3A_660 = arith.index_cast %get3A_658 : i32 to index
          %get3A_661 = arith.index_cast %get3A_659 : i32 to index
          %get3A_662 = arith.index_cast %mul3A_657 : i32 to index
          %get3A_663 = tpu.vector_load %arg6[%get3A_660, %get3A_661, %get3A_662] {strides = array<i32>} : memref<2x8x640xf32, #tpu.memory_space<vmem>>, vector<16xf32>,
          %gather3A_664 = tpu.vector_load_idx %arg7[%add3A_655] masked %eq3A_561 : memref<80000xf32, #tpu.memory_space<vmem>>[vector<16xi32>], vector<16xf32>, vector<16xi1>
          %max3A_665 = arith.maximumf %gather3A_664, %get3A_663 : vector<16xf32>
          tpu.vector_store_idx %arg7[%add3A_655], %max3A_665 masked %eq3A_561 : memref<80000xf32, #tpu.memory_space<vmem>>[vector<16xi32>], vector<16xf32>, vector<16xi1>
          %add3A_666 = arith.constant 1 : i32
          %add3A_667 = arith.addi %while3A_559, %add3A_666 : i32
          scf.yield %add3A_667 : i32
        }
      }
      %scan3A_236 = arith.constant 20 : i32
      %add3A_237 = arith.constant 2 : i32
      %add3A_238 = arith.addi %mul3A_170, %add3A_237 : i32
      %mul3A_239 = arith.constant 640 : i32
      %mul3A_240 = arith.muli %add3A_238, %mul3A_239 : i32
      %add3A_241 = arith.addi %mul3A_34, %mul3A_240 : i32
      %dma_start3A_242 = arith.constant 0 : i32
      %dma_start3A_243 = arith.constant 0 : i32
      %dma_start3A_244 = arith.constant 0 : i32
      %dma_start3A_245 = tpu.memref_slice %arg5[%dma_start3A_242, %dma_start3A_244] : memref<2x640xi32, #tpu.memory_space<vmem>> -> memref<1x640xi32, #tpu.memory_space<vmem>>
      %dma_start3A_246 = tpu.memref_squeeze %dma_start3A_245 : memref<1x640xi32, #tpu.memory_space<vmem>> -> memref<640xi32, #tpu.memory_space<vmem>>
      %dma_start3A_247 = tpu.memref_slice %arg2[%add3A_241] : memref<320000xi32, #tpu.memory_space<hbm>> -> memref<640xi32, #tpu.memory_space<hbm>>
      %dma_start3A_248 = tpu.memref_slice %arg9[%dma_start3A_243] : memref<2x!tpu.dma_semaphore, #tpu.memory_space<semaphore_mem>> -> memref<1x!tpu.dma_semaphore, #tpu.memory_space<semaphore_mem>>
      %dma_start3A_249 = tpu.memref_squeeze %dma_start3A_248 : memref<1x!tpu.dma_semaphore, #tpu.memory_space<semaphore_mem>> -> memref<!tpu.dma_semaphore, #tpu.memory_space<semaphore_mem>>
      %dma_start3A_250 = arith.constant 0 : i32
      %dma_start3A_251 = tpu.memref_slice %arg5[%dma_start3A_242, %dma_start3A_250] : memref<2x640xi32, #tpu.memory_space<vmem>> -> memref<1x640xi32, #tpu.memory_space<vmem>>
      %dma_start3A_252 = tpu.memref_squeeze %dma_start3A_251 : memref<1x640xi32, #tpu.memory_space<vmem>> -> memref<640xi32, #tpu.memory_space<vmem>>
      %dma_start3A_253 = tpu.memref_slice %arg2[%add3A_241] : memref<320000xi32, #tpu.memory_space<hbm>> -> memref<640xi32, #tpu.memory_space<hbm>>
      tpu.enqueue_dma source(%dma_start3A_253 : memref<640xi32, #tpu.memory_space<hbm>>) target(%dma_start3A_252 : memref<640xi32, #tpu.memory_space<vmem>>) target_semaphore(%dma_start3A_249 : memref<!tpu.dma_semaphore, #tpu.memory_space<semaphore_mem>>)
      %dma_start3A_254 = arith.constant 0 : i32
      %dma_start3A_255 = arith.constant 0 : i32
      %dma_start3A_256 = arith.constant 0 : i32
      %dma_start3A_257 = arith.constant 0 : i32
      %dma_start3A_258 = tpu.memref_slice %arg6[%dma_start3A_254, %dma_start3A_256, %dma_start3A_257] : memref<2x8x640xf32, #tpu.memory_space<vmem>> -> memref<1x8x640xf32, #tpu.memory_space<vmem>>
      %dma_start3A_259 = tpu.memref_squeeze %dma_start3A_258 : memref<1x8x640xf32, #tpu.memory_space<vmem>> -> memref<8x640xf32, #tpu.memory_space<vmem>>
      %dma_start3A_260 = tpu.memref_slice %arg3[%mul3A_32, %add3A_241] : memref<64x320000xf32, #tpu.memory_space<hbm>> -> memref<8x640xf32, #tpu.memory_space<hbm>>
      %dma_start3A_261 = tpu.memref_slice %arg10[%dma_start3A_255] : memref<2x!tpu.dma_semaphore, #tpu.memory_space<semaphore_mem>> -> memref<1x!tpu.dma_semaphore, #tpu.memory_space<semaphore_mem>>
      %dma_start3A_262 = tpu.memref_squeeze %dma_start3A_261 : memref<1x!tpu.dma_semaphore, #tpu.memory_space<semaphore_mem>> -> memref<!tpu.dma_semaphore, #tpu.memory_space<semaphore_mem>>
      %dma_start3A_263 = arith.constant 0 : i32
      %dma_start3A_264 = arith.constant 0 : i32
      %dma_start3A_265 = tpu.memref_slice %arg6[%dma_start3A_254, %dma_start3A_263, %dma_start3A_264] : memref<2x8x640xf32, #tpu.memory_space<vmem>> -> memref<1x8x640xf32, #tpu.memory_space<vmem>>
      %dma_start3A_266 = tpu.memref_squeeze %dma_start3A_265 : memref<1x8x640xf32, #tpu.memory_space<vmem>> -> memref<8x640xf32, #tpu.memory_space<vmem>>
      %dma_start3A_267 = tpu.memref_slice %arg3[%mul3A_32, %add3A_241] : memref<64x320000xf32, #tpu.memory_space<hbm>> -> memref<8x640xf32, #tpu.memory_space<hbm>>
      tpu.enqueue_dma source(%dma_start3A_267 : memref<8x640xf32, #tpu.memory_space<hbm>>) target(%dma_start3A_266 : memref<8x640xf32, #tpu.memory_space<vmem>>) target_semaphore(%dma_start3A_262 : memref<!tpu.dma_semaphore, #tpu.memory_space<semaphore_mem>>)
      %add3A_268 = arith.constant 1 : i32
      %add3A_269 = arith.addi %mul3A_170, %add3A_268 : i32
      %mul3A_270 = arith.constant 640 : i32
      %mul3A_271 = arith.muli %add3A_269, %mul3A_270 : i32
      %add3A_272 = arith.addi %mul3A_34, %mul3A_271 : i32
      %dma_wait3A_273 = arith.constant 1 : i32
      %dma_wait3A_274 = arith.constant 1 : i32
      %dma_wait3A_275 = arith.constant 0 : i32
      %dma_wait3A_276 = tpu.memref_slice %arg5[%dma_wait3A_273, %dma_wait3A_275] : memref<2x640xi32, #tpu.memory_space<vmem>> -> memref<1x640xi32, #tpu.memory_space<vmem>>
      %dma_wait3A_277 = tpu.memref_squeeze %dma_wait3A_276 : memref<1x640xi32, #tpu.memory_space<vmem>> -> memref<640xi32, #tpu.memory_space<vmem>>
      %dma_wait3A_278 = tpu.memref_slice %arg2[%add3A_272] : memref<320000xi32, #tpu.memory_space<hbm>> -> memref<640xi32, #tpu.memory_space<hbm>>
      %dma_wait3A_279 = tpu.memref_slice %arg9[%dma_wait3A_274] : memref<2x!tpu.dma_semaphore, #tpu.memory_space<semaphore_mem>> -> memref<1x!tpu.dma_semaphore, #tpu.memory_space<semaphore_mem>>
      %dma_wait3A_280 = tpu.memref_squeeze %dma_wait3A_279 : memref<1x!tpu.dma_semaphore, #tpu.memory_space<semaphore_mem>> -> memref<!tpu.dma_semaphore, #tpu.memory_space<semaphore_mem>>
      %dma_wait3A_281 = arith.constant 0 : i32
      %dma_wait3A_282 = tpu.memref_slice %arg5[%dma_wait3A_273, %dma_wait3A_281] : memref<2x640xi32, #tpu.memory_space<vmem>> -> memref<1x640xi32, #tpu.memory_space<vmem>>
      %dma_wait3A_283 = tpu.memref_squeeze %dma_wait3A_282 : memref<1x640xi32, #tpu.memory_space<vmem>> -> memref<640xi32, #tpu.memory_space<vmem>>
      %dma_wait3A_284 = tpu.memref_slice %arg2[%add3A_272] : memref<320000xi32, #tpu.memory_space<hbm>> -> memref<640xi32, #tpu.memory_space<hbm>>
      tpu.wait_dma2 semaphore(%dma_wait3A_280 : memref<!tpu.dma_semaphore, #tpu.memory_space<semaphore_mem>>) src(%dma_wait3A_284 : memref<640xi32, #tpu.memory_space<hbm>>) dst(%dma_wait3A_283 : memref<640xi32, #tpu.memory_space<vmem>>)
      %dma_wait3A_285 = arith.constant 1 : i32
      %dma_wait3A_286 = arith.constant 1 : i32
      %dma_wait3A_287 = arith.constant 0 : i32
      %dma_wait3A_288 = arith.constant 0 : i32
      %dma_wait3A_289 = tpu.memref_slice %arg6[%dma_wait3A_285, %dma_wait3A_287, %dma_wait3A_288] : memref<2x8x640xf32, #tpu.memory_space<vmem>> -> memref<1x8x640xf32, #tpu.memory_space<vmem>>
      %dma_wait3A_290 = tpu.memref_squeeze %dma_wait3A_289 : memref<1x8x640xf32, #tpu.memory_space<vmem>> -> memref<8x640xf32, #tpu.memory_space<vmem>>
      %dma_wait3A_291 = tpu.memref_slice %arg3[%mul3A_32, %add3A_272] : memref<64x320000xf32, #tpu.memory_space<hbm>> -> memref<8x640xf32, #tpu.memory_space<hbm>>
      %dma_wait3A_292 = tpu.memref_slice %arg10[%dma_wait3A_286] : memref<2x!tpu.dma_semaphore, #tpu.memory_space<semaphore_mem>> -> memref<1x!tpu.dma_semaphore, #tpu.memory_space<semaphore_mem>>
      %dma_wait3A_293 = tpu.memref_squeeze %dma_wait3A_292 : memref<1x!tpu.dma_semaphore, #tpu.memory_space<semaphore_mem>> -> memref<!tpu.dma_semaphore, #tpu.memory_space<semaphore_mem>>
      %dma_wait3A_294 = arith.constant 0 : i32
      %dma_wait3A_295 = arith.constant 0 : i32
      %dma_wait3A_296 = tpu.memref_slice %arg6[%dma_wait3A_285, %dma_wait3A_294, %dma_wait3A_295] : memref<2x8x640xf32, #tpu.memory_space<vmem>> -> memref<1x8x640xf32, #tpu.memory_space<vmem>>
      %dma_wait3A_297 = tpu.memref_squeeze %dma_wait3A_296 : memref<1x8x640xf32, #tpu.memory_space<vmem>> -> memref<8x640xf32, #tpu.memory_space<vmem>>
      %dma_wait3A_298 = tpu.memref_slice %arg3[%mul3A_32, %add3A_272] : memref<64x320000xf32, #tpu.memory_space<hbm>> -> memref<8x640xf32, #tpu.memory_space<hbm>>
      tpu.wait_dma2 semaphore(%dma_wait3A_293 : memref<!tpu.dma_semaphore, #tpu.memory_space<semaphore_mem>>) src(%dma_wait3A_298 : memref<8x640xf32, #tpu.memory_space<hbm>>) dst(%dma_wait3A_297 : memref<8x640xf32, #tpu.memory_space<vmem>>)
      %scan3A_299 = arith.constant 0 : i32
      %scan3A_300 = arith.constant 0 : i32
      %scan3A_301 = arith.constant 20 : i32
      %scan3A_302 = arith.addi %scan3A_300, %scan3A_301 : i32
      %scan3A_303 = arith.constant 1 : i32
      scf.for %scan3A_305 = %scan3A_300 to %scan3A_302 step %scan3A_303  : i32 {
        %mul3A_306 = arith.constant 2 : i32
        %mul3A_307 = arith.muli %mul3A_306, %scan3A_305 : i32
        %mul3A_308 = arith.constant 16 : i32
        %mul3A_309 = arith.muli %mul3A_307, %mul3A_308 : i32
        %get3A = arith.constant 1 : i32
        %get3A_310 = arith.index_cast %get3A : i32 to index
        %get3A_311 = arith.index_cast %mul3A_309 : i32 to index
        %get3A_312 = tpu.vector_load %arg5[%get3A_310, %get3A_311] {strides = array<i32>} : memref<2x640xi32, #tpu.memory_space<vmem>>, vector<16xi32>,
        %broadcast_in_dim3A = arith.constant true
        %broadcast_in_dim3A_313 = vector.broadcast %broadcast_in_dim3A : i1 to vector<16xi1>
        %unique3A, %unique3A_314 = tpu.scan_count mask(%broadcast_in_dim3A_313 : vector<16xi1>) value(%get3A_312 : vector<16xi32>) : vector<16xi1>, vector<16xi32>
        %eq3A_315 = arith.constant 1 : i32
        %eq3A_316 = vector.broadcast %eq3A_315 : i32 to vector<16xi32>
        %eq3A_317 = arith.cmpi eq, %unique3A_314, %eq3A_316 : vector<16xi32>
        %add3A_318 = arith.constant 0 : i32
        %add3A_319 = vector.broadcast %add3A_318 : i32 to vector<16xi32>
        %add3A_320 = arith.addi %get3A_312, %add3A_319 : vector<16xi32>
        %mul3A_321 = arith.constant 16 : i32
        %mul3A_322 = arith.muli %mul3A_307, %mul3A_321 : i32
        %get3A_323 = arith.constant 1 : i32
        %get3A_324 = arith.constant 0 : i32
        %get3A_325 = arith.index_cast %get3A_323 : i32 to index
        %get3A_326 = arith.index_cast %get3A_324 : i32 to index
        %get3A_327 = arith.index_cast %mul3A_322 : i32 to index
        %get3A_328 = tpu.vector_load %arg6[%get3A_325, %get3A_326, %get3A_327] {strides = array<i32>} : memref<2x8x640xf32, #tpu.memory_space<vmem>>, vector<16xf32>,
        %gather3A = tpu.vector_load_idx %arg7[%add3A_320] masked %eq3A_317 : memref<80000xf32, #tpu.memory_space<vmem>>[vector<16xi32>], vector<16xf32>, vector<16xi1>
        %max3A = arith.maximumf %gather3A, %get3A_328 : vector<16xf32>
        tpu.vector_store_idx %arg7[%add3A_320], %max3A masked %eq3A_317 : memref<80000xf32, #tpu.memory_space<vmem>>[vector<16xi32>], vector<16xf32>, vector<16xi1>
        %add3A_329 = arith.constant 10000 : i32
        %add3A_330 = vector.broadcast %add3A_329 : i32 to vector<16xi32>
        %add3A_331 = arith.addi %get3A_312, %add3A_330 : vector<16xi32>
        %mul3A_332 = arith.constant 16 : i32
        %mul3A_333 = arith.muli %mul3A_307, %mul3A_332 : i32
        %get3A_334 = arith.constant 1 : i32
        %get3A_335 = arith.constant 1 : i32
        %get3A_336 = arith.index_cast %get3A_334 : i32 to index
        %get3A_337 = arith.index_cast %get3A_335 : i32 to index
        %get3A_338 = arith.index_cast %mul3A_333 : i32 to index
        %get3A_339 = tpu.vector_load %arg6[%get3A_336, %get3A_337, %get3A_338] {strides = array<i32>} : memref<2x8x640xf32, #tpu.memory_space<vmem>>, vector<16xf32>,
        %gather3A_340 = tpu.vector_load_idx %arg7[%add3A_331] masked %eq3A_317 : memref<80000xf32, #tpu.memory_space<vmem>>[vector<16xi32>], vector<16xf32>, vector<16xi1>
        %max3A_341 = arith.maximumf %gather3A_340, %get3A_339 : vector<16xf32>
        tpu.vector_store_idx %arg7[%add3A_331], %max3A_341 masked %eq3A_317 : memref<80000xf32, #tpu.memory_space<vmem>>[vector<16xi32>], vector<16xf32>, vector<16xi1>
        %add3A_342 = arith.constant 20000 : i32
        %add3A_343 = vector.broadcast %add3A_342 : i32 to vector<16xi32>
        %add3A_344 = arith.addi %get3A_312, %add3A_343 : vector<16xi32>
        %mul3A_345 = arith.constant 16 : i32
        %mul3A_346 = arith.muli %mul3A_307, %mul3A_345 : i32
        %get3A_347 = arith.constant 1 : i32
        %get3A_348 = arith.constant 2 : i32
        %get3A_349 = arith.index_cast %get3A_347 : i32 to index
        %get3A_350 = arith.index_cast %get3A_348 : i32 to index
        %get3A_351 = arith.index_cast %mul3A_346 : i32 to index
        %get3A_352 = tpu.vector_load %arg6[%get3A_349, %get3A_350, %get3A_351] {strides = array<i32>} : memref<2x8x640xf32, #tpu.memory_space<vmem>>, vector<16xf32>,
        %gather3A_353 = tpu.vector_load_idx %arg7[%add3A_344] masked %eq3A_317 : memref<80000xf32, #tpu.memory_space<vmem>>[vector<16xi32>], vector<16xf32>, vector<16xi1>
        %max3A_354 = arith.maximumf %gather3A_353, %get3A_352 : vector<16xf32>
        tpu.vector_store_idx %arg7[%add3A_344], %max3A_354 masked %eq3A_317 : memref<80000xf32, #tpu.memory_space<vmem>>[vector<16xi32>], vector<16xf32>, vector<16xi1>
        %add3A_355 = arith.constant 30000 : i32
        %add3A_356 = vector.broadcast %add3A_355 : i32 to vector<16xi32>
        %add3A_357 = arith.addi %get3A_312, %add3A_356 : vector<16xi32>
        %mul3A_358 = arith.constant 16 : i32
        %mul3A_359 = arith.muli %mul3A_307, %mul3A_358 : i32
        %get3A_360 = arith.constant 1 : i32
        %get3A_361 = arith.constant 3 : i32
        %get3A_362 = arith.index_cast %get3A_360 : i32 to index
        %get3A_363 = arith.index_cast %get3A_361 : i32 to index
        %get3A_364 = arith.index_cast %mul3A_359 : i32 to index
        %get3A_365 = tpu.vector_load %arg6[%get3A_362, %get3A_363, %get3A_364] {strides = array<i32>} : memref<2x8x640xf32, #tpu.memory_space<vmem>>, vector<16xf32>,
        %gather3A_366 = tpu.vector_load_idx %arg7[%add3A_357] masked %eq3A_317 : memref<80000xf32, #tpu.memory_space<vmem>>[vector<16xi32>], vector<16xf32>, vector<16xi1>
        %max3A_367 = arith.maximumf %gather3A_366, %get3A_365 : vector<16xf32>
        tpu.vector_store_idx %arg7[%add3A_357], %max3A_367 masked %eq3A_317 : memref<80000xf32, #tpu.memory_space<vmem>>[vector<16xi32>], vector<16xf32>, vector<16xi1>
        %add3A_368 = arith.constant 40000 : i32
        %add3A_369 = vector.broadcast %add3A_368 : i32 to vector<16xi32>
        %add3A_370 = arith.addi %get3A_312, %add3A_369 : vector<16xi32>
        %mul3A_371 = arith.constant 16 : i32
        %mul3A_372 = arith.muli %mul3A_307, %mul3A_371 : i32
        %get3A_373 = arith.constant 1 : i32
        %get3A_374 = arith.constant 4 : i32
        %get3A_375 = arith.index_cast %get3A_373 : i32 to index
        %get3A_376 = arith.index_cast %get3A_374 : i32 to index
        %get3A_377 = arith.index_cast %mul3A_372 : i32 to index
        %get3A_378 = tpu.vector_load %arg6[%get3A_375, %get3A_376, %get3A_377] {strides = array<i32>} : memref<2x8x640xf32, #tpu.memory_space<vmem>>, vector<16xf32>,
        %gather3A_379 = tpu.vector_load_idx %arg7[%add3A_370] masked %eq3A_317 : memref<80000xf32, #tpu.memory_space<vmem>>[vector<16xi32>], vector<16xf32>, vector<16xi1>
        %max3A_380 = arith.maximumf %gather3A_379, %get3A_378 : vector<16xf32>
        tpu.vector_store_idx %arg7[%add3A_370], %max3A_380 masked %eq3A_317 : memref<80000xf32, #tpu.memory_space<vmem>>[vector<16xi32>], vector<16xf32>, vector<16xi1>
        %add3A_381 = arith.constant 50000 : i32
        %add3A_382 = vector.broadcast %add3A_381 : i32 to vector<16xi32>
        %add3A_383 = arith.addi %get3A_312, %add3A_382 : vector<16xi32>
        %mul3A_384 = arith.constant 16 : i32
        %mul3A_385 = arith.muli %mul3A_307, %mul3A_384 : i32
        %get3A_386 = arith.constant 1 : i32
        %get3A_387 = arith.constant 5 : i32
        %get3A_388 = arith.index_cast %get3A_386 : i32 to index
        %get3A_389 = arith.index_cast %get3A_387 : i32 to index
        %get3A_390 = arith.index_cast %mul3A_385 : i32 to index
        %get3A_391 = tpu.vector_load %arg6[%get3A_388, %get3A_389, %get3A_390] {strides = array<i32>} : memref<2x8x640xf32, #tpu.memory_space<vmem>>, vector<16xf32>,
        %gather3A_392 = tpu.vector_load_idx %arg7[%add3A_383] masked %eq3A_317 : memref<80000xf32, #tpu.memory_space<vmem>>[vector<16xi32>], vector<16xf32>, vector<16xi1>
        %max3A_393 = arith.maximumf %gather3A_392, %get3A_391 : vector<16xf32>
        tpu.vector_store_idx %arg7[%add3A_383], %max3A_393 masked %eq3A_317 : memref<80000xf32, #tpu.memory_space<vmem>>[vector<16xi32>], vector<16xf32>, vector<16xi1>
        %add3A_394 = arith.constant 60000 : i32
        %add3A_395 = vector.broadcast %add3A_394 : i32 to vector<16xi32>
        %add3A_396 = arith.addi %get3A_312, %add3A_395 : vector<16xi32>
        %mul3A_397 = arith.constant 16 : i32
        %mul3A_398 = arith.muli %mul3A_307, %mul3A_397 : i32
        %get3A_399 = arith.constant 1 : i32
        %get3A_400 = arith.constant 6 : i32
        %get3A_401 = arith.index_cast %get3A_399 : i32 to index
        %get3A_402 = arith.index_cast %get3A_400 : i32 to index
        %get3A_403 = arith.index_cast %mul3A_398 : i32 to index
        %get3A_404 = tpu.vector_load %arg6[%get3A_401, %get3A_402, %get3A_403] {strides = array<i32>} : memref<2x8x640xf32, #tpu.memory_space<vmem>>, vector<16xf32>,
        %gather3A_405 = tpu.vector_load_idx %arg7[%add3A_396] masked %eq3A_317 : memref<80000xf32, #tpu.memory_space<vmem>>[vector<16xi32>], vector<16xf32>, vector<16xi1>
        %max3A_406 = arith.maximumf %gather3A_405, %get3A_404 : vector<16xf32>
        tpu.vector_store_idx %arg7[%add3A_396], %max3A_406 masked %eq3A_317 : memref<80000xf32, #tpu.memory_space<vmem>>[vector<16xi32>], vector<16xf32>, vector<16xi1>
        %add3A_407 = arith.constant 70000 : i32
        %add3A_408 = vector.broadcast %add3A_407 : i32 to vector<16xi32>
        %add3A_409 = arith.addi %get3A_312, %add3A_408 : vector<16xi32>
        %mul3A_410 = arith.constant 16 : i32
        %mul3A_411 = arith.muli %mul3A_307, %mul3A_410 : i32
        %get3A_412 = arith.constant 1 : i32
        %get3A_413 = arith.constant 7 : i32
        %get3A_414 = arith.index_cast %get3A_412 : i32 to index
        %get3A_415 = arith.index_cast %get3A_413 : i32 to index
        %get3A_416 = arith.index_cast %mul3A_411 : i32 to index
        %get3A_417 = tpu.vector_load %arg6[%get3A_414, %get3A_415, %get3A_416] {strides = array<i32>} : memref<2x8x640xf32, #tpu.memory_space<vmem>>, vector<16xf32>,
        %gather3A_418 = tpu.vector_load_idx %arg7[%add3A_409] masked %eq3A_317 : memref<80000xf32, #tpu.memory_space<vmem>>[vector<16xi32>], vector<16xf32>, vector<16xi1>
        %max3A_419 = arith.maximumf %gather3A_418, %get3A_417 : vector<16xf32>
        tpu.vector_store_idx %arg7[%add3A_409], %max3A_419 masked %eq3A_317 : memref<80000xf32, #tpu.memory_space<vmem>>[vector<16xi32>], vector<16xf32>, vector<16xi1>
        %reduce_max3A = arith.constant true
        %reduce_max3A_420 = vector.broadcast %reduce_max3A : i1 to vector<16xi1>
        %reduce_max3A_421 = arith.constant -2147483648 : i32
        %reduce_max3A_422 = vector.broadcast %reduce_max3A_421 : i32 to vector<16xi32>
        %reduce_max3A_423 = arith.xori %unique3A_314, %reduce_max3A_422 : vector<16xi32>
        %reduce_max3A_424 = tpu.scan <max>, %reduce_max3A_423 masked %reduce_max3A_420 : vector<16xi32>, vector<16xi1> -> vector<16xi32>
        %reduce_max3A_425 = arith.xori %reduce_max3A_424, %reduce_max3A_422 : vector<16xi32>
        %reduce_max3A_426 = vector.extract %reduce_max3A_425[15] : i32 from vector<16xi32>
        %while3A = arith.constant 2 : i32
        %while3A_427 = scf.while (%while3A_559 = %while3A) : (i32) -> i32 {
          %le3A = arith.cmpi sle, %while3A_559, %reduce_max3A_426 : i32
          scf.condition(%le3A) %while3A_559 : i32
        } do {
        ^bb0(%while3A_559: i32):
          %eq3A_560 = vector.broadcast %while3A_559 : i32 to vector<16xi32>
          %eq3A_561 = arith.cmpi eq, %unique3A_314, %eq3A_560 : vector<16xi32>
          %add3A_562 = arith.constant 0 : i32
          %add3A_563 = vector.broadcast %add3A_562 : i32 to vector<16xi32>
          %add3A_564 = arith.addi %get3A_312, %add3A_563 : vector<16xi32>
          %mul3A_565 = arith.constant 16 : i32
          %mul3A_566 = arith.muli %mul3A_307, %mul3A_565 : i32
          %get3A_567 = arith.constant 1 : i32
          %get3A_568 = arith.constant 0 : i32
          %get3A_569 = arith.index_cast %get3A_567 : i32 to index
          %get3A_570 = arith.index_cast %get3A_568 : i32 to index
          %get3A_571 = arith.index_cast %mul3A_566 : i32 to index
          %get3A_572 = tpu.vector_load %arg6[%get3A_569, %get3A_570, %get3A_571] {strides = array<i32>} : memref<2x8x640xf32, #tpu.memory_space<vmem>>, vector<16xf32>,
          %gather3A_573 = tpu.vector_load_idx %arg7[%add3A_564] masked %eq3A_561 : memref<80000xf32, #tpu.memory_space<vmem>>[vector<16xi32>], vector<16xf32>, vector<16xi1>
          %max3A_574 = arith.maximumf %gather3A_573, %get3A_572 : vector<16xf32>
          tpu.vector_store_idx %arg7[%add3A_564], %max3A_574 masked %eq3A_561 : memref<80000xf32, #tpu.memory_space<vmem>>[vector<16xi32>], vector<16xf32>, vector<16xi1>
          %add3A_575 = arith.constant 10000 : i32
          %add3A_576 = vector.broadcast %add3A_575 : i32 to vector<16xi32>
          %add3A_577 = arith.addi %get3A_312, %add3A_576 : vector<16xi32>
          %mul3A_578 = arith.constant 16 : i32
          %mul3A_579 = arith.muli %mul3A_307, %mul3A_578 : i32
          %get3A_580 = arith.constant 1 : i32
          %get3A_581 = arith.constant 1 : i32
          %get3A_582 = arith.index_cast %get3A_580 : i32 to index
          %get3A_583 = arith.index_cast %get3A_581 : i32 to index
          %get3A_584 = arith.index_cast %mul3A_579 : i32 to index
          %get3A_585 = tpu.vector_load %arg6[%get3A_582, %get3A_583, %get3A_584] {strides = array<i32>} : memref<2x8x640xf32, #tpu.memory_space<vmem>>, vector<16xf32>,
          %gather3A_586 = tpu.vector_load_idx %arg7[%add3A_577] masked %eq3A_561 : memref<80000xf32, #tpu.memory_space<vmem>>[vector<16xi32>], vector<16xf32>, vector<16xi1>
          %max3A_587 = arith.maximumf %gather3A_586, %get3A_585 : vector<16xf32>
          tpu.vector_store_idx %arg7[%add3A_577], %max3A_587 masked %eq3A_561 : memref<80000xf32, #tpu.memory_space<vmem>>[vector<16xi32>], vector<16xf32>, vector<16xi1>
          %add3A_588 = arith.constant 20000 : i32
          %add3A_589 = vector.broadcast %add3A_588 : i32 to vector<16xi32>
          %add3A_590 = arith.addi %get3A_312, %add3A_589 : vector<16xi32>
          %mul3A_591 = arith.constant 16 : i32
          %mul3A_592 = arith.muli %mul3A_307, %mul3A_591 : i32
          %get3A_593 = arith.constant 1 : i32
          %get3A_594 = arith.constant 2 : i32
          %get3A_595 = arith.index_cast %get3A_593 : i32 to index
          %get3A_596 = arith.index_cast %get3A_594 : i32 to index
          %get3A_597 = arith.index_cast %mul3A_592 : i32 to index
          %get3A_598 = tpu.vector_load %arg6[%get3A_595, %get3A_596, %get3A_597] {strides = array<i32>} : memref<2x8x640xf32, #tpu.memory_space<vmem>>, vector<16xf32>,
          %gather3A_599 = tpu.vector_load_idx %arg7[%add3A_590] masked %eq3A_561 : memref<80000xf32, #tpu.memory_space<vmem>>[vector<16xi32>], vector<16xf32>, vector<16xi1>
          %max3A_600 = arith.maximumf %gather3A_599, %get3A_598 : vector<16xf32>
          tpu.vector_store_idx %arg7[%add3A_590], %max3A_600 masked %eq3A_561 : memref<80000xf32, #tpu.memory_space<vmem>>[vector<16xi32>], vector<16xf32>, vector<16xi1>
          %add3A_601 = arith.constant 30000 : i32
          %add3A_602 = vector.broadcast %add3A_601 : i32 to vector<16xi32>
          %add3A_603 = arith.addi %get3A_312, %add3A_602 : vector<16xi32>
          %mul3A_604 = arith.constant 16 : i32
          %mul3A_605 = arith.muli %mul3A_307, %mul3A_604 : i32
          %get3A_606 = arith.constant 1 : i32
          %get3A_607 = arith.constant 3 : i32
          %get3A_608 = arith.index_cast %get3A_606 : i32 to index
          %get3A_609 = arith.index_cast %get3A_607 : i32 to index
          %get3A_610 = arith.index_cast %mul3A_605 : i32 to index
          %get3A_611 = tpu.vector_load %arg6[%get3A_608, %get3A_609, %get3A_610] {strides = array<i32>} : memref<2x8x640xf32, #tpu.memory_space<vmem>>, vector<16xf32>,
          %gather3A_612 = tpu.vector_load_idx %arg7[%add3A_603] masked %eq3A_561 : memref<80000xf32, #tpu.memory_space<vmem>>[vector<16xi32>], vector<16xf32>, vector<16xi1>
          %max3A_613 = arith.maximumf %gather3A_612, %get3A_611 : vector<16xf32>
          tpu.vector_store_idx %arg7[%add3A_603], %max3A_613 masked %eq3A_561 : memref<80000xf32, #tpu.memory_space<vmem>>[vector<16xi32>], vector<16xf32>, vector<16xi1>
          %add3A_614 = arith.constant 40000 : i32
          %add3A_615 = vector.broadcast %add3A_614 : i32 to vector<16xi32>
          %add3A_616 = arith.addi %get3A_312, %add3A_615 : vector<16xi32>
          %mul3A_617 = arith.constant 16 : i32
          %mul3A_618 = arith.muli %mul3A_307, %mul3A_617 : i32
          %get3A_619 = arith.constant 1 : i32
          %get3A_620 = arith.constant 4 : i32
          %get3A_621 = arith.index_cast %get3A_619 : i32 to index
          %get3A_622 = arith.index_cast %get3A_620 : i32 to index
          %get3A_623 = arith.index_cast %mul3A_618 : i32 to index
          %get3A_624 = tpu.vector_load %arg6[%get3A_621, %get3A_622, %get3A_623] {strides = array<i32>} : memref<2x8x640xf32, #tpu.memory_space<vmem>>, vector<16xf32>,
          %gather3A_625 = tpu.vector_load_idx %arg7[%add3A_616] masked %eq3A_561 : memref<80000xf32, #tpu.memory_space<vmem>>[vector<16xi32>], vector<16xf32>, vector<16xi1>
          %max3A_626 = arith.maximumf %gather3A_625, %get3A_624 : vector<16xf32>
          tpu.vector_store_idx %arg7[%add3A_616], %max3A_626 masked %eq3A_561 : memref<80000xf32, #tpu.memory_space<vmem>>[vector<16xi32>], vector<16xf32>, vector<16xi1>
          %add3A_627 = arith.constant 50000 : i32
          %add3A_628 = vector.broadcast %add3A_627 : i32 to vector<16xi32>
          %add3A_629 = arith.addi %get3A_312, %add3A_628 : vector<16xi32>
          %mul3A_630 = arith.constant 16 : i32
          %mul3A_631 = arith.muli %mul3A_307, %mul3A_630 : i32
          %get3A_632 = arith.constant 1 : i32
          %get3A_633 = arith.constant 5 : i32
          %get3A_634 = arith.index_cast %get3A_632 : i32 to index
          %get3A_635 = arith.index_cast %get3A_633 : i32 to index
          %get3A_636 = arith.index_cast %mul3A_631 : i32 to index
          %get3A_637 = tpu.vector_load %arg6[%get3A_634, %get3A_635, %get3A_636] {strides = array<i32>} : memref<2x8x640xf32, #tpu.memory_space<vmem>>, vector<16xf32>,
          %gather3A_638 = tpu.vector_load_idx %arg7[%add3A_629] masked %eq3A_561 : memref<80000xf32, #tpu.memory_space<vmem>>[vector<16xi32>], vector<16xf32>, vector<16xi1>
          %max3A_639 = arith.maximumf %gather3A_638, %get3A_637 : vector<16xf32>
          tpu.vector_store_idx %arg7[%add3A_629], %max3A_639 masked %eq3A_561 : memref<80000xf32, #tpu.memory_space<vmem>>[vector<16xi32>], vector<16xf32>, vector<16xi1>
          %add3A_640 = arith.constant 60000 : i32
          %add3A_641 = vector.broadcast %add3A_640 : i32 to vector<16xi32>
          %add3A_642 = arith.addi %get3A_312, %add3A_641 : vector<16xi32>
          %mul3A_643 = arith.constant 16 : i32
          %mul3A_644 = arith.muli %mul3A_307, %mul3A_643 : i32
          %get3A_645 = arith.constant 1 : i32
          %get3A_646 = arith.constant 6 : i32
          %get3A_647 = arith.index_cast %get3A_645 : i32 to index
          %get3A_648 = arith.index_cast %get3A_646 : i32 to index
          %get3A_649 = arith.index_cast %mul3A_644 : i32 to index
          %get3A_650 = tpu.vector_load %arg6[%get3A_647, %get3A_648, %get3A_649] {strides = array<i32>} : memref<2x8x640xf32, #tpu.memory_space<vmem>>, vector<16xf32>,
          %gather3A_651 = tpu.vector_load_idx %arg7[%add3A_642] masked %eq3A_561 : memref<80000xf32, #tpu.memory_space<vmem>>[vector<16xi32>], vector<16xf32>, vector<16xi1>
          %max3A_652 = arith.maximumf %gather3A_651, %get3A_650 : vector<16xf32>
          tpu.vector_store_idx %arg7[%add3A_642], %max3A_652 masked %eq3A_561 : memref<80000xf32, #tpu.memory_space<vmem>>[vector<16xi32>], vector<16xf32>, vector<16xi1>
          %add3A_653 = arith.constant 70000 : i32
          %add3A_654 = vector.broadcast %add3A_653 : i32 to vector<16xi32>
          %add3A_655 = arith.addi %get3A_312, %add3A_654 : vector<16xi32>
          %mul3A_656 = arith.constant 16 : i32
          %mul3A_657 = arith.muli %mul3A_307, %mul3A_656 : i32
          %get3A_658 = arith.constant 1 : i32
          %get3A_659 = arith.constant 7 : i32
          %get3A_660 = arith.index_cast %get3A_658 : i32 to index
          %get3A_661 = arith.index_cast %get3A_659 : i32 to index
          %get3A_662 = arith.index_cast %mul3A_657 : i32 to index
          %get3A_663 = tpu.vector_load %arg6[%get3A_660, %get3A_661, %get3A_662] {strides = array<i32>} : memref<2x8x640xf32, #tpu.memory_space<vmem>>, vector<16xf32>,
          %gather3A_664 = tpu.vector_load_idx %arg7[%add3A_655] masked %eq3A_561 : memref<80000xf32, #tpu.memory_space<vmem>>[vector<16xi32>], vector<16xf32>, vector<16xi1>
          %max3A_665 = arith.maximumf %gather3A_664, %get3A_663 : vector<16xf32>
          tpu.vector_store_idx %arg7[%add3A_655], %max3A_665 masked %eq3A_561 : memref<80000xf32, #tpu.memory_space<vmem>>[vector<16xi32>], vector<16xf32>, vector<16xi1>
          %add3A_666 = arith.constant 1 : i32
          %add3A_667 = arith.addi %while3A_559, %add3A_666 : i32
          scf.yield %add3A_667 : i32
        }
        %mul3A_428 = arith.constant 2 : i32
        %mul3A_429 = arith.muli %mul3A_428, %scan3A_305 : i32
        %add3A_430 = arith.constant 1 : i32
        %add3A_431 = arith.addi %mul3A_429, %add3A_430 : i32
        %mul3A_432 = arith.constant 16 : i32
        %mul3A_433 = arith.muli %add3A_431, %mul3A_432 : i32
        %get3A_434 = arith.constant 1 : i32
        %get3A_435 = arith.index_cast %get3A_434 : i32 to index
        %get3A_436 = arith.index_cast %mul3A_433 : i32 to index
        %get3A_437 = tpu.vector_load %arg5[%get3A_435, %get3A_436] {strides = array<i32>} : memref<2x640xi32, #tpu.memory_space<vmem>>, vector<16xi32>,
        %broadcast_in_dim3A_438 = arith.constant true
        %broadcast_in_dim3A_439 = vector.broadcast %broadcast_in_dim3A_438 : i1 to vector<16xi1>
        %unique3A_440, %unique3A_441 = tpu.scan_count mask(%broadcast_in_dim3A_439 : vector<16xi1>) value(%get3A_437 : vector<16xi32>) : vector<16xi1>, vector<16xi32>
        %eq3A_442 = arith.constant 1 : i32
        %eq3A_443 = vector.broadcast %eq3A_442 : i32 to vector<16xi32>
        %eq3A_444 = arith.cmpi eq, %unique3A_441, %eq3A_443 : vector<16xi32>
        %add3A_445 = arith.constant 0 : i32
        %add3A_446 = vector.broadcast %add3A_445 : i32 to vector<16xi32>
        %add3A_447 = arith.addi %get3A_437, %add3A_446 : vector<16xi32>
        %mul3A_448 = arith.constant 16 : i32
        %mul3A_449 = arith.muli %add3A_431, %mul3A_448 : i32
        %get3A_450 = arith.constant 1 : i32
        %get3A_451 = arith.constant 0 : i32
        %get3A_452 = arith.index_cast %get3A_450 : i32 to index
        %get3A_453 = arith.index_cast %get3A_451 : i32 to index
        %get3A_454 = arith.index_cast %mul3A_449 : i32 to index
        %get3A_455 = tpu.vector_load %arg6[%get3A_452, %get3A_453, %get3A_454] {strides = array<i32>} : memref<2x8x640xf32, #tpu.memory_space<vmem>>, vector<16xf32>,
        %gather3A_456 = tpu.vector_load_idx %arg7[%add3A_447] masked %eq3A_444 : memref<80000xf32, #tpu.memory_space<vmem>>[vector<16xi32>], vector<16xf32>, vector<16xi1>
        %max3A_457 = arith.maximumf %gather3A_456, %get3A_455 : vector<16xf32>
        tpu.vector_store_idx %arg7[%add3A_447], %max3A_457 masked %eq3A_444 : memref<80000xf32, #tpu.memory_space<vmem>>[vector<16xi32>], vector<16xf32>, vector<16xi1>
        %add3A_458 = arith.constant 10000 : i32
        %add3A_459 = vector.broadcast %add3A_458 : i32 to vector<16xi32>
        %add3A_460 = arith.addi %get3A_437, %add3A_459 : vector<16xi32>
        %mul3A_461 = arith.constant 16 : i32
        %mul3A_462 = arith.muli %add3A_431, %mul3A_461 : i32
        %get3A_463 = arith.constant 1 : i32
        %get3A_464 = arith.constant 1 : i32
        %get3A_465 = arith.index_cast %get3A_463 : i32 to index
        %get3A_466 = arith.index_cast %get3A_464 : i32 to index
        %get3A_467 = arith.index_cast %mul3A_462 : i32 to index
        %get3A_468 = tpu.vector_load %arg6[%get3A_465, %get3A_466, %get3A_467] {strides = array<i32>} : memref<2x8x640xf32, #tpu.memory_space<vmem>>, vector<16xf32>,
        %gather3A_469 = tpu.vector_load_idx %arg7[%add3A_460] masked %eq3A_444 : memref<80000xf32, #tpu.memory_space<vmem>>[vector<16xi32>], vector<16xf32>, vector<16xi1>
        %max3A_470 = arith.maximumf %gather3A_469, %get3A_468 : vector<16xf32>
        tpu.vector_store_idx %arg7[%add3A_460], %max3A_470 masked %eq3A_444 : memref<80000xf32, #tpu.memory_space<vmem>>[vector<16xi32>], vector<16xf32>, vector<16xi1>
        %add3A_471 = arith.constant 20000 : i32
        %add3A_472 = vector.broadcast %add3A_471 : i32 to vector<16xi32>
        %add3A_473 = arith.addi %get3A_437, %add3A_472 : vector<16xi32>
        %mul3A_474 = arith.constant 16 : i32
        %mul3A_475 = arith.muli %add3A_431, %mul3A_474 : i32
        %get3A_476 = arith.constant 1 : i32
        %get3A_477 = arith.constant 2 : i32
        %get3A_478 = arith.index_cast %get3A_476 : i32 to index
        %get3A_479 = arith.index_cast %get3A_477 : i32 to index
        %get3A_480 = arith.index_cast %mul3A_475 : i32 to index
        %get3A_481 = tpu.vector_load %arg6[%get3A_478, %get3A_479, %get3A_480] {strides = array<i32>} : memref<2x8x640xf32, #tpu.memory_space<vmem>>, vector<16xf32>,
        %gather3A_482 = tpu.vector_load_idx %arg7[%add3A_473] masked %eq3A_444 : memref<80000xf32, #tpu.memory_space<vmem>>[vector<16xi32>], vector<16xf32>, vector<16xi1>
        %max3A_483 = arith.maximumf %gather3A_482, %get3A_481 : vector<16xf32>
        tpu.vector_store_idx %arg7[%add3A_473], %max3A_483 masked %eq3A_444 : memref<80000xf32, #tpu.memory_space<vmem>>[vector<16xi32>], vector<16xf32>, vector<16xi1>
        %add3A_484 = arith.constant 30000 : i32
        %add3A_485 = vector.broadcast %add3A_484 : i32 to vector<16xi32>
        %add3A_486 = arith.addi %get3A_437, %add3A_485 : vector<16xi32>
        %mul3A_487 = arith.constant 16 : i32
        %mul3A_488 = arith.muli %add3A_431, %mul3A_487 : i32
        %get3A_489 = arith.constant 1 : i32
        %get3A_490 = arith.constant 3 : i32
        %get3A_491 = arith.index_cast %get3A_489 : i32 to index
        %get3A_492 = arith.index_cast %get3A_490 : i32 to index
        %get3A_493 = arith.index_cast %mul3A_488 : i32 to index
        %get3A_494 = tpu.vector_load %arg6[%get3A_491, %get3A_492, %get3A_493] {strides = array<i32>} : memref<2x8x640xf32, #tpu.memory_space<vmem>>, vector<16xf32>,
        %gather3A_495 = tpu.vector_load_idx %arg7[%add3A_486] masked %eq3A_444 : memref<80000xf32, #tpu.memory_space<vmem>>[vector<16xi32>], vector<16xf32>, vector<16xi1>
        %max3A_496 = arith.maximumf %gather3A_495, %get3A_494 : vector<16xf32>
        tpu.vector_store_idx %arg7[%add3A_486], %max3A_496 masked %eq3A_444 : memref<80000xf32, #tpu.memory_space<vmem>>[vector<16xi32>], vector<16xf32>, vector<16xi1>
        %add3A_497 = arith.constant 40000 : i32
        %add3A_498 = vector.broadcast %add3A_497 : i32 to vector<16xi32>
        %add3A_499 = arith.addi %get3A_437, %add3A_498 : vector<16xi32>
        %mul3A_500 = arith.constant 16 : i32
        %mul3A_501 = arith.muli %add3A_431, %mul3A_500 : i32
        %get3A_502 = arith.constant 1 : i32
        %get3A_503 = arith.constant 4 : i32
        %get3A_504 = arith.index_cast %get3A_502 : i32 to index
        %get3A_505 = arith.index_cast %get3A_503 : i32 to index
        %get3A_506 = arith.index_cast %mul3A_501 : i32 to index
        %get3A_507 = tpu.vector_load %arg6[%get3A_504, %get3A_505, %get3A_506] {strides = array<i32>} : memref<2x8x640xf32, #tpu.memory_space<vmem>>, vector<16xf32>,
        %gather3A_508 = tpu.vector_load_idx %arg7[%add3A_499] masked %eq3A_444 : memref<80000xf32, #tpu.memory_space<vmem>>[vector<16xi32>], vector<16xf32>, vector<16xi1>
        %max3A_509 = arith.maximumf %gather3A_508, %get3A_507 : vector<16xf32>
        tpu.vector_store_idx %arg7[%add3A_499], %max3A_509 masked %eq3A_444 : memref<80000xf32, #tpu.memory_space<vmem>>[vector<16xi32>], vector<16xf32>, vector<16xi1>
        %add3A_510 = arith.constant 50000 : i32
        %add3A_511 = vector.broadcast %add3A_510 : i32 to vector<16xi32>
        %add3A_512 = arith.addi %get3A_437, %add3A_511 : vector<16xi32>
        %mul3A_513 = arith.constant 16 : i32
        %mul3A_514 = arith.muli %add3A_431, %mul3A_513 : i32
        %get3A_515 = arith.constant 1 : i32
        %get3A_516 = arith.constant 5 : i32
        %get3A_517 = arith.index_cast %get3A_515 : i32 to index
        %get3A_518 = arith.index_cast %get3A_516 : i32 to index
        %get3A_519 = arith.index_cast %mul3A_514 : i32 to index
        %get3A_520 = tpu.vector_load %arg6[%get3A_517, %get3A_518, %get3A_519] {strides = array<i32>} : memref<2x8x640xf32, #tpu.memory_space<vmem>>, vector<16xf32>,
        %gather3A_521 = tpu.vector_load_idx %arg7[%add3A_512] masked %eq3A_444 : memref<80000xf32, #tpu.memory_space<vmem>>[vector<16xi32>], vector<16xf32>, vector<16xi1>
        %max3A_522 = arith.maximumf %gather3A_521, %get3A_520 : vector<16xf32>
        tpu.vector_store_idx %arg7[%add3A_512], %max3A_522 masked %eq3A_444 : memref<80000xf32, #tpu.memory_space<vmem>>[vector<16xi32>], vector<16xf32>, vector<16xi1>
        %add3A_523 = arith.constant 60000 : i32
        %add3A_524 = vector.broadcast %add3A_523 : i32 to vector<16xi32>
        %add3A_525 = arith.addi %get3A_437, %add3A_524 : vector<16xi32>
        %mul3A_526 = arith.constant 16 : i32
        %mul3A_527 = arith.muli %add3A_431, %mul3A_526 : i32
        %get3A_528 = arith.constant 1 : i32
        %get3A_529 = arith.constant 6 : i32
        %get3A_530 = arith.index_cast %get3A_528 : i32 to index
        %get3A_531 = arith.index_cast %get3A_529 : i32 to index
        %get3A_532 = arith.index_cast %mul3A_527 : i32 to index
        %get3A_533 = tpu.vector_load %arg6[%get3A_530, %get3A_531, %get3A_532] {strides = array<i32>} : memref<2x8x640xf32, #tpu.memory_space<vmem>>, vector<16xf32>,
        %gather3A_534 = tpu.vector_load_idx %arg7[%add3A_525] masked %eq3A_444 : memref<80000xf32, #tpu.memory_space<vmem>>[vector<16xi32>], vector<16xf32>, vector<16xi1>
        %max3A_535 = arith.maximumf %gather3A_534, %get3A_533 : vector<16xf32>
        tpu.vector_store_idx %arg7[%add3A_525], %max3A_535 masked %eq3A_444 : memref<80000xf32, #tpu.memory_space<vmem>>[vector<16xi32>], vector<16xf32>, vector<16xi1>
        %add3A_536 = arith.constant 70000 : i32
        %add3A_537 = vector.broadcast %add3A_536 : i32 to vector<16xi32>
        %add3A_538 = arith.addi %get3A_437, %add3A_537 : vector<16xi32>
        %mul3A_539 = arith.constant 16 : i32
        %mul3A_540 = arith.muli %add3A_431, %mul3A_539 : i32
        %get3A_541 = arith.constant 1 : i32
        %get3A_542 = arith.constant 7 : i32
        %get3A_543 = arith.index_cast %get3A_541 : i32 to index
        %get3A_544 = arith.index_cast %get3A_542 : i32 to index
        %get3A_545 = arith.index_cast %mul3A_540 : i32 to index
        %get3A_546 = tpu.vector_load %arg6[%get3A_543, %get3A_544, %get3A_545] {strides = array<i32>} : memref<2x8x640xf32, #tpu.memory_space<vmem>>, vector<16xf32>,
        %gather3A_547 = tpu.vector_load_idx %arg7[%add3A_538] masked %eq3A_444 : memref<80000xf32, #tpu.memory_space<vmem>>[vector<16xi32>], vector<16xf32>, vector<16xi1>
        %max3A_548 = arith.maximumf %gather3A_547, %get3A_546 : vector<16xf32>
        tpu.vector_store_idx %arg7[%add3A_538], %max3A_548 masked %eq3A_444 : memref<80000xf32, #tpu.memory_space<vmem>>[vector<16xi32>], vector<16xf32>, vector<16xi1>
        %reduce_max3A_549 = arith.constant true
        %reduce_max3A_550 = vector.broadcast %reduce_max3A_549 : i1 to vector<16xi1>
        %reduce_max3A_551 = arith.constant -2147483648 : i32
        %reduce_max3A_552 = vector.broadcast %reduce_max3A_551 : i32 to vector<16xi32>
        %reduce_max3A_553 = arith.xori %unique3A_441, %reduce_max3A_552 : vector<16xi32>
        %reduce_max3A_554 = tpu.scan <max>, %reduce_max3A_553 masked %reduce_max3A_550 : vector<16xi32>, vector<16xi1> -> vector<16xi32>
        %reduce_max3A_555 = arith.xori %reduce_max3A_554, %reduce_max3A_552 : vector<16xi32>
        %reduce_max3A_556 = vector.extract %reduce_max3A_555[15] : i32 from vector<16xi32>
        %while3A_557 = arith.constant 2 : i32
        %while3A_558 = scf.while (%while3A_559 = %while3A_557) : (i32) -> i32 {
          %le3A = arith.cmpi sle, %while3A_559, %reduce_max3A_556 : i32
          scf.condition(%le3A) %while3A_559 : i32
        } do {
        ^bb0(%while3A_559: i32):
          %eq3A_560 = vector.broadcast %while3A_559 : i32 to vector<16xi32>
          %eq3A_561 = arith.cmpi eq, %unique3A_441, %eq3A_560 : vector<16xi32>
          %add3A_562 = arith.constant 0 : i32
          %add3A_563 = vector.broadcast %add3A_562 : i32 to vector<16xi32>
          %add3A_564 = arith.addi %get3A_437, %add3A_563 : vector<16xi32>
          %mul3A_565 = arith.constant 16 : i32
          %mul3A_566 = arith.muli %add3A_431, %mul3A_565 : i32
          %get3A_567 = arith.constant 1 : i32
          %get3A_568 = arith.constant 0 : i32
          %get3A_569 = arith.index_cast %get3A_567 : i32 to index
          %get3A_570 = arith.index_cast %get3A_568 : i32 to index
          %get3A_571 = arith.index_cast %mul3A_566 : i32 to index
          %get3A_572 = tpu.vector_load %arg6[%get3A_569, %get3A_570, %get3A_571] {strides = array<i32>} : memref<2x8x640xf32, #tpu.memory_space<vmem>>, vector<16xf32>,
          %gather3A_573 = tpu.vector_load_idx %arg7[%add3A_564] masked %eq3A_561 : memref<80000xf32, #tpu.memory_space<vmem>>[vector<16xi32>], vector<16xf32>, vector<16xi1>
          %max3A_574 = arith.maximumf %gather3A_573, %get3A_572 : vector<16xf32>
          tpu.vector_store_idx %arg7[%add3A_564], %max3A_574 masked %eq3A_561 : memref<80000xf32, #tpu.memory_space<vmem>>[vector<16xi32>], vector<16xf32>, vector<16xi1>
          %add3A_575 = arith.constant 10000 : i32
          %add3A_576 = vector.broadcast %add3A_575 : i32 to vector<16xi32>
          %add3A_577 = arith.addi %get3A_437, %add3A_576 : vector<16xi32>
          %mul3A_578 = arith.constant 16 : i32
          %mul3A_579 = arith.muli %add3A_431, %mul3A_578 : i32
          %get3A_580 = arith.constant 1 : i32
          %get3A_581 = arith.constant 1 : i32
          %get3A_582 = arith.index_cast %get3A_580 : i32 to index
          %get3A_583 = arith.index_cast %get3A_581 : i32 to index
          %get3A_584 = arith.index_cast %mul3A_579 : i32 to index
          %get3A_585 = tpu.vector_load %arg6[%get3A_582, %get3A_583, %get3A_584] {strides = array<i32>} : memref<2x8x640xf32, #tpu.memory_space<vmem>>, vector<16xf32>,
          %gather3A_586 = tpu.vector_load_idx %arg7[%add3A_577] masked %eq3A_561 : memref<80000xf32, #tpu.memory_space<vmem>>[vector<16xi32>], vector<16xf32>, vector<16xi1>
          %max3A_587 = arith.maximumf %gather3A_586, %get3A_585 : vector<16xf32>
          tpu.vector_store_idx %arg7[%add3A_577], %max3A_587 masked %eq3A_561 : memref<80000xf32, #tpu.memory_space<vmem>>[vector<16xi32>], vector<16xf32>, vector<16xi1>
          %add3A_588 = arith.constant 20000 : i32
          %add3A_589 = vector.broadcast %add3A_588 : i32 to vector<16xi32>
          %add3A_590 = arith.addi %get3A_437, %add3A_589 : vector<16xi32>
          %mul3A_591 = arith.constant 16 : i32
          %mul3A_592 = arith.muli %add3A_431, %mul3A_591 : i32
          %get3A_593 = arith.constant 1 : i32
          %get3A_594 = arith.constant 2 : i32
          %get3A_595 = arith.index_cast %get3A_593 : i32 to index
          %get3A_596 = arith.index_cast %get3A_594 : i32 to index
          %get3A_597 = arith.index_cast %mul3A_592 : i32 to index
          %get3A_598 = tpu.vector_load %arg6[%get3A_595, %get3A_596, %get3A_597] {strides = array<i32>} : memref<2x8x640xf32, #tpu.memory_space<vmem>>, vector<16xf32>,
          %gather3A_599 = tpu.vector_load_idx %arg7[%add3A_590] masked %eq3A_561 : memref<80000xf32, #tpu.memory_space<vmem>>[vector<16xi32>], vector<16xf32>, vector<16xi1>
          %max3A_600 = arith.maximumf %gather3A_599, %get3A_598 : vector<16xf32>
          tpu.vector_store_idx %arg7[%add3A_590], %max3A_600 masked %eq3A_561 : memref<80000xf32, #tpu.memory_space<vmem>>[vector<16xi32>], vector<16xf32>, vector<16xi1>
          %add3A_601 = arith.constant 30000 : i32
          %add3A_602 = vector.broadcast %add3A_601 : i32 to vector<16xi32>
          %add3A_603 = arith.addi %get3A_437, %add3A_602 : vector<16xi32>
          %mul3A_604 = arith.constant 16 : i32
          %mul3A_605 = arith.muli %add3A_431, %mul3A_604 : i32
          %get3A_606 = arith.constant 1 : i32
          %get3A_607 = arith.constant 3 : i32
          %get3A_608 = arith.index_cast %get3A_606 : i32 to index
          %get3A_609 = arith.index_cast %get3A_607 : i32 to index
          %get3A_610 = arith.index_cast %mul3A_605 : i32 to index
          %get3A_611 = tpu.vector_load %arg6[%get3A_608, %get3A_609, %get3A_610] {strides = array<i32>} : memref<2x8x640xf32, #tpu.memory_space<vmem>>, vector<16xf32>,
          %gather3A_612 = tpu.vector_load_idx %arg7[%add3A_603] masked %eq3A_561 : memref<80000xf32, #tpu.memory_space<vmem>>[vector<16xi32>], vector<16xf32>, vector<16xi1>
          %max3A_613 = arith.maximumf %gather3A_612, %get3A_611 : vector<16xf32>
          tpu.vector_store_idx %arg7[%add3A_603], %max3A_613 masked %eq3A_561 : memref<80000xf32, #tpu.memory_space<vmem>>[vector<16xi32>], vector<16xf32>, vector<16xi1>
          %add3A_614 = arith.constant 40000 : i32
          %add3A_615 = vector.broadcast %add3A_614 : i32 to vector<16xi32>
          %add3A_616 = arith.addi %get3A_437, %add3A_615 : vector<16xi32>
          %mul3A_617 = arith.constant 16 : i32
          %mul3A_618 = arith.muli %add3A_431, %mul3A_617 : i32
          %get3A_619 = arith.constant 1 : i32
          %get3A_620 = arith.constant 4 : i32
          %get3A_621 = arith.index_cast %get3A_619 : i32 to index
          %get3A_622 = arith.index_cast %get3A_620 : i32 to index
          %get3A_623 = arith.index_cast %mul3A_618 : i32 to index
          %get3A_624 = tpu.vector_load %arg6[%get3A_621, %get3A_622, %get3A_623] {strides = array<i32>} : memref<2x8x640xf32, #tpu.memory_space<vmem>>, vector<16xf32>,
          %gather3A_625 = tpu.vector_load_idx %arg7[%add3A_616] masked %eq3A_561 : memref<80000xf32, #tpu.memory_space<vmem>>[vector<16xi32>], vector<16xf32>, vector<16xi1>
          %max3A_626 = arith.maximumf %gather3A_625, %get3A_624 : vector<16xf32>
          tpu.vector_store_idx %arg7[%add3A_616], %max3A_626 masked %eq3A_561 : memref<80000xf32, #tpu.memory_space<vmem>>[vector<16xi32>], vector<16xf32>, vector<16xi1>
          %add3A_627 = arith.constant 50000 : i32
          %add3A_628 = vector.broadcast %add3A_627 : i32 to vector<16xi32>
          %add3A_629 = arith.addi %get3A_437, %add3A_628 : vector<16xi32>
          %mul3A_630 = arith.constant 16 : i32
          %mul3A_631 = arith.muli %add3A_431, %mul3A_630 : i32
          %get3A_632 = arith.constant 1 : i32
          %get3A_633 = arith.constant 5 : i32
          %get3A_634 = arith.index_cast %get3A_632 : i32 to index
          %get3A_635 = arith.index_cast %get3A_633 : i32 to index
          %get3A_636 = arith.index_cast %mul3A_631 : i32 to index
          %get3A_637 = tpu.vector_load %arg6[%get3A_634, %get3A_635, %get3A_636] {strides = array<i32>} : memref<2x8x640xf32, #tpu.memory_space<vmem>>, vector<16xf32>,
          %gather3A_638 = tpu.vector_load_idx %arg7[%add3A_629] masked %eq3A_561 : memref<80000xf32, #tpu.memory_space<vmem>>[vector<16xi32>], vector<16xf32>, vector<16xi1>
          %max3A_639 = arith.maximumf %gather3A_638, %get3A_637 : vector<16xf32>
          tpu.vector_store_idx %arg7[%add3A_629], %max3A_639 masked %eq3A_561 : memref<80000xf32, #tpu.memory_space<vmem>>[vector<16xi32>], vector<16xf32>, vector<16xi1>
          %add3A_640 = arith.constant 60000 : i32
          %add3A_641 = vector.broadcast %add3A_640 : i32 to vector<16xi32>
          %add3A_642 = arith.addi %get3A_437, %add3A_641 : vector<16xi32>
          %mul3A_643 = arith.constant 16 : i32
          %mul3A_644 = arith.muli %add3A_431, %mul3A_643 : i32
          %get3A_645 = arith.constant 1 : i32
          %get3A_646 = arith.constant 6 : i32
          %get3A_647 = arith.index_cast %get3A_645 : i32 to index
          %get3A_648 = arith.index_cast %get3A_646 : i32 to index
          %get3A_649 = arith.index_cast %mul3A_644 : i32 to index
          %get3A_650 = tpu.vector_load %arg6[%get3A_647, %get3A_648, %get3A_649] {strides = array<i32>} : memref<2x8x640xf32, #tpu.memory_space<vmem>>, vector<16xf32>,
          %gather3A_651 = tpu.vector_load_idx %arg7[%add3A_642] masked %eq3A_561 : memref<80000xf32, #tpu.memory_space<vmem>>[vector<16xi32>], vector<16xf32>, vector<16xi1>
          %max3A_652 = arith.maximumf %gather3A_651, %get3A_650 : vector<16xf32>
          tpu.vector_store_idx %arg7[%add3A_642], %max3A_652 masked %eq3A_561 : memref<80000xf32, #tpu.memory_space<vmem>>[vector<16xi32>], vector<16xf32>, vector<16xi1>
          %add3A_653 = arith.constant 70000 : i32
          %add3A_654 = vector.broadcast %add3A_653 : i32 to vector<16xi32>
          %add3A_655 = arith.addi %get3A_437, %add3A_654 : vector<16xi32>
          %mul3A_656 = arith.constant 16 : i32
          %mul3A_657 = arith.muli %add3A_431, %mul3A_656 : i32
          %get3A_658 = arith.constant 1 : i32
          %get3A_659 = arith.constant 7 : i32
          %get3A_660 = arith.index_cast %get3A_658 : i32 to index
          %get3A_661 = arith.index_cast %get3A_659 : i32 to index
          %get3A_662 = arith.index_cast %mul3A_657 : i32 to index
          %get3A_663 = tpu.vector_load %arg6[%get3A_660, %get3A_661, %get3A_662] {strides = array<i32>} : memref<2x8x640xf32, #tpu.memory_space<vmem>>, vector<16xf32>,
          %gather3A_664 = tpu.vector_load_idx %arg7[%add3A_655] masked %eq3A_561 : memref<80000xf32, #tpu.memory_space<vmem>>[vector<16xi32>], vector<16xf32>, vector<16xi1>
          %max3A_665 = arith.maximumf %gather3A_664, %get3A_663 : vector<16xf32>
          tpu.vector_store_idx %arg7[%add3A_655], %max3A_665 masked %eq3A_561 : memref<80000xf32, #tpu.memory_space<vmem>>[vector<16xi32>], vector<16xf32>, vector<16xi1>
          %add3A_666 = arith.constant 1 : i32
          %add3A_667 = arith.addi %while3A_559, %add3A_666 : i32
          scf.yield %add3A_667 : i32
        }
      }
      %scan3A_304 = arith.constant 20 : i32
    }
    %scan3A_72 = arith.constant 62 : i32
    %add3A_73 = arith.constant 79360 : i32
    %add3A_74 = arith.addi %mul3A_34, %add3A_73 : i32
    %dma_wait3A = arith.constant 0 : i32
    %dma_wait3A_75 = arith.constant 0 : i32
    %dma_wait3A_76 = arith.constant 0 : i32
    %dma_wait3A_77 = tpu.memref_slice %arg5[%dma_wait3A, %dma_wait3A_76] : memref<2x640xi32, #tpu.memory_space<vmem>> -> memref<1x640xi32, #tpu.memory_space<vmem>>
    %dma_wait3A_78 = tpu.memref_squeeze %dma_wait3A_77 : memref<1x640xi32, #tpu.memory_space<vmem>> -> memref<640xi32, #tpu.memory_space<vmem>>
    %dma_wait3A_79 = tpu.memref_slice %arg2[%add3A_74] : memref<320000xi32, #tpu.memory_space<hbm>> -> memref<640xi32, #tpu.memory_space<hbm>>
    %dma_wait3A_80 = tpu.memref_slice %arg9[%dma_wait3A_75] : memref<2x!tpu.dma_semaphore, #tpu.memory_space<semaphore_mem>> -> memref<1x!tpu.dma_semaphore, #tpu.memory_space<semaphore_mem>>
    %dma_wait3A_81 = tpu.memref_squeeze %dma_wait3A_80 : memref<1x!tpu.dma_semaphore, #tpu.memory_space<semaphore_mem>> -> memref<!tpu.dma_semaphore, #tpu.memory_space<semaphore_mem>>
    %dma_wait3A_82 = arith.constant 0 : i32
    %dma_wait3A_83 = tpu.memref_slice %arg5[%dma_wait3A, %dma_wait3A_82] : memref<2x640xi32, #tpu.memory_space<vmem>> -> memref<1x640xi32, #tpu.memory_space<vmem>>
    %dma_wait3A_84 = tpu.memref_squeeze %dma_wait3A_83 : memref<1x640xi32, #tpu.memory_space<vmem>> -> memref<640xi32, #tpu.memory_space<vmem>>
    %dma_wait3A_85 = tpu.memref_slice %arg2[%add3A_74] : memref<320000xi32, #tpu.memory_space<hbm>> -> memref<640xi32, #tpu.memory_space<hbm>>
    tpu.wait_dma2 semaphore(%dma_wait3A_81 : memref<!tpu.dma_semaphore, #tpu.memory_space<semaphore_mem>>) src(%dma_wait3A_85 : memref<640xi32, #tpu.memory_space<hbm>>) dst(%dma_wait3A_84 : memref<640xi32, #tpu.memory_space<vmem>>)
    %dma_wait3A_86 = arith.constant 0 : i32
    %dma_wait3A_87 = arith.constant 0 : i32
    %dma_wait3A_88 = arith.constant 0 : i32
    %dma_wait3A_89 = arith.constant 0 : i32
    %dma_wait3A_90 = tpu.memref_slice %arg6[%dma_wait3A_86, %dma_wait3A_88, %dma_wait3A_89] : memref<2x8x640xf32, #tpu.memory_space<vmem>> -> memref<1x8x640xf32, #tpu.memory_space<vmem>>
    %dma_wait3A_91 = tpu.memref_squeeze %dma_wait3A_90 : memref<1x8x640xf32, #tpu.memory_space<vmem>> -> memref<8x640xf32, #tpu.memory_space<vmem>>
    %dma_wait3A_92 = tpu.memref_slice %arg3[%mul3A_32, %add3A_74] : memref<64x320000xf32, #tpu.memory_space<hbm>> -> memref<8x640xf32, #tpu.memory_space<hbm>>
    %dma_wait3A_93 = tpu.memref_slice %arg10[%dma_wait3A_87] : memref<2x!tpu.dma_semaphore, #tpu.memory_space<semaphore_mem>> -> memref<1x!tpu.dma_semaphore, #tpu.memory_space<semaphore_mem>>
    %dma_wait3A_94 = tpu.memref_squeeze %dma_wait3A_93 : memref<1x!tpu.dma_semaphore, #tpu.memory_space<semaphore_mem>> -> memref<!tpu.dma_semaphore, #tpu.memory_space<semaphore_mem>>
    %dma_wait3A_95 = arith.constant 0 : i32
    %dma_wait3A_96 = arith.constant 0 : i32
    %dma_wait3A_97 = tpu.memref_slice %arg6[%dma_wait3A_86, %dma_wait3A_95, %dma_wait3A_96] : memref<2x8x640xf32, #tpu.memory_space<vmem>> -> memref<1x8x640xf32, #tpu.memory_space<vmem>>
    %dma_wait3A_98 = tpu.memref_squeeze %dma_wait3A_97 : memref<1x8x640xf32, #tpu.memory_space<vmem>> -> memref<8x640xf32, #tpu.memory_space<vmem>>
    %dma_wait3A_99 = tpu.memref_slice %arg3[%mul3A_32, %add3A_74] : memref<64x320000xf32, #tpu.memory_space<hbm>> -> memref<8x640xf32, #tpu.memory_space<hbm>>
    tpu.wait_dma2 semaphore(%dma_wait3A_94 : memref<!tpu.dma_semaphore, #tpu.memory_space<semaphore_mem>>) src(%dma_wait3A_99 : memref<8x640xf32, #tpu.memory_space<hbm>>) dst(%dma_wait3A_98 : memref<8x640xf32, #tpu.memory_space<vmem>>)
    %scan3A_100 = arith.constant 0 : i32
    %scan3A_101 = arith.constant 0 : i32
    %scan3A_102 = arith.constant 20 : i32
    %scan3A_103 = arith.addi %scan3A_101, %scan3A_102 : i32
    %scan3A_104 = arith.constant 1 : i32
    scf.for %scan3A_168 = %scan3A_101 to %scan3A_103 step %scan3A_104  : i32 {
      %mul3A_169 = arith.constant 2 : i32
      %mul3A_170 = arith.muli %mul3A_169, %scan3A_168 : i32
      %mul3A_171 = arith.constant 16 : i32
      %mul3A_172 = arith.muli %mul3A_170, %mul3A_171 : i32
      %get3A = arith.constant 0 : i32
      %get3A_173 = arith.index_cast %get3A : i32 to index
      %get3A_174 = arith.index_cast %mul3A_172 : i32 to index
      %get3A_175 = tpu.vector_load %arg5[%get3A_173, %get3A_174] {strides = array<i32>} : memref<2x640xi32, #tpu.memory_space<vmem>>, vector<16xi32>,
      %broadcast_in_dim3A = arith.constant true
      %broadcast_in_dim3A_176 = vector.broadcast %broadcast_in_dim3A : i1 to vector<16xi1>
      %unique3A, %unique3A_177 = tpu.scan_count mask(%broadcast_in_dim3A_176 : vector<16xi1>) value(%get3A_175 : vector<16xi32>) : vector<16xi1>, vector<16xi32>
      %eq3A_178 = arith.constant 1 : i32
      %eq3A_179 = vector.broadcast %eq3A_178 : i32 to vector<16xi32>
      %eq3A_180 = arith.cmpi eq, %unique3A_177, %eq3A_179 : vector<16xi32>
      %add3A_181 = arith.constant 0 : i32
      %add3A_182 = vector.broadcast %add3A_181 : i32 to vector<16xi32>
      %add3A_183 = arith.addi %get3A_175, %add3A_182 : vector<16xi32>
      %mul3A_184 = arith.constant 16 : i32
      %mul3A_185 = arith.muli %mul3A_170, %mul3A_184 : i32
      %get3A_186 = arith.constant 0 : i32
      %get3A_187 = arith.constant 0 : i32
      %get3A_188 = arith.index_cast %get3A_186 : i32 to index
      %get3A_189 = arith.index_cast %get3A_187 : i32 to index
      %get3A_190 = arith.index_cast %mul3A_185 : i32 to index
      %get3A_191 = tpu.vector_load %arg6[%get3A_188, %get3A_189, %get3A_190] {strides = array<i32>} : memref<2x8x640xf32, #tpu.memory_space<vmem>>, vector<16xf32>,
      %gather3A = tpu.vector_load_idx %arg7[%add3A_183] masked %eq3A_180 : memref<80000xf32, #tpu.memory_space<vmem>>[vector<16xi32>], vector<16xf32>, vector<16xi1>
      %max3A = arith.maximumf %gather3A, %get3A_191 : vector<16xf32>
      tpu.vector_store_idx %arg7[%add3A_183], %max3A masked %eq3A_180 : memref<80000xf32, #tpu.memory_space<vmem>>[vector<16xi32>], vector<16xf32>, vector<16xi1>
      %add3A_192 = arith.constant 10000 : i32
      %add3A_193 = vector.broadcast %add3A_192 : i32 to vector<16xi32>
      %add3A_194 = arith.addi %get3A_175, %add3A_193 : vector<16xi32>
      %mul3A_195 = arith.constant 16 : i32
      %mul3A_196 = arith.muli %mul3A_170, %mul3A_195 : i32
      %get3A_197 = arith.constant 0 : i32
      %get3A_198 = arith.constant 1 : i32
      %get3A_199 = arith.index_cast %get3A_197 : i32 to index
      %get3A_200 = arith.index_cast %get3A_198 : i32 to index
      %get3A_201 = arith.index_cast %mul3A_196 : i32 to index
      %get3A_202 = tpu.vector_load %arg6[%get3A_199, %get3A_200, %get3A_201] {strides = array<i32>} : memref<2x8x640xf32, #tpu.memory_space<vmem>>, vector<16xf32>,
      %gather3A_203 = tpu.vector_load_idx %arg7[%add3A_194] masked %eq3A_180 : memref<80000xf32, #tpu.memory_space<vmem>>[vector<16xi32>], vector<16xf32>, vector<16xi1>
      %max3A_204 = arith.maximumf %gather3A_203, %get3A_202 : vector<16xf32>
      tpu.vector_store_idx %arg7[%add3A_194], %max3A_204 masked %eq3A_180 : memref<80000xf32, #tpu.memory_space<vmem>>[vector<16xi32>], vector<16xf32>, vector<16xi1>
      %add3A_205 = arith.constant 20000 : i32
      %add3A_206 = vector.broadcast %add3A_205 : i32 to vector<16xi32>
      %add3A_207 = arith.addi %get3A_175, %add3A_206 : vector<16xi32>
      %mul3A_208 = arith.constant 16 : i32
      %mul3A_209 = arith.muli %mul3A_170, %mul3A_208 : i32
      %get3A_210 = arith.constant 0 : i32
      %get3A_211 = arith.constant 2 : i32
      %get3A_212 = arith.index_cast %get3A_210 : i32 to index
      %get3A_213 = arith.index_cast %get3A_211 : i32 to index
      %get3A_214 = arith.index_cast %mul3A_209 : i32 to index
      %get3A_215 = tpu.vector_load %arg6[%get3A_212, %get3A_213, %get3A_214] {strides = array<i32>} : memref<2x8x640xf32, #tpu.memory_space<vmem>>, vector<16xf32>,
      %gather3A_216 = tpu.vector_load_idx %arg7[%add3A_207] masked %eq3A_180 : memref<80000xf32, #tpu.memory_space<vmem>>[vector<16xi32>], vector<16xf32>, vector<16xi1>
      %max3A_217 = arith.maximumf %gather3A_216, %get3A_215 : vector<16xf32>
      tpu.vector_store_idx %arg7[%add3A_207], %max3A_217 masked %eq3A_180 : memref<80000xf32, #tpu.memory_space<vmem>>[vector<16xi32>], vector<16xf32>, vector<16xi1>
      %add3A_218 = arith.constant 30000 : i32
      %add3A_219 = vector.broadcast %add3A_218 : i32 to vector<16xi32>
      %add3A_220 = arith.addi %get3A_175, %add3A_219 : vector<16xi32>
      %mul3A_221 = arith.constant 16 : i32
      %mul3A_222 = arith.muli %mul3A_170, %mul3A_221 : i32
      %get3A_223 = arith.constant 0 : i32
      %get3A_224 = arith.constant 3 : i32
      %get3A_225 = arith.index_cast %get3A_223 : i32 to index
      %get3A_226 = arith.index_cast %get3A_224 : i32 to index
      %get3A_227 = arith.index_cast %mul3A_222 : i32 to index
      %get3A_228 = tpu.vector_load %arg6[%get3A_225, %get3A_226, %get3A_227] {strides = array<i32>} : memref<2x8x640xf32, #tpu.memory_space<vmem>>, vector<16xf32>,
      %gather3A_229 = tpu.vector_load_idx %arg7[%add3A_220] masked %eq3A_180 : memref<80000xf32, #tpu.memory_space<vmem>>[vector<16xi32>], vector<16xf32>, vector<16xi1>
      %max3A_230 = arith.maximumf %gather3A_229, %get3A_228 : vector<16xf32>
      tpu.vector_store_idx %arg7[%add3A_220], %max3A_230 masked %eq3A_180 : memref<80000xf32, #tpu.memory_space<vmem>>[vector<16xi32>], vector<16xf32>, vector<16xi1>
      %add3A_231 = arith.constant 40000 : i32
      %add3A_232 = vector.broadcast %add3A_231 : i32 to vector<16xi32>
      %add3A_233 = arith.addi %get3A_175, %add3A_232 : vector<16xi32>
      %mul3A_234 = arith.constant 16 : i32
      %mul3A_235 = arith.muli %mul3A_170, %mul3A_234 : i32
      %get3A_236 = arith.constant 0 : i32
      %get3A_237 = arith.constant 4 : i32
      %get3A_238 = arith.index_cast %get3A_236 : i32 to index
      %get3A_239 = arith.index_cast %get3A_237 : i32 to index
      %get3A_240 = arith.index_cast %mul3A_235 : i32 to index
      %get3A_241 = tpu.vector_load %arg6[%get3A_238, %get3A_239, %get3A_240] {strides = array<i32>} : memref<2x8x640xf32, #tpu.memory_space<vmem>>, vector<16xf32>,
      %gather3A_242 = tpu.vector_load_idx %arg7[%add3A_233] masked %eq3A_180 : memref<80000xf32, #tpu.memory_space<vmem>>[vector<16xi32>], vector<16xf32>, vector<16xi1>
      %max3A_243 = arith.maximumf %gather3A_242, %get3A_241 : vector<16xf32>
      tpu.vector_store_idx %arg7[%add3A_233], %max3A_243 masked %eq3A_180 : memref<80000xf32, #tpu.memory_space<vmem>>[vector<16xi32>], vector<16xf32>, vector<16xi1>
      %add3A_244 = arith.constant 50000 : i32
      %add3A_245 = vector.broadcast %add3A_244 : i32 to vector<16xi32>
      %add3A_246 = arith.addi %get3A_175, %add3A_245 : vector<16xi32>
      %mul3A_247 = arith.constant 16 : i32
      %mul3A_248 = arith.muli %mul3A_170, %mul3A_247 : i32
      %get3A_249 = arith.constant 0 : i32
      %get3A_250 = arith.constant 5 : i32
      %get3A_251 = arith.index_cast %get3A_249 : i32 to index
      %get3A_252 = arith.index_cast %get3A_250 : i32 to index
      %get3A_253 = arith.index_cast %mul3A_248 : i32 to index
      %get3A_254 = tpu.vector_load %arg6[%get3A_251, %get3A_252, %get3A_253] {strides = array<i32>} : memref<2x8x640xf32, #tpu.memory_space<vmem>>, vector<16xf32>,
      %gather3A_255 = tpu.vector_load_idx %arg7[%add3A_246] masked %eq3A_180 : memref<80000xf32, #tpu.memory_space<vmem>>[vector<16xi32>], vector<16xf32>, vector<16xi1>
      %max3A_256 = arith.maximumf %gather3A_255, %get3A_254 : vector<16xf32>
      tpu.vector_store_idx %arg7[%add3A_246], %max3A_256 masked %eq3A_180 : memref<80000xf32, #tpu.memory_space<vmem>>[vector<16xi32>], vector<16xf32>, vector<16xi1>
      %add3A_257 = arith.constant 60000 : i32
      %add3A_258 = vector.broadcast %add3A_257 : i32 to vector<16xi32>
      %add3A_259 = arith.addi %get3A_175, %add3A_258 : vector<16xi32>
      %mul3A_260 = arith.constant 16 : i32
      %mul3A_261 = arith.muli %mul3A_170, %mul3A_260 : i32
      %get3A_262 = arith.constant 0 : i32
      %get3A_263 = arith.constant 6 : i32
      %get3A_264 = arith.index_cast %get3A_262 : i32 to index
      %get3A_265 = arith.index_cast %get3A_263 : i32 to index
      %get3A_266 = arith.index_cast %mul3A_261 : i32 to index
      %get3A_267 = tpu.vector_load %arg6[%get3A_264, %get3A_265, %get3A_266] {strides = array<i32>} : memref<2x8x640xf32, #tpu.memory_space<vmem>>, vector<16xf32>,
      %gather3A_268 = tpu.vector_load_idx %arg7[%add3A_259] masked %eq3A_180 : memref<80000xf32, #tpu.memory_space<vmem>>[vector<16xi32>], vector<16xf32>, vector<16xi1>
      %max3A_269 = arith.maximumf %gather3A_268, %get3A_267 : vector<16xf32>
      tpu.vector_store_idx %arg7[%add3A_259], %max3A_269 masked %eq3A_180 : memref<80000xf32, #tpu.memory_space<vmem>>[vector<16xi32>], vector<16xf32>, vector<16xi1>
      %add3A_270 = arith.constant 70000 : i32
      %add3A_271 = vector.broadcast %add3A_270 : i32 to vector<16xi32>
      %add3A_272 = arith.addi %get3A_175, %add3A_271 : vector<16xi32>
      %mul3A_273 = arith.constant 16 : i32
      %mul3A_274 = arith.muli %mul3A_170, %mul3A_273 : i32
      %get3A_275 = arith.constant 0 : i32
      %get3A_276 = arith.constant 7 : i32
      %get3A_277 = arith.index_cast %get3A_275 : i32 to index
      %get3A_278 = arith.index_cast %get3A_276 : i32 to index
      %get3A_279 = arith.index_cast %mul3A_274 : i32 to index
      %get3A_280 = tpu.vector_load %arg6[%get3A_277, %get3A_278, %get3A_279] {strides = array<i32>} : memref<2x8x640xf32, #tpu.memory_space<vmem>>, vector<16xf32>,
      %gather3A_281 = tpu.vector_load_idx %arg7[%add3A_272] masked %eq3A_180 : memref<80000xf32, #tpu.memory_space<vmem>>[vector<16xi32>], vector<16xf32>, vector<16xi1>
      %max3A_282 = arith.maximumf %gather3A_281, %get3A_280 : vector<16xf32>
      tpu.vector_store_idx %arg7[%add3A_272], %max3A_282 masked %eq3A_180 : memref<80000xf32, #tpu.memory_space<vmem>>[vector<16xi32>], vector<16xf32>, vector<16xi1>
      %reduce_max3A = arith.constant true
      %reduce_max3A_283 = vector.broadcast %reduce_max3A : i1 to vector<16xi1>
      %reduce_max3A_284 = arith.constant -2147483648 : i32
      %reduce_max3A_285 = vector.broadcast %reduce_max3A_284 : i32 to vector<16xi32>
      %reduce_max3A_286 = arith.xori %unique3A_177, %reduce_max3A_285 : vector<16xi32>
      %reduce_max3A_287 = tpu.scan <max>, %reduce_max3A_286 masked %reduce_max3A_283 : vector<16xi32>, vector<16xi1> -> vector<16xi32>
      %reduce_max3A_288 = arith.xori %reduce_max3A_287, %reduce_max3A_285 : vector<16xi32>
      %reduce_max3A_289 = vector.extract %reduce_max3A_288[15] : i32 from vector<16xi32>
      %while3A = arith.constant 2 : i32
      %while3A_290 = scf.while (%while3A_422 = %while3A) : (i32) -> i32 {
        %le3A = arith.cmpi sle, %while3A_422, %reduce_max3A_289 : i32
        scf.condition(%le3A) %while3A_422 : i32
      } do {
      ^bb0(%while3A_422: i32):
        %eq3A_423 = vector.broadcast %while3A_422 : i32 to vector<16xi32>
        %eq3A_424 = arith.cmpi eq, %unique3A_177, %eq3A_423 : vector<16xi32>
        %add3A_425 = arith.constant 0 : i32
        %add3A_426 = vector.broadcast %add3A_425 : i32 to vector<16xi32>
        %add3A_427 = arith.addi %get3A_175, %add3A_426 : vector<16xi32>
        %mul3A_428 = arith.constant 16 : i32
        %mul3A_429 = arith.muli %mul3A_170, %mul3A_428 : i32
        %get3A_430 = arith.constant 0 : i32
        %get3A_431 = arith.constant 0 : i32
        %get3A_432 = arith.index_cast %get3A_430 : i32 to index
        %get3A_433 = arith.index_cast %get3A_431 : i32 to index
        %get3A_434 = arith.index_cast %mul3A_429 : i32 to index
        %get3A_435 = tpu.vector_load %arg6[%get3A_432, %get3A_433, %get3A_434] {strides = array<i32>} : memref<2x8x640xf32, #tpu.memory_space<vmem>>, vector<16xf32>,
        %gather3A_436 = tpu.vector_load_idx %arg7[%add3A_427] masked %eq3A_424 : memref<80000xf32, #tpu.memory_space<vmem>>[vector<16xi32>], vector<16xf32>, vector<16xi1>
        %max3A_437 = arith.maximumf %gather3A_436, %get3A_435 : vector<16xf32>
        tpu.vector_store_idx %arg7[%add3A_427], %max3A_437 masked %eq3A_424 : memref<80000xf32, #tpu.memory_space<vmem>>[vector<16xi32>], vector<16xf32>, vector<16xi1>
        %add3A_438 = arith.constant 10000 : i32
        %add3A_439 = vector.broadcast %add3A_438 : i32 to vector<16xi32>
        %add3A_440 = arith.addi %get3A_175, %add3A_439 : vector<16xi32>
        %mul3A_441 = arith.constant 16 : i32
        %mul3A_442 = arith.muli %mul3A_170, %mul3A_441 : i32
        %get3A_443 = arith.constant 0 : i32
        %get3A_444 = arith.constant 1 : i32
        %get3A_445 = arith.index_cast %get3A_443 : i32 to index
        %get3A_446 = arith.index_cast %get3A_444 : i32 to index
        %get3A_447 = arith.index_cast %mul3A_442 : i32 to index
        %get3A_448 = tpu.vector_load %arg6[%get3A_445, %get3A_446, %get3A_447] {strides = array<i32>} : memref<2x8x640xf32, #tpu.memory_space<vmem>>, vector<16xf32>,
        %gather3A_449 = tpu.vector_load_idx %arg7[%add3A_440] masked %eq3A_424 : memref<80000xf32, #tpu.memory_space<vmem>>[vector<16xi32>], vector<16xf32>, vector<16xi1>
        %max3A_450 = arith.maximumf %gather3A_449, %get3A_448 : vector<16xf32>
        tpu.vector_store_idx %arg7[%add3A_440], %max3A_450 masked %eq3A_424 : memref<80000xf32, #tpu.memory_space<vmem>>[vector<16xi32>], vector<16xf32>, vector<16xi1>
        %add3A_451 = arith.constant 20000 : i32
        %add3A_452 = vector.broadcast %add3A_451 : i32 to vector<16xi32>
        %add3A_453 = arith.addi %get3A_175, %add3A_452 : vector<16xi32>
        %mul3A_454 = arith.constant 16 : i32
        %mul3A_455 = arith.muli %mul3A_170, %mul3A_454 : i32
        %get3A_456 = arith.constant 0 : i32
        %get3A_457 = arith.constant 2 : i32
        %get3A_458 = arith.index_cast %get3A_456 : i32 to index
        %get3A_459 = arith.index_cast %get3A_457 : i32 to index
        %get3A_460 = arith.index_cast %mul3A_455 : i32 to index
        %get3A_461 = tpu.vector_load %arg6[%get3A_458, %get3A_459, %get3A_460] {strides = array<i32>} : memref<2x8x640xf32, #tpu.memory_space<vmem>>, vector<16xf32>,
        %gather3A_462 = tpu.vector_load_idx %arg7[%add3A_453] masked %eq3A_424 : memref<80000xf32, #tpu.memory_space<vmem>>[vector<16xi32>], vector<16xf32>, vector<16xi1>
        %max3A_463 = arith.maximumf %gather3A_462, %get3A_461 : vector<16xf32>
        tpu.vector_store_idx %arg7[%add3A_453], %max3A_463 masked %eq3A_424 : memref<80000xf32, #tpu.memory_space<vmem>>[vector<16xi32>], vector<16xf32>, vector<16xi1>
        %add3A_464 = arith.constant 30000 : i32
        %add3A_465 = vector.broadcast %add3A_464 : i32 to vector<16xi32>
        %add3A_466 = arith.addi %get3A_175, %add3A_465 : vector<16xi32>
        %mul3A_467 = arith.constant 16 : i32
        %mul3A_468 = arith.muli %mul3A_170, %mul3A_467 : i32
        %get3A_469 = arith.constant 0 : i32
        %get3A_470 = arith.constant 3 : i32
        %get3A_471 = arith.index_cast %get3A_469 : i32 to index
        %get3A_472 = arith.index_cast %get3A_470 : i32 to index
        %get3A_473 = arith.index_cast %mul3A_468 : i32 to index
        %get3A_474 = tpu.vector_load %arg6[%get3A_471, %get3A_472, %get3A_473] {strides = array<i32>} : memref<2x8x640xf32, #tpu.memory_space<vmem>>, vector<16xf32>,
        %gather3A_475 = tpu.vector_load_idx %arg7[%add3A_466] masked %eq3A_424 : memref<80000xf32, #tpu.memory_space<vmem>>[vector<16xi32>], vector<16xf32>, vector<16xi1>
        %max3A_476 = arith.maximumf %gather3A_475, %get3A_474 : vector<16xf32>
        tpu.vector_store_idx %arg7[%add3A_466], %max3A_476 masked %eq3A_424 : memref<80000xf32, #tpu.memory_space<vmem>>[vector<16xi32>], vector<16xf32>, vector<16xi1>
        %add3A_477 = arith.constant 40000 : i32
        %add3A_478 = vector.broadcast %add3A_477 : i32 to vector<16xi32>
        %add3A_479 = arith.addi %get3A_175, %add3A_478 : vector<16xi32>
        %mul3A_480 = arith.constant 16 : i32
        %mul3A_481 = arith.muli %mul3A_170, %mul3A_480 : i32
        %get3A_482 = arith.constant 0 : i32
        %get3A_483 = arith.constant 4 : i32
        %get3A_484 = arith.index_cast %get3A_482 : i32 to index
        %get3A_485 = arith.index_cast %get3A_483 : i32 to index
        %get3A_486 = arith.index_cast %mul3A_481 : i32 to index
        %get3A_487 = tpu.vector_load %arg6[%get3A_484, %get3A_485, %get3A_486] {strides = array<i32>} : memref<2x8x640xf32, #tpu.memory_space<vmem>>, vector<16xf32>,
        %gather3A_488 = tpu.vector_load_idx %arg7[%add3A_479] masked %eq3A_424 : memref<80000xf32, #tpu.memory_space<vmem>>[vector<16xi32>], vector<16xf32>, vector<16xi1>
        %max3A_489 = arith.maximumf %gather3A_488, %get3A_487 : vector<16xf32>
        tpu.vector_store_idx %arg7[%add3A_479], %max3A_489 masked %eq3A_424 : memref<80000xf32, #tpu.memory_space<vmem>>[vector<16xi32>], vector<16xf32>, vector<16xi1>
        %add3A_490 = arith.constant 50000 : i32
        %add3A_491 = vector.broadcast %add3A_490 : i32 to vector<16xi32>
        %add3A_492 = arith.addi %get3A_175, %add3A_491 : vector<16xi32>
        %mul3A_493 = arith.constant 16 : i32
        %mul3A_494 = arith.muli %mul3A_170, %mul3A_493 : i32
        %get3A_495 = arith.constant 0 : i32
        %get3A_496 = arith.constant 5 : i32
        %get3A_497 = arith.index_cast %get3A_495 : i32 to index
        %get3A_498 = arith.index_cast %get3A_496 : i32 to index
        %get3A_499 = arith.index_cast %mul3A_494 : i32 to index
        %get3A_500 = tpu.vector_load %arg6[%get3A_497, %get3A_498, %get3A_499] {strides = array<i32>} : memref<2x8x640xf32, #tpu.memory_space<vmem>>, vector<16xf32>,
        %gather3A_501 = tpu.vector_load_idx %arg7[%add3A_492] masked %eq3A_424 : memref<80000xf32, #tpu.memory_space<vmem>>[vector<16xi32>], vector<16xf32>, vector<16xi1>
        %max3A_502 = arith.maximumf %gather3A_501, %get3A_500 : vector<16xf32>
        tpu.vector_store_idx %arg7[%add3A_492], %max3A_502 masked %eq3A_424 : memref<80000xf32, #tpu.memory_space<vmem>>[vector<16xi32>], vector<16xf32>, vector<16xi1>
        %add3A_503 = arith.constant 60000 : i32
        %add3A_504 = vector.broadcast %add3A_503 : i32 to vector<16xi32>
        %add3A_505 = arith.addi %get3A_175, %add3A_504 : vector<16xi32>
        %mul3A_506 = arith.constant 16 : i32
        %mul3A_507 = arith.muli %mul3A_170, %mul3A_506 : i32
        %get3A_508 = arith.constant 0 : i32
        %get3A_509 = arith.constant 6 : i32
        %get3A_510 = arith.index_cast %get3A_508 : i32 to index
        %get3A_511 = arith.index_cast %get3A_509 : i32 to index
        %get3A_512 = arith.index_cast %mul3A_507 : i32 to index
        %get3A_513 = tpu.vector_load %arg6[%get3A_510, %get3A_511, %get3A_512] {strides = array<i32>} : memref<2x8x640xf32, #tpu.memory_space<vmem>>, vector<16xf32>,
        %gather3A_514 = tpu.vector_load_idx %arg7[%add3A_505] masked %eq3A_424 : memref<80000xf32, #tpu.memory_space<vmem>>[vector<16xi32>], vector<16xf32>, vector<16xi1>
        %max3A_515 = arith.maximumf %gather3A_514, %get3A_513 : vector<16xf32>
        tpu.vector_store_idx %arg7[%add3A_505], %max3A_515 masked %eq3A_424 : memref<80000xf32, #tpu.memory_space<vmem>>[vector<16xi32>], vector<16xf32>, vector<16xi1>
        %add3A_516 = arith.constant 70000 : i32
        %add3A_517 = vector.broadcast %add3A_516 : i32 to vector<16xi32>
        %add3A_518 = arith.addi %get3A_175, %add3A_517 : vector<16xi32>
        %mul3A_519 = arith.constant 16 : i32
        %mul3A_520 = arith.muli %mul3A_170, %mul3A_519 : i32
        %get3A_521 = arith.constant 0 : i32
        %get3A_522 = arith.constant 7 : i32
        %get3A_523 = arith.index_cast %get3A_521 : i32 to index
        %get3A_524 = arith.index_cast %get3A_522 : i32 to index
        %get3A_525 = arith.index_cast %mul3A_520 : i32 to index
        %get3A_526 = tpu.vector_load %arg6[%get3A_523, %get3A_524, %get3A_525] {strides = array<i32>} : memref<2x8x640xf32, #tpu.memory_space<vmem>>, vector<16xf32>,
        %gather3A_527 = tpu.vector_load_idx %arg7[%add3A_518] masked %eq3A_424 : memref<80000xf32, #tpu.memory_space<vmem>>[vector<16xi32>], vector<16xf32>, vector<16xi1>
        %max3A_528 = arith.maximumf %gather3A_527, %get3A_526 : vector<16xf32>
        tpu.vector_store_idx %arg7[%add3A_518], %max3A_528 masked %eq3A_424 : memref<80000xf32, #tpu.memory_space<vmem>>[vector<16xi32>], vector<16xf32>, vector<16xi1>
        %add3A_529 = arith.constant 1 : i32
        %add3A_530 = arith.addi %while3A_422, %add3A_529 : i32
        scf.yield %add3A_530 : i32
      }
      %mul3A_291 = arith.constant 2 : i32
      %mul3A_292 = arith.muli %mul3A_291, %scan3A_168 : i32
      %add3A_293 = arith.constant 1 : i32
      %add3A_294 = arith.addi %mul3A_292, %add3A_293 : i32
      %mul3A_295 = arith.constant 16 : i32
      %mul3A_296 = arith.muli %add3A_294, %mul3A_295 : i32
      %get3A_297 = arith.constant 0 : i32
      %get3A_298 = arith.index_cast %get3A_297 : i32 to index
      %get3A_299 = arith.index_cast %mul3A_296 : i32 to index
      %get3A_300 = tpu.vector_load %arg5[%get3A_298, %get3A_299] {strides = array<i32>} : memref<2x640xi32, #tpu.memory_space<vmem>>, vector<16xi32>,
      %broadcast_in_dim3A_301 = arith.constant true
      %broadcast_in_dim3A_302 = vector.broadcast %broadcast_in_dim3A_301 : i1 to vector<16xi1>
      %unique3A_303, %unique3A_304 = tpu.scan_count mask(%broadcast_in_dim3A_302 : vector<16xi1>) value(%get3A_300 : vector<16xi32>) : vector<16xi1>, vector<16xi32>
      %eq3A_305 = arith.constant 1 : i32
      %eq3A_306 = vector.broadcast %eq3A_305 : i32 to vector<16xi32>
      %eq3A_307 = arith.cmpi eq, %unique3A_304, %eq3A_306 : vector<16xi32>
      %add3A_308 = arith.constant 0 : i32
      %add3A_309 = vector.broadcast %add3A_308 : i32 to vector<16xi32>
      %add3A_310 = arith.addi %get3A_300, %add3A_309 : vector<16xi32>
      %mul3A_311 = arith.constant 16 : i32
      %mul3A_312 = arith.muli %add3A_294, %mul3A_311 : i32
      %get3A_313 = arith.constant 0 : i32
      %get3A_314 = arith.constant 0 : i32
      %get3A_315 = arith.index_cast %get3A_313 : i32 to index
      %get3A_316 = arith.index_cast %get3A_314 : i32 to index
      %get3A_317 = arith.index_cast %mul3A_312 : i32 to index
      %get3A_318 = tpu.vector_load %arg6[%get3A_315, %get3A_316, %get3A_317] {strides = array<i32>} : memref<2x8x640xf32, #tpu.memory_space<vmem>>, vector<16xf32>,
      %gather3A_319 = tpu.vector_load_idx %arg7[%add3A_310] masked %eq3A_307 : memref<80000xf32, #tpu.memory_space<vmem>>[vector<16xi32>], vector<16xf32>, vector<16xi1>
      %max3A_320 = arith.maximumf %gather3A_319, %get3A_318 : vector<16xf32>
      tpu.vector_store_idx %arg7[%add3A_310], %max3A_320 masked %eq3A_307 : memref<80000xf32, #tpu.memory_space<vmem>>[vector<16xi32>], vector<16xf32>, vector<16xi1>
      %add3A_321 = arith.constant 10000 : i32
      %add3A_322 = vector.broadcast %add3A_321 : i32 to vector<16xi32>
      %add3A_323 = arith.addi %get3A_300, %add3A_322 : vector<16xi32>
      %mul3A_324 = arith.constant 16 : i32
      %mul3A_325 = arith.muli %add3A_294, %mul3A_324 : i32
      %get3A_326 = arith.constant 0 : i32
      %get3A_327 = arith.constant 1 : i32
      %get3A_328 = arith.index_cast %get3A_326 : i32 to index
      %get3A_329 = arith.index_cast %get3A_327 : i32 to index
      %get3A_330 = arith.index_cast %mul3A_325 : i32 to index
      %get3A_331 = tpu.vector_load %arg6[%get3A_328, %get3A_329, %get3A_330] {strides = array<i32>} : memref<2x8x640xf32, #tpu.memory_space<vmem>>, vector<16xf32>,
      %gather3A_332 = tpu.vector_load_idx %arg7[%add3A_323] masked %eq3A_307 : memref<80000xf32, #tpu.memory_space<vmem>>[vector<16xi32>], vector<16xf32>, vector<16xi1>
      %max3A_333 = arith.maximumf %gather3A_332, %get3A_331 : vector<16xf32>
      tpu.vector_store_idx %arg7[%add3A_323], %max3A_333 masked %eq3A_307 : memref<80000xf32, #tpu.memory_space<vmem>>[vector<16xi32>], vector<16xf32>, vector<16xi1>
      %add3A_334 = arith.constant 20000 : i32
      %add3A_335 = vector.broadcast %add3A_334 : i32 to vector<16xi32>
      %add3A_336 = arith.addi %get3A_300, %add3A_335 : vector<16xi32>
      %mul3A_337 = arith.constant 16 : i32
      %mul3A_338 = arith.muli %add3A_294, %mul3A_337 : i32
      %get3A_339 = arith.constant 0 : i32
      %get3A_340 = arith.constant 2 : i32
      %get3A_341 = arith.index_cast %get3A_339 : i32 to index
      %get3A_342 = arith.index_cast %get3A_340 : i32 to index
      %get3A_343 = arith.index_cast %mul3A_338 : i32 to index
      %get3A_344 = tpu.vector_load %arg6[%get3A_341, %get3A_342, %get3A_343] {strides = array<i32>} : memref<2x8x640xf32, #tpu.memory_space<vmem>>, vector<16xf32>,
      %gather3A_345 = tpu.vector_load_idx %arg7[%add3A_336] masked %eq3A_307 : memref<80000xf32, #tpu.memory_space<vmem>>[vector<16xi32>], vector<16xf32>, vector<16xi1>
      %max3A_346 = arith.maximumf %gather3A_345, %get3A_344 : vector<16xf32>
      tpu.vector_store_idx %arg7[%add3A_336], %max3A_346 masked %eq3A_307 : memref<80000xf32, #tpu.memory_space<vmem>>[vector<16xi32>], vector<16xf32>, vector<16xi1>
      %add3A_347 = arith.constant 30000 : i32
      %add3A_348 = vector.broadcast %add3A_347 : i32 to vector<16xi32>
      %add3A_349 = arith.addi %get3A_300, %add3A_348 : vector<16xi32>
      %mul3A_350 = arith.constant 16 : i32
      %mul3A_351 = arith.muli %add3A_294, %mul3A_350 : i32
      %get3A_352 = arith.constant 0 : i32
      %get3A_353 = arith.constant 3 : i32
      %get3A_354 = arith.index_cast %get3A_352 : i32 to index
      %get3A_355 = arith.index_cast %get3A_353 : i32 to index
      %get3A_356 = arith.index_cast %mul3A_351 : i32 to index
      %get3A_357 = tpu.vector_load %arg6[%get3A_354, %get3A_355, %get3A_356] {strides = array<i32>} : memref<2x8x640xf32, #tpu.memory_space<vmem>>, vector<16xf32>,
      %gather3A_358 = tpu.vector_load_idx %arg7[%add3A_349] masked %eq3A_307 : memref<80000xf32, #tpu.memory_space<vmem>>[vector<16xi32>], vector<16xf32>, vector<16xi1>
      %max3A_359 = arith.maximumf %gather3A_358, %get3A_357 : vector<16xf32>
      tpu.vector_store_idx %arg7[%add3A_349], %max3A_359 masked %eq3A_307 : memref<80000xf32, #tpu.memory_space<vmem>>[vector<16xi32>], vector<16xf32>, vector<16xi1>
      %add3A_360 = arith.constant 40000 : i32
      %add3A_361 = vector.broadcast %add3A_360 : i32 to vector<16xi32>
      %add3A_362 = arith.addi %get3A_300, %add3A_361 : vector<16xi32>
      %mul3A_363 = arith.constant 16 : i32
      %mul3A_364 = arith.muli %add3A_294, %mul3A_363 : i32
      %get3A_365 = arith.constant 0 : i32
      %get3A_366 = arith.constant 4 : i32
      %get3A_367 = arith.index_cast %get3A_365 : i32 to index
      %get3A_368 = arith.index_cast %get3A_366 : i32 to index
      %get3A_369 = arith.index_cast %mul3A_364 : i32 to index
      %get3A_370 = tpu.vector_load %arg6[%get3A_367, %get3A_368, %get3A_369] {strides = array<i32>} : memref<2x8x640xf32, #tpu.memory_space<vmem>>, vector<16xf32>,
      %gather3A_371 = tpu.vector_load_idx %arg7[%add3A_362] masked %eq3A_307 : memref<80000xf32, #tpu.memory_space<vmem>>[vector<16xi32>], vector<16xf32>, vector<16xi1>
      %max3A_372 = arith.maximumf %gather3A_371, %get3A_370 : vector<16xf32>
      tpu.vector_store_idx %arg7[%add3A_362], %max3A_372 masked %eq3A_307 : memref<80000xf32, #tpu.memory_space<vmem>>[vector<16xi32>], vector<16xf32>, vector<16xi1>
      %add3A_373 = arith.constant 50000 : i32
      %add3A_374 = vector.broadcast %add3A_373 : i32 to vector<16xi32>
      %add3A_375 = arith.addi %get3A_300, %add3A_374 : vector<16xi32>
      %mul3A_376 = arith.constant 16 : i32
      %mul3A_377 = arith.muli %add3A_294, %mul3A_376 : i32
      %get3A_378 = arith.constant 0 : i32
      %get3A_379 = arith.constant 5 : i32
      %get3A_380 = arith.index_cast %get3A_378 : i32 to index
      %get3A_381 = arith.index_cast %get3A_379 : i32 to index
      %get3A_382 = arith.index_cast %mul3A_377 : i32 to index
      %get3A_383 = tpu.vector_load %arg6[%get3A_380, %get3A_381, %get3A_382] {strides = array<i32>} : memref<2x8x640xf32, #tpu.memory_space<vmem>>, vector<16xf32>,
      %gather3A_384 = tpu.vector_load_idx %arg7[%add3A_375] masked %eq3A_307 : memref<80000xf32, #tpu.memory_space<vmem>>[vector<16xi32>], vector<16xf32>, vector<16xi1>
      %max3A_385 = arith.maximumf %gather3A_384, %get3A_383 : vector<16xf32>
      tpu.vector_store_idx %arg7[%add3A_375], %max3A_385 masked %eq3A_307 : memref<80000xf32, #tpu.memory_space<vmem>>[vector<16xi32>], vector<16xf32>, vector<16xi1>
      %add3A_386 = arith.constant 60000 : i32
      %add3A_387 = vector.broadcast %add3A_386 : i32 to vector<16xi32>
      %add3A_388 = arith.addi %get3A_300, %add3A_387 : vector<16xi32>
      %mul3A_389 = arith.constant 16 : i32
      %mul3A_390 = arith.muli %add3A_294, %mul3A_389 : i32
      %get3A_391 = arith.constant 0 : i32
      %get3A_392 = arith.constant 6 : i32
      %get3A_393 = arith.index_cast %get3A_391 : i32 to index
      %get3A_394 = arith.index_cast %get3A_392 : i32 to index
      %get3A_395 = arith.index_cast %mul3A_390 : i32 to index
      %get3A_396 = tpu.vector_load %arg6[%get3A_393, %get3A_394, %get3A_395] {strides = array<i32>} : memref<2x8x640xf32, #tpu.memory_space<vmem>>, vector<16xf32>,
      %gather3A_397 = tpu.vector_load_idx %arg7[%add3A_388] masked %eq3A_307 : memref<80000xf32, #tpu.memory_space<vmem>>[vector<16xi32>], vector<16xf32>, vector<16xi1>
      %max3A_398 = arith.maximumf %gather3A_397, %get3A_396 : vector<16xf32>
      tpu.vector_store_idx %arg7[%add3A_388], %max3A_398 masked %eq3A_307 : memref<80000xf32, #tpu.memory_space<vmem>>[vector<16xi32>], vector<16xf32>, vector<16xi1>
      %add3A_399 = arith.constant 70000 : i32
      %add3A_400 = vector.broadcast %add3A_399 : i32 to vector<16xi32>
      %add3A_401 = arith.addi %get3A_300, %add3A_400 : vector<16xi32>
      %mul3A_402 = arith.constant 16 : i32
      %mul3A_403 = arith.muli %add3A_294, %mul3A_402 : i32
      %get3A_404 = arith.constant 0 : i32
      %get3A_405 = arith.constant 7 : i32
      %get3A_406 = arith.index_cast %get3A_404 : i32 to index
      %get3A_407 = arith.index_cast %get3A_405 : i32 to index
      %get3A_408 = arith.index_cast %mul3A_403 : i32 to index
      %get3A_409 = tpu.vector_load %arg6[%get3A_406, %get3A_407, %get3A_408] {strides = array<i32>} : memref<2x8x640xf32, #tpu.memory_space<vmem>>, vector<16xf32>,
      %gather3A_410 = tpu.vector_load_idx %arg7[%add3A_401] masked %eq3A_307 : memref<80000xf32, #tpu.memory_space<vmem>>[vector<16xi32>], vector<16xf32>, vector<16xi1>
      %max3A_411 = arith.maximumf %gather3A_410, %get3A_409 : vector<16xf32>
      tpu.vector_store_idx %arg7[%add3A_401], %max3A_411 masked %eq3A_307 : memref<80000xf32, #tpu.memory_space<vmem>>[vector<16xi32>], vector<16xf32>, vector<16xi1>
      %reduce_max3A_412 = arith.constant true
      %reduce_max3A_413 = vector.broadcast %reduce_max3A_412 : i1 to vector<16xi1>
      %reduce_max3A_414 = arith.constant -2147483648 : i32
      %reduce_max3A_415 = vector.broadcast %reduce_max3A_414 : i32 to vector<16xi32>
      %reduce_max3A_416 = arith.xori %unique3A_304, %reduce_max3A_415 : vector<16xi32>
      %reduce_max3A_417 = tpu.scan <max>, %reduce_max3A_416 masked %reduce_max3A_413 : vector<16xi32>, vector<16xi1> -> vector<16xi32>
      %reduce_max3A_418 = arith.xori %reduce_max3A_417, %reduce_max3A_415 : vector<16xi32>
      %reduce_max3A_419 = vector.extract %reduce_max3A_418[15] : i32 from vector<16xi32>
      %while3A_420 = arith.constant 2 : i32
      %while3A_421 = scf.while (%while3A_422 = %while3A_420) : (i32) -> i32 {
        %le3A = arith.cmpi sle, %while3A_422, %reduce_max3A_419 : i32
        scf.condition(%le3A) %while3A_422 : i32
      } do {
      ^bb0(%while3A_422: i32):
        %eq3A_423 = vector.broadcast %while3A_422 : i32 to vector<16xi32>
        %eq3A_424 = arith.cmpi eq, %unique3A_304, %eq3A_423 : vector<16xi32>
        %add3A_425 = arith.constant 0 : i32
        %add3A_426 = vector.broadcast %add3A_425 : i32 to vector<16xi32>
        %add3A_427 = arith.addi %get3A_300, %add3A_426 : vector<16xi32>
        %mul3A_428 = arith.constant 16 : i32
        %mul3A_429 = arith.muli %add3A_294, %mul3A_428 : i32
        %get3A_430 = arith.constant 0 : i32
        %get3A_431 = arith.constant 0 : i32
        %get3A_432 = arith.index_cast %get3A_430 : i32 to index
        %get3A_433 = arith.index_cast %get3A_431 : i32 to index
        %get3A_434 = arith.index_cast %mul3A_429 : i32 to index
        %get3A_435 = tpu.vector_load %arg6[%get3A_432, %get3A_433, %get3A_434] {strides = array<i32>} : memref<2x8x640xf32, #tpu.memory_space<vmem>>, vector<16xf32>,
        %gather3A_436 = tpu.vector_load_idx %arg7[%add3A_427] masked %eq3A_424 : memref<80000xf32, #tpu.memory_space<vmem>>[vector<16xi32>], vector<16xf32>, vector<16xi1>
        %max3A_437 = arith.maximumf %gather3A_436, %get3A_435 : vector<16xf32>
        tpu.vector_store_idx %arg7[%add3A_427], %max3A_437 masked %eq3A_424 : memref<80000xf32, #tpu.memory_space<vmem>>[vector<16xi32>], vector<16xf32>, vector<16xi1>
        %add3A_438 = arith.constant 10000 : i32
        %add3A_439 = vector.broadcast %add3A_438 : i32 to vector<16xi32>
        %add3A_440 = arith.addi %get3A_300, %add3A_439 : vector<16xi32>
        %mul3A_441 = arith.constant 16 : i32
        %mul3A_442 = arith.muli %add3A_294, %mul3A_441 : i32
        %get3A_443 = arith.constant 0 : i32
        %get3A_444 = arith.constant 1 : i32
        %get3A_445 = arith.index_cast %get3A_443 : i32 to index
        %get3A_446 = arith.index_cast %get3A_444 : i32 to index
        %get3A_447 = arith.index_cast %mul3A_442 : i32 to index
        %get3A_448 = tpu.vector_load %arg6[%get3A_445, %get3A_446, %get3A_447] {strides = array<i32>} : memref<2x8x640xf32, #tpu.memory_space<vmem>>, vector<16xf32>,
        %gather3A_449 = tpu.vector_load_idx %arg7[%add3A_440] masked %eq3A_424 : memref<80000xf32, #tpu.memory_space<vmem>>[vector<16xi32>], vector<16xf32>, vector<16xi1>
        %max3A_450 = arith.maximumf %gather3A_449, %get3A_448 : vector<16xf32>
        tpu.vector_store_idx %arg7[%add3A_440], %max3A_450 masked %eq3A_424 : memref<80000xf32, #tpu.memory_space<vmem>>[vector<16xi32>], vector<16xf32>, vector<16xi1>
        %add3A_451 = arith.constant 20000 : i32
        %add3A_452 = vector.broadcast %add3A_451 : i32 to vector<16xi32>
        %add3A_453 = arith.addi %get3A_300, %add3A_452 : vector<16xi32>
        %mul3A_454 = arith.constant 16 : i32
        %mul3A_455 = arith.muli %add3A_294, %mul3A_454 : i32
        %get3A_456 = arith.constant 0 : i32
        %get3A_457 = arith.constant 2 : i32
        %get3A_458 = arith.index_cast %get3A_456 : i32 to index
        %get3A_459 = arith.index_cast %get3A_457 : i32 to index
        %get3A_460 = arith.index_cast %mul3A_455 : i32 to index
        %get3A_461 = tpu.vector_load %arg6[%get3A_458, %get3A_459, %get3A_460] {strides = array<i32>} : memref<2x8x640xf32, #tpu.memory_space<vmem>>, vector<16xf32>,
        %gather3A_462 = tpu.vector_load_idx %arg7[%add3A_453] masked %eq3A_424 : memref<80000xf32, #tpu.memory_space<vmem>>[vector<16xi32>], vector<16xf32>, vector<16xi1>
        %max3A_463 = arith.maximumf %gather3A_462, %get3A_461 : vector<16xf32>
        tpu.vector_store_idx %arg7[%add3A_453], %max3A_463 masked %eq3A_424 : memref<80000xf32, #tpu.memory_space<vmem>>[vector<16xi32>], vector<16xf32>, vector<16xi1>
        %add3A_464 = arith.constant 30000 : i32
        %add3A_465 = vector.broadcast %add3A_464 : i32 to vector<16xi32>
        %add3A_466 = arith.addi %get3A_300, %add3A_465 : vector<16xi32>
        %mul3A_467 = arith.constant 16 : i32
        %mul3A_468 = arith.muli %add3A_294, %mul3A_467 : i32
        %get3A_469 = arith.constant 0 : i32
        %get3A_470 = arith.constant 3 : i32
        %get3A_471 = arith.index_cast %get3A_469 : i32 to index
        %get3A_472 = arith.index_cast %get3A_470 : i32 to index
        %get3A_473 = arith.index_cast %mul3A_468 : i32 to index
        %get3A_474 = tpu.vector_load %arg6[%get3A_471, %get3A_472, %get3A_473] {strides = array<i32>} : memref<2x8x640xf32, #tpu.memory_space<vmem>>, vector<16xf32>,
        %gather3A_475 = tpu.vector_load_idx %arg7[%add3A_466] masked %eq3A_424 : memref<80000xf32, #tpu.memory_space<vmem>>[vector<16xi32>], vector<16xf32>, vector<16xi1>
        %max3A_476 = arith.maximumf %gather3A_475, %get3A_474 : vector<16xf32>
        tpu.vector_store_idx %arg7[%add3A_466], %max3A_476 masked %eq3A_424 : memref<80000xf32, #tpu.memory_space<vmem>>[vector<16xi32>], vector<16xf32>, vector<16xi1>
        %add3A_477 = arith.constant 40000 : i32
        %add3A_478 = vector.broadcast %add3A_477 : i32 to vector<16xi32>
        %add3A_479 = arith.addi %get3A_300, %add3A_478 : vector<16xi32>
        %mul3A_480 = arith.constant 16 : i32
        %mul3A_481 = arith.muli %add3A_294, %mul3A_480 : i32
        %get3A_482 = arith.constant 0 : i32
        %get3A_483 = arith.constant 4 : i32
        %get3A_484 = arith.index_cast %get3A_482 : i32 to index
        %get3A_485 = arith.index_cast %get3A_483 : i32 to index
        %get3A_486 = arith.index_cast %mul3A_481 : i32 to index
        %get3A_487 = tpu.vector_load %arg6[%get3A_484, %get3A_485, %get3A_486] {strides = array<i32>} : memref<2x8x640xf32, #tpu.memory_space<vmem>>, vector<16xf32>,
        %gather3A_488 = tpu.vector_load_idx %arg7[%add3A_479] masked %eq3A_424 : memref<80000xf32, #tpu.memory_space<vmem>>[vector<16xi32>], vector<16xf32>, vector<16xi1>
        %max3A_489 = arith.maximumf %gather3A_488, %get3A_487 : vector<16xf32>
        tpu.vector_store_idx %arg7[%add3A_479], %max3A_489 masked %eq3A_424 : memref<80000xf32, #tpu.memory_space<vmem>>[vector<16xi32>], vector<16xf32>, vector<16xi1>
        %add3A_490 = arith.constant 50000 : i32
        %add3A_491 = vector.broadcast %add3A_490 : i32 to vector<16xi32>
        %add3A_492 = arith.addi %get3A_300, %add3A_491 : vector<16xi32>
        %mul3A_493 = arith.constant 16 : i32
        %mul3A_494 = arith.muli %add3A_294, %mul3A_493 : i32
        %get3A_495 = arith.constant 0 : i32
        %get3A_496 = arith.constant 5 : i32
        %get3A_497 = arith.index_cast %get3A_495 : i32 to index
        %get3A_498 = arith.index_cast %get3A_496 : i32 to index
        %get3A_499 = arith.index_cast %mul3A_494 : i32 to index
        %get3A_500 = tpu.vector_load %arg6[%get3A_497, %get3A_498, %get3A_499] {strides = array<i32>} : memref<2x8x640xf32, #tpu.memory_space<vmem>>, vector<16xf32>,
        %gather3A_501 = tpu.vector_load_idx %arg7[%add3A_492] masked %eq3A_424 : memref<80000xf32, #tpu.memory_space<vmem>>[vector<16xi32>], vector<16xf32>, vector<16xi1>
        %max3A_502 = arith.maximumf %gather3A_501, %get3A_500 : vector<16xf32>
        tpu.vector_store_idx %arg7[%add3A_492], %max3A_502 masked %eq3A_424 : memref<80000xf32, #tpu.memory_space<vmem>>[vector<16xi32>], vector<16xf32>, vector<16xi1>
        %add3A_503 = arith.constant 60000 : i32
        %add3A_504 = vector.broadcast %add3A_503 : i32 to vector<16xi32>
        %add3A_505 = arith.addi %get3A_300, %add3A_504 : vector<16xi32>
        %mul3A_506 = arith.constant 16 : i32
        %mul3A_507 = arith.muli %add3A_294, %mul3A_506 : i32
        %get3A_508 = arith.constant 0 : i32
        %get3A_509 = arith.constant 6 : i32
        %get3A_510 = arith.index_cast %get3A_508 : i32 to index
        %get3A_511 = arith.index_cast %get3A_509 : i32 to index
        %get3A_512 = arith.index_cast %mul3A_507 : i32 to index
        %get3A_513 = tpu.vector_load %arg6[%get3A_510, %get3A_511, %get3A_512] {strides = array<i32>} : memref<2x8x640xf32, #tpu.memory_space<vmem>>, vector<16xf32>,
        %gather3A_514 = tpu.vector_load_idx %arg7[%add3A_505] masked %eq3A_424 : memref<80000xf32, #tpu.memory_space<vmem>>[vector<16xi32>], vector<16xf32>, vector<16xi1>
        %max3A_515 = arith.maximumf %gather3A_514, %get3A_513 : vector<16xf32>
        tpu.vector_store_idx %arg7[%add3A_505], %max3A_515 masked %eq3A_424 : memref<80000xf32, #tpu.memory_space<vmem>>[vector<16xi32>], vector<16xf32>, vector<16xi1>
        %add3A_516 = arith.constant 70000 : i32
        %add3A_517 = vector.broadcast %add3A_516 : i32 to vector<16xi32>
        %add3A_518 = arith.addi %get3A_300, %add3A_517 : vector<16xi32>
        %mul3A_519 = arith.constant 16 : i32
        %mul3A_520 = arith.muli %add3A_294, %mul3A_519 : i32
        %get3A_521 = arith.constant 0 : i32
        %get3A_522 = arith.constant 7 : i32
        %get3A_523 = arith.index_cast %get3A_521 : i32 to index
        %get3A_524 = arith.index_cast %get3A_522 : i32 to index
        %get3A_525 = arith.index_cast %mul3A_520 : i32 to index
        %get3A_526 = tpu.vector_load %arg6[%get3A_523, %get3A_524, %get3A_525] {strides = array<i32>} : memref<2x8x640xf32, #tpu.memory_space<vmem>>, vector<16xf32>,
        %gather3A_527 = tpu.vector_load_idx %arg7[%add3A_518] masked %eq3A_424 : memref<80000xf32, #tpu.memory_space<vmem>>[vector<16xi32>], vector<16xf32>, vector<16xi1>
        %max3A_528 = arith.maximumf %gather3A_527, %get3A_526 : vector<16xf32>
        tpu.vector_store_idx %arg7[%add3A_518], %max3A_528 masked %eq3A_424 : memref<80000xf32, #tpu.memory_space<vmem>>[vector<16xi32>], vector<16xf32>, vector<16xi1>
        %add3A_529 = arith.constant 1 : i32
        %add3A_530 = arith.addi %while3A_422, %add3A_529 : i32
        scf.yield %add3A_530 : i32
      }
    }
    %scan3A_105 = arith.constant 20 : i32
    %eq3A_106 = arith.constant 1 : i32
    %eq3A_107 = arith.cmpi eq, %select_n3A, %eq3A_106 : i32
    %convert_element_type3A = arith.extui %eq3A_107 : i1 to i32
    %cond3A = arith.constant 0 : i32
    %cond3A_108 = arith.cmpi ne, %convert_element_type3A, %cond3A : i32
    scf.if %cond3A_108 {
      "tpu.region"() ({
        %run_scoped3A = tpu.sem_alloc : memref<!tpu.dma_semaphore, #tpu.memory_space<semaphore_mem>>
        %dma_start3A_168 = arith.constant 0 : i32
        %dma_start3A_169 = tpu.memref_slice %arg7[%dma_start3A_168] : memref<80000xf32, #tpu.memory_space<vmem>> -> memref<16000xf32, #tpu.memory_space<vmem>>
        %dma_start3A_170 = arith.constant 0 : i32
        %dma_start3A_171 = tpu.memref_slice %arg11[%select_n3A_28, %dma_start3A_170] : memref<8x16000xf32, #tpu.memory_space<vmem_shared>> -> memref<1x16000xf32, #tpu.memory_space<vmem_shared>>
        %dma_start3A_172 = tpu.memref_squeeze %dma_start3A_171 : memref<1x16000xf32, #tpu.memory_space<vmem_shared>> -> memref<16000xf32, #tpu.memory_space<vmem_shared>>
        %dma_start3A_173 = arith.constant 0 : i32
        %dma_start3A_174 = tpu.memref_slice %arg11[%select_n3A_28, %dma_start3A_173] : memref<8x16000xf32, #tpu.memory_space<vmem_shared>> -> memref<1x16000xf32, #tpu.memory_space<vmem_shared>>
        %dma_start3A_175 = tpu.memref_squeeze %dma_start3A_174 : memref<1x16000xf32, #tpu.memory_space<vmem_shared>> -> memref<16000xf32, #tpu.memory_space<vmem_shared>>
        %dma_start3A_176 = arith.constant 0 : i32
        %dma_start3A_177 = tpu.memref_slice %arg7[%dma_start3A_176] : memref<80000xf32, #tpu.memory_space<vmem>> -> memref<16000xf32, #tpu.memory_space<vmem>>
        tpu.enqueue_dma source(%dma_start3A_177 : memref<16000xf32, #tpu.memory_space<vmem>>) target(%dma_start3A_175 : memref<16000xf32, #tpu.memory_space<vmem_shared>>) target_semaphore(%run_scoped3A : memref<!tpu.dma_semaphore, #tpu.memory_space<semaphore_mem>>)
        %dma_wait3A_178 = arith.constant 0 : i32
        %dma_wait3A_179 = tpu.memref_slice %arg7[%dma_wait3A_178] : memref<80000xf32, #tpu.memory_space<vmem>> -> memref<16000xf32, #tpu.memory_space<vmem>>
        %dma_wait3A_180 = arith.constant 0 : i32
        %dma_wait3A_181 = tpu.memref_slice %arg11[%select_n3A_28, %dma_wait3A_180] : memref<8x16000xf32, #tpu.memory_space<vmem_shared>> -> memref<1x16000xf32, #tpu.memory_space<vmem_shared>>
        %dma_wait3A_182 = tpu.memref_squeeze %dma_wait3A_181 : memref<1x16000xf32, #tpu.memory_space<vmem_shared>> -> memref<16000xf32, #tpu.memory_space<vmem_shared>>
        %dma_wait3A_183 = arith.constant 0 : i32
        %dma_wait3A_184 = tpu.memref_slice %arg11[%select_n3A_28, %dma_wait3A_183] : memref<8x16000xf32, #tpu.memory_space<vmem_shared>> -> memref<1x16000xf32, #tpu.memory_space<vmem_shared>>
        %dma_wait3A_185 = tpu.memref_squeeze %dma_wait3A_184 : memref<1x16000xf32, #tpu.memory_space<vmem_shared>> -> memref<16000xf32, #tpu.memory_space<vmem_shared>>
        %dma_wait3A_186 = arith.constant 0 : i32
        %dma_wait3A_187 = tpu.memref_slice %arg7[%dma_wait3A_186] : memref<80000xf32, #tpu.memory_space<vmem>> -> memref<16000xf32, #tpu.memory_space<vmem>>
        tpu.wait_dma2 semaphore(%run_scoped3A : memref<!tpu.dma_semaphore, #tpu.memory_space<semaphore_mem>>) src(%dma_wait3A_187 : memref<16000xf32, #tpu.memory_space<vmem>>) dst(%dma_wait3A_185 : memref<16000xf32, #tpu.memory_space<vmem_shared>>)
        tpu.yield
      }) : () -> ()
    } else {
    }
    %barrier3A = arith.constant 0 : index
    tpu.barrier barrier_id(%barrier3A)
    %eq3A_109 = arith.constant 0 : i32
    %eq3A_110 = arith.cmpi eq, %select_n3A, %eq3A_109 : i32
    %convert_element_type3A_111 = arith.extui %eq3A_110 : i1 to i32
    %cond3A_112 = arith.constant 0 : i32
    %cond3A_113 = arith.cmpi ne, %convert_element_type3A_111, %cond3A_112 : i32
    scf.if %cond3A_113 {
      "tpu.region"() ({
        %run_scoped3A = tpu.sem_alloc : memref<!tpu.dma_semaphore, #tpu.memory_space<semaphore_mem>>
        %dma_start3A_174 = arith.constant 0 : i32
        %dma_start3A_175 = tpu.memref_slice %arg11[%select_n3A_28, %dma_start3A_174] : memref<8x16000xf32, #tpu.memory_space<vmem_shared>> -> memref<1x16000xf32, #tpu.memory_space<vmem_shared>>
        %dma_start3A_176 = tpu.memref_squeeze %dma_start3A_175 : memref<1x16000xf32, #tpu.memory_space<vmem_shared>> -> memref<16000xf32, #tpu.memory_space<vmem_shared>>
        %dma_start3A_177 = arith.constant 0 : i32
        %dma_start3A_178 = tpu.memref_slice %arg11[%select_n3A_28, %dma_start3A_177] : memref<8x16000xf32, #tpu.memory_space<vmem_shared>> -> memref<1x16000xf32, #tpu.memory_space<vmem_shared>>
        %dma_start3A_179 = tpu.memref_squeeze %dma_start3A_178 : memref<1x16000xf32, #tpu.memory_space<vmem_shared>> -> memref<16000xf32, #tpu.memory_space<vmem_shared>>
        tpu.enqueue_dma source(%dma_start3A_179 : memref<16000xf32, #tpu.memory_space<vmem_shared>>) target(%arg8 : memref<16000xf32, #tpu.memory_space<vmem>>) target_semaphore(%run_scoped3A : memref<!tpu.dma_semaphore, #tpu.memory_space<semaphore_mem>>)
        %dma_wait3A_180 = arith.constant 0 : i32
        %dma_wait3A_181 = tpu.memref_slice %arg11[%select_n3A_28, %dma_wait3A_180] : memref<8x16000xf32, #tpu.memory_space<vmem_shared>> -> memref<1x16000xf32, #tpu.memory_space<vmem_shared>>
        %dma_wait3A_182 = tpu.memref_squeeze %dma_wait3A_181 : memref<1x16000xf32, #tpu.memory_space<vmem_shared>> -> memref<16000xf32, #tpu.memory_space<vmem_shared>>
        %dma_wait3A_183 = arith.constant 0 : i32
        %dma_wait3A_184 = tpu.memref_slice %arg11[%select_n3A_28, %dma_wait3A_183] : memref<8x16000xf32, #tpu.memory_space<vmem_shared>> -> memref<1x16000xf32, #tpu.memory_space<vmem_shared>>
        %dma_wait3A_185 = tpu.memref_squeeze %dma_wait3A_184 : memref<1x16000xf32, #tpu.memory_space<vmem_shared>> -> memref<16000xf32, #tpu.memory_space<vmem_shared>>
        tpu.wait_dma2 semaphore(%run_scoped3A : memref<!tpu.dma_semaphore, #tpu.memory_space<semaphore_mem>>) src(%dma_wait3A_185 : memref<16000xf32, #tpu.memory_space<vmem_shared>>) dst(%arg8 : memref<16000xf32, #tpu.memory_space<vmem>>)
        tpu.yield
      }) : () -> ()
      %scan3A_168 = arith.constant 0 : i32
      %scan3A_169 = arith.constant 0 : i32
      %scan3A_170 = arith.constant 1000 : i32
      %scan3A_171 = arith.addi %scan3A_169, %scan3A_170 : i32
      %scan3A_172 = arith.constant 1 : i32
      scf.for %scan3A_174 = %scan3A_169 to %scan3A_171 step %scan3A_172  : i32 {
        %mul3A_175 = arith.constant 16 : i32
        %mul3A_176 = arith.muli %scan3A_174, %mul3A_175 : i32
        %add3A_177 = arith.constant 0 : i32
        %add3A_178 = arith.addi %add3A_177, %mul3A_176 : i32
        %get3A = arith.index_cast %add3A_178 : i32 to index
        %get3A_179 = tpu.vector_load %arg7[%get3A] {strides = array<i32>} : memref<80000xf32, #tpu.memory_space<vmem>>, vector<16xf32>,
        %mul3A_180 = arith.constant 16 : i32
        %mul3A_181 = arith.muli %scan3A_174, %mul3A_180 : i32
        %get3A_182 = arith.index_cast %mul3A_181 : i32 to index
        %get3A_183 = tpu.vector_load %arg8[%get3A_182] {strides = array<i32>} : memref<16000xf32, #tpu.memory_space<vmem>>, vector<16xf32>,
        %max3A = arith.maximumf %get3A_179, %get3A_183 : vector<16xf32>
        %swap3A = arith.index_cast %add3A_178 : i32 to index
        %swap3A_184 = tpu.vector_load %arg7[%swap3A] {strides = array<i32>} : memref<80000xf32, #tpu.memory_space<vmem>>, vector<16xf32>,
        tpu.vector_store %arg7[%swap3A], %max3A {strides = array<i32>} : memref<80000xf32, #tpu.memory_space<vmem>>, vector<16xf32>,
      }
      %scan3A_173 = arith.constant 1000 : i32
    } else {
    }
    %barrier3A_114 = arith.constant 0 : index
    tpu.barrier barrier_id(%barrier3A_114)
    %eq3A_115 = arith.constant 1 : i32
    %eq3A_116 = arith.cmpi eq, %select_n3A, %eq3A_115 : i32
    %convert_element_type3A_117 = arith.extui %eq3A_116 : i1 to i32
    %cond3A_118 = arith.constant 0 : i32
    %cond3A_119 = arith.cmpi ne, %convert_element_type3A_117, %cond3A_118 : i32
    scf.if %cond3A_119 {
      "tpu.region"() ({
        %run_scoped3A = tpu.sem_alloc : memref<!tpu.dma_semaphore, #tpu.memory_space<semaphore_mem>>
        %dma_start3A_168 = arith.constant 16000 : i32
        %dma_start3A_169 = tpu.memref_slice %arg7[%dma_start3A_168] : memref<80000xf32, #tpu.memory_space<vmem>> -> memref<16000xf32, #tpu.memory_space<vmem>>
        %dma_start3A_170 = arith.constant 0 : i32
        %dma_start3A_171 = tpu.memref_slice %arg11[%select_n3A_28, %dma_start3A_170] : memref<8x16000xf32, #tpu.memory_space<vmem_shared>> -> memref<1x16000xf32, #tpu.memory_space<vmem_shared>>
        %dma_start3A_172 = tpu.memref_squeeze %dma_start3A_171 : memref<1x16000xf32, #tpu.memory_space<vmem_shared>> -> memref<16000xf32, #tpu.memory_space<vmem_shared>>
        %dma_start3A_173 = arith.constant 0 : i32
        %dma_start3A_174 = tpu.memref_slice %arg11[%select_n3A_28, %dma_start3A_173] : memref<8x16000xf32, #tpu.memory_space<vmem_shared>> -> memref<1x16000xf32, #tpu.memory_space<vmem_shared>>
        %dma_start3A_175 = tpu.memref_squeeze %dma_start3A_174 : memref<1x16000xf32, #tpu.memory_space<vmem_shared>> -> memref<16000xf32, #tpu.memory_space<vmem_shared>>
        %dma_start3A_176 = arith.constant 16000 : i32
        %dma_start3A_177 = tpu.memref_slice %arg7[%dma_start3A_176] : memref<80000xf32, #tpu.memory_space<vmem>> -> memref<16000xf32, #tpu.memory_space<vmem>>
        tpu.enqueue_dma source(%dma_start3A_177 : memref<16000xf32, #tpu.memory_space<vmem>>) target(%dma_start3A_175 : memref<16000xf32, #tpu.memory_space<vmem_shared>>) target_semaphore(%run_scoped3A : memref<!tpu.dma_semaphore, #tpu.memory_space<semaphore_mem>>)
        %dma_wait3A_178 = arith.constant 16000 : i32
        %dma_wait3A_179 = tpu.memref_slice %arg7[%dma_wait3A_178] : memref<80000xf32, #tpu.memory_space<vmem>> -> memref<16000xf32, #tpu.memory_space<vmem>>
        %dma_wait3A_180 = arith.constant 0 : i32
        %dma_wait3A_181 = tpu.memref_slice %arg11[%select_n3A_28, %dma_wait3A_180] : memref<8x16000xf32, #tpu.memory_space<vmem_shared>> -> memref<1x16000xf32, #tpu.memory_space<vmem_shared>>
        %dma_wait3A_182 = tpu.memref_squeeze %dma_wait3A_181 : memref<1x16000xf32, #tpu.memory_space<vmem_shared>> -> memref<16000xf32, #tpu.memory_space<vmem_shared>>
        %dma_wait3A_183 = arith.constant 0 : i32
        %dma_wait3A_184 = tpu.memref_slice %arg11[%select_n3A_28, %dma_wait3A_183] : memref<8x16000xf32, #tpu.memory_space<vmem_shared>> -> memref<1x16000xf32, #tpu.memory_space<vmem_shared>>
        %dma_wait3A_185 = tpu.memref_squeeze %dma_wait3A_184 : memref<1x16000xf32, #tpu.memory_space<vmem_shared>> -> memref<16000xf32, #tpu.memory_space<vmem_shared>>
        %dma_wait3A_186 = arith.constant 16000 : i32
        %dma_wait3A_187 = tpu.memref_slice %arg7[%dma_wait3A_186] : memref<80000xf32, #tpu.memory_space<vmem>> -> memref<16000xf32, #tpu.memory_space<vmem>>
        tpu.wait_dma2 semaphore(%run_scoped3A : memref<!tpu.dma_semaphore, #tpu.memory_space<semaphore_mem>>) src(%dma_wait3A_187 : memref<16000xf32, #tpu.memory_space<vmem>>) dst(%dma_wait3A_185 : memref<16000xf32, #tpu.memory_space<vmem_shared>>)
        tpu.yield
      }) : () -> ()
    } else {
    }
    %barrier3A_120 = arith.constant 0 : index
    tpu.barrier barrier_id(%barrier3A_120)
    %eq3A_121 = arith.constant 0 : i32
    %eq3A_122 = arith.cmpi eq, %select_n3A, %eq3A_121 : i32
    %convert_element_type3A_123 = arith.extui %eq3A_122 : i1 to i32
    %cond3A_124 = arith.constant 0 : i32
    %cond3A_125 = arith.cmpi ne, %convert_element_type3A_123, %cond3A_124 : i32
    scf.if %cond3A_125 {
      "tpu.region"() ({
        %run_scoped3A = tpu.sem_alloc : memref<!tpu.dma_semaphore, #tpu.memory_space<semaphore_mem>>
        %dma_start3A_174 = arith.constant 0 : i32
        %dma_start3A_175 = tpu.memref_slice %arg11[%select_n3A_28, %dma_start3A_174] : memref<8x16000xf32, #tpu.memory_space<vmem_shared>> -> memref<1x16000xf32, #tpu.memory_space<vmem_shared>>
        %dma_start3A_176 = tpu.memref_squeeze %dma_start3A_175 : memref<1x16000xf32, #tpu.memory_space<vmem_shared>> -> memref<16000xf32, #tpu.memory_space<vmem_shared>>
        %dma_start3A_177 = arith.constant 0 : i32
        %dma_start3A_178 = tpu.memref_slice %arg11[%select_n3A_28, %dma_start3A_177] : memref<8x16000xf32, #tpu.memory_space<vmem_shared>> -> memref<1x16000xf32, #tpu.memory_space<vmem_shared>>
        %dma_start3A_179 = tpu.memref_squeeze %dma_start3A_178 : memref<1x16000xf32, #tpu.memory_space<vmem_shared>> -> memref<16000xf32, #tpu.memory_space<vmem_shared>>
        tpu.enqueue_dma source(%dma_start3A_179 : memref<16000xf32, #tpu.memory_space<vmem_shared>>) target(%arg8 : memref<16000xf32, #tpu.memory_space<vmem>>) target_semaphore(%run_scoped3A : memref<!tpu.dma_semaphore, #tpu.memory_space<semaphore_mem>>)
        %dma_wait3A_180 = arith.constant 0 : i32
        %dma_wait3A_181 = tpu.memref_slice %arg11[%select_n3A_28, %dma_wait3A_180] : memref<8x16000xf32, #tpu.memory_space<vmem_shared>> -> memref<1x16000xf32, #tpu.memory_space<vmem_shared>>
        %dma_wait3A_182 = tpu.memref_squeeze %dma_wait3A_181 : memref<1x16000xf32, #tpu.memory_space<vmem_shared>> -> memref<16000xf32, #tpu.memory_space<vmem_shared>>
        %dma_wait3A_183 = arith.constant 0 : i32
        %dma_wait3A_184 = tpu.memref_slice %arg11[%select_n3A_28, %dma_wait3A_183] : memref<8x16000xf32, #tpu.memory_space<vmem_shared>> -> memref<1x16000xf32, #tpu.memory_space<vmem_shared>>
        %dma_wait3A_185 = tpu.memref_squeeze %dma_wait3A_184 : memref<1x16000xf32, #tpu.memory_space<vmem_shared>> -> memref<16000xf32, #tpu.memory_space<vmem_shared>>
        tpu.wait_dma2 semaphore(%run_scoped3A : memref<!tpu.dma_semaphore, #tpu.memory_space<semaphore_mem>>) src(%dma_wait3A_185 : memref<16000xf32, #tpu.memory_space<vmem_shared>>) dst(%arg8 : memref<16000xf32, #tpu.memory_space<vmem>>)
        tpu.yield
      }) : () -> ()
      %scan3A_168 = arith.constant 0 : i32
      %scan3A_169 = arith.constant 0 : i32
      %scan3A_170 = arith.constant 1000 : i32
      %scan3A_171 = arith.addi %scan3A_169, %scan3A_170 : i32
      %scan3A_172 = arith.constant 1 : i32
      scf.for %scan3A_174 = %scan3A_169 to %scan3A_171 step %scan3A_172  : i32 {
        %mul3A_175 = arith.constant 16 : i32
        %mul3A_176 = arith.muli %scan3A_174, %mul3A_175 : i32
        %add3A_177 = arith.constant 16000 : i32
        %add3A_178 = arith.addi %add3A_177, %mul3A_176 : i32
        %get3A = arith.index_cast %add3A_178 : i32 to index
        %get3A_179 = tpu.vector_load %arg7[%get3A] {strides = array<i32>} : memref<80000xf32, #tpu.memory_space<vmem>>, vector<16xf32>,
        %mul3A_180 = arith.constant 16 : i32
        %mul3A_181 = arith.muli %scan3A_174, %mul3A_180 : i32
        %get3A_182 = arith.index_cast %mul3A_181 : i32 to index
        %get3A_183 = tpu.vector_load %arg8[%get3A_182] {strides = array<i32>} : memref<16000xf32, #tpu.memory_space<vmem>>, vector<16xf32>,
        %max3A = arith.maximumf %get3A_179, %get3A_183 : vector<16xf32>
        %swap3A = arith.index_cast %add3A_178 : i32 to index
        %swap3A_184 = tpu.vector_load %arg7[%swap3A] {strides = array<i32>} : memref<80000xf32, #tpu.memory_space<vmem>>, vector<16xf32>,
        tpu.vector_store %arg7[%swap3A], %max3A {strides = array<i32>} : memref<80000xf32, #tpu.memory_space<vmem>>, vector<16xf32>,
      }
      %scan3A_173 = arith.constant 1000 : i32
    } else {
    }
    %barrier3A_126 = arith.constant 0 : index
    tpu.barrier barrier_id(%barrier3A_126)
    %eq3A_127 = arith.constant 1 : i32
    %eq3A_128 = arith.cmpi eq, %select_n3A, %eq3A_127 : i32
    %convert_element_type3A_129 = arith.extui %eq3A_128 : i1 to i32
    %cond3A_130 = arith.constant 0 : i32
    %cond3A_131 = arith.cmpi ne, %convert_element_type3A_129, %cond3A_130 : i32
    scf.if %cond3A_131 {
      "tpu.region"() ({
        %run_scoped3A = tpu.sem_alloc : memref<!tpu.dma_semaphore, #tpu.memory_space<semaphore_mem>>
        %dma_start3A_168 = arith.constant 32000 : i32
        %dma_start3A_169 = tpu.memref_slice %arg7[%dma_start3A_168] : memref<80000xf32, #tpu.memory_space<vmem>> -> memref<16000xf32, #tpu.memory_space<vmem>>
        %dma_start3A_170 = arith.constant 0 : i32
        %dma_start3A_171 = tpu.memref_slice %arg11[%select_n3A_28, %dma_start3A_170] : memref<8x16000xf32, #tpu.memory_space<vmem_shared>> -> memref<1x16000xf32, #tpu.memory_space<vmem_shared>>
        %dma_start3A_172 = tpu.memref_squeeze %dma_start3A_171 : memref<1x16000xf32, #tpu.memory_space<vmem_shared>> -> memref<16000xf32, #tpu.memory_space<vmem_shared>>
        %dma_start3A_173 = arith.constant 0 : i32
        %dma_start3A_174 = tpu.memref_slice %arg11[%select_n3A_28, %dma_start3A_173] : memref<8x16000xf32, #tpu.memory_space<vmem_shared>> -> memref<1x16000xf32, #tpu.memory_space<vmem_shared>>
        %dma_start3A_175 = tpu.memref_squeeze %dma_start3A_174 : memref<1x16000xf32, #tpu.memory_space<vmem_shared>> -> memref<16000xf32, #tpu.memory_space<vmem_shared>>
        %dma_start3A_176 = arith.constant 32000 : i32
        %dma_start3A_177 = tpu.memref_slice %arg7[%dma_start3A_176] : memref<80000xf32, #tpu.memory_space<vmem>> -> memref<16000xf32, #tpu.memory_space<vmem>>
        tpu.enqueue_dma source(%dma_start3A_177 : memref<16000xf32, #tpu.memory_space<vmem>>) target(%dma_start3A_175 : memref<16000xf32, #tpu.memory_space<vmem_shared>>) target_semaphore(%run_scoped3A : memref<!tpu.dma_semaphore, #tpu.memory_space<semaphore_mem>>)
        %dma_wait3A_178 = arith.constant 32000 : i32
        %dma_wait3A_179 = tpu.memref_slice %arg7[%dma_wait3A_178] : memref<80000xf32, #tpu.memory_space<vmem>> -> memref<16000xf32, #tpu.memory_space<vmem>>
        %dma_wait3A_180 = arith.constant 0 : i32
        %dma_wait3A_181 = tpu.memref_slice %arg11[%select_n3A_28, %dma_wait3A_180] : memref<8x16000xf32, #tpu.memory_space<vmem_shared>> -> memref<1x16000xf32, #tpu.memory_space<vmem_shared>>
        %dma_wait3A_182 = tpu.memref_squeeze %dma_wait3A_181 : memref<1x16000xf32, #tpu.memory_space<vmem_shared>> -> memref<16000xf32, #tpu.memory_space<vmem_shared>>
        %dma_wait3A_183 = arith.constant 0 : i32
        %dma_wait3A_184 = tpu.memref_slice %arg11[%select_n3A_28, %dma_wait3A_183] : memref<8x16000xf32, #tpu.memory_space<vmem_shared>> -> memref<1x16000xf32, #tpu.memory_space<vmem_shared>>
        %dma_wait3A_185 = tpu.memref_squeeze %dma_wait3A_184 : memref<1x16000xf32, #tpu.memory_space<vmem_shared>> -> memref<16000xf32, #tpu.memory_space<vmem_shared>>
        %dma_wait3A_186 = arith.constant 32000 : i32
        %dma_wait3A_187 = tpu.memref_slice %arg7[%dma_wait3A_186] : memref<80000xf32, #tpu.memory_space<vmem>> -> memref<16000xf32, #tpu.memory_space<vmem>>
        tpu.wait_dma2 semaphore(%run_scoped3A : memref<!tpu.dma_semaphore, #tpu.memory_space<semaphore_mem>>) src(%dma_wait3A_187 : memref<16000xf32, #tpu.memory_space<vmem>>) dst(%dma_wait3A_185 : memref<16000xf32, #tpu.memory_space<vmem_shared>>)
        tpu.yield
      }) : () -> ()
    } else {
    }
    %barrier3A_132 = arith.constant 0 : index
    tpu.barrier barrier_id(%barrier3A_132)
    %eq3A_133 = arith.constant 0 : i32
    %eq3A_134 = arith.cmpi eq, %select_n3A, %eq3A_133 : i32
    %convert_element_type3A_135 = arith.extui %eq3A_134 : i1 to i32
    %cond3A_136 = arith.constant 0 : i32
    %cond3A_137 = arith.cmpi ne, %convert_element_type3A_135, %cond3A_136 : i32
    scf.if %cond3A_137 {
      "tpu.region"() ({
        %run_scoped3A = tpu.sem_alloc : memref<!tpu.dma_semaphore, #tpu.memory_space<semaphore_mem>>
        %dma_start3A_174 = arith.constant 0 : i32
        %dma_start3A_175 = tpu.memref_slice %arg11[%select_n3A_28, %dma_start3A_174] : memref<8x16000xf32, #tpu.memory_space<vmem_shared>> -> memref<1x16000xf32, #tpu.memory_space<vmem_shared>>
        %dma_start3A_176 = tpu.memref_squeeze %dma_start3A_175 : memref<1x16000xf32, #tpu.memory_space<vmem_shared>> -> memref<16000xf32, #tpu.memory_space<vmem_shared>>
        %dma_start3A_177 = arith.constant 0 : i32
        %dma_start3A_178 = tpu.memref_slice %arg11[%select_n3A_28, %dma_start3A_177] : memref<8x16000xf32, #tpu.memory_space<vmem_shared>> -> memref<1x16000xf32, #tpu.memory_space<vmem_shared>>
        %dma_start3A_179 = tpu.memref_squeeze %dma_start3A_178 : memref<1x16000xf32, #tpu.memory_space<vmem_shared>> -> memref<16000xf32, #tpu.memory_space<vmem_shared>>
        tpu.enqueue_dma source(%dma_start3A_179 : memref<16000xf32, #tpu.memory_space<vmem_shared>>) target(%arg8 : memref<16000xf32, #tpu.memory_space<vmem>>) target_semaphore(%run_scoped3A : memref<!tpu.dma_semaphore, #tpu.memory_space<semaphore_mem>>)
        %dma_wait3A_180 = arith.constant 0 : i32
        %dma_wait3A_181 = tpu.memref_slice %arg11[%select_n3A_28, %dma_wait3A_180] : memref<8x16000xf32, #tpu.memory_space<vmem_shared>> -> memref<1x16000xf32, #tpu.memory_space<vmem_shared>>
        %dma_wait3A_182 = tpu.memref_squeeze %dma_wait3A_181 : memref<1x16000xf32, #tpu.memory_space<vmem_shared>> -> memref<16000xf32, #tpu.memory_space<vmem_shared>>
        %dma_wait3A_183 = arith.constant 0 : i32
        %dma_wait3A_184 = tpu.memref_slice %arg11[%select_n3A_28, %dma_wait3A_183] : memref<8x16000xf32, #tpu.memory_space<vmem_shared>> -> memref<1x16000xf32, #tpu.memory_space<vmem_shared>>
        %dma_wait3A_185 = tpu.memref_squeeze %dma_wait3A_184 : memref<1x16000xf32, #tpu.memory_space<vmem_shared>> -> memref<16000xf32, #tpu.memory_space<vmem_shared>>
        tpu.wait_dma2 semaphore(%run_scoped3A : memref<!tpu.dma_semaphore, #tpu.memory_space<semaphore_mem>>) src(%dma_wait3A_185 : memref<16000xf32, #tpu.memory_space<vmem_shared>>) dst(%arg8 : memref<16000xf32, #tpu.memory_space<vmem>>)
        tpu.yield
      }) : () -> ()
      %scan3A_168 = arith.constant 0 : i32
      %scan3A_169 = arith.constant 0 : i32
      %scan3A_170 = arith.constant 1000 : i32
      %scan3A_171 = arith.addi %scan3A_169, %scan3A_170 : i32
      %scan3A_172 = arith.constant 1 : i32
      scf.for %scan3A_174 = %scan3A_169 to %scan3A_171 step %scan3A_172  : i32 {
        %mul3A_175 = arith.constant 16 : i32
        %mul3A_176 = arith.muli %scan3A_174, %mul3A_175 : i32
        %add3A_177 = arith.constant 32000 : i32
        %add3A_178 = arith.addi %add3A_177, %mul3A_176 : i32
        %get3A = arith.index_cast %add3A_178 : i32 to index
        %get3A_179 = tpu.vector_load %arg7[%get3A] {strides = array<i32>} : memref<80000xf32, #tpu.memory_space<vmem>>, vector<16xf32>,
        %mul3A_180 = arith.constant 16 : i32
        %mul3A_181 = arith.muli %scan3A_174, %mul3A_180 : i32
        %get3A_182 = arith.index_cast %mul3A_181 : i32 to index
        %get3A_183 = tpu.vector_load %arg8[%get3A_182] {strides = array<i32>} : memref<16000xf32, #tpu.memory_space<vmem>>, vector<16xf32>,
        %max3A = arith.maximumf %get3A_179, %get3A_183 : vector<16xf32>
        %swap3A = arith.index_cast %add3A_178 : i32 to index
        %swap3A_184 = tpu.vector_load %arg7[%swap3A] {strides = array<i32>} : memref<80000xf32, #tpu.memory_space<vmem>>, vector<16xf32>,
        tpu.vector_store %arg7[%swap3A], %max3A {strides = array<i32>} : memref<80000xf32, #tpu.memory_space<vmem>>, vector<16xf32>,
      }
      %scan3A_173 = arith.constant 1000 : i32
    } else {
    }
    %barrier3A_138 = arith.constant 0 : index
    tpu.barrier barrier_id(%barrier3A_138)
    %eq3A_139 = arith.constant 1 : i32
    %eq3A_140 = arith.cmpi eq, %select_n3A, %eq3A_139 : i32
    %convert_element_type3A_141 = arith.extui %eq3A_140 : i1 to i32
    %cond3A_142 = arith.constant 0 : i32
    %cond3A_143 = arith.cmpi ne, %convert_element_type3A_141, %cond3A_142 : i32
    scf.if %cond3A_143 {
      "tpu.region"() ({
        %run_scoped3A = tpu.sem_alloc : memref<!tpu.dma_semaphore, #tpu.memory_space<semaphore_mem>>
        %dma_start3A_168 = arith.constant 48000 : i32
        %dma_start3A_169 = tpu.memref_slice %arg7[%dma_start3A_168] : memref<80000xf32, #tpu.memory_space<vmem>> -> memref<16000xf32, #tpu.memory_space<vmem>>
        %dma_start3A_170 = arith.constant 0 : i32
        %dma_start3A_171 = tpu.memref_slice %arg11[%select_n3A_28, %dma_start3A_170] : memref<8x16000xf32, #tpu.memory_space<vmem_shared>> -> memref<1x16000xf32, #tpu.memory_space<vmem_shared>>
        %dma_start3A_172 = tpu.memref_squeeze %dma_start3A_171 : memref<1x16000xf32, #tpu.memory_space<vmem_shared>> -> memref<16000xf32, #tpu.memory_space<vmem_shared>>
        %dma_start3A_173 = arith.constant 0 : i32
        %dma_start3A_174 = tpu.memref_slice %arg11[%select_n3A_28, %dma_start3A_173] : memref<8x16000xf32, #tpu.memory_space<vmem_shared>> -> memref<1x16000xf32, #tpu.memory_space<vmem_shared>>
        %dma_start3A_175 = tpu.memref_squeeze %dma_start3A_174 : memref<1x16000xf32, #tpu.memory_space<vmem_shared>> -> memref<16000xf32, #tpu.memory_space<vmem_shared>>
        %dma_start3A_176 = arith.constant 48000 : i32
        %dma_start3A_177 = tpu.memref_slice %arg7[%dma_start3A_176] : memref<80000xf32, #tpu.memory_space<vmem>> -> memref<16000xf32, #tpu.memory_space<vmem>>
        tpu.enqueue_dma source(%dma_start3A_177 : memref<16000xf32, #tpu.memory_space<vmem>>) target(%dma_start3A_175 : memref<16000xf32, #tpu.memory_space<vmem_shared>>) target_semaphore(%run_scoped3A : memref<!tpu.dma_semaphore, #tpu.memory_space<semaphore_mem>>)
        %dma_wait3A_178 = arith.constant 48000 : i32
        %dma_wait3A_179 = tpu.memref_slice %arg7[%dma_wait3A_178] : memref<80000xf32, #tpu.memory_space<vmem>> -> memref<16000xf32, #tpu.memory_space<vmem>>
        %dma_wait3A_180 = arith.constant 0 : i32
        %dma_wait3A_181 = tpu.memref_slice %arg11[%select_n3A_28, %dma_wait3A_180] : memref<8x16000xf32, #tpu.memory_space<vmem_shared>> -> memref<1x16000xf32, #tpu.memory_space<vmem_shared>>
        %dma_wait3A_182 = tpu.memref_squeeze %dma_wait3A_181 : memref<1x16000xf32, #tpu.memory_space<vmem_shared>> -> memref<16000xf32, #tpu.memory_space<vmem_shared>>
        %dma_wait3A_183 = arith.constant 0 : i32
        %dma_wait3A_184 = tpu.memref_slice %arg11[%select_n3A_28, %dma_wait3A_183] : memref<8x16000xf32, #tpu.memory_space<vmem_shared>> -> memref<1x16000xf32, #tpu.memory_space<vmem_shared>>
        %dma_wait3A_185 = tpu.memref_squeeze %dma_wait3A_184 : memref<1x16000xf32, #tpu.memory_space<vmem_shared>> -> memref<16000xf32, #tpu.memory_space<vmem_shared>>
        %dma_wait3A_186 = arith.constant 48000 : i32
        %dma_wait3A_187 = tpu.memref_slice %arg7[%dma_wait3A_186] : memref<80000xf32, #tpu.memory_space<vmem>> -> memref<16000xf32, #tpu.memory_space<vmem>>
        tpu.wait_dma2 semaphore(%run_scoped3A : memref<!tpu.dma_semaphore, #tpu.memory_space<semaphore_mem>>) src(%dma_wait3A_187 : memref<16000xf32, #tpu.memory_space<vmem>>) dst(%dma_wait3A_185 : memref<16000xf32, #tpu.memory_space<vmem_shared>>)
        tpu.yield
      }) : () -> ()
    } else {
    }
    %barrier3A_144 = arith.constant 0 : index
    tpu.barrier barrier_id(%barrier3A_144)
    %eq3A_145 = arith.constant 0 : i32
    %eq3A_146 = arith.cmpi eq, %select_n3A, %eq3A_145 : i32
    %convert_element_type3A_147 = arith.extui %eq3A_146 : i1 to i32
    %cond3A_148 = arith.constant 0 : i32
    %cond3A_149 = arith.cmpi ne, %convert_element_type3A_147, %cond3A_148 : i32
    scf.if %cond3A_149 {
      "tpu.region"() ({
        %run_scoped3A = tpu.sem_alloc : memref<!tpu.dma_semaphore, #tpu.memory_space<semaphore_mem>>
        %dma_start3A_174 = arith.constant 0 : i32
        %dma_start3A_175 = tpu.memref_slice %arg11[%select_n3A_28, %dma_start3A_174] : memref<8x16000xf32, #tpu.memory_space<vmem_shared>> -> memref<1x16000xf32, #tpu.memory_space<vmem_shared>>
        %dma_start3A_176 = tpu.memref_squeeze %dma_start3A_175 : memref<1x16000xf32, #tpu.memory_space<vmem_shared>> -> memref<16000xf32, #tpu.memory_space<vmem_shared>>
        %dma_start3A_177 = arith.constant 0 : i32
        %dma_start3A_178 = tpu.memref_slice %arg11[%select_n3A_28, %dma_start3A_177] : memref<8x16000xf32, #tpu.memory_space<vmem_shared>> -> memref<1x16000xf32, #tpu.memory_space<vmem_shared>>
        %dma_start3A_179 = tpu.memref_squeeze %dma_start3A_178 : memref<1x16000xf32, #tpu.memory_space<vmem_shared>> -> memref<16000xf32, #tpu.memory_space<vmem_shared>>
        tpu.enqueue_dma source(%dma_start3A_179 : memref<16000xf32, #tpu.memory_space<vmem_shared>>) target(%arg8 : memref<16000xf32, #tpu.memory_space<vmem>>) target_semaphore(%run_scoped3A : memref<!tpu.dma_semaphore, #tpu.memory_space<semaphore_mem>>)
        %dma_wait3A_180 = arith.constant 0 : i32
        %dma_wait3A_181 = tpu.memref_slice %arg11[%select_n3A_28, %dma_wait3A_180] : memref<8x16000xf32, #tpu.memory_space<vmem_shared>> -> memref<1x16000xf32, #tpu.memory_space<vmem_shared>>
        %dma_wait3A_182 = tpu.memref_squeeze %dma_wait3A_181 : memref<1x16000xf32, #tpu.memory_space<vmem_shared>> -> memref<16000xf32, #tpu.memory_space<vmem_shared>>
        %dma_wait3A_183 = arith.constant 0 : i32
        %dma_wait3A_184 = tpu.memref_slice %arg11[%select_n3A_28, %dma_wait3A_183] : memref<8x16000xf32, #tpu.memory_space<vmem_shared>> -> memref<1x16000xf32, #tpu.memory_space<vmem_shared>>
        %dma_wait3A_185 = tpu.memref_squeeze %dma_wait3A_184 : memref<1x16000xf32, #tpu.memory_space<vmem_shared>> -> memref<16000xf32, #tpu.memory_space<vmem_shared>>
        tpu.wait_dma2 semaphore(%run_scoped3A : memref<!tpu.dma_semaphore, #tpu.memory_space<semaphore_mem>>) src(%dma_wait3A_185 : memref<16000xf32, #tpu.memory_space<vmem_shared>>) dst(%arg8 : memref<16000xf32, #tpu.memory_space<vmem>>)
        tpu.yield
      }) : () -> ()
      %scan3A_168 = arith.constant 0 : i32
      %scan3A_169 = arith.constant 0 : i32
      %scan3A_170 = arith.constant 1000 : i32
      %scan3A_171 = arith.addi %scan3A_169, %scan3A_170 : i32
      %scan3A_172 = arith.constant 1 : i32
      scf.for %scan3A_174 = %scan3A_169 to %scan3A_171 step %scan3A_172  : i32 {
        %mul3A_175 = arith.constant 16 : i32
        %mul3A_176 = arith.muli %scan3A_174, %mul3A_175 : i32
        %add3A_177 = arith.constant 48000 : i32
        %add3A_178 = arith.addi %add3A_177, %mul3A_176 : i32
        %get3A = arith.index_cast %add3A_178 : i32 to index
        %get3A_179 = tpu.vector_load %arg7[%get3A] {strides = array<i32>} : memref<80000xf32, #tpu.memory_space<vmem>>, vector<16xf32>,
        %mul3A_180 = arith.constant 16 : i32
        %mul3A_181 = arith.muli %scan3A_174, %mul3A_180 : i32
        %get3A_182 = arith.index_cast %mul3A_181 : i32 to index
        %get3A_183 = tpu.vector_load %arg8[%get3A_182] {strides = array<i32>} : memref<16000xf32, #tpu.memory_space<vmem>>, vector<16xf32>,
        %max3A = arith.maximumf %get3A_179, %get3A_183 : vector<16xf32>
        %swap3A = arith.index_cast %add3A_178 : i32 to index
        %swap3A_184 = tpu.vector_load %arg7[%swap3A] {strides = array<i32>} : memref<80000xf32, #tpu.memory_space<vmem>>, vector<16xf32>,
        tpu.vector_store %arg7[%swap3A], %max3A {strides = array<i32>} : memref<80000xf32, #tpu.memory_space<vmem>>, vector<16xf32>,
      }
      %scan3A_173 = arith.constant 1000 : i32
    } else {
    }
    %barrier3A_150 = arith.constant 0 : index
    tpu.barrier barrier_id(%barrier3A_150)
    %eq3A_151 = arith.constant 1 : i32
    %eq3A_152 = arith.cmpi eq, %select_n3A, %eq3A_151 : i32
    %convert_element_type3A_153 = arith.extui %eq3A_152 : i1 to i32
    %cond3A_154 = arith.constant 0 : i32
    %cond3A_155 = arith.cmpi ne, %convert_element_type3A_153, %cond3A_154 : i32
    scf.if %cond3A_155 {
      "tpu.region"() ({
        %run_scoped3A = tpu.sem_alloc : memref<!tpu.dma_semaphore, #tpu.memory_space<semaphore_mem>>
        %dma_start3A_168 = arith.constant 64000 : i32
        %dma_start3A_169 = tpu.memref_slice %arg7[%dma_start3A_168] : memref<80000xf32, #tpu.memory_space<vmem>> -> memref<16000xf32, #tpu.memory_space<vmem>>
        %dma_start3A_170 = arith.constant 0 : i32
        %dma_start3A_171 = tpu.memref_slice %arg11[%select_n3A_28, %dma_start3A_170] : memref<8x16000xf32, #tpu.memory_space<vmem_shared>> -> memref<1x16000xf32, #tpu.memory_space<vmem_shared>>
        %dma_start3A_172 = tpu.memref_squeeze %dma_start3A_171 : memref<1x16000xf32, #tpu.memory_space<vmem_shared>> -> memref<16000xf32, #tpu.memory_space<vmem_shared>>
        %dma_start3A_173 = arith.constant 0 : i32
        %dma_start3A_174 = tpu.memref_slice %arg11[%select_n3A_28, %dma_start3A_173] : memref<8x16000xf32, #tpu.memory_space<vmem_shared>> -> memref<1x16000xf32, #tpu.memory_space<vmem_shared>>
        %dma_start3A_175 = tpu.memref_squeeze %dma_start3A_174 : memref<1x16000xf32, #tpu.memory_space<vmem_shared>> -> memref<16000xf32, #tpu.memory_space<vmem_shared>>
        %dma_start3A_176 = arith.constant 64000 : i32
        %dma_start3A_177 = tpu.memref_slice %arg7[%dma_start3A_176] : memref<80000xf32, #tpu.memory_space<vmem>> -> memref<16000xf32, #tpu.memory_space<vmem>>
        tpu.enqueue_dma source(%dma_start3A_177 : memref<16000xf32, #tpu.memory_space<vmem>>) target(%dma_start3A_175 : memref<16000xf32, #tpu.memory_space<vmem_shared>>) target_semaphore(%run_scoped3A : memref<!tpu.dma_semaphore, #tpu.memory_space<semaphore_mem>>)
        %dma_wait3A_178 = arith.constant 64000 : i32
        %dma_wait3A_179 = tpu.memref_slice %arg7[%dma_wait3A_178] : memref<80000xf32, #tpu.memory_space<vmem>> -> memref<16000xf32, #tpu.memory_space<vmem>>
        %dma_wait3A_180 = arith.constant 0 : i32
        %dma_wait3A_181 = tpu.memref_slice %arg11[%select_n3A_28, %dma_wait3A_180] : memref<8x16000xf32, #tpu.memory_space<vmem_shared>> -> memref<1x16000xf32, #tpu.memory_space<vmem_shared>>
        %dma_wait3A_182 = tpu.memref_squeeze %dma_wait3A_181 : memref<1x16000xf32, #tpu.memory_space<vmem_shared>> -> memref<16000xf32, #tpu.memory_space<vmem_shared>>
        %dma_wait3A_183 = arith.constant 0 : i32
        %dma_wait3A_184 = tpu.memref_slice %arg11[%select_n3A_28, %dma_wait3A_183] : memref<8x16000xf32, #tpu.memory_space<vmem_shared>> -> memref<1x16000xf32, #tpu.memory_space<vmem_shared>>
        %dma_wait3A_185 = tpu.memref_squeeze %dma_wait3A_184 : memref<1x16000xf32, #tpu.memory_space<vmem_shared>> -> memref<16000xf32, #tpu.memory_space<vmem_shared>>
        %dma_wait3A_186 = arith.constant 64000 : i32
        %dma_wait3A_187 = tpu.memref_slice %arg7[%dma_wait3A_186] : memref<80000xf32, #tpu.memory_space<vmem>> -> memref<16000xf32, #tpu.memory_space<vmem>>
        tpu.wait_dma2 semaphore(%run_scoped3A : memref<!tpu.dma_semaphore, #tpu.memory_space<semaphore_mem>>) src(%dma_wait3A_187 : memref<16000xf32, #tpu.memory_space<vmem>>) dst(%dma_wait3A_185 : memref<16000xf32, #tpu.memory_space<vmem_shared>>)
        tpu.yield
      }) : () -> ()
    } else {
    }
    %barrier3A_156 = arith.constant 0 : index
    tpu.barrier barrier_id(%barrier3A_156)
    %eq3A_157 = arith.constant 0 : i32
    %eq3A_158 = arith.cmpi eq, %select_n3A, %eq3A_157 : i32
    %convert_element_type3A_159 = arith.extui %eq3A_158 : i1 to i32
    %cond3A_160 = arith.constant 0 : i32
    %cond3A_161 = arith.cmpi ne, %convert_element_type3A_159, %cond3A_160 : i32
    scf.if %cond3A_161 {
      "tpu.region"() ({
        %run_scoped3A = tpu.sem_alloc : memref<!tpu.dma_semaphore, #tpu.memory_space<semaphore_mem>>
        %dma_start3A_174 = arith.constant 0 : i32
        %dma_start3A_175 = tpu.memref_slice %arg11[%select_n3A_28, %dma_start3A_174] : memref<8x16000xf32, #tpu.memory_space<vmem_shared>> -> memref<1x16000xf32, #tpu.memory_space<vmem_shared>>
        %dma_start3A_176 = tpu.memref_squeeze %dma_start3A_175 : memref<1x16000xf32, #tpu.memory_space<vmem_shared>> -> memref<16000xf32, #tpu.memory_space<vmem_shared>>
        %dma_start3A_177 = arith.constant 0 : i32
        %dma_start3A_178 = tpu.memref_slice %arg11[%select_n3A_28, %dma_start3A_177] : memref<8x16000xf32, #tpu.memory_space<vmem_shared>> -> memref<1x16000xf32, #tpu.memory_space<vmem_shared>>
        %dma_start3A_179 = tpu.memref_squeeze %dma_start3A_178 : memref<1x16000xf32, #tpu.memory_space<vmem_shared>> -> memref<16000xf32, #tpu.memory_space<vmem_shared>>
        tpu.enqueue_dma source(%dma_start3A_179 : memref<16000xf32, #tpu.memory_space<vmem_shared>>) target(%arg8 : memref<16000xf32, #tpu.memory_space<vmem>>) target_semaphore(%run_scoped3A : memref<!tpu.dma_semaphore, #tpu.memory_space<semaphore_mem>>)
        %dma_wait3A_180 = arith.constant 0 : i32
        %dma_wait3A_181 = tpu.memref_slice %arg11[%select_n3A_28, %dma_wait3A_180] : memref<8x16000xf32, #tpu.memory_space<vmem_shared>> -> memref<1x16000xf32, #tpu.memory_space<vmem_shared>>
        %dma_wait3A_182 = tpu.memref_squeeze %dma_wait3A_181 : memref<1x16000xf32, #tpu.memory_space<vmem_shared>> -> memref<16000xf32, #tpu.memory_space<vmem_shared>>
        %dma_wait3A_183 = arith.constant 0 : i32
        %dma_wait3A_184 = tpu.memref_slice %arg11[%select_n3A_28, %dma_wait3A_183] : memref<8x16000xf32, #tpu.memory_space<vmem_shared>> -> memref<1x16000xf32, #tpu.memory_space<vmem_shared>>
        %dma_wait3A_185 = tpu.memref_squeeze %dma_wait3A_184 : memref<1x16000xf32, #tpu.memory_space<vmem_shared>> -> memref<16000xf32, #tpu.memory_space<vmem_shared>>
        tpu.wait_dma2 semaphore(%run_scoped3A : memref<!tpu.dma_semaphore, #tpu.memory_space<semaphore_mem>>) src(%dma_wait3A_185 : memref<16000xf32, #tpu.memory_space<vmem_shared>>) dst(%arg8 : memref<16000xf32, #tpu.memory_space<vmem>>)
        tpu.yield
      }) : () -> ()
      %scan3A_168 = arith.constant 0 : i32
      %scan3A_169 = arith.constant 0 : i32
      %scan3A_170 = arith.constant 1000 : i32
      %scan3A_171 = arith.addi %scan3A_169, %scan3A_170 : i32
      %scan3A_172 = arith.constant 1 : i32
      scf.for %scan3A_174 = %scan3A_169 to %scan3A_171 step %scan3A_172  : i32 {
        %mul3A_175 = arith.constant 16 : i32
        %mul3A_176 = arith.muli %scan3A_174, %mul3A_175 : i32
        %add3A_177 = arith.constant 64000 : i32
        %add3A_178 = arith.addi %add3A_177, %mul3A_176 : i32
        %get3A = arith.index_cast %add3A_178 : i32 to index
        %get3A_179 = tpu.vector_load %arg7[%get3A] {strides = array<i32>} : memref<80000xf32, #tpu.memory_space<vmem>>, vector<16xf32>,
        %mul3A_180 = arith.constant 16 : i32
        %mul3A_181 = arith.muli %scan3A_174, %mul3A_180 : i32
        %get3A_182 = arith.index_cast %mul3A_181 : i32 to index
        %get3A_183 = tpu.vector_load %arg8[%get3A_182] {strides = array<i32>} : memref<16000xf32, #tpu.memory_space<vmem>>, vector<16xf32>,
        %max3A = arith.maximumf %get3A_179, %get3A_183 : vector<16xf32>
        %swap3A = arith.index_cast %add3A_178 : i32 to index
        %swap3A_184 = tpu.vector_load %arg7[%swap3A] {strides = array<i32>} : memref<80000xf32, #tpu.memory_space<vmem>>, vector<16xf32>,
        tpu.vector_store %arg7[%swap3A], %max3A {strides = array<i32>} : memref<80000xf32, #tpu.memory_space<vmem>>, vector<16xf32>,
      }
      %scan3A_173 = arith.constant 1000 : i32
    } else {
    }
    %barrier3A_162 = arith.constant 0 : index
    tpu.barrier barrier_id(%barrier3A_162)
    %eq3A_163 = arith.constant 0 : i32
    %eq3A_164 = arith.cmpi eq, %select_n3A, %eq3A_163 : i32
    %convert_element_type3A_165 = arith.extui %eq3A_164 : i1 to i32
    %cond3A_166 = arith.constant 0 : i32
    %cond3A_167 = arith.cmpi ne, %convert_element_type3A_165, %cond3A_166 : i32
    scf.if %cond3A_167 {
      %mul3A_168 = arith.constant 655360 : i32
      %mul3A_169 = arith.muli %arg0, %mul3A_168 : i32
      %add3A_170 = arith.constant 0 : i32
      %add3A_171 = arith.addi %mul3A_32, %add3A_170 : i32
      %mul3A_172 = arith.constant 10240 : i32
      %mul3A_173 = arith.muli %add3A_171, %mul3A_172 : i32
      %add3A_174 = arith.addi %mul3A_169, %mul3A_173 : i32
      "tpu.region"() ({
        %run_scoped3A = tpu.sem_alloc : memref<!tpu.dma_semaphore, #tpu.memory_space<semaphore_mem>>
        %dma_start3A_224 = arith.constant 0 : i32
        %dma_start3A_225 = tpu.memref_slice %arg7[%dma_start3A_224] : memref<80000xf32, #tpu.memory_space<vmem>> -> memref<10000xf32, #tpu.memory_space<vmem>>
        %dma_start3A_226 = tpu.memref_slice %arg4[%add3A_174] : memref<1310720xf32, #tpu.memory_space<hbm>> -> memref<10000xf32, #tpu.memory_space<hbm>>
        %dma_start3A_227 = tpu.memref_slice %arg4[%add3A_174] : memref<1310720xf32, #tpu.memory_space<hbm>> -> memref<10000xf32, #tpu.memory_space<hbm>>
        %dma_start3A_228 = arith.constant 0 : i32
        %dma_start3A_229 = tpu.memref_slice %arg7[%dma_start3A_228] : memref<80000xf32, #tpu.memory_space<vmem>> -> memref<10000xf32, #tpu.memory_space<vmem>>
        tpu.enqueue_dma source(%dma_start3A_229 : memref<10000xf32, #tpu.memory_space<vmem>>) target(%dma_start3A_227 : memref<10000xf32, #tpu.memory_space<hbm>>) target_semaphore(%run_scoped3A : memref<!tpu.dma_semaphore, #tpu.memory_space<semaphore_mem>>)
        %dma_wait3A_230 = arith.constant 0 : i32
        %dma_wait3A_231 = tpu.memref_slice %arg7[%dma_wait3A_230] : memref<80000xf32, #tpu.memory_space<vmem>> -> memref<10000xf32, #tpu.memory_space<vmem>>
        %dma_wait3A_232 = tpu.memref_slice %arg4[%add3A_174] : memref<1310720xf32, #tpu.memory_space<hbm>> -> memref<10000xf32, #tpu.memory_space<hbm>>
        %dma_wait3A_233 = tpu.memref_slice %arg4[%add3A_174] : memref<1310720xf32, #tpu.memory_space<hbm>> -> memref<10000xf32, #tpu.memory_space<hbm>>
        %dma_wait3A_234 = arith.constant 0 : i32
        %dma_wait3A_235 = tpu.memref_slice %arg7[%dma_wait3A_234] : memref<80000xf32, #tpu.memory_space<vmem>> -> memref<10000xf32, #tpu.memory_space<vmem>>
        tpu.wait_dma2 semaphore(%run_scoped3A : memref<!tpu.dma_semaphore, #tpu.memory_space<semaphore_mem>>) src(%dma_wait3A_235 : memref<10000xf32, #tpu.memory_space<vmem>>) dst(%dma_wait3A_233 : memref<10000xf32, #tpu.memory_space<hbm>>)
        tpu.yield
      }) : () -> ()
      %mul3A_175 = arith.constant 655360 : i32
      %mul3A_176 = arith.muli %arg0, %mul3A_175 : i32
      %add3A_177 = arith.constant 1 : i32
      %add3A_178 = arith.addi %mul3A_32, %add3A_177 : i32
      %mul3A_179 = arith.constant 10240 : i32
      %mul3A_180 = arith.muli %add3A_178, %mul3A_179 : i32
      %add3A_181 = arith.addi %mul3A_176, %mul3A_180 : i32
      "tpu.region"() ({
        %run_scoped3A = tpu.sem_alloc : memref<!tpu.dma_semaphore, #tpu.memory_space<semaphore_mem>>
        %dma_start3A_224 = arith.constant 10000 : i32
        %dma_start3A_225 = tpu.memref_slice %arg7[%dma_start3A_224] : memref<80000xf32, #tpu.memory_space<vmem>> -> memref<10000xf32, #tpu.memory_space<vmem>>
        %dma_start3A_226 = tpu.memref_slice %arg4[%add3A_181] : memref<1310720xf32, #tpu.memory_space<hbm>> -> memref<10000xf32, #tpu.memory_space<hbm>>
        %dma_start3A_227 = tpu.memref_slice %arg4[%add3A_181] : memref<1310720xf32, #tpu.memory_space<hbm>> -> memref<10000xf32, #tpu.memory_space<hbm>>
        %dma_start3A_228 = arith.constant 10000 : i32
        %dma_start3A_229 = tpu.memref_slice %arg7[%dma_start3A_228] : memref<80000xf32, #tpu.memory_space<vmem>> -> memref<10000xf32, #tpu.memory_space<vmem>>
        tpu.enqueue_dma source(%dma_start3A_229 : memref<10000xf32, #tpu.memory_space<vmem>>) target(%dma_start3A_227 : memref<10000xf32, #tpu.memory_space<hbm>>) target_semaphore(%run_scoped3A : memref<!tpu.dma_semaphore, #tpu.memory_space<semaphore_mem>>)
        %dma_wait3A_230 = arith.constant 10000 : i32
        %dma_wait3A_231 = tpu.memref_slice %arg7[%dma_wait3A_230] : memref<80000xf32, #tpu.memory_space<vmem>> -> memref<10000xf32, #tpu.memory_space<vmem>>
        %dma_wait3A_232 = tpu.memref_slice %arg4[%add3A_181] : memref<1310720xf32, #tpu.memory_space<hbm>> -> memref<10000xf32, #tpu.memory_space<hbm>>
        %dma_wait3A_233 = tpu.memref_slice %arg4[%add3A_181] : memref<1310720xf32, #tpu.memory_space<hbm>> -> memref<10000xf32, #tpu.memory_space<hbm>>
        %dma_wait3A_234 = arith.constant 10000 : i32
        %dma_wait3A_235 = tpu.memref_slice %arg7[%dma_wait3A_234] : memref<80000xf32, #tpu.memory_space<vmem>> -> memref<10000xf32, #tpu.memory_space<vmem>>
        tpu.wait_dma2 semaphore(%run_scoped3A : memref<!tpu.dma_semaphore, #tpu.memory_space<semaphore_mem>>) src(%dma_wait3A_235 : memref<10000xf32, #tpu.memory_space<vmem>>) dst(%dma_wait3A_233 : memref<10000xf32, #tpu.memory_space<hbm>>)
        tpu.yield
      }) : () -> ()
      %mul3A_182 = arith.constant 655360 : i32
      %mul3A_183 = arith.muli %arg0, %mul3A_182 : i32
      %add3A_184 = arith.constant 2 : i32
      %add3A_185 = arith.addi %mul3A_32, %add3A_184 : i32
      %mul3A_186 = arith.constant 10240 : i32
      %mul3A_187 = arith.muli %add3A_185, %mul3A_186 : i32
      %add3A_188 = arith.addi %mul3A_183, %mul3A_187 : i32
      "tpu.region"() ({
        %run_scoped3A = tpu.sem_alloc : memref<!tpu.dma_semaphore, #tpu.memory_space<semaphore_mem>>
        %dma_start3A_224 = arith.constant 20000 : i32
        %dma_start3A_225 = tpu.memref_slice %arg7[%dma_start3A_224] : memref<80000xf32, #tpu.memory_space<vmem>> -> memref<10000xf32, #tpu.memory_space<vmem>>
        %dma_start3A_226 = tpu.memref_slice %arg4[%add3A_188] : memref<1310720xf32, #tpu.memory_space<hbm>> -> memref<10000xf32, #tpu.memory_space<hbm>>
        %dma_start3A_227 = tpu.memref_slice %arg4[%add3A_188] : memref<1310720xf32, #tpu.memory_space<hbm>> -> memref<10000xf32, #tpu.memory_space<hbm>>
        %dma_start3A_228 = arith.constant 20000 : i32
        %dma_start3A_229 = tpu.memref_slice %arg7[%dma_start3A_228] : memref<80000xf32, #tpu.memory_space<vmem>> -> memref<10000xf32, #tpu.memory_space<vmem>>
        tpu.enqueue_dma source(%dma_start3A_229 : memref<10000xf32, #tpu.memory_space<vmem>>) target(%dma_start3A_227 : memref<10000xf32, #tpu.memory_space<hbm>>) target_semaphore(%run_scoped3A : memref<!tpu.dma_semaphore, #tpu.memory_space<semaphore_mem>>)
        %dma_wait3A_230 = arith.constant 20000 : i32
        %dma_wait3A_231 = tpu.memref_slice %arg7[%dma_wait3A_230] : memref<80000xf32, #tpu.memory_space<vmem>> -> memref<10000xf32, #tpu.memory_space<vmem>>
        %dma_wait3A_232 = tpu.memref_slice %arg4[%add3A_188] : memref<1310720xf32, #tpu.memory_space<hbm>> -> memref<10000xf32, #tpu.memory_space<hbm>>
        %dma_wait3A_233 = tpu.memref_slice %arg4[%add3A_188] : memref<1310720xf32, #tpu.memory_space<hbm>> -> memref<10000xf32, #tpu.memory_space<hbm>>
        %dma_wait3A_234 = arith.constant 20000 : i32
        %dma_wait3A_235 = tpu.memref_slice %arg7[%dma_wait3A_234] : memref<80000xf32, #tpu.memory_space<vmem>> -> memref<10000xf32, #tpu.memory_space<vmem>>
        tpu.wait_dma2 semaphore(%run_scoped3A : memref<!tpu.dma_semaphore, #tpu.memory_space<semaphore_mem>>) src(%dma_wait3A_235 : memref<10000xf32, #tpu.memory_space<vmem>>) dst(%dma_wait3A_233 : memref<10000xf32, #tpu.memory_space<hbm>>)
        tpu.yield
      }) : () -> ()
      %mul3A_189 = arith.constant 655360 : i32
      %mul3A_190 = arith.muli %arg0, %mul3A_189 : i32
      %add3A_191 = arith.constant 3 : i32
      %add3A_192 = arith.addi %mul3A_32, %add3A_191 : i32
      %mul3A_193 = arith.constant 10240 : i32
      %mul3A_194 = arith.muli %add3A_192, %mul3A_193 : i32
      %add3A_195 = arith.addi %mul3A_190, %mul3A_194 : i32
      "tpu.region"() ({
        %run_scoped3A = tpu.sem_alloc : memref<!tpu.dma_semaphore, #tpu.memory_space<semaphore_mem>>
        %dma_start3A_224 = arith.constant 30000 : i32
        %dma_start3A_225 = tpu.memref_slice %arg7[%dma_start3A_224] : memref<80000xf32, #tpu.memory_space<vmem>> -> memref<10000xf32, #tpu.memory_space<vmem>>
        %dma_start3A_226 = tpu.memref_slice %arg4[%add3A_195] : memref<1310720xf32, #tpu.memory_space<hbm>> -> memref<10000xf32, #tpu.memory_space<hbm>>
        %dma_start3A_227 = tpu.memref_slice %arg4[%add3A_195] : memref<1310720xf32, #tpu.memory_space<hbm>> -> memref<10000xf32, #tpu.memory_space<hbm>>
        %dma_start3A_228 = arith.constant 30000 : i32
        %dma_start3A_229 = tpu.memref_slice %arg7[%dma_start3A_228] : memref<80000xf32, #tpu.memory_space<vmem>> -> memref<10000xf32, #tpu.memory_space<vmem>>
        tpu.enqueue_dma source(%dma_start3A_229 : memref<10000xf32, #tpu.memory_space<vmem>>) target(%dma_start3A_227 : memref<10000xf32, #tpu.memory_space<hbm>>) target_semaphore(%run_scoped3A : memref<!tpu.dma_semaphore, #tpu.memory_space<semaphore_mem>>)
        %dma_wait3A_230 = arith.constant 30000 : i32
        %dma_wait3A_231 = tpu.memref_slice %arg7[%dma_wait3A_230] : memref<80000xf32, #tpu.memory_space<vmem>> -> memref<10000xf32, #tpu.memory_space<vmem>>
        %dma_wait3A_232 = tpu.memref_slice %arg4[%add3A_195] : memref<1310720xf32, #tpu.memory_space<hbm>> -> memref<10000xf32, #tpu.memory_space<hbm>>
        %dma_wait3A_233 = tpu.memref_slice %arg4[%add3A_195] : memref<1310720xf32, #tpu.memory_space<hbm>> -> memref<10000xf32, #tpu.memory_space<hbm>>
        %dma_wait3A_234 = arith.constant 30000 : i32
        %dma_wait3A_235 = tpu.memref_slice %arg7[%dma_wait3A_234] : memref<80000xf32, #tpu.memory_space<vmem>> -> memref<10000xf32, #tpu.memory_space<vmem>>
        tpu.wait_dma2 semaphore(%run_scoped3A : memref<!tpu.dma_semaphore, #tpu.memory_space<semaphore_mem>>) src(%dma_wait3A_235 : memref<10000xf32, #tpu.memory_space<vmem>>) dst(%dma_wait3A_233 : memref<10000xf32, #tpu.memory_space<hbm>>)
        tpu.yield
      }) : () -> ()
      %mul3A_196 = arith.constant 655360 : i32
      %mul3A_197 = arith.muli %arg0, %mul3A_196 : i32
      %add3A_198 = arith.constant 4 : i32
      %add3A_199 = arith.addi %mul3A_32, %add3A_198 : i32
      %mul3A_200 = arith.constant 10240 : i32
      %mul3A_201 = arith.muli %add3A_199, %mul3A_200 : i32
      %add3A_202 = arith.addi %mul3A_197, %mul3A_201 : i32
      "tpu.region"() ({
        %run_scoped3A = tpu.sem_alloc : memref<!tpu.dma_semaphore, #tpu.memory_space<semaphore_mem>>
        %dma_start3A_224 = arith.constant 40000 : i32
        %dma_start3A_225 = tpu.memref_slice %arg7[%dma_start3A_224] : memref<80000xf32, #tpu.memory_space<vmem>> -> memref<10000xf32, #tpu.memory_space<vmem>>
        %dma_start3A_226 = tpu.memref_slice %arg4[%add3A_202] : memref<1310720xf32, #tpu.memory_space<hbm>> -> memref<10000xf32, #tpu.memory_space<hbm>>
        %dma_start3A_227 = tpu.memref_slice %arg4[%add3A_202] : memref<1310720xf32, #tpu.memory_space<hbm>> -> memref<10000xf32, #tpu.memory_space<hbm>>
        %dma_start3A_228 = arith.constant 40000 : i32
        %dma_start3A_229 = tpu.memref_slice %arg7[%dma_start3A_228] : memref<80000xf32, #tpu.memory_space<vmem>> -> memref<10000xf32, #tpu.memory_space<vmem>>
        tpu.enqueue_dma source(%dma_start3A_229 : memref<10000xf32, #tpu.memory_space<vmem>>) target(%dma_start3A_227 : memref<10000xf32, #tpu.memory_space<hbm>>) target_semaphore(%run_scoped3A : memref<!tpu.dma_semaphore, #tpu.memory_space<semaphore_mem>>)
        %dma_wait3A_230 = arith.constant 40000 : i32
        %dma_wait3A_231 = tpu.memref_slice %arg7[%dma_wait3A_230] : memref<80000xf32, #tpu.memory_space<vmem>> -> memref<10000xf32, #tpu.memory_space<vmem>>
        %dma_wait3A_232 = tpu.memref_slice %arg4[%add3A_202] : memref<1310720xf32, #tpu.memory_space<hbm>> -> memref<10000xf32, #tpu.memory_space<hbm>>
        %dma_wait3A_233 = tpu.memref_slice %arg4[%add3A_202] : memref<1310720xf32, #tpu.memory_space<hbm>> -> memref<10000xf32, #tpu.memory_space<hbm>>
        %dma_wait3A_234 = arith.constant 40000 : i32
        %dma_wait3A_235 = tpu.memref_slice %arg7[%dma_wait3A_234] : memref<80000xf32, #tpu.memory_space<vmem>> -> memref<10000xf32, #tpu.memory_space<vmem>>
        tpu.wait_dma2 semaphore(%run_scoped3A : memref<!tpu.dma_semaphore, #tpu.memory_space<semaphore_mem>>) src(%dma_wait3A_235 : memref<10000xf32, #tpu.memory_space<vmem>>) dst(%dma_wait3A_233 : memref<10000xf32, #tpu.memory_space<hbm>>)
        tpu.yield
      }) : () -> ()
      %mul3A_203 = arith.constant 655360 : i32
      %mul3A_204 = arith.muli %arg0, %mul3A_203 : i32
      %add3A_205 = arith.constant 5 : i32
      %add3A_206 = arith.addi %mul3A_32, %add3A_205 : i32
      %mul3A_207 = arith.constant 10240 : i32
      %mul3A_208 = arith.muli %add3A_206, %mul3A_207 : i32
      %add3A_209 = arith.addi %mul3A_204, %mul3A_208 : i32
      "tpu.region"() ({
        %run_scoped3A = tpu.sem_alloc : memref<!tpu.dma_semaphore, #tpu.memory_space<semaphore_mem>>
        %dma_start3A_224 = arith.constant 50000 : i32
        %dma_start3A_225 = tpu.memref_slice %arg7[%dma_start3A_224] : memref<80000xf32, #tpu.memory_space<vmem>> -> memref<10000xf32, #tpu.memory_space<vmem>>
        %dma_start3A_226 = tpu.memref_slice %arg4[%add3A_209] : memref<1310720xf32, #tpu.memory_space<hbm>> -> memref<10000xf32, #tpu.memory_space<hbm>>
        %dma_start3A_227 = tpu.memref_slice %arg4[%add3A_209] : memref<1310720xf32, #tpu.memory_space<hbm>> -> memref<10000xf32, #tpu.memory_space<hbm>>
        %dma_start3A_228 = arith.constant 50000 : i32
        %dma_start3A_229 = tpu.memref_slice %arg7[%dma_start3A_228] : memref<80000xf32, #tpu.memory_space<vmem>> -> memref<10000xf32, #tpu.memory_space<vmem>>
        tpu.enqueue_dma source(%dma_start3A_229 : memref<10000xf32, #tpu.memory_space<vmem>>) target(%dma_start3A_227 : memref<10000xf32, #tpu.memory_space<hbm>>) target_semaphore(%run_scoped3A : memref<!tpu.dma_semaphore, #tpu.memory_space<semaphore_mem>>)
        %dma_wait3A_230 = arith.constant 50000 : i32
        %dma_wait3A_231 = tpu.memref_slice %arg7[%dma_wait3A_230] : memref<80000xf32, #tpu.memory_space<vmem>> -> memref<10000xf32, #tpu.memory_space<vmem>>
        %dma_wait3A_232 = tpu.memref_slice %arg4[%add3A_209] : memref<1310720xf32, #tpu.memory_space<hbm>> -> memref<10000xf32, #tpu.memory_space<hbm>>
        %dma_wait3A_233 = tpu.memref_slice %arg4[%add3A_209] : memref<1310720xf32, #tpu.memory_space<hbm>> -> memref<10000xf32, #tpu.memory_space<hbm>>
        %dma_wait3A_234 = arith.constant 50000 : i32
        %dma_wait3A_235 = tpu.memref_slice %arg7[%dma_wait3A_234] : memref<80000xf32, #tpu.memory_space<vmem>> -> memref<10000xf32, #tpu.memory_space<vmem>>
        tpu.wait_dma2 semaphore(%run_scoped3A : memref<!tpu.dma_semaphore, #tpu.memory_space<semaphore_mem>>) src(%dma_wait3A_235 : memref<10000xf32, #tpu.memory_space<vmem>>) dst(%dma_wait3A_233 : memref<10000xf32, #tpu.memory_space<hbm>>)
        tpu.yield
      }) : () -> ()
      %mul3A_210 = arith.constant 655360 : i32
      %mul3A_211 = arith.muli %arg0, %mul3A_210 : i32
      %add3A_212 = arith.constant 6 : i32
      %add3A_213 = arith.addi %mul3A_32, %add3A_212 : i32
      %mul3A_214 = arith.constant 10240 : i32
      %mul3A_215 = arith.muli %add3A_213, %mul3A_214 : i32
      %add3A_216 = arith.addi %mul3A_211, %mul3A_215 : i32
      "tpu.region"() ({
        %run_scoped3A = tpu.sem_alloc : memref<!tpu.dma_semaphore, #tpu.memory_space<semaphore_mem>>
        %dma_start3A_224 = arith.constant 60000 : i32
        %dma_start3A_225 = tpu.memref_slice %arg7[%dma_start3A_224] : memref<80000xf32, #tpu.memory_space<vmem>> -> memref<10000xf32, #tpu.memory_space<vmem>>
        %dma_start3A_226 = tpu.memref_slice %arg4[%add3A_216] : memref<1310720xf32, #tpu.memory_space<hbm>> -> memref<10000xf32, #tpu.memory_space<hbm>>
        %dma_start3A_227 = tpu.memref_slice %arg4[%add3A_216] : memref<1310720xf32, #tpu.memory_space<hbm>> -> memref<10000xf32, #tpu.memory_space<hbm>>
        %dma_start3A_228 = arith.constant 60000 : i32
        %dma_start3A_229 = tpu.memref_slice %arg7[%dma_start3A_228] : memref<80000xf32, #tpu.memory_space<vmem>> -> memref<10000xf32, #tpu.memory_space<vmem>>
        tpu.enqueue_dma source(%dma_start3A_229 : memref<10000xf32, #tpu.memory_space<vmem>>) target(%dma_start3A_227 : memref<10000xf32, #tpu.memory_space<hbm>>) target_semaphore(%run_scoped3A : memref<!tpu.dma_semaphore, #tpu.memory_space<semaphore_mem>>)
        %dma_wait3A_230 = arith.constant 60000 : i32
        %dma_wait3A_231 = tpu.memref_slice %arg7[%dma_wait3A_230] : memref<80000xf32, #tpu.memory_space<vmem>> -> memref<10000xf32, #tpu.memory_space<vmem>>
        %dma_wait3A_232 = tpu.memref_slice %arg4[%add3A_216] : memref<1310720xf32, #tpu.memory_space<hbm>> -> memref<10000xf32, #tpu.memory_space<hbm>>
        %dma_wait3A_233 = tpu.memref_slice %arg4[%add3A_216] : memref<1310720xf32, #tpu.memory_space<hbm>> -> memref<10000xf32, #tpu.memory_space<hbm>>
        %dma_wait3A_234 = arith.constant 60000 : i32
        %dma_wait3A_235 = tpu.memref_slice %arg7[%dma_wait3A_234] : memref<80000xf32, #tpu.memory_space<vmem>> -> memref<10000xf32, #tpu.memory_space<vmem>>
        tpu.wait_dma2 semaphore(%run_scoped3A : memref<!tpu.dma_semaphore, #tpu.memory_space<semaphore_mem>>) src(%dma_wait3A_235 : memref<10000xf32, #tpu.memory_space<vmem>>) dst(%dma_wait3A_233 : memref<10000xf32, #tpu.memory_space<hbm>>)
        tpu.yield
      }) : () -> ()
      %mul3A_217 = arith.constant 655360 : i32
      %mul3A_218 = arith.muli %arg0, %mul3A_217 : i32
      %add3A_219 = arith.constant 7 : i32
      %add3A_220 = arith.addi %mul3A_32, %add3A_219 : i32
      %mul3A_221 = arith.constant 10240 : i32
      %mul3A_222 = arith.muli %add3A_220, %mul3A_221 : i32
      %add3A_223 = arith.addi %mul3A_218, %mul3A_222 : i32
      "tpu.region"() ({
        %run_scoped3A = tpu.sem_alloc : memref<!tpu.dma_semaphore, #tpu.memory_space<semaphore_mem>>
        %dma_start3A_224 = arith.constant 70000 : i32
        %dma_start3A_225 = tpu.memref_slice %arg7[%dma_start3A_224] : memref<80000xf32, #tpu.memory_space<vmem>> -> memref<10000xf32, #tpu.memory_space<vmem>>
        %dma_start3A_226 = tpu.memref_slice %arg4[%add3A_223] : memref<1310720xf32, #tpu.memory_space<hbm>> -> memref<10000xf32, #tpu.memory_space<hbm>>
        %dma_start3A_227 = tpu.memref_slice %arg4[%add3A_223] : memref<1310720xf32, #tpu.memory_space<hbm>> -> memref<10000xf32, #tpu.memory_space<hbm>>
        %dma_start3A_228 = arith.constant 70000 : i32
        %dma_start3A_229 = tpu.memref_slice %arg7[%dma_start3A_228] : memref<80000xf32, #tpu.memory_space<vmem>> -> memref<10000xf32, #tpu.memory_space<vmem>>
        tpu.enqueue_dma source(%dma_start3A_229 : memref<10000xf32, #tpu.memory_space<vmem>>) target(%dma_start3A_227 : memref<10000xf32, #tpu.memory_space<hbm>>) target_semaphore(%run_scoped3A : memref<!tpu.dma_semaphore, #tpu.memory_space<semaphore_mem>>)
        %dma_wait3A_230 = arith.constant 70000 : i32
        %dma_wait3A_231 = tpu.memref_slice %arg7[%dma_wait3A_230] : memref<80000xf32, #tpu.memory_space<vmem>> -> memref<10000xf32, #tpu.memory_space<vmem>>
        %dma_wait3A_232 = tpu.memref_slice %arg4[%add3A_223] : memref<1310720xf32, #tpu.memory_space<hbm>> -> memref<10000xf32, #tpu.memory_space<hbm>>
        %dma_wait3A_233 = tpu.memref_slice %arg4[%add3A_223] : memref<1310720xf32, #tpu.memory_space<hbm>> -> memref<10000xf32, #tpu.memory_space<hbm>>
        %dma_wait3A_234 = arith.constant 70000 : i32
        %dma_wait3A_235 = tpu.memref_slice %arg7[%dma_wait3A_234] : memref<80000xf32, #tpu.memory_space<vmem>> -> memref<10000xf32, #tpu.memory_space<vmem>>
        tpu.wait_dma2 semaphore(%run_scoped3A : memref<!tpu.dma_semaphore, #tpu.memory_space<semaphore_mem>>) src(%dma_wait3A_235 : memref<10000xf32, #tpu.memory_space<vmem>>) dst(%dma_wait3A_233 : memref<10000xf32, #tpu.memory_space<hbm>>)
        tpu.yield
      }) : () -> ()
    } else {
    }
    return
  }
}

module attributes {stable_mosaic.version = 14 : i64} {
  func.func @_edge_mlp_kernel(%arg0: i32, %arg1: memref<6400x16xf32, #tpu.memory_space<vmem>>, %arg2: memref<64x16xf32, #tpu.memory_space<vmem>>, %arg3: memref<64x1xf32, #tpu.memory_space<vmem>>, %arg4: memref<64x64xf32, #tpu.memory_space<vmem>>, %arg5: memref<64x1xf32, #tpu.memory_space<vmem>>, %arg6: memref<64x6400xf32, #tpu.memory_space<vmem>>) attributes {dimension_semantics = [#tpu.dimension_semantics<arbitrary>], iteration_bounds = array<i64: 50>, scalar_prefetch = 0 : i64, scratch_operands = 0 : i64, tpu.core_type = #tpu.core_type<tc>, window_params = [{transform_indices = @transform_0, window_bounds = array<i64: 6400, 16>}, {pipeline_mode = #tpu.pipeline_mode<synchronous>, transform_indices = @transform_1, window_bounds = array<i64: 64, 16>}, {pipeline_mode = #tpu.pipeline_mode<synchronous>, transform_indices = @transform_2, window_bounds = array<i64: 64, 1>}, {pipeline_mode = #tpu.pipeline_mode<synchronous>, transform_indices = @transform_3, window_bounds = array<i64: 64, 64>}, {pipeline_mode = #tpu.pipeline_mode<synchronous>, transform_indices = @transform_4, window_bounds = array<i64: 64, 1>}, {transform_indices = @transform_5, window_bounds = array<i64: 64, 6400>}]} {
    %get3A = arith.constant 0 : index
    %get3A_0 = arith.constant 0 : index
    %get3A_1 = vector.load %arg2[%get3A, %get3A_0] : memref<64x16xf32, #tpu.memory_space<vmem>>, vector<64x16xf32>
    %get3A_2 = arith.constant 0 : index
    %get3A_3 = arith.constant 0 : index
    %get3A_4 = vector.load %arg1[%get3A_2, %get3A_3] : memref<6400x16xf32, #tpu.memory_space<vmem>>, vector<6400x16xf32>
    %dot_general3A = arith.constant dense<0.000000e+00> : vector<64x6400xf32>
    %dot_general3A_5 = tpu.matmul %get3A_1, %get3A_4, %dot_general3A {dimension_numbers = #tpu.dot_dimension_numbers<[1], [1], [0], [0], [0, 0, 1, 0], [], []>, transpose_lhs_hint = false} : vector<64x16xf32>, vector<6400x16xf32>, vector<64x6400xf32> -> vector<64x6400xf32>
    %get3A_6 = arith.constant 0 : index
    %get3A_7 = arith.constant 0 : index
    %get3A_8 = vector.load %arg3[%get3A_6, %get3A_7] : memref<64x1xf32, #tpu.memory_space<vmem>>, vector<64x1xf32>
    %add3A = vector.broadcast %get3A_8 : vector<64x1xf32> to vector<64x6400xf32>
    %add3A_9 = arith.addf %dot_general3A_5, %add3A : vector<64x6400xf32>
    %max3A = arith.constant 0.000000e+00 : f32
    %max3A_10 = vector.broadcast %max3A : f32 to vector<64x6400xf32>
    %max3A_11 = arith.maximumf %add3A_9, %max3A_10 : vector<64x6400xf32>
    %get3A_12 = arith.constant 0 : index
    %get3A_13 = arith.constant 0 : index
    %get3A_14 = vector.load %arg4[%get3A_12, %get3A_13] : memref<64x64xf32, #tpu.memory_space<vmem>>, vector<64x64xf32>
    %dot_general3A_15 = arith.constant dense<0.000000e+00> : vector<64x6400xf32>
    %dot_general3A_16 = tpu.matmul %get3A_14, %max3A_11, %dot_general3A_15 {dimension_numbers = #tpu.dot_dimension_numbers<[1], [0], [0], [1], [0, 0, 1, 1], [], []>, transpose_lhs_hint = false} : vector<64x64xf32>, vector<64x6400xf32>, vector<64x6400xf32> -> vector<64x6400xf32>
    %get3A_17 = arith.constant 0 : index
    %get3A_18 = arith.constant 0 : index
    %get3A_19 = vector.load %arg5[%get3A_17, %get3A_18] : memref<64x1xf32, #tpu.memory_space<vmem>>, vector<64x1xf32>
    %add3A_20 = vector.broadcast %get3A_19 : vector<64x1xf32> to vector<64x6400xf32>
    %add3A_21 = arith.addf %dot_general3A_16, %add3A_20 : vector<64x6400xf32>
    %max3A_22 = arith.constant 0.000000e+00 : f32
    %max3A_23 = vector.broadcast %max3A_22 : f32 to vector<64x6400xf32>
    %max3A_24 = arith.maximumf %add3A_21, %max3A_23 : vector<64x6400xf32>
    %swap3A = arith.constant 0 : index
    %swap3A_25 = arith.constant 0 : index
    %swap3A_26 = vector.load %arg6[%swap3A, %swap3A_25] : memref<64x6400xf32, #tpu.memory_space<vmem>>, vector<64x6400xf32>
    tpu.vector_store %arg6[%swap3A, %swap3A_25], %max3A_24 {strides = array<i32>} : memref<64x6400xf32, #tpu.memory_space<vmem>>, vector<64x6400xf32>,
    return
  }
  func.func @transform_0(%arg0: i32) -> (i32, i32) {
    %c0_i32 = arith.constant 0 : i32
    %c0_i32_0 = arith.constant 0 : i32
    return %arg0, %c0_i32 : i32, i32
  }
  func.func @transform_1(%arg0: i32) -> (i32, i32) {
    %c0_i32 = arith.constant 0 : i32
    %c0_i32_0 = arith.constant 0 : i32
    %c0_i32_1 = arith.constant 0 : i32
    return %c0_i32, %c0_i32_0 : i32, i32
  }
  func.func @transform_2(%arg0: i32) -> (i32, i32) {
    %c0_i32 = arith.constant 0 : i32
    %c0_i32_0 = arith.constant 0 : i32
    %c0_i32_1 = arith.constant 0 : i32
    return %c0_i32, %c0_i32_0 : i32, i32
  }
  func.func @transform_3(%arg0: i32) -> (i32, i32) {
    %c0_i32 = arith.constant 0 : i32
    %c0_i32_0 = arith.constant 0 : i32
    %c0_i32_1 = arith.constant 0 : i32
    return %c0_i32, %c0_i32_0 : i32, i32
  }
  func.func @transform_4(%arg0: i32) -> (i32, i32) {
    %c0_i32 = arith.constant 0 : i32
    %c0_i32_0 = arith.constant 0 : i32
    %c0_i32_1 = arith.constant 0 : i32
    return %c0_i32, %c0_i32_0 : i32, i32
  }
  func.func @transform_5(%arg0: i32) -> (i32, i32) {
    %c0_i32 = arith.constant 0 : i32
    %c0_i32_0 = arith.constant 0 : i32
    return %c0_i32, %arg0 : i32, i32
  }
}

module attributes {stable_mosaic.version = 14 : i64} {
  func.func @_node_kernel(%arg0: i32, %arg1: memref<2048x128xf32, #tpu.memory_space<vmem>>, %arg2: memref<64x128xf32, #tpu.memory_space<vmem>>, %arg3: memref<64x1xf32, #tpu.memory_space<vmem>>, %arg4: memref<64x64xf32, #tpu.memory_space<vmem>>, %arg5: memref<64x1xf32, #tpu.memory_space<vmem>>, %arg6: memref<64x2048xf32, #tpu.memory_space<vmem>>, %arg7: memref<64x2048xf32, #tpu.memory_space<vmem>>, %arg8: memref<128x2048xf32, #tpu.memory_space<vmem>>) attributes {dimension_semantics = [#tpu.dimension_semantics<arbitrary>], iteration_bounds = array<i64: 5>, scalar_prefetch = 0 : i64, scratch_operands = 0 : i64, tpu.core_type = #tpu.core_type<tc>, window_params = [{transform_indices = @transform_0, window_bounds = array<i64: 2048, 128>}, {pipeline_mode = #tpu.pipeline_mode<synchronous>, transform_indices = @transform_1, window_bounds = array<i64: 64, 128>}, {pipeline_mode = #tpu.pipeline_mode<synchronous>, transform_indices = @transform_2, window_bounds = array<i64: 64, 1>}, {pipeline_mode = #tpu.pipeline_mode<synchronous>, transform_indices = @transform_3, window_bounds = array<i64: 64, 64>}, {pipeline_mode = #tpu.pipeline_mode<synchronous>, transform_indices = @transform_4, window_bounds = array<i64: 64, 1>}, {transform_indices = @transform_5, window_bounds = array<i64: 64, 2048>}, {transform_indices = @transform_6, window_bounds = array<i64: 64, 2048>}, {transform_indices = @transform_7, window_bounds = array<i64: 128, 2048>}]} {
    %get3A = arith.constant 0 : index
    %get3A_0 = arith.constant 0 : index
    %get3A_1 = vector.load %arg2[%get3A, %get3A_0] : memref<64x128xf32, #tpu.memory_space<vmem>>, vector<64x128xf32>
    %get3A_2 = arith.constant 0 : index
    %get3A_3 = arith.constant 0 : index
    %get3A_4 = vector.load %arg1[%get3A_2, %get3A_3] : memref<2048x128xf32, #tpu.memory_space<vmem>>, vector<2048x128xf32>
    %dot_general3A = arith.constant dense<0.000000e+00> : vector<64x2048xf32>
    %dot_general3A_5 = tpu.matmul %get3A_1, %get3A_4, %dot_general3A {dimension_numbers = #tpu.dot_dimension_numbers<[1], [1], [0], [0], [0, 0, 1, 0], [], []>, transpose_lhs_hint = false} : vector<64x128xf32>, vector<2048x128xf32>, vector<64x2048xf32> -> vector<64x2048xf32>
    %get3A_6 = arith.constant 0 : index
    %get3A_7 = arith.constant 0 : index
    %get3A_8 = vector.load %arg3[%get3A_6, %get3A_7] : memref<64x1xf32, #tpu.memory_space<vmem>>, vector<64x1xf32>
    %add3A = vector.broadcast %get3A_8 : vector<64x1xf32> to vector<64x2048xf32>
    %add3A_9 = arith.addf %dot_general3A_5, %add3A : vector<64x2048xf32>
    %max3A = arith.constant 0.000000e+00 : f32
    %max3A_10 = vector.broadcast %max3A : f32 to vector<64x2048xf32>
    %max3A_11 = arith.maximumf %add3A_9, %max3A_10 : vector<64x2048xf32>
    %get3A_12 = arith.constant 0 : index
    %get3A_13 = arith.constant 0 : index
    %get3A_14 = vector.load %arg4[%get3A_12, %get3A_13] : memref<64x64xf32, #tpu.memory_space<vmem>>, vector<64x64xf32>
    %dot_general3A_15 = arith.constant dense<0.000000e+00> : vector<64x2048xf32>
    %dot_general3A_16 = tpu.matmul %get3A_14, %max3A_11, %dot_general3A_15 {dimension_numbers = #tpu.dot_dimension_numbers<[1], [0], [0], [1], [0, 0, 1, 1], [], []>, transpose_lhs_hint = false} : vector<64x64xf32>, vector<64x2048xf32>, vector<64x2048xf32> -> vector<64x2048xf32>
    %get3A_17 = arith.constant 0 : index
    %get3A_18 = arith.constant 0 : index
    %get3A_19 = vector.load %arg5[%get3A_17, %get3A_18] : memref<64x1xf32, #tpu.memory_space<vmem>>, vector<64x1xf32>
    %add3A_20 = vector.broadcast %get3A_19 : vector<64x1xf32> to vector<64x2048xf32>
    %add3A_21 = arith.addf %dot_general3A_16, %add3A_20 : vector<64x2048xf32>
    %max3A_22 = arith.constant 0.000000e+00 : f32
    %max3A_23 = vector.broadcast %max3A_22 : f32 to vector<64x2048xf32>
    %max3A_24 = arith.maximumf %add3A_21, %max3A_23 : vector<64x2048xf32>
    %swap3A = arith.constant 0 : index
    %swap3A_25 = arith.constant 0 : index
    %swap3A_26 = vector.load %arg8[%swap3A, %swap3A_25] : memref<128x2048xf32, #tpu.memory_space<vmem>>, vector<64x2048xf32>
    tpu.vector_store %arg8[%swap3A, %swap3A_25], %max3A_24 {strides = array<i32>} : memref<128x2048xf32, #tpu.memory_space<vmem>>, vector<64x2048xf32>,
    %get3A_27 = arith.constant 0 : index
    %get3A_28 = arith.constant 0 : index
    %get3A_29 = vector.load %arg6[%get3A_27, %get3A_28] : memref<64x2048xf32, #tpu.memory_space<vmem>>, vector<64x2048xf32>
    %get3A_30 = arith.constant 0 : index
    %get3A_31 = arith.constant 0 : index
    %get3A_32 = vector.load %arg7[%get3A_30, %get3A_31] : memref<64x2048xf32, #tpu.memory_space<vmem>>, vector<64x2048xf32>
    %max3A_33 = arith.maximumf %get3A_29, %get3A_32 : vector<64x2048xf32>
    %swap3A_34 = arith.constant 64 : index
    %swap3A_35 = arith.constant 0 : index
    %swap3A_36 = vector.load %arg8[%swap3A_34, %swap3A_35] : memref<128x2048xf32, #tpu.memory_space<vmem>>, vector<64x2048xf32>
    tpu.vector_store %arg8[%swap3A_34, %swap3A_35], %max3A_33 {strides = array<i32>} : memref<128x2048xf32, #tpu.memory_space<vmem>>, vector<64x2048xf32>,
    return
  }
  func.func @transform_0(%arg0: i32) -> (i32, i32) {
    %c0_i32 = arith.constant 0 : i32
    %c0_i32_0 = arith.constant 0 : i32
    return %arg0, %c0_i32 : i32, i32
  }
  func.func @transform_1(%arg0: i32) -> (i32, i32) {
    %c0_i32 = arith.constant 0 : i32
    %c0_i32_0 = arith.constant 0 : i32
    %c0_i32_1 = arith.constant 0 : i32
    return %c0_i32, %c0_i32_0 : i32, i32
  }
  func.func @transform_2(%arg0: i32) -> (i32, i32) {
    %c0_i32 = arith.constant 0 : i32
    %c0_i32_0 = arith.constant 0 : i32
    %c0_i32_1 = arith.constant 0 : i32
    return %c0_i32, %c0_i32_0 : i32, i32
  }
  func.func @transform_3(%arg0: i32) -> (i32, i32) {
    %c0_i32 = arith.constant 0 : i32
    %c0_i32_0 = arith.constant 0 : i32
    %c0_i32_1 = arith.constant 0 : i32
    return %c0_i32, %c0_i32_0 : i32, i32
  }
  func.func @transform_4(%arg0: i32) -> (i32, i32) {
    %c0_i32 = arith.constant 0 : i32
    %c0_i32_0 = arith.constant 0 : i32
    %c0_i32_1 = arith.constant 0 : i32
    return %c0_i32, %c0_i32_0 : i32, i32
  }
  func.func @transform_5(%arg0: i32) -> (i32, i32) {
    %c0_i32 = arith.constant 0 : i32
    %c0_i32_0 = arith.constant 0 : i32
    return %c0_i32, %arg0 : i32, i32
  }
  func.func @transform_6(%arg0: i32) -> (i32, i32) {
    %c0_i32 = arith.constant 0 : i32
    %c0_i32_0 = arith.constant 0 : i32
    return %c0_i32, %arg0 : i32, i32
  }
  func.func @transform_7(%arg0: i32) -> (i32, i32) {
    %c0_i32 = arith.constant 0 : i32
    %c0_i32_0 = arith.constant 0 : i32
    return %c0_i32, %arg0 : i32, i32
  }
}

</mosaic_0001>

<sc_bundles>
// kernel: kernel.5.cloned.1.call-start
scs
__scs_entry_jumppad:
0x0: {  	(pc) =	sbr.rel $0x88, $3  }
0x1: {  	(tag) =	ssettag $0x0;
	lr =	simm.s32 $0x1  }
0x2: {  	[smem:$0x3F96] =	sst lr;
	_ =	strace $0xD0000000  }
0x3: {  	_ = 	snop  }
0x4: {  	_ = 	snop  }
0x5: {  	_ = 	snop  }
0x6: {  	_ = 	snop  }
0x7: {  	_ = 	snop  }
__scs_overlays_trampoline_lowered:
0x8: {  	[smem:$0x3FA5] =	sst s0  }
0x9: {  	[smem:$0x3FA6] =	sst s1  }
0xa: {  	[smem:$0x3FA7] =	sst s2  }
0xb: {  	[smem:$0x3FA8] =	sst s3  }
0xc: {  	[smem:$0x3FA9] =	sst s4  }
0xd: {  	[smem:$0x3FAA] =	sst s5  }
0xe: {  	[smem:$0x3FAB] =	sst s6  }
0xf: {  	[smem:$0x3FAC] =	sst s7  }
0x10: {  	[smem:$0x3FAD] =	sst s8  }
0x11: {  	[smem:$0x3FAE] =	sst s9;
	s0 =	simm.s32 @!p0 $0x0  }
0x12: {  	s1 =	sld [smem:$0x3F94];
	s0 =	simm.s32 @p0 $0x1  }
0x13: {  	[smem:$0x3FAF] =	sst s0;
	s0 =	simm.s32 @!p1 $0x0  }
0x14: {  	s2 =	sld [smem:$0x3F93];
	s0 =	simm.s32 @p1 $0x1  }
0x15: {  	[smem:$0x3FB0] =	sst s0;
	s0 =	simm.s32 @!p2 $0x0  }
0x16: {  	s3 =	sld [smem:$0x3FDB];
	s0 =	simm.s32 @p2 $0x1  }
0x17: {  	s4 =	simm.s32 $0x1BF5;
	[smem:$0x3FB2] =	sst s0  }
0x18: {  	s0 =	sld [smem:$0x3F95];
	_ =	swait.ge [sflag:s4], $0x0  }
0x19: {  	s7 =	sld [smem:$0x3F96]  }
0x1a: {  	s8 =	sadd.s32 $0xFFFFE003, lr  }
0x1b: {  	s9 =	sadd.s32 $0xFFFFFEF7, lr;
	s5 =	simm.s32 $0xFFFFFFFF;
	p2 =	slt.u32 s8, $0xFFFFF086  }
0x1c: {  	p1 =	slt.u32 s9, $0xF7A;
	s5 =	simm.s32 @!p2 $0x0  }
0x1d: {  	s5 =	simm.s32 @p1 $0x1;
	p0 =	seq.s32 s7, s2  }
0x1e: {  	s7 =	smul.u32 @!p0 $0xF7A, s2;
	p2 =	seq.s32 @!p0 s5, $0x0  }
0x1f: {  	s9 =	smul.u32 $0xF7A, s1;
	s8 =	simm.s32 @!p0 $0x1BF5;
	p2 =	por !p2, p0  }
0x20: {  	[sflag:s8] =	ssyncset.s32 @!p0 $0xFFFFF086;
	s6 =	sadd.s32 @!p0 s3, s7;
	s7 =	simm.s32 @!p0 $0x108  }
0x21: {  	s3 =	sadd.s32 s3, s9;
	s6 =	sadd.s32 @!p0 $0x88, s6;
	s7 =	simm.s32 @p2 $0x1082  }
0x22: {  	[simem:s7], [sflag:s8] =	dma.local @!p0 [hbm:s6], $0xF7A  }
0x23: {  	s9 =	sor.u32 $0xD0000000, s2;
	s6 =	simm.s32 $0x108;
	_ =	swait.ge @!p0 [sflag:s8], $0x0  }
0x24: {  	s3 =	sadd.s32 $0x88, s3;
	s6 =	simm.s32 @!p1 $0x1082;
	[sflag:s4] =	ssyncset.s32 $0xFFFFF086  }
0x25: {  	[simem:s6], [sflag:s4] =	dma.local [hbm:s3], $0xF7A  }
0x26: {  	[smem:$0x3F96] =	sst s1;
	(tag) =	ssettag s2;
	_ =	strace s9  }
0x27: {  	s1 =	sld [smem:$0x3FA6]  }
0x28: {  	s2 =	sld [smem:$0x3FA7]  }
0x29: {  	s4 =	sld [smem:$0x3FA9]  }
0x2a: {  	p0 =	seq.s32 s5, $0x0;
	s5 =	sld [smem:$0x3FAA]  }
0x2b: {  	s6 =	sld [smem:$0x3FAB]  }
0x2c: {  	s7 =	sld [smem:$0x3FAC]  }
0x2d: {  	s3 =	simm.s32 $0x108;
	s8 =	sld [smem:$0x3FAD]  }
0x2e: {  	s3 =	simm.s32 @!p0 $0x1082;
	s9 =	sld [smem:$0x3FAE]  }
0x2f: {  	lr =	sadd.s32 s0, s3;
	s0 =	sld [smem:$0x3FA5]  }
0x30: {  	s3 =	sld [smem:$0x3FA8]  }
0x31: {  	[smem:$0x3FB1] =	sst s10  }
0x32: {  	s10 =	sld [smem:$0x3FAF];
	_ =	sdelay $0x3  }
0x33: {  	p0 =	seq.s32 s10, $0x1;
	s10 =	sld [smem:$0x3FB1];
	_ =	sdelay $0x3  }
0x34: {  	[smem:$0x3FB1] =	sst s10  }
0x35: {  	s10 =	sld [smem:$0x3FB0];
	_ =	sdelay $0x3  }
0x36: {  	p1 =	seq.s32 s10, $0x1;
	s10 =	sld [smem:$0x3FB1];
	_ =	sdelay $0x3  }
0x37: {  	[smem:$0x3FB1] =	sst s10  }
0x38: {  	s10 =	sld [smem:$0x3FB2]  }
0x39: {  	_ = 	snop;
	(pc) =	sbr.ind lr, $3  }
0x3a: {  	_ = 	snop  }
0x3b: {  	_ = 	snop  }
0x3c: {  	p2 =	seq.s32 s10, $0x1;
	s10 =	sld [smem:$0x3FB1]  }
0x3d: {  	_ =	shalt  }
0x3e: {  	_ =	shalt  }
0x3f: {  	_ =	shalt  }
0x40: {  	_ =	shalt  }
0x41: {  	_ =	shalt  }
0x42: {  	_ =	shalt  }
0x43: {  	_ =	shalt  }
0x44: {  	_ =	shalt  }
0x45: {  	_ =	shalt  }
0x46: {  	_ =	shalt  }
0x47: {  	_ =	shalt  }
0x48: {  	_ =	shalt  }
0x49: {  	_ =	shalt  }
0x4a: {  	_ =	shalt  }
0x4b: {  	_ =	shalt  }
0x4c: {  	_ =	shalt  }
0x4d: {  	_ =	shalt  }
0x4e: {  	_ =	shalt  }
0x4f: {  	_ =	shalt  }
0x50: {  	_ =	shalt  }
0x51: {  	_ =	shalt  }
0x52: {  	_ =	shalt  }
0x53: {  	_ =	shalt  }
0x54: {  	_ =	shalt  }
0x55: {  	_ =	shalt  }
0x56: {  	_ =	shalt  }
0x57: {  	_ =	shalt  }
0x58: {  	_ =	shalt  }
0x59: {  	_ =	shalt  }
0x5a: {  	_ =	shalt  }
0x5b: {  	_ =	shalt  }
0x5c: {  	_ =	shalt  }
0x5d: {  	_ =	shalt  }
0x5e: {  	_ =	shalt  }
0x5f: {  	_ =	shalt  }
0x60: {  	_ =	shalt  }
0x61: {  	_ =	shalt  }
0x62: {  	_ =	shalt  }
0x63: {  	_ =	shalt  }
0x64: {  	_ =	shalt  }
0x65: {  	_ =	shalt  }
0x66: {  	_ =	shalt  }
0x67: {  	_ =	shalt  }
0x68: {  	_ =	shalt  }
0x69: {  	_ =	shalt  }
0x6a: {  	_ =	shalt  }
0x6b: {  	_ =	shalt  }
0x6c: {  	_ =	shalt  }
0x6d: {  	_ =	shalt  }
0x6e: {  	_ =	shalt  }
0x6f: {  	_ =	shalt  }
0x70: {  	_ =	shalt  }
0x71: {  	_ =	shalt  }
0x72: {  	_ =	shalt  }
0x73: {  	_ =	shalt  }
0x74: {  	_ =	shalt  }
0x75: {  	_ =	shalt  }
0x76: {  	_ =	shalt  }
0x77: {  	_ =	shalt  }
0x78: {  	_ =	shalt  }
0x79: {  	_ =	shalt  }
0x7a: {  	_ =	shalt  }
0x7b: {  	_ =	shalt  }
0x7c: {  	_ =	shalt  }
0x7d: {  	_ =	shalt  }
0x7e: {  	_ =	shalt  }
0x7f: {  	_ =	shalt  }
0x80: {  	_ =	shalt  }
0x81: {  	_ =	shalt  }
0x82: {  	_ =	shalt  }
0x83: {  	_ =	shalt  }
0x84: {  	_ =	shalt  }
0x85: {  	_ =	shalt  }
0x86: {  	_ =	shalt  }
0x87: {  	_ =	shalt  }
.Lfunc_end0:
.L_simem_size_0:
called_computation_lowered:
.L_overlay_start_0:
0x88: {  	s2 =	sld [smem:$0x3FD9]  }
0x89: {  	s3 =	sld [smem:$0x3FFE];
	_ =	sdelay $0x1  }
0x8a: {  	s1 =	srdreg.scid  }
0x8b: {  	s0 =	sand.u32 $0x1, s1  }
0x8c: {  	s17 =	sshll.u32 s0, $0xA;
	s2 =	sadd.s32 s3, s2  }
0x8d: {  	s2 =	sadd.s32 s2, s17  }
0x8e: {  	[smem:$0x3FBD] =	sst s2  }
0x8f: {  	_ = 	snop  }
0x90: {  	s2 =	sld [smem:$0x3FD0];
	(tm) =	ssettm $0x1  }
0x91: {  	s18 =	sld [smem:$0x3FFB];
	_ =	sdelay $0x3  }
0x92: {  	_ =	strace s18  }
0x93: {  	s3 =	sld [smem:$0x3FFC];
	_ =	sdelay $0x3  }
0x94: {  	_ =	strace s3  }
0x95: {  	s3 =	sld [smem:$0x3FFD];
	_ =	sdelay $0x3  }
0x96: {  	_ =	strace s3  }
0x97: {  	_ =	strace $0x8FFFFFFF  }
0x98: {  	s19 =	sld [smem:$0x3FDB];
	_ =	sdelay $0x1  }
0x99: {  	s4 =	simm.s32 $_scs_section_size  }
0x9a: {  	s5 =	simm.s32 $_size__tile_overlayer_lowered;
	s6 =	simm.s32 $_tile_overlayer_lowered  }
0x9b: {  	s22 =	simm.s32 $0x1BFF;
	s21 =	sshll.u32 s6, $0x1;
	s3 =	sadd.s32 s4, s19  }
0x9c: {  	s7 =	simm.s32 $0x0;
	s20 =	sshll.u32 s5, $0x1;
	s5 =	sadd.s32 s21, s3  }
0x9d: {  	[timem:s7], [sflag:s22] =	dma.local [hbm:s5], s20  }
0x9e: {  	_ =	swait.ge [sflag:s22], s20  }
0x9f: {  	s4 =	ssub.s32 $0x0, s20;
	[sflag:s22] =	ssyncset.done $0x0  }
0xa0: {  	[sflag:s22] =	ssyncadd.s32 s4;
	_ =	sdelay $0x1  }
0xa1: {  	s23 =	simm.s32 $0x1B8B  }
0xa2: {  	_ =	swait.ge [sflag:s23], $0x1  }
0xa3: {  	[sflag:s23] =	ssyncset.done $0x0  }
0xa4: {  	s25 =	simm.s32 $0x1B8E;
	s24 =	sld [smem:$0x3FFE];
	[sflag:s23] =	ssyncadd.s32 $0xFFFFFFFF  }
0xa5: {  	s26 =	simm.s32 $execute0_lowered;
	[smem:$0x3FD2] =	sst s25  }
0xa6: {  	s5 =	sshll.u32 s26, $0x1;
	_ =	strace $0x80000046;
	[dreg:$0x1] =	wrdreg $0xFFFFFFFF  }
0xa7: {  	s28 =	simm.s32 $_size_execute0_lowered;
	s3 =	sadd.s32 s3, s5;
	[dreg:$0x0] =	wrdreg $0x0  }
0xa8: {  	s5 =	sshll.u32 s28, $0x1;
	[dreg:$0x2] =	wrdreg s3  }
0xa9: {  	[dreg:$0x3] =	wrdreg s5  }
0xaa: {  	[dreg:$0x4] =	wrdreg $0xC0  }
0xab: {  	_ =	task [dreg:s7], $0x5FFFF  }
0xac: {  	[dreg:$0x1] =	wrdreg $0xFFFFFFFF  }
0xad: {  	[dreg:$0x0] =	wrdreg $0x60  }
0xae: {  	[dreg:$0x2] =	wrdreg s2  }
0xaf: {  	[dreg:$0x3] =	wrdreg s24  }
0xb0: {  	[dreg:$0x4] =	wrdreg $0x1A4000  }
0xb1: {  	[dreg:$0x5] =	wrdreg $0x9  }
0xb2: {  	_ =	task.clear_ibuf [dreg:s7], $0x6FFFF;
	_ =	strace $0x90000046  }
0xb3: {  	s29 =	simm.s32 $0x9;
	_ =	strace $0x80000048  }
0xb4: {  	_ =	swait.ge [sflag:s29], $0x1  }
0xb5: {  	[sflag:s29] =	ssyncadd.s32 $0xFFFFFFFF  }
0xb6: {  	_ =	strace $0x90000048  }
0xb7: {  	_ =	sfence  }
0xb8: {  	s30 =	sld [smem:$0x0];
	_ =	sdelay $0x2  }
0xb9: {  	s31 =	sshll.u32 s1, $0xD;
	s1 =	sshrl.u32 s1, $0x2  }
0xba: {  	s3 =	sand.u32 $0x4000, s31;
	s1 =	sadd.s32 s1, s30  }
0xbb: {  	s0 =	sor.u32 s3, s0;
	s1 =	sshll.u32 s1, $0x11  }
0xbc: {  	s0 =	sor.u32 s1, s0  }
0xbd: {  	s0 =	sadd.s32 $0x8F2B, s0  }
0xbe: {  	[sflag:s0] =	ssyncadd.remote.s32 $0x1  }
0xbf: {  	_ =	sfence.sel $0xFFFF  }
0xc0: {  	[dreg:$0x0] =	wrdreg $0xFFFFFFFF;
	(pc) =	sbr.abs _section_cstart, $3  }
0xc1: {  	[dreg:$0x1] =	wrdreg $0xFFFFFFFF  }
0xc2: {  	_ =	task.clear_ibuf [dreg:s7], $0x2FFFF;
	_ =	strace $0x9FFFFFFF  }
0xc3: {  	(tm) =	ssettm $0x7FFFFFFF  }
tec
execute0_lowered:
.L_overlay_start_1:
0x0: {  	(tag) =	ssettag $0x1  }
0x1: {  	s11 =	rddreg [dreg:$0x0]  }
0x2: {  	s0 =	rddreg [dreg:$0x1]  }
0x3: {  	s1 =	rddreg [dreg:$0x2];
	s2 =	srdreg.scid  }
0x4: {  	s3 =	simm.s32 $0x0;
	s12 =	stileid.u32;
	s2 =	sand.u32 $0x1, s2  }
0x5: {  	[smem:$0x7FF] =	sst s3;
	s26 =	sand.u32 $0x7, s12;
	s6 =	sshrl.u32 s12, $0x3  }
0x6: {  	s9 =	sadd.s32 $0x4E3E00, s0;
	s17 =	sshll.u32 s12, $0x7;
	s4 =	smul.u32 $0xA0000, s2  }
0x7: {  	s5 =	smul.u32 $0x14000, s26;
	s7 =	sshll.u32 s2, $0x1;
	_ =	strace $0x80000047  }
0x8: {  	s2 =	ssub.s32 $0x2, s2;
	s3 =	sshll.u32 s26, $0x7;
	s7 =	sor.u32 s6, s7  }
0x9: {  	s29 =	sshrl.u32 s2, $0x1;
	s3 =	sadd.s32 s3, s1;
	s1 =	sadd.s32 s17, s1  }
0xa: {  	s10 =	smul.u32 $0x13880, s7;
	s2 =	ssub.s32 s2, s29;
	[dreg:$0x8] =	wrdreg s3  }
0xb: {  	s4 =	sadd.s32 s4, s5;
	[dreg:$0x9] =	wrdreg s1;
	s25 =	smax.u32 s2, $0x1  }
0xc: {  	s4 =	sshrl.u32 s4, $0x3;
	s15 =	sadd.s32 $0x280, s10;
	[dreg:$0x12] =	wrdreg s25  }
0xd: {  	s0 =	sadd.s32 s4, s0;
	s16 =	sadd.s32 $0x500, s10;
	[dreg:$0x6] =	wrdreg s15  }
0xe: {  	[dreg:$0x7] =	wrdreg s16;
	s18 =	sadd.s32 $0x1E00, s0  }
0xf: {  	s31 =	simm.s32 $0x2;
	s19 =	sadd.s32 $0x2300, s0;
	[dreg:$0xa] =	wrdreg s18  }
0x10: {  	s8 =	smul.u32 $0x271000, s26;
	s20 =	sadd.s32 $0x2800, s0;
	[dreg:$0xb] =	wrdreg s19  }
0x11: {  	p0 =	seq.s32 s6, $0x0;
	s21 =	sadd.s32 $0x2D00, s0;
	[dreg:$0xc] =	wrdreg s20  }
0x12: {  	s28 =	smul.u32 $0x9C400, s7;
	s22 =	sadd.s32 $0x3200, s0;
	[dreg:$0xd] =	wrdreg s21  }
0x13: {  	s17 =	simm.s32 $0x4;
	s23 =	sadd.s32 $0x3700, s0;
	[dreg:$0xe] =	wrdreg s22  }
0x14: {  	s5 =	sadd.s32 s8, s28;
	s24 =	sadd.s32 $0x3C00, s0;
	[dreg:$0xf] =	wrdreg s23  }
0x15: {  	s30 =	sshrl.u32 s10, $0x3;
	s0 =	sadd.s32 $0x4100, s0;
	[dreg:$0x10] =	wrdreg s24  }
0x16: {  	s5 =	sshrl.u32 s5, $0x3;
	s13 =	sadd.s32 s11, s30;
	[dreg:$0x11] =	wrdreg s0  }
0x17: {  	s14 =	sshrl.u32 s8, $0x3;
	s7 =	sadd.s32 s9, s5;
	[dreg:$0x4] =	wrdreg s13  }
.Ltmp0:
0x18: {  	s26 =	sadd.s32 $0x10, s13;
	[dreg:$0x5] =	wrdreg s7;
	(pc) =	sbr.rel .LBB2_1-.Ltmp0, $4  }
0x19: {  	s1 =	simm.s32 $0x0;
	s28 =	sadd.s32 $0x20, s13;
	[dreg:$0x13] =	wrdreg s26  }
0x1a: {  	s15 =	simm.s32 $0x2D00;
	s29 =	sadd.s32 $0x30, s13;
	[dreg:$0x14] =	wrdreg s28  }
0x1b: {  	s30 =	sadd.s32 $0x40, s13;
	s13 =	simm.s32 $0x1;
	[dreg:$0x15] =	wrdreg s29  }
0x1c: {  	v0 =	vimm.f32 $0.0e+00;
	s7 =	sadd.s32 s9, s14;
	[dreg:$0x16] =	wrdreg s30;
	s14 =	simm.s32 $0x3  }
.LBB2_47:
.Ltmp1:
0x1d: {  	(pc) =	sbr.rel @p0 .LBB2_49-.Ltmp1, $1  }
0x1e: {  	_ =	sdelay $0x3  }
0x1f: {  	s0 =	rddreg [dreg:$0x8]  }
0x20: {  	s1 =	simm.s32 $0x400;
	s2 =	simm.s32 $0x80;
	s3 =	simm.s32 $0x5  }
0x21: {  	[spmem:s0] =	stream.strided.scatter [tilespmem:s15], [sflag:$0x5], $0x3E80, s1, s2, $0x38;
	[tilespmem:$0x1C340] =	vst v63  }
0x22: {  	_ =	swait.ge [sflag:s3], $0x3E80  }
0x23: {  	[sflag:s3] =	ssyncset.done $0x0  }
0x24: {  	[sflag:s3] =	ssyncadd.s32 $0xFFFFC180  }
0x25: {  	[bflag:$0x0] =	sbarrier.arrive $0xFFFF  }
0x26: {  	s4 =	simm.s32 $0x6B80;
	[bflag:$0x0] =	sbarrier.arrive $0xFFFF  }
0x27: {  	[spmem:s0] =	stream.strided.scatter [tilespmem:s4], [sflag:$0x5], $0x3E80, s1, s2, $0x38;
	[tilespmem:$0x1C340] =	vst v63  }
0x28: {  	_ =	swait.ge [sflag:s3], $0x3E80  }
0x29: {  	[sflag:s3] =	ssyncset.done $0x0  }
0x2a: {  	[sflag:s3] =	ssyncadd.s32 $0xFFFFC180  }
0x2b: {  	[bflag:$0x0] =	sbarrier.arrive $0xFFFF  }
0x2c: {  	s28 =	simm.s32 $0xAA00;
	[bflag:$0x0] =	sbarrier.arrive $0xFFFF  }
0x2d: {  	[spmem:s0] =	stream.strided.scatter [tilespmem:s28], [sflag:$0x5], $0x3E80, s1, s2, $0x38;
	[tilespmem:$0x1C340] =	vst v63  }
0x2e: {  	_ =	swait.ge [sflag:s3], $0x3E80  }
0x2f: {  	[sflag:s3] =	ssyncset.done $0x0  }
0x30: {  	[sflag:s3] =	ssyncadd.s32 $0xFFFFC180  }
0x31: {  	[bflag:$0x0] =	sbarrier.arrive $0xFFFF  }
0x32: {  	s29 =	simm.s32 $0xE880;
	[bflag:$0x0] =	sbarrier.arrive $0xFFFF  }
0x33: {  	[spmem:s0] =	stream.strided.scatter [tilespmem:s29], [sflag:$0x5], $0x3E80, s1, s2, $0x38;
	[tilespmem:$0x1C340] =	vst v63  }
0x34: {  	_ =	swait.ge [sflag:s3], $0x3E80  }
0x35: {  	[sflag:s3] =	ssyncset.done $0x0  }
0x36: {  	[sflag:s3] =	ssyncadd.s32 $0xFFFFC180  }
0x37: {  	[bflag:$0x0] =	sbarrier.arrive $0xFFFF  }
0x38: {  	s30 =	simm.s32 $0x12700;
	[bflag:$0x0] =	sbarrier.arrive $0xFFFF  }
0x39: {  	[spmem:s0] =	stream.strided.scatter [tilespmem:s30], [sflag:$0x5], $0x3E80, s1, s2, $0x38;
	[tilespmem:$0x1C340] =	vst v63  }
0x3a: {  	_ =	swait.ge [sflag:s3], $0x3E80  }
0x3b: {  	[sflag:s3] =	ssyncset.done $0x0  }
0x3c: {  	[sflag:s3] =	ssyncadd.s32 $0xFFFFC180  }
0x3d: {  	[bflag:$0x0] =	sbarrier.arrive $0xFFFF  }
0x3e: {  	[bflag:$0x0] =	sbarrier.arrive $0xFFFF  }
0x3f: {  	s1 =	rddreg [dreg:$0x17]  }
.LBB2_60:
0x40: {  	s1 =	sadd.s32 $0x1, s1;
	s0 =	rddreg [dreg:$0x12]  }
0x41: {  	p1 =	sne.s32 s1, s0  }
.Ltmp2:
0x42: {  	_ = 	snop;
	(pc) =	sbr.rel @!p1 .LBB2_61-.Ltmp2, $1  }
0x43: {  	_ =	sdelay $0x3  }
.LBB2_1:
0x44: {  	[dreg:$0x17] =	wrdreg s1;
	s0 =	simm.s32 $0x40;
	s1 =	simm.s32 $0x0  }
.LBB2_2:
0x45: {  	p1 =	sne.s32 s0, $0x4E1C0;
	[tilespmem:s1+$0x2D00] =	vst v0;
	s1 =	smov.u32 s0;
	s0 =	sadd.s32 $0x40, s0  }
.Ltmp3:
0x46: {  	(pc) =	sbr.rel @p1 .LBB2_2-.Ltmp3, $2  }
0x47: {  	_ =	sdelay $0x2  }
0x48: {  	s1 =	sshra.s32 s1, $0x2  }
0x49: {  	[tilespmem:s1+$0x2D00] =	vst v0;
	s19 =	simm.s32 $0x0;
	s0 =	rddreg [dreg:$0x4]  }
0x4a: {  	[tilespmem:s19], [sflag:$0x1] =	stream.linear.gather [hbm4b:s0+s19], $0x80, $0x38;
	[tilespmem:$0x1C340] =	vst v63  }
0x4b: {  	s20 =	rddreg [dreg:$0x13];
	s21 =	simm.s32 $0x100  }
0x4c: {  	[tilespmem:s21], [sflag:$0x1] =	stream.linear.gather [hbm4b:s20+s19], $0x80, $0x38;
	[tilespmem:$0x1C340] =	vst v63  }
0x4d: {  	s22 =	rddreg [dreg:$0x14];
	s23 =	simm.s32 $0x200  }
0x4e: {  	[tilespmem:s23], [sflag:$0x1] =	stream.linear.gather [hbm4b:s22+s19], $0x80, $0x38;
	[tilespmem:$0x1C340] =	vst v63  }
0x4f: {  	s24 =	rddreg [dreg:$0x15];
	s25 =	simm.s32 $0x300  }
0x50: {  	[tilespmem:s25], [sflag:$0x1] =	stream.linear.gather [hbm4b:s24+s19], $0x80, $0x38;
	[tilespmem:$0x1C340] =	vst v63  }
.Ltmp4:
0x51: {  	_ = 	snop;
	(pc) =	sbr.rel .LBB2_4-.Ltmp4, $4  }
0x52: {  	s26 =	rddreg [dreg:$0x16];
	s28 =	simm.s32 $0x400  }
0x53: {  	[tilespmem:s28], [sflag:$0x1] =	stream.linear.gather [hbm4b:s26+s19], $0x80, $0x38;
	[tilespmem:$0x1C340] =	vst v63  }
0x54: {  	s29 =	rddreg [dreg:$0x5];
	s30 =	simm.s32 $0x500;
	s20 =	simm.s32 $0x0  }
0x55: {  	[tilespmem:s30], [sflag:$0x3] =	stream.linear.gather [hbm4b:s29+s19], $0x1400, $0x38;
	[tilespmem:$0x1C340] =	vst v63  }
.LBB2_32:
0x56: {  	s20 =	sadd.s32 $0x1, s20  }
0x57: {  	p1 =	sne.s32 s20, $0x3E  }
.Ltmp5:
0x58: {  	_ = 	snop;
	(pc) =	sbr.rel @!p1 .LBB2_33-.Ltmp5, $2  }
0x59: {  	_ =	sdelay $0x2  }
0x5a: {  	s11 =	smov.u32 s16  }
.LBB2_4:
0x5b: {  	s21 =	smul.u32 $0x500, s20  }
0x5c: {  	s0 =	rddreg [dreg:$0x6]  }
0x5d: {  	s0 =	sadd.s32 s21, s0  }
0x5e: {  	s1 =	sshrl.u32 s0, $0x3  }
0x5f: {  	s2 =	simm.s32 $0x80;
	s1 =	sadd.s32 s11, s1  }
0x60: {  	[tilespmem:s2], [sflag:$0x2] =	stream.linear.gather [hbm4b:s1+s19], $0x80, $0x38;
	[tilespmem:$0x1C340] =	vst v63  }
0x61: {  	s3 =	simm.s32 $0x180;
	s23 =	sadd.s32 $0x10, s1  }
0x62: {  	[tilespmem:s3], [sflag:$0x2] =	stream.linear.gather [hbm4b:s23+s19], $0x80, $0x38;
	[tilespmem:$0x1C340] =	vst v63  }
0x63: {  	s25 =	simm.s32 $0x280;
	s24 =	sadd.s32 $0x20, s1  }
0x64: {  	[tilespmem:s25], [sflag:$0x2] =	stream.linear.gather [hbm4b:s24+s19], $0x80, $0x38;
	[tilespmem:$0x1C340] =	vst v63  }
0x65: {  	s28 =	simm.s32 $0x380;
	s26 =	sadd.s32 $0x30, s1  }
0x66: {  	[tilespmem:s28], [sflag:$0x2] =	stream.linear.gather [hbm4b:s26+s19], $0x80, $0x38;
	[tilespmem:$0x1C340] =	vst v63  }
0x67: {  	s29 =	simm.s32 $0x480;
	s1 =	sadd.s32 $0x40, s1  }
0x68: {  	[tilespmem:s29], [sflag:$0x2] =	stream.linear.gather [hbm4b:s1+s19], $0x80, $0x38;
	[tilespmem:$0x1C340] =	vst v63  }
0x69: {  	s30 =	simm.s32 $0x1900;
	s0 =	sadd.s32 s0, s7  }
0x6a: {  	[tilespmem:s30], [sflag:$0x4] =	stream.linear.gather [hbm4b:s0+s19], $0x1400, $0x38;
	[tilespmem:$0x1C340] =	vst v63  }
0x6b: {  	_ =	swait.ge [sflag:s13], $0x280  }
.Ltmp6:
0x6c: {  	[sflag:s13] =	ssyncset.done $0x0;
	(pc) =	sbr.rel .LBB2_5-.Ltmp6, $4  }
0x6d: {  	[sflag:s13] =	ssyncadd.s32 $0xFFFFFD80  }
0x6e: {  	_ =	swait.ge [sflag:s14], $0x1400  }
0x6f: {  	[sflag:s14] =	ssyncset.done $0x0  }
0x70: {  	s22 =	simm.s32 $0x0;
	[sflag:s14] =	ssyncadd.s32 $0xFFFFEC00  }
.LBB2_13:
0x71: {  	_ = 	snop  }
.LBB2_16:
0x72: {  	_ =	sdelay $0x4  }
0x73: {  	[tilespmem:v8+s15+$0x0] =	vst.idx.msk @p1 vm0, v10  }
0x74: {  	v9 =	vld.idx.msk [tilespmem:v1+s15+$0x0], vm1  }
0x75: {  	v10 =	vld [tilespmem:s2+$0x0];
	_ =	sdelay $0x4  }
0x76: {  	v9 =	vmax.f32 v9, v10  }
0x77: {  	[tilespmem:v1+s15+$0x0] =	vst.idx.msk vm1, v9  }
0x78: {  	v1 =	vld.idx.msk [tilespmem:v2+s15+$0x0], vm1  }
0x79: {  	v9 =	vld [tilespmem:s2+$0x80];
	_ =	sdelay $0x4  }
0x7a: {  	v1 =	vmax.f32 v1, v9  }
0x7b: {  	[tilespmem:v2+s15+$0x0] =	vst.idx.msk vm1, v1  }
0x7c: {  	v1 =	vld.idx.msk [tilespmem:v3+s15+$0x0], vm1  }
0x7d: {  	v2 =	vld [tilespmem:s2+$0x100];
	_ =	sdelay $0x4  }
0x7e: {  	v1 =	vmax.f32 v1, v2  }
0x7f: {  	[tilespmem:v3+s15+$0x0] =	vst.idx.msk vm1, v1  }
0x80: {  	v1 =	vld.idx.msk [tilespmem:v4+s15+$0x0], vm1  }
0x81: {  	v2 =	vld [tilespmem:s2+$0x180];
	_ =	sdelay $0x4  }
0x82: {  	v1 =	vmax.f32 v1, v2  }
0x83: {  	[tilespmem:v4+s15+$0x0] =	vst.idx.msk vm1, v1  }
0x84: {  	v1 =	vld.idx.msk [tilespmem:v5+s15+$0x0], vm1  }
0x85: {  	v2 =	vld [tilespmem:s2+$0x200];
	_ =	sdelay $0x4  }
0x86: {  	v1 =	vmax.f32 v1, v2  }
0x87: {  	[tilespmem:v5+s15+$0x0] =	vst.idx.msk vm1, v1  }
0x88: {  	v1 =	vld.idx.msk [tilespmem:v6+s15+$0x0], vm1  }
0x89: {  	v2 =	vld [tilespmem:s2+$0x280];
	_ =	sdelay $0x4  }
0x8a: {  	v1 =	vmax.f32 v1, v2  }
0x8b: {  	[tilespmem:v6+s15+$0x0] =	vst.idx.msk vm1, v1  }
0x8c: {  	v1 =	vld.idx.msk [tilespmem:v7+s15+$0x0], vm1  }
0x8d: {  	v2 =	vld [tilespmem:s2+$0x300];
	_ =	sdelay $0x4  }
0x8e: {  	v1 =	vmax.f32 v1, v2  }
0x8f: {  	[tilespmem:v7+s15+$0x0] =	vst.idx.msk vm1, v1  }
0x90: {  	v1 =	vld.idx.msk [tilespmem:v8+s15+$0x0], vm1  }
0x91: {  	v2 =	vld [tilespmem:s2+$0x380];
	_ =	sdelay $0x4  }
0x92: {  	v1 =	vmax.f32 v1, v2  }
0x93: {  	vm15 =	vmmov vm1;
	[tilespmem:v8+s15+$0x0] =	vst.idx.msk vm1, v1  }
.LBB2_17:
0x94: {  	s22 =	sadd.s32 $0x1, s22  }
0x95: {  	p1 =	sne.s32 s22, $0x14  }
.Ltmp7:
0x96: {  	_ = 	snop;
	(pc) =	sbr.rel @!p1 .LBB2_18-.Ltmp7, $1  }
0x97: {  	_ =	sdelay $0x3  }
.LBB2_5:
0x98: {  	s0 =	sshll.u32 s22, $0x8  }
0x99: {  	s1 =	sshll.u32 s22, $0x5;
	s0 =	sand.u32 $0x1C00, s0  }
0x9a: {  	s2 =	sand.u32 $0x60, s1;
	s3 =	sshrl.u32 s0, $0x2  }
0x9b: {  	s1 =	sor.u32 s2, s3  }
0x9c: {  	v1 =	vld [tilespmem:s1+$0x0];
	_ =	sdelay $0x4  }
0x9d: {  	(xrf1) =	vunique.msk.u32 $0xffff, v1;
	_ =	sdelay $0xd  }
0x9e: {  	_, v9, _ =	vpop (xrf1)  }
0x9f: {  	vm0 =	veq.s32 v9, $0x1;
	_ =	sdelay $0x2  }
0xa0: {  	s4 =	sadd.s32 $0x500, s0  }
0xa1: {  	s5 =	sor.u32 s2, s4  }
0xa2: {  	v3 =	vld [tilespmem:s5+$0x0]  }
0xa3: {  	v4 =	vld.idx.msk [tilespmem:v1+s15+$0x0], vm0;
	_ =	sdelay $0x2  }
0xa4: {  	v2 =	vadd.s32 $0x2710, v1;
	_ =	sdelay $0x1  }
0xa5: {  	v3 =	vmax.f32 v4, v3  }
0xa6: {  	[tilespmem:v1+s15+$0x0] =	vst.idx.msk vm0, v3  }
0xa7: {  	v4 =	vld [tilespmem:s5+$0x80]  }
0xa8: {  	v5 =	vld.idx.msk [tilespmem:v2+s15+$0x0], vm0;
	_ =	sdelay $0x2  }
0xa9: {  	v3 =	vadd.s32 $0x4E20, v1;
	_ =	sdelay $0x1  }
0xaa: {  	v4 =	vmax.f32 v5, v4  }
0xab: {  	[tilespmem:v2+s15+$0x0] =	vst.idx.msk vm0, v4  }
0xac: {  	v5 =	vld [tilespmem:s5+$0x100]  }
0xad: {  	v6 =	vld.idx.msk [tilespmem:v3+s15+$0x0], vm0;
	_ =	sdelay $0x2  }
0xae: {  	v4 =	vadd.s32 $0x7530, v1;
	_ =	sdelay $0x1  }
0xaf: {  	v5 =	vmax.f32 v6, v5  }
0xb0: {  	[tilespmem:v3+s15+$0x0] =	vst.idx.msk vm0, v5  }
0xb1: {  	v6 =	vld [tilespmem:s5+$0x180]  }
0xb2: {  	v7 =	vld.idx.msk [tilespmem:v4+s15+$0x0], vm0;
	_ =	sdelay $0x2  }
0xb3: {  	v5 =	vadd.s32 $0x9C40, v1;
	_ =	sdelay $0x1  }
0xb4: {  	v6 =	vmax.f32 v7, v6  }
0xb5: {  	[tilespmem:v4+s15+$0x0] =	vst.idx.msk vm0, v6  }
0xb6: {  	v7 =	vld [tilespmem:s5+$0x200]  }
0xb7: {  	v10 =	vxor.u32 $0x80000000, v9;
	v8 =	vld.idx.msk [tilespmem:v5+s15+$0x0], vm0  }
0xb8: {  	(xrf0) =	vmax.scan.msk.u32 $0xffff, v10;
	_ =	sdelay $0x1  }
0xb9: {  	v6 =	vadd.s32 $0xC350, v1;
	_ =	sdelay $0x1  }
0xba: {  	v7 =	vmax.f32 v8, v7  }
0xbb: {  	[tilespmem:v5+s15+$0x0] =	vst.idx.msk vm0, v7  }
0xbc: {  	v11, _, _ =	vpop (xrf0);
	v8 =	vld [tilespmem:s5+$0x280]  }
0xbd: {  	(v2sf) =	vpush v11, $0xF;
	v10 =	vld.idx.msk [tilespmem:v6+s15+$0x0], vm0;
	_ =	sdelay $0x2  }
0xbe: {  	v7 =	vadd.s32 $0xEA60, v1;
	_ =	sdelay $0x1  }
0xbf: {  	v8 =	vmax.f32 v10, v8  }
0xc0: {  	[tilespmem:v6+s15+$0x0] =	vst.idx.msk vm0, v8  }
0xc1: {  	v10 =	vld [tilespmem:s5+$0x300]  }
0xc2: {  	v11 =	vld.idx.msk [tilespmem:v7+s15+$0x0], vm0;
	_ =	sdelay $0x2  }
0xc3: {  	v8 =	vadd.s32 $0x11170, v1;
	_ =	sdelay $0x1  }
0xc4: {  	v10 =	vmax.f32 v11, v10  }
0xc5: {  	[tilespmem:v7+s15+$0x0] =	vst.idx.msk vm0, v10  }
0xc6: {  	s30 =	spop (v2sf);
	v10 =	vld [tilespmem:s5+$0x380]  }
0xc7: {  	s9 =	sxor.u32 $0x80000000, s30;
	v11 =	vld.idx.msk [tilespmem:v8+s15+$0x0], vm0  }
0xc8: {  	p1 =	slt.s32 s9, $0x2  }
.Ltmp8:
0xc9: {  	_ = 	snop;
	(pc) =	sbr.rel @p1 .LBB2_11-.Ltmp8, $3  }
0xca: {  	_ =	sdelay $0x1  }
0xcb: {  	v10 =	vmax.f32 v11, v10  }
0xcc: {  	s0 =	simm.s32 $0x2;
	[tilespmem:v8+s15+$0x0] =	vst.idx.msk vm0, v10  }
0xcd: {  	p2 =	sge.s32 s9, $0x3  }
.Ltmp9:
0xce: {  	_ = 	snop;
	(pc) =	sbr.rel @!p2 .LBB2_7-.Ltmp9, $2  }
0xcf: {  	_ =	sdelay $0x2  }
0xd0: {  	s6 =	simm.s32 $0x3;
	vm1 =	veq.s32 v9, s0;
	p1 =	por $0x0, $0x0  }
0xd1: {  	_ =	sdelay $0x4  }
0xd2: {  	v10 =	vld.idx.msk [tilespmem:v1+s15+$0x0], vm1  }
0xd3: {  	v11 =	vld [tilespmem:s5+$0x0];
	_ =	sdelay $0x4  }
0xd4: {  	v10 =	vmax.f32 v10, v11  }
0xd5: {  	[tilespmem:v1+s15+$0x0] =	vst.idx.msk vm1, v10  }
0xd6: {  	v10 =	vld.idx.msk [tilespmem:v2+s15+$0x0], vm1  }
0xd7: {  	v11 =	vld [tilespmem:s5+$0x80];
	_ =	sdelay $0x4  }
0xd8: {  	v10 =	vmax.f32 v10, v11  }
0xd9: {  	[tilespmem:v2+s15+$0x0] =	vst.idx.msk vm1, v10  }
0xda: {  	v10 =	vld.idx.msk [tilespmem:v3+s15+$0x0], vm1  }
0xdb: {  	v11 =	vld [tilespmem:s5+$0x100];
	_ =	sdelay $0x4  }
0xdc: {  	v10 =	vmax.f32 v10, v11  }
0xdd: {  	[tilespmem:v3+s15+$0x0] =	vst.idx.msk vm1, v10  }
0xde: {  	v10 =	vld.idx.msk [tilespmem:v4+s15+$0x0], vm1  }
0xdf: {  	v11 =	vld [tilespmem:s5+$0x180];
	_ =	sdelay $0x4  }
0xe0: {  	v10 =	vmax.f32 v10, v11  }
0xe1: {  	[tilespmem:v4+s15+$0x0] =	vst.idx.msk vm1, v10  }
0xe2: {  	v10 =	vld.idx.msk [tilespmem:v5+s15+$0x0], vm1  }
0xe3: {  	v11 =	vld [tilespmem:s5+$0x200];
	_ =	sdelay $0x4  }
0xe4: {  	v10 =	vmax.f32 v10, v11  }
0xe5: {  	[tilespmem:v5+s15+$0x0] =	vst.idx.msk vm1, v10  }
0xe6: {  	v10 =	vld.idx.msk [tilespmem:v6+s15+$0x0], vm1  }
0xe7: {  	v11 =	vld [tilespmem:s5+$0x280];
	_ =	sdelay $0x4  }
0xe8: {  	v10 =	vmax.f32 v10, v11  }
0xe9: {  	[tilespmem:v6+s15+$0x0] =	vst.idx.msk vm1, v10  }
0xea: {  	v10 =	vld.idx.msk [tilespmem:v7+s15+$0x0], vm1  }
0xeb: {  	v11 =	vld [tilespmem:s5+$0x300];
	_ =	sdelay $0x4  }
0xec: {  	v10 =	vmax.f32 v10, v11  }
0xed: {  	[tilespmem:v7+s15+$0x0] =	vst.idx.msk vm1, v10  }
0xee: {  	v10 =	vld.idx.msk [tilespmem:v8+s15+$0x0], vm1  }
0xef: {  	vm0 =	vmmov vm1;
	p2 =	sge.s32 s9, $0x4;
	v11 =	vld [tilespmem:s5+$0x380]  }
.Ltmp10:
0xf0: {  	_ = 	snop;
	(pc) =	sbr.rel @!p2 .LBB2_10-.Ltmp10, $2  }
0xf1: {  	_ =	sdelay $0x2  }
0xf2: {  	s1 =	simm.s32 $0x4;
	p1 =	por $0x1, $0x1;
	vm1 =	veq.s32 v9, s6;
	v10 =	vmax.f32 v10, v11  }
.LBB2_9:
0xf3: {  	[tilespmem:v8+s15+$0x0] =	vst.idx.msk vm0, v10;
	vm0 =	vmmov vm1;
	s6 =	smov.u32 s1;
	s1 =	sadd.s32 $0x1, s1  }
0xf4: {  	p2 =	sle.s32 s1, s9;
	v10 =	vld.idx.msk [tilespmem:v1+s15+$0x0], vm1  }
0xf5: {  	v11 =	vld [tilespmem:s5+$0x0];
	_ =	sdelay $0x4  }
0xf6: {  	v10 =	vmax.f32 v10, v11  }
0xf7: {  	[tilespmem:v1+s15+$0x0] =	vst.idx.msk vm1, v10  }
0xf8: {  	v10 =	vld.idx.msk [tilespmem:v2+s15+$0x0], vm1  }
0xf9: {  	v11 =	vld [tilespmem:s5+$0x80];
	_ =	sdelay $0x4  }
0xfa: {  	v10 =	vmax.f32 v10, v11  }
0xfb: {  	[tilespmem:v2+s15+$0x0] =	vst.idx.msk vm1, v10  }
0xfc: {  	v10 =	vld.idx.msk [tilespmem:v3+s15+$0x0], vm1  }
0xfd: {  	v11 =	vld [tilespmem:s5+$0x100];
	_ =	sdelay $0x4  }
0xfe: {  	v10 =	vmax.f32 v10, v11  }
0xff: {  	[tilespmem:v3+s15+$0x0] =	vst.idx.msk vm1, v10  }
0x100: {  	v10 =	vld.idx.msk [tilespmem:v4+s15+$0x0], vm1  }
0x101: {  	v11 =	vld [tilespmem:s5+$0x180];
	_ =	sdelay $0x4  }
0x102: {  	v10 =	vmax.f32 v10, v11  }
0x103: {  	[tilespmem:v4+s15+$0x0] =	vst.idx.msk vm1, v10  }
0x104: {  	v10 =	vld.idx.msk [tilespmem:v5+s15+$0x0], vm0  }
0x105: {  	v11 =	vld [tilespmem:s5+$0x200];
	_ =	sdelay $0x4  }
0x106: {  	v10 =	vmax.f32 v10, v11  }
0x107: {  	[tilespmem:v5+s15+$0x0] =	vst.idx.msk vm0, v10  }
0x108: {  	v10 =	vld.idx.msk [tilespmem:v6+s15+$0x0], vm0  }
0x109: {  	v11 =	vld [tilespmem:s5+$0x280];
	_ =	sdelay $0x4  }
0x10a: {  	v10 =	vmax.f32 v10, v11  }
0x10b: {  	[tilespmem:v6+s15+$0x0] =	vst.idx.msk vm0, v10  }
0x10c: {  	v10 =	vld.idx.msk [tilespmem:v7+s15+$0x0], vm0  }
0x10d: {  	v11 =	vld [tilespmem:s5+$0x300];
	_ =	sdelay $0x4  }
0x10e: {  	v10 =	vmax.f32 v10, v11  }
0x10f: {  	[tilespmem:v7+s15+$0x0] =	vst.idx.msk vm0, v10  }
0x110: {  	v10 =	vld.idx.msk [tilespmem:v8+s15+$0x0], vm0  }
0x111: {  	v11 =	vld [tilespmem:s5+$0x380]  }
.Ltmp11:
0x112: {  	vm1 =	veq.s32 v9, s6;
	(pc) =	sbr.rel @p2 .LBB2_9-.Ltmp11, $2  }
0x113: {  	_ =	sdelay $0x2  }
0x114: {  	v10 =	vmax.f32 v10, v11  }
.LBB2_10:
0x115: {  	_ =	sdelay $0x4  }
0x116: {  	[tilespmem:v8+s15+$0x0] =	vst.idx.msk @p1 vm0, v10  }
0x117: {  	v9 =	vld.idx.msk [tilespmem:v1+s15+$0x0], vm1  }
0x118: {  	v10 =	vld [tilespmem:s5+$0x0];
	_ =	sdelay $0x4  }
0x119: {  	v9 =	vmax.f32 v9, v10  }
0x11a: {  	[tilespmem:v1+s15+$0x0] =	vst.idx.msk vm1, v9  }
0x11b: {  	v1 =	vld.idx.msk [tilespmem:v2+s15+$0x0], vm1  }
0x11c: {  	v9 =	vld [tilespmem:s5+$0x80];
	_ =	sdelay $0x4  }
0x11d: {  	v1 =	vmax.f32 v1, v9  }
0x11e: {  	[tilespmem:v2+s15+$0x0] =	vst.idx.msk vm1, v1  }
0x11f: {  	v1 =	vld.idx.msk [tilespmem:v3+s15+$0x0], vm1  }
0x120: {  	v2 =	vld [tilespmem:s5+$0x100];
	_ =	sdelay $0x4  }
0x121: {  	v1 =	vmax.f32 v1, v2  }
0x122: {  	[tilespmem:v3+s15+$0x0] =	vst.idx.msk vm1, v1  }
0x123: {  	v1 =	vld.idx.msk [tilespmem:v4+s15+$0x0], vm1  }
0x124: {  	v2 =	vld [tilespmem:s5+$0x180];
	_ =	sdelay $0x4  }
0x125: {  	v1 =	vmax.f32 v1, v2  }
0x126: {  	[tilespmem:v4+s15+$0x0] =	vst.idx.msk vm1, v1  }
0x127: {  	v1 =	vld.idx.msk [tilespmem:v5+s15+$0x0], vm1  }
0x128: {  	v2 =	vld [tilespmem:s5+$0x200];
	_ =	sdelay $0x4  }
0x129: {  	v1 =	vmax.f32 v1, v2  }
0x12a: {  	[tilespmem:v5+s15+$0x0] =	vst.idx.msk vm1, v1  }
0x12b: {  	v1 =	vld.idx.msk [tilespmem:v6+s15+$0x0], vm1  }
0x12c: {  	v2 =	vld [tilespmem:s5+$0x280];
	_ =	sdelay $0x4  }
0x12d: {  	v1 =	vmax.f32 v1, v2  }
0x12e: {  	[tilespmem:v6+s15+$0x0] =	vst.idx.msk vm1, v1  }
0x12f: {  	v1 =	vld.idx.msk [tilespmem:v7+s15+$0x0], vm1  }
0x130: {  	v2 =	vld [tilespmem:s5+$0x300];
	_ =	sdelay $0x4  }
0x131: {  	v1 =	vmax.f32 v1, v2  }
0x132: {  	[tilespmem:v7+s15+$0x0] =	vst.idx.msk vm1, v1  }
0x133: {  	v1 =	vld.idx.msk [tilespmem:v8+s15+$0x0], vm1  }
0x134: {  	v2 =	vld [tilespmem:s5+$0x380];
	_ =	sdelay $0x4  }
0x135: {  	v1 =	vmax.f32 v1, v2  }
0x136: {  	vm15 =	vmmov vm1;
	[tilespmem:v8+s15+$0x0] =	vst.idx.msk vm1, v1  }
.LBB2_11:
0x137: {  	s1 =	sor.u32 $0x10, s2  }
0x138: {  	s2 =	sadd.s32 s1, s3  }
0x139: {  	v1 =	vld [tilespmem:s2+$0x0];
	_ =	sdelay $0x4  }
0x13a: {  	(xrf1) =	vunique.msk.u32 $0xffff, v1;
	_ =	sdelay $0xd  }
0x13b: {  	_, v9, _ =	vpop (xrf1)  }
0x13c: {  	vm0 =	veq.s32 v9, $0x1;
	_ =	sdelay $0x3  }
0x13d: {  	s2 =	sadd.s32 s1, s4  }
0x13e: {  	v3 =	vld [tilespmem:s2+$0x0]  }
0x13f: {  	v4 =	vld.idx.msk [tilespmem:v1+s15+$0x0], vm0;
	_ =	sdelay $0x2  }
0x140: {  	v2 =	vadd.s32 $0x2710, v1;
	_ =	sdelay $0x1  }
0x141: {  	v3 =	vmax.f32 v4, v3  }
0x142: {  	[tilespmem:v1+s15+$0x0] =	vst.idx.msk vm0, v3  }
0x143: {  	v4 =	vld [tilespmem:s2+$0x80]  }
0x144: {  	v5 =	vld.idx.msk [tilespmem:v2+s15+$0x0], vm0;
	_ =	sdelay $0x2  }
0x145: {  	v3 =	vadd.s32 $0x4E20, v1;
	_ =	sdelay $0x1  }
0x146: {  	v4 =	vmax.f32 v5, v4  }
0x147: {  	[tilespmem:v2+s15+$0x0] =	vst.idx.msk vm0, v4  }
0x148: {  	v5 =	vld [tilespmem:s2+$0x100]  }
0x149: {  	v6 =	vld.idx.msk [tilespmem:v3+s15+$0x0], vm0;
	_ =	sdelay $0x2  }
0x14a: {  	v4 =	vadd.s32 $0x7530, v1;
	_ =	sdelay $0x1  }
0x14b: {  	v5 =	vmax.f32 v6, v5  }
0x14c: {  	[tilespmem:v3+s15+$0x0] =	vst.idx.msk vm0, v5  }
0x14d: {  	v6 =	vld [tilespmem:s2+$0x180]  }
0x14e: {  	v7 =	vld.idx.msk [tilespmem:v4+s15+$0x0], vm0;
	_ =	sdelay $0x2  }
0x14f: {  	v5 =	vadd.s32 $0x9C40, v1;
	_ =	sdelay $0x1  }
0x150: {  	v6 =	vmax.f32 v7, v6  }
0x151: {  	[tilespmem:v4+s15+$0x0] =	vst.idx.msk vm0, v6  }
0x152: {  	v7 =	vld [tilespmem:s2+$0x200]  }
0x153: {  	v10 =	vxor.u32 $0x80000000, v9;
	v8 =	vld.idx.msk [tilespmem:v5+s15+$0x0], vm0  }
0x154: {  	(xrf0) =	vmax.scan.msk.u32 $0xffff, v10;
	_ =	sdelay $0x1  }
0x155: {  	v6 =	vadd.s32 $0xC350, v1;
	_ =	sdelay $0x1  }
0x156: {  	v7 =	vmax.f32 v8, v7  }
0x157: {  	[tilespmem:v5+s15+$0x0] =	vst.idx.msk vm0, v7  }
0x158: {  	v11, _, _ =	vpop (xrf0);
	v8 =	vld [tilespmem:s2+$0x280]  }
0x159: {  	(v2sf) =	vpush v11, $0xF;
	v10 =	vld.idx.msk [tilespmem:v6+s15+$0x0], vm0;
	_ =	sdelay $0x2  }
0x15a: {  	v7 =	vadd.s32 $0xEA60, v1;
	_ =	sdelay $0x1  }
0x15b: {  	v8 =	vmax.f32 v10, v8  }
0x15c: {  	[tilespmem:v6+s15+$0x0] =	vst.idx.msk vm0, v8  }
0x15d: {  	v10 =	vld [tilespmem:s2+$0x300]  }
0x15e: {  	v11 =	vld.idx.msk [tilespmem:v7+s15+$0x0], vm0;
	_ =	sdelay $0x2  }
0x15f: {  	v8 =	vadd.s32 $0x11170, v1;
	_ =	sdelay $0x1  }
0x160: {  	v10 =	vmax.f32 v11, v10  }
0x161: {  	[tilespmem:v7+s15+$0x0] =	vst.idx.msk vm0, v10  }
0x162: {  	s30 =	spop (v2sf);
	v10 =	vld [tilespmem:s2+$0x380]  }
0x163: {  	s1 =	sxor.u32 $0x80000000, s30;
	v11 =	vld.idx.msk [tilespmem:v8+s15+$0x0], vm0  }
0x164: {  	p1 =	slt.s32 s1, $0x2  }
.Ltmp12:
0x165: {  	_ = 	snop;
	(pc) =	sbr.rel @p1 .LBB2_17-.Ltmp12, $3  }
0x166: {  	_ =	sdelay $0x1  }
0x167: {  	v10 =	vmax.f32 v11, v10  }
0x168: {  	[tilespmem:v8+s15+$0x0] =	vst.idx.msk vm0, v10  }
0x169: {  	p2 =	sge.s32 s1, $0x3  }
.Ltmp13:
0x16a: {  	_ = 	snop;
	(pc) =	sbr.rel @!p2 .LBB2_13-.Ltmp13, $2  }
0x16b: {  	_ =	sdelay $0x2  }
0x16c: {  	s3 =	simm.s32 $0x3;
	vm1 =	veq.s32 v9, s0;
	p1 =	por $0x0, $0x0  }
0x16d: {  	_ =	sdelay $0x4  }
0x16e: {  	v10 =	vld.idx.msk [tilespmem:v1+s15+$0x0], vm1  }
0x16f: {  	v11 =	vld [tilespmem:s2+$0x0];
	_ =	sdelay $0x4  }
0x170: {  	v10 =	vmax.f32 v10, v11  }
0x171: {  	[tilespmem:v1+s15+$0x0] =	vst.idx.msk vm1, v10  }
0x172: {  	v10 =	vld.idx.msk [tilespmem:v2+s15+$0x0], vm1  }
0x173: {  	v11 =	vld [tilespmem:s2+$0x80];
	_ =	sdelay $0x4  }
0x174: {  	v10 =	vmax.f32 v10, v11  }
0x175: {  	[tilespmem:v2+s15+$0x0] =	vst.idx.msk vm1, v10  }
0x176: {  	v10 =	vld.idx.msk [tilespmem:v3+s15+$0x0], vm1  }
0x177: {  	v11 =	vld [tilespmem:s2+$0x100];
	_ =	sdelay $0x4  }
0x178: {  	v10 =	vmax.f32 v10, v11  }
0x179: {  	[tilespmem:v3+s15+$0x0] =	vst.idx.msk vm1, v10  }
0x17a: {  	v10 =	vld.idx.msk [tilespmem:v4+s15+$0x0], vm1  }
0x17b: {  	v11 =	vld [tilespmem:s2+$0x180];
	_ =	sdelay $0x4  }
0x17c: {  	v10 =	vmax.f32 v10, v11  }
0x17d: {  	[tilespmem:v4+s15+$0x0] =	vst.idx.msk vm1, v10  }
0x17e: {  	v10 =	vld.idx.msk [tilespmem:v5+s15+$0x0], vm1  }
0x17f: {  	v11 =	vld [tilespmem:s2+$0x200];
	_ =	sdelay $0x4  }
0x180: {  	v10 =	vmax.f32 v10, v11  }
0x181: {  	[tilespmem:v5+s15+$0x0] =	vst.idx.msk vm1, v10  }
0x182: {  	v10 =	vld.idx.msk [tilespmem:v6+s15+$0x0], vm1  }
0x183: {  	v11 =	vld [tilespmem:s2+$0x280];
	_ =	sdelay $0x4  }
0x184: {  	v10 =	vmax.f32 v10, v11  }
0x185: {  	[tilespmem:v6+s15+$0x0] =	vst.idx.msk vm1, v10  }
0x186: {  	v10 =	vld.idx.msk [tilespmem:v7+s15+$0x0], vm1  }
0x187: {  	v11 =	vld [tilespmem:s2+$0x300];
	_ =	sdelay $0x4  }
0x188: {  	v10 =	vmax.f32 v10, v11  }
0x189: {  	[tilespmem:v7+s15+$0x0] =	vst.idx.msk vm1, v10  }
0x18a: {  	v10 =	vld.idx.msk [tilespmem:v8+s15+$0x0], vm1  }
0x18b: {  	vm0 =	vmmov vm1;
	p2 =	sge.s32 s1, $0x4;
	v11 =	vld [tilespmem:s2+$0x380]  }
.Ltmp14:
0x18c: {  	_ = 	snop;
	(pc) =	sbr.rel @!p2 .LBB2_16-.Ltmp14, $2  }
0x18d: {  	_ =	sdelay $0x2  }
0x18e: {  	s0 =	simm.s32 $0x4;
	p1 =	por $0x1, $0x1;
	vm1 =	veq.s32 v9, s3;
	v10 =	vmax.f32 v10, v11  }
.LBB2_15:
0x18f: {  	[tilespmem:v8+s15+$0x0] =	vst.idx.msk vm0, v10;
	vm0 =	vmmov vm1;
	s3 =	smov.u32 s0;
	s0 =	sadd.s32 $0x1, s0  }
0x190: {  	p2 =	sle.s32 s0, s1;
	v10 =	vld.idx.msk [tilespmem:v1+s15+$0x0], vm1  }
0x191: {  	v11 =	vld [tilespmem:s2+$0x0];
	_ =	sdelay $0x4  }
0x192: {  	v10 =	vmax.f32 v10, v11  }
0x193: {  	[tilespmem:v1+s15+$0x0] =	vst.idx.msk vm1, v10  }
0x194: {  	v10 =	vld.idx.msk [tilespmem:v2+s15+$0x0], vm1  }
0x195: {  	v11 =	vld [tilespmem:s2+$0x80];
	_ =	sdelay $0x4  }
0x196: {  	v10 =	vmax.f32 v10, v11  }
0x197: {  	[tilespmem:v2+s15+$0x0] =	vst.idx.msk vm1, v10  }
0x198: {  	v10 =	vld.idx.msk [tilespmem:v3+s15+$0x0], vm1  }
0x199: {  	v11 =	vld [tilespmem:s2+$0x100];
	_ =	sdelay $0x4  }
0x19a: {  	v10 =	vmax.f32 v10, v11  }
0x19b: {  	[tilespmem:v3+s15+$0x0] =	vst.idx.msk vm1, v10  }
0x19c: {  	v10 =	vld.idx.msk [tilespmem:v4+s15+$0x0], vm1  }
0x19d: {  	v11 =	vld [tilespmem:s2+$0x180];
	_ =	sdelay $0x4  }
0x19e: {  	v10 =	vmax.f32 v10, v11  }
0x19f: {  	[tilespmem:v4+s15+$0x0] =	vst.idx.msk vm1, v10  }
0x1a0: {  	v10 =	vld.idx.msk [tilespmem:v5+s15+$0x0], vm0  }
0x1a1: {  	v11 =	vld [tilespmem:s2+$0x200];
	_ =	sdelay $0x4  }
0x1a2: {  	v10 =	vmax.f32 v10, v11  }
0x1a3: {  	[tilespmem:v5+s15+$0x0] =	vst.idx.msk vm0, v10  }
0x1a4: {  	v10 =	vld.idx.msk [tilespmem:v6+s15+$0x0], vm0  }
0x1a5: {  	v11 =	vld [tilespmem:s2+$0x280];
	_ =	sdelay $0x4  }
0x1a6: {  	v10 =	vmax.f32 v10, v11  }
0x1a7: {  	[tilespmem:v6+s15+$0x0] =	vst.idx.msk vm0, v10  }
0x1a8: {  	v10 =	vld.idx.msk [tilespmem:v7+s15+$0x0], vm0  }
0x1a9: {  	v11 =	vld [tilespmem:s2+$0x300];
	_ =	sdelay $0x4  }
0x1aa: {  	v10 =	vmax.f32 v10, v11  }
0x1ab: {  	[tilespmem:v7+s15+$0x0] =	vst.idx.msk vm0, v10  }
0x1ac: {  	v10 =	vld.idx.msk [tilespmem:v8+s15+$0x0], vm0  }
0x1ad: {  	v11 =	vld [tilespmem:s2+$0x380]  }
.Ltmp15:
0x1ae: {  	vm1 =	veq.s32 v9, s3;
	(pc) =	sbr.rel @p2 .LBB2_15-.Ltmp15, $2  }
0x1af: {  	_ =	sdelay $0x2  }
0x1b0: {  	v10 =	vmax.f32 v10, v11  }
.Ltmp16:
0x1b1: {  	_ = 	snop;
	(pc) =	sbr.rel .LBB2_16-.Ltmp16, $1  }
0x1b2: {  	_ =	sdelay $0x3  }
.LBB2_7:
.Ltmp17:
0x1b3: {  	(pc) =	sbr.rel .LBB2_10-.Ltmp17, $2  }
0x1b4: {  	_ =	sdelay $0x2  }
0x1b5: {  	_ = 	snop  }
.LBB2_18:
0x1b6: {  	s0 =	rddreg [dreg:$0x7]  }
0x1b7: {  	s0 =	sadd.s32 s21, s0  }
0x1b8: {  	s1 =	sshrl.u32 s0, $0x3  }
0x1b9: {  	s21 =	simm.s32 $0x0;
	s1 =	sadd.s32 s11, s1  }
0x1ba: {  	[tilespmem:s21], [sflag:$0x1] =	stream.linear.gather [hbm4b:s1+s21], $0x80, $0x38;
	[tilespmem:$0x1C340] =	vst v63  }
0x1bb: {  	s3 =	simm.s32 $0x100;
	s2 =	sadd.s32 $0x10, s1  }
0x1bc: {  	[tilespmem:s3], [sflag:$0x1] =	stream.linear.gather [hbm4b:s2+s21], $0x80, $0x38;
	[tilespmem:$0x1C340] =	vst v63  }
0x1bd: {  	s24 =	simm.s32 $0x200;
	s23 =	sadd.s32 $0x20, s1  }
0x1be: {  	[tilespmem:s24], [sflag:$0x1] =	stream.linear.gather [hbm4b:s23+s21], $0x80, $0x38;
	[tilespmem:$0x1C340] =	vst v63  }
0x1bf: {  	s26 =	simm.s32 $0x300;
	s25 =	sadd.s32 $0x30, s1  }
0x1c0: {  	[tilespmem:s26], [sflag:$0x1] =	stream.linear.gather [hbm4b:s25+s21], $0x80, $0x38;
	[tilespmem:$0x1C340] =	vst v63  }
0x1c1: {  	s28 =	simm.s32 $0x400;
	s1 =	sadd.s32 $0x40, s1  }
0x1c2: {  	[tilespmem:s28], [sflag:$0x1] =	stream.linear.gather [hbm4b:s1+s21], $0x80, $0x38;
	[tilespmem:$0x1C340] =	vst v63  }
0x1c3: {  	s29 =	simm.s32 $0x500;
	s30 =	simm.s32 $0x2;
	s0 =	sadd.s32 s0, s7  }
0x1c4: {  	[tilespmem:s29], [sflag:$0x3] =	stream.linear.gather [hbm4b:s0+s21], $0x1400, $0x38;
	[tilespmem:$0x1C340] =	vst v63  }
0x1c5: {  	_ =	swait.ge [sflag:s30], $0x280  }
.Ltmp18:
0x1c6: {  	[sflag:s30] =	ssyncset.done $0x0;
	(pc) =	sbr.rel .LBB2_19-.Ltmp18, $4  }
0x1c7: {  	[sflag:s30] =	ssyncadd.s32 $0xFFFFFD80  }
0x1c8: {  	_ =	swait.ge [sflag:s17], $0x1400  }
0x1c9: {  	[sflag:s17] =	ssyncset.done $0x0  }
0x1ca: {  	s16 =	smov.u32 s11;
	[sflag:s17] =	ssyncadd.s32 $0xFFFFEC00  }
.LBB2_27:
0x1cb: {  	_ = 	snop  }
.LBB2_30:
0x1cc: {  	_ =	sdelay $0x4  }
0x1cd: {  	[tilespmem:v9+s15+$0x0] =	vst.idx.msk @p1 vm0, v10  }
0x1ce: {  	v8 =	vld.idx.msk [tilespmem:v1+s15+$0x0], vm1  }
0x1cf: {  	v10 =	vld [tilespmem:s4+$0x0];
	_ =	sdelay $0x4  }
0x1d0: {  	v8 =	vmax.f32 v8, v10  }
0x1d1: {  	[tilespmem:v1+s15+$0x0] =	vst.idx.msk vm1, v8  }
0x1d2: {  	v1 =	vld.idx.msk [tilespmem:v2+s15+$0x0], vm1  }
0x1d3: {  	v8 =	vld [tilespmem:s3+$0x0];
	_ =	sdelay $0x4  }
0x1d4: {  	v1 =	vmax.f32 v1, v8  }
0x1d5: {  	[tilespmem:v2+s15+$0x0] =	vst.idx.msk vm1, v1  }
0x1d6: {  	v1 =	vld.idx.msk [tilespmem:v3+s15+$0x0], vm1  }
0x1d7: {  	v2 =	vld [tilespmem:s10+$0x0];
	_ =	sdelay $0x4  }
0x1d8: {  	v1 =	vmax.f32 v1, v2  }
0x1d9: {  	[tilespmem:v3+s15+$0x0] =	vst.idx.msk vm1, v1  }
0x1da: {  	v1 =	vld.idx.msk [tilespmem:v4+s15+$0x0], vm1  }
0x1db: {  	v2 =	vld [tilespmem:s9+$0x0];
	_ =	sdelay $0x4  }
0x1dc: {  	v1 =	vmax.f32 v1, v2  }
0x1dd: {  	[tilespmem:v4+s15+$0x0] =	vst.idx.msk vm1, v1  }
0x1de: {  	v1 =	vld.idx.msk [tilespmem:v5+s15+$0x0], vm1  }
0x1df: {  	v2 =	vld [tilespmem:s5+$0x0];
	_ =	sdelay $0x4  }
0x1e0: {  	v1 =	vmax.f32 v1, v2  }
0x1e1: {  	[tilespmem:v5+s15+$0x0] =	vst.idx.msk vm1, v1  }
0x1e2: {  	v1 =	vld.idx.msk [tilespmem:v6+s15+$0x0], vm1  }
0x1e3: {  	v2 =	vld [tilespmem:s11+$0x0];
	_ =	sdelay $0x4  }
0x1e4: {  	v1 =	vmax.f32 v1, v2  }
0x1e5: {  	[tilespmem:v6+s15+$0x0] =	vst.idx.msk vm1, v1  }
0x1e6: {  	v1 =	vld.idx.msk [tilespmem:v7+s15+$0x0], vm1  }
0x1e7: {  	v2 =	vld [tilespmem:s0+$0x0];
	_ =	sdelay $0x4  }
0x1e8: {  	v1 =	vmax.f32 v1, v2  }
0x1e9: {  	[tilespmem:v7+s15+$0x0] =	vst.idx.msk vm1, v1  }
0x1ea: {  	v1 =	vld.idx.msk [tilespmem:v9+s15+$0x0], vm1  }
0x1eb: {  	v2 =	vld [tilespmem:s2+$0x0];
	_ =	sdelay $0x4  }
0x1ec: {  	v1 =	vmax.f32 v1, v2  }
0x1ed: {  	vm15 =	vmmov vm1;
	[tilespmem:v9+s15+$0x0] =	vst.idx.msk vm1, v1  }
.LBB2_31:
0x1ee: {  	s21 =	sadd.s32 $0x1, s21  }
0x1ef: {  	p1 =	sne.s32 s21, $0x14  }
.Ltmp19:
0x1f0: {  	_ = 	snop;
	(pc) =	sbr.rel @!p1 .LBB2_32-.Ltmp19, $1  }
0x1f1: {  	_ =	sdelay $0x3  }
.LBB2_19:
0x1f2: {  	s0 =	sshll.u32 s21, $0x8  }
0x1f3: {  	s1 =	sshll.u32 s21, $0x5;
	s2 =	sand.u32 $0x1C00, s0  }
0x1f4: {  	s22 =	sand.u32 $0x60, s1;
	s23 =	sshrl.u32 s2, $0x2  }
0x1f5: {  	s6 =	sor.u32 s22, s23  }
0x1f6: {  	v1 =	vld [tilespmem:s6+$0x80];
	_ =	sdelay $0x4  }
0x1f7: {  	(xrf1) =	vunique.msk.u32 $0xffff, v1;
	_ =	sdelay $0xd  }
0x1f8: {  	_, v6, _ =	vpop (xrf1)  }
0x1f9: {  	vm0 =	veq.s32 v6, $0x1;
	_ =	sdelay $0x2  }
0x1fa: {  	s4 =	sadd.s32 $0x1900, s2  }
0x1fb: {  	s11 =	sor.u32 s22, s4  }
0x1fc: {  	v3 =	vld [tilespmem:s11+$0x0]  }
0x1fd: {  	v4 =	vld.idx.msk [tilespmem:v1+s15+$0x0], vm0;
	_ =	sdelay $0x2  }
0x1fe: {  	v2 =	vadd.s32 $0x2710, v1;
	_ =	sdelay $0x1  }
0x1ff: {  	s3 =	sadd.s32 $0x1980, s2;
	v3 =	vmax.f32 v4, v3  }
0x200: {  	s12 =	sor.u32 s22, s3;
	[tilespmem:v1+s15+$0x0] =	vst.idx.msk vm0, v3  }
0x201: {  	v4 =	vld [tilespmem:s12+$0x0]  }
0x202: {  	v5 =	vld.idx.msk [tilespmem:v2+s15+$0x0], vm0;
	_ =	sdelay $0x2  }
0x203: {  	v3 =	vadd.s32 $0x4E20, v1;
	_ =	sdelay $0x1  }
0x204: {  	s10 =	sadd.s32 $0x1A00, s2;
	v4 =	vmax.f32 v5, v4  }
0x205: {  	s24 =	sor.u32 s22, s10;
	[tilespmem:v2+s15+$0x0] =	vst.idx.msk vm0, v4  }
0x206: {  	v5 =	vld [tilespmem:s24+$0x0]  }
0x207: {  	v7 =	vld.idx.msk [tilespmem:v3+s15+$0x0], vm0;
	_ =	sdelay $0x2  }
0x208: {  	v4 =	vadd.s32 $0x7530, v1;
	_ =	sdelay $0x1  }
0x209: {  	s9 =	sadd.s32 $0x1A80, s2;
	v5 =	vmax.f32 v7, v5  }
0x20a: {  	s25 =	sor.u32 s22, s9;
	[tilespmem:v3+s15+$0x0] =	vst.idx.msk vm0, v5  }
0x20b: {  	v7 =	vld [tilespmem:s25+$0x0]  }
0x20c: {  	v8 =	vld.idx.msk [tilespmem:v4+s15+$0x0], vm0;
	_ =	sdelay $0x2  }
0x20d: {  	v5 =	vadd.s32 $0x9C40, v1;
	_ =	sdelay $0x1  }
0x20e: {  	s5 =	sadd.s32 $0x1B00, s2;
	v7 =	vmax.f32 v8, v7  }
0x20f: {  	s26 =	sor.u32 s22, s5;
	[tilespmem:v4+s15+$0x0] =	vst.idx.msk vm0, v7  }
0x210: {  	v8 =	vld [tilespmem:s26+$0x0]  }
0x211: {  	v10 =	vxor.u32 $0x80000000, v6;
	v9 =	vld.idx.msk [tilespmem:v5+s15+$0x0], vm0  }
0x212: {  	(xrf0) =	vmax.scan.msk.u32 $0xffff, v10;
	_ =	sdelay $0x1  }
0x213: {  	v7 =	vadd.s32 $0xC350, v1;
	_ =	sdelay $0x1  }
0x214: {  	s18 =	sadd.s32 $0x1B80, s2;
	v8 =	vmax.f32 v9, v8  }
0x215: {  	s29 =	sor.u32 s22, s18;
	[tilespmem:v5+s15+$0x0] =	vst.idx.msk vm0, v8  }
0x216: {  	v11, _, _ =	vpop (xrf0);
	v9 =	vld [tilespmem:s29+$0x0]  }
0x217: {  	(v2sf) =	vpush v11, $0xF;
	v10 =	vld.idx.msk [tilespmem:v7+s15+$0x0], vm0;
	_ =	sdelay $0x2  }
0x218: {  	v8 =	vadd.s32 $0xEA60, v1;
	_ =	sdelay $0x1  }
0x219: {  	s0 =	sadd.s32 $0x1C00, s2;
	v9 =	vmax.f32 v10, v9  }
0x21a: {  	s30 =	sor.u32 s22, s0;
	[tilespmem:v7+s15+$0x0] =	vst.idx.msk vm0, v9  }
0x21b: {  	v10 =	vld [tilespmem:s30+$0x0]  }
0x21c: {  	v11 =	vld.idx.msk [tilespmem:v8+s15+$0x0], vm0;
	_ =	sdelay $0x2  }
0x21d: {  	v9 =	vadd.s32 $0x11170, v1;
	_ =	sdelay $0x1  }
0x21e: {  	s2 =	sadd.s32 $0x1C80, s2;
	v10 =	vmax.f32 v11, v10  }
0x21f: {  	s28 =	sor.u32 s22, s2;
	[tilespmem:v8+s15+$0x0] =	vst.idx.msk vm0, v10  }
0x220: {  	s8 =	spop (v2sf);
	v10 =	vld [tilespmem:s28+$0x0]  }
0x221: {  	s1 =	sxor.u32 $0x80000000, s8;
	v11 =	vld.idx.msk [tilespmem:v9+s15+$0x0], vm0  }
0x222: {  	p1 =	slt.s32 s1, $0x2  }
.Ltmp20:
0x223: {  	_ = 	snop;
	(pc) =	sbr.rel @p1 .LBB2_25-.Ltmp20, $3  }
0x224: {  	_ =	sdelay $0x1  }
0x225: {  	v10 =	vmax.f32 v11, v10  }
0x226: {  	[tilespmem:v9+s15+$0x0] =	vst.idx.msk vm0, v10  }
0x227: {  	p2 =	sge.s32 s1, $0x3  }
.Ltmp21:
0x228: {  	_ = 	snop;
	(pc) =	sbr.rel @!p2 .LBB2_21-.Ltmp21, $2  }
0x229: {  	_ =	sdelay $0x2  }
0x22a: {  	s8 =	simm.s32 $0x3;
	vm1 =	veq.s32 v6, s31;
	p1 =	por $0x0, $0x0  }
0x22b: {  	_ =	sdelay $0x4  }
0x22c: {  	v10 =	vld.idx.msk [tilespmem:v1+s15+$0x0], vm1  }
0x22d: {  	v11 =	vld [tilespmem:s11+$0x0];
	_ =	sdelay $0x4  }
0x22e: {  	v10 =	vmax.f32 v10, v11  }
0x22f: {  	[tilespmem:v1+s15+$0x0] =	vst.idx.msk vm1, v10  }
0x230: {  	v10 =	vld.idx.msk [tilespmem:v2+s15+$0x0], vm1  }
0x231: {  	v11 =	vld [tilespmem:s12+$0x0];
	_ =	sdelay $0x4  }
0x232: {  	v10 =	vmax.f32 v10, v11  }
0x233: {  	[tilespmem:v2+s15+$0x0] =	vst.idx.msk vm1, v10  }
0x234: {  	v10 =	vld.idx.msk [tilespmem:v3+s15+$0x0], vm1  }
0x235: {  	v11 =	vld [tilespmem:s24+$0x0];
	_ =	sdelay $0x4  }
0x236: {  	v10 =	vmax.f32 v10, v11  }
0x237: {  	[tilespmem:v3+s15+$0x0] =	vst.idx.msk vm1, v10  }
0x238: {  	v10 =	vld.idx.msk [tilespmem:v4+s15+$0x0], vm1  }
0x239: {  	v11 =	vld [tilespmem:s25+$0x0];
	_ =	sdelay $0x4  }
0x23a: {  	v10 =	vmax.f32 v10, v11  }
0x23b: {  	[tilespmem:v4+s15+$0x0] =	vst.idx.msk vm1, v10  }
0x23c: {  	v10 =	vld.idx.msk [tilespmem:v5+s15+$0x0], vm1  }
0x23d: {  	v11 =	vld [tilespmem:s26+$0x0];
	_ =	sdelay $0x4  }
0x23e: {  	v10 =	vmax.f32 v10, v11  }
0x23f: {  	[tilespmem:v5+s15+$0x0] =	vst.idx.msk vm1, v10  }
0x240: {  	v10 =	vld.idx.msk [tilespmem:v7+s15+$0x0], vm1  }
0x241: {  	v11 =	vld [tilespmem:s29+$0x0];
	_ =	sdelay $0x4  }
0x242: {  	v10 =	vmax.f32 v10, v11  }
0x243: {  	[tilespmem:v7+s15+$0x0] =	vst.idx.msk vm1, v10  }
0x244: {  	v10 =	vld.idx.msk [tilespmem:v8+s15+$0x0], vm1  }
0x245: {  	v11 =	vld [tilespmem:s30+$0x0];
	_ =	sdelay $0x4  }
0x246: {  	v10 =	vmax.f32 v10, v11  }
0x247: {  	[tilespmem:v8+s15+$0x0] =	vst.idx.msk vm1, v10  }
0x248: {  	v10 =	vld.idx.msk [tilespmem:v9+s15+$0x0], vm1  }
0x249: {  	vm0 =	vmmov vm1;
	p2 =	sge.s32 s1, $0x4;
	v11 =	vld [tilespmem:s28+$0x0]  }
.Ltmp22:
0x24a: {  	_ = 	snop;
	(pc) =	sbr.rel @!p2 .LBB2_24-.Ltmp22, $2  }
0x24b: {  	_ =	sdelay $0x2  }
0x24c: {  	s6 =	simm.s32 $0x4;
	p1 =	por $0x1, $0x1;
	vm1 =	veq.s32 v6, s8;
	v10 =	vmax.f32 v10, v11  }
.LBB2_23:
0x24d: {  	[tilespmem:v9+s15+$0x0] =	vst.idx.msk vm0, v10;
	vm0 =	vmmov vm1;
	s8 =	smov.u32 s6;
	s6 =	sadd.s32 $0x1, s6  }
0x24e: {  	p2 =	sle.s32 s6, s1;
	v10 =	vld.idx.msk [tilespmem:v1+s15+$0x0], vm1  }
0x24f: {  	v11 =	vld [tilespmem:s11+$0x0];
	_ =	sdelay $0x4  }
0x250: {  	v10 =	vmax.f32 v10, v11  }
0x251: {  	[tilespmem:v1+s15+$0x0] =	vst.idx.msk vm1, v10  }
0x252: {  	v10 =	vld.idx.msk [tilespmem:v2+s15+$0x0], vm1  }
0x253: {  	v11 =	vld [tilespmem:s12+$0x0];
	_ =	sdelay $0x4  }
0x254: {  	v10 =	vmax.f32 v10, v11  }
0x255: {  	[tilespmem:v2+s15+$0x0] =	vst.idx.msk vm1, v10  }
0x256: {  	v10 =	vld.idx.msk [tilespmem:v3+s15+$0x0], vm1  }
0x257: {  	v11 =	vld [tilespmem:s24+$0x0];
	_ =	sdelay $0x4  }
0x258: {  	v10 =	vmax.f32 v10, v11  }
0x259: {  	[tilespmem:v3+s15+$0x0] =	vst.idx.msk vm1, v10  }
0x25a: {  	v10 =	vld.idx.msk [tilespmem:v4+s15+$0x0], vm1  }
0x25b: {  	v11 =	vld [tilespmem:s25+$0x0];
	_ =	sdelay $0x4  }
0x25c: {  	v10 =	vmax.f32 v10, v11  }
0x25d: {  	[tilespmem:v4+s15+$0x0] =	vst.idx.msk vm1, v10  }
0x25e: {  	v10 =	vld.idx.msk [tilespmem:v5+s15+$0x0], vm0  }
0x25f: {  	v11 =	vld [tilespmem:s26+$0x0];
	_ =	sdelay $0x4  }
0x260: {  	v10 =	vmax.f32 v10, v11  }
0x261: {  	[tilespmem:v5+s15+$0x0] =	vst.idx.msk vm0, v10  }
0x262: {  	v10 =	vld.idx.msk [tilespmem:v7+s15+$0x0], vm0  }
0x263: {  	v11 =	vld [tilespmem:s29+$0x0];
	_ =	sdelay $0x4  }
0x264: {  	v10 =	vmax.f32 v10, v11  }
0x265: {  	[tilespmem:v7+s15+$0x0] =	vst.idx.msk vm0, v10  }
0x266: {  	v10 =	vld.idx.msk [tilespmem:v8+s15+$0x0], vm0  }
0x267: {  	v11 =	vld [tilespmem:s30+$0x0];
	_ =	sdelay $0x4  }
0x268: {  	v10 =	vmax.f32 v10, v11  }
0x269: {  	[tilespmem:v8+s15+$0x0] =	vst.idx.msk vm0, v10  }
0x26a: {  	v10 =	vld.idx.msk [tilespmem:v9+s15+$0x0], vm0  }
0x26b: {  	v11 =	vld [tilespmem:s28+$0x0]  }
.Ltmp23:
0x26c: {  	vm1 =	veq.s32 v6, s8;
	(pc) =	sbr.rel @p2 .LBB2_23-.Ltmp23, $2  }
0x26d: {  	_ =	sdelay $0x2  }
0x26e: {  	v10 =	vmax.f32 v10, v11  }
.LBB2_24:
0x26f: {  	_ =	sdelay $0x4  }
0x270: {  	[tilespmem:v9+s15+$0x0] =	vst.idx.msk @p1 vm0, v10  }
0x271: {  	v6 =	vld.idx.msk [tilespmem:v1+s15+$0x0], vm1  }
0x272: {  	v10 =	vld [tilespmem:s11+$0x0];
	_ =	sdelay $0x4  }
0x273: {  	v6 =	vmax.f32 v6, v10  }
0x274: {  	[tilespmem:v1+s15+$0x0] =	vst.idx.msk vm1, v6  }
0x275: {  	v1 =	vld.idx.msk [tilespmem:v2+s15+$0x0], vm1  }
0x276: {  	v6 =	vld [tilespmem:s12+$0x0];
	_ =	sdelay $0x4  }
0x277: {  	v1 =	vmax.f32 v1, v6  }
0x278: {  	[tilespmem:v2+s15+$0x0] =	vst.idx.msk vm1, v1  }
0x279: {  	v1 =	vld.idx.msk [tilespmem:v3+s15+$0x0], vm1  }
0x27a: {  	v2 =	vld [tilespmem:s24+$0x0];
	_ =	sdelay $0x4  }
0x27b: {  	v1 =	vmax.f32 v1, v2  }
0x27c: {  	[tilespmem:v3+s15+$0x0] =	vst.idx.msk vm1, v1  }
0x27d: {  	v1 =	vld.idx.msk [tilespmem:v4+s15+$0x0], vm1  }
0x27e: {  	v2 =	vld [tilespmem:s25+$0x0];
	_ =	sdelay $0x4  }
0x27f: {  	v1 =	vmax.f32 v1, v2  }
0x280: {  	[tilespmem:v4+s15+$0x0] =	vst.idx.msk vm1, v1  }
0x281: {  	v1 =	vld.idx.msk [tilespmem:v5+s15+$0x0], vm1  }
0x282: {  	v2 =	vld [tilespmem:s26+$0x0];
	_ =	sdelay $0x4  }
0x283: {  	v1 =	vmax.f32 v1, v2  }
0x284: {  	[tilespmem:v5+s15+$0x0] =	vst.idx.msk vm1, v1  }
0x285: {  	v1 =	vld.idx.msk [tilespmem:v7+s15+$0x0], vm1  }
0x286: {  	v2 =	vld [tilespmem:s29+$0x0];
	_ =	sdelay $0x4  }
0x287: {  	v1 =	vmax.f32 v1, v2  }
0x288: {  	[tilespmem:v7+s15+$0x0] =	vst.idx.msk vm1, v1  }
0x289: {  	v1 =	vld.idx.msk [tilespmem:v8+s15+$0x0], vm1  }
0x28a: {  	v2 =	vld [tilespmem:s30+$0x0];
	_ =	sdelay $0x4  }
0x28b: {  	v1 =	vmax.f32 v1, v2  }
0x28c: {  	[tilespmem:v8+s15+$0x0] =	vst.idx.msk vm1, v1  }
0x28d: {  	v1 =	vld.idx.msk [tilespmem:v9+s15+$0x0], vm1  }
0x28e: {  	v2 =	vld [tilespmem:s28+$0x0];
	_ =	sdelay $0x4  }
0x28f: {  	v1 =	vmax.f32 v1, v2  }
0x290: {  	vm15 =	vmmov vm1;
	[tilespmem:v9+s15+$0x0] =	vst.idx.msk vm1, v1  }
.LBB2_25:
0x291: {  	s1 =	sor.u32 $0x10, s22  }
0x292: {  	s6 =	sadd.s32 s1, s23  }
0x293: {  	v1 =	vld [tilespmem:s6+$0x80];
	_ =	sdelay $0x4  }
0x294: {  	(xrf1) =	vunique.msk.u32 $0xffff, v1;
	_ =	sdelay $0xd  }
0x295: {  	_, v8, _ =	vpop (xrf1)  }
0x296: {  	vm0 =	veq.s32 v8, $0x1;
	_ =	sdelay $0x3  }
0x297: {  	s4 =	sadd.s32 s1, s4  }
0x298: {  	v3 =	vld [tilespmem:s4+$0x0]  }
0x299: {  	v4 =	vld.idx.msk [tilespmem:v1+s15+$0x0], vm0;
	_ =	sdelay $0x2  }
0x29a: {  	v2 =	vadd.s32 $0x2710, v1;
	_ =	sdelay $0x1  }
0x29b: {  	v3 =	vmax.f32 v4, v3  }
0x29c: {  	s3 =	sadd.s32 s1, s3;
	[tilespmem:v1+s15+$0x0] =	vst.idx.msk vm0, v3  }
0x29d: {  	v4 =	vld [tilespmem:s3+$0x0]  }
0x29e: {  	v5 =	vld.idx.msk [tilespmem:v2+s15+$0x0], vm0;
	_ =	sdelay $0x2  }
0x29f: {  	v3 =	vadd.s32 $0x4E20, v1;
	_ =	sdelay $0x1  }
0x2a0: {  	v4 =	vmax.f32 v5, v4  }
0x2a1: {  	s10 =	sadd.s32 s1, s10;
	[tilespmem:v2+s15+$0x0] =	vst.idx.msk vm0, v4  }
0x2a2: {  	v5 =	vld [tilespmem:s10+$0x0]  }
0x2a3: {  	v6 =	vld.idx.msk [tilespmem:v3+s15+$0x0], vm0;
	_ =	sdelay $0x2  }
0x2a4: {  	v4 =	vadd.s32 $0x7530, v1;
	_ =	sdelay $0x1  }
0x2a5: {  	v5 =	vmax.f32 v6, v5  }
0x2a6: {  	s9 =	sadd.s32 s1, s9;
	[tilespmem:v3+s15+$0x0] =	vst.idx.msk vm0, v5  }
0x2a7: {  	v6 =	vld [tilespmem:s9+$0x0]  }
0x2a8: {  	v7 =	vld.idx.msk [tilespmem:v4+s15+$0x0], vm0;
	_ =	sdelay $0x2  }
0x2a9: {  	v5 =	vadd.s32 $0x9C40, v1;
	_ =	sdelay $0x1  }
0x2aa: {  	v6 =	vmax.f32 v7, v6  }
0x2ab: {  	s5 =	sadd.s32 s1, s5;
	[tilespmem:v4+s15+$0x0] =	vst.idx.msk vm0, v6  }
0x2ac: {  	v7 =	vld [tilespmem:s5+$0x0]  }
0x2ad: {  	v10 =	vxor.u32 $0x80000000, v8;
	v9 =	vld.idx.msk [tilespmem:v5+s15+$0x0], vm0  }
0x2ae: {  	(xrf0) =	vmax.scan.msk.u32 $0xffff, v10;
	_ =	sdelay $0x1  }
0x2af: {  	v6 =	vadd.s32 $0xC350, v1;
	_ =	sdelay $0x1  }
0x2b0: {  	v7 =	vmax.f32 v9, v7  }
0x2b1: {  	s11 =	sadd.s32 s1, s18;
	[tilespmem:v5+s15+$0x0] =	vst.idx.msk vm0, v7  }
0x2b2: {  	v11, _, _ =	vpop (xrf0);
	v9 =	vld [tilespmem:s11+$0x0]  }
0x2b3: {  	(v2sf) =	vpush v11, $0xF;
	v10 =	vld.idx.msk [tilespmem:v6+s15+$0x0], vm0;
	_ =	sdelay $0x2  }
0x2b4: {  	v7 =	vadd.s32 $0xEA60, v1;
	_ =	sdelay $0x1  }
0x2b5: {  	v9 =	vmax.f32 v10, v9  }
0x2b6: {  	s0 =	sadd.s32 s1, s0;
	[tilespmem:v6+s15+$0x0] =	vst.idx.msk vm0, v9  }
0x2b7: {  	v10 =	vld [tilespmem:s0+$0x0]  }
0x2b8: {  	v11 =	vld.idx.msk [tilespmem:v7+s15+$0x0], vm0;
	_ =	sdelay $0x2  }
0x2b9: {  	v9 =	vadd.s32 $0x11170, v1;
	_ =	sdelay $0x1  }
0x2ba: {  	v10 =	vmax.f32 v11, v10  }
0x2bb: {  	s2 =	sadd.s32 s1, s2;
	[tilespmem:v7+s15+$0x0] =	vst.idx.msk vm0, v10  }
0x2bc: {  	s30 =	spop (v2sf);
	v10 =	vld [tilespmem:s2+$0x0]  }
0x2bd: {  	s1 =	sxor.u32 $0x80000000, s30;
	v11 =	vld.idx.msk [tilespmem:v9+s15+$0x0], vm0  }
0x2be: {  	p1 =	slt.s32 s1, $0x2  }
.Ltmp24:
0x2bf: {  	_ = 	snop;
	(pc) =	sbr.rel @p1 .LBB2_31-.Ltmp24, $3  }
0x2c0: {  	_ =	sdelay $0x1  }
0x2c1: {  	v10 =	vmax.f32 v11, v10  }
0x2c2: {  	[tilespmem:v9+s15+$0x0] =	vst.idx.msk vm0, v10  }
0x2c3: {  	p2 =	sge.s32 s1, $0x3  }
.Ltmp25:
0x2c4: {  	_ = 	snop;
	(pc) =	sbr.rel @!p2 .LBB2_27-.Ltmp25, $2  }
0x2c5: {  	_ =	sdelay $0x2  }
0x2c6: {  	s8 =	simm.s32 $0x3;
	vm1 =	veq.s32 v8, s31;
	p1 =	por $0x0, $0x0  }
0x2c7: {  	_ =	sdelay $0x4  }
0x2c8: {  	v10 =	vld.idx.msk [tilespmem:v1+s15+$0x0], vm1  }
0x2c9: {  	v11 =	vld [tilespmem:s4+$0x0];
	_ =	sdelay $0x4  }
0x2ca: {  	v10 =	vmax.f32 v10, v11  }
0x2cb: {  	[tilespmem:v1+s15+$0x0] =	vst.idx.msk vm1, v10  }
0x2cc: {  	v10 =	vld.idx.msk [tilespmem:v2+s15+$0x0], vm1  }
0x2cd: {  	v11 =	vld [tilespmem:s3+$0x0];
	_ =	sdelay $0x4  }
0x2ce: {  	v10 =	vmax.f32 v10, v11  }
0x2cf: {  	[tilespmem:v2+s15+$0x0] =	vst.idx.msk vm1, v10  }
0x2d0: {  	v10 =	vld.idx.msk [tilespmem:v3+s15+$0x0], vm1  }
0x2d1: {  	v11 =	vld [tilespmem:s10+$0x0];
	_ =	sdelay $0x4  }
0x2d2: {  	v10 =	vmax.f32 v10, v11  }
0x2d3: {  	[tilespmem:v3+s15+$0x0] =	vst.idx.msk vm1, v10  }
0x2d4: {  	v10 =	vld.idx.msk [tilespmem:v4+s15+$0x0], vm1  }
0x2d5: {  	v11 =	vld [tilespmem:s9+$0x0];
	_ =	sdelay $0x4  }
0x2d6: {  	v10 =	vmax.f32 v10, v11  }
0x2d7: {  	[tilespmem:v4+s15+$0x0] =	vst.idx.msk vm1, v10  }
0x2d8: {  	v10 =	vld.idx.msk [tilespmem:v5+s15+$0x0], vm1  }
0x2d9: {  	v11 =	vld [tilespmem:s5+$0x0];
	_ =	sdelay $0x4  }
0x2da: {  	v10 =	vmax.f32 v10, v11  }
0x2db: {  	[tilespmem:v5+s15+$0x0] =	vst.idx.msk vm1, v10  }
0x2dc: {  	v10 =	vld.idx.msk [tilespmem:v6+s15+$0x0], vm1  }
0x2dd: {  	v11 =	vld [tilespmem:s11+$0x0];
	_ =	sdelay $0x4  }
0x2de: {  	v10 =	vmax.f32 v10, v11  }
0x2df: {  	[tilespmem:v6+s15+$0x0] =	vst.idx.msk vm1, v10  }
0x2e0: {  	v10 =	vld.idx.msk [tilespmem:v7+s15+$0x0], vm1  }
0x2e1: {  	v11 =	vld [tilespmem:s0+$0x0];
	_ =	sdelay $0x4  }
0x2e2: {  	v10 =	vmax.f32 v10, v11  }
0x2e3: {  	[tilespmem:v7+s15+$0x0] =	vst.idx.msk vm1, v10  }
0x2e4: {  	v10 =	vld.idx.msk [tilespmem:v9+s15+$0x0], vm1  }
0x2e5: {  	vm0 =	vmmov vm1;
	p2 =	sge.s32 s1, $0x4;
	v11 =	vld [tilespmem:s2+$0x0]  }
.Ltmp26:
0x2e6: {  	_ = 	snop;
	(pc) =	sbr.rel @!p2 .LBB2_30-.Ltmp26, $2  }
0x2e7: {  	_ =	sdelay $0x2  }
0x2e8: {  	s6 =	simm.s32 $0x4;
	p1 =	por $0x1, $0x1;
	vm1 =	veq.s32 v8, s8;
	v10 =	vmax.f32 v10, v11  }
.LBB2_29:
0x2e9: {  	[tilespmem:v9+s15+$0x0] =	vst.idx.msk vm0, v10;
	vm0 =	vmmov vm1;
	s8 =	smov.u32 s6;
	s6 =	sadd.s32 $0x1, s6  }
0x2ea: {  	p2 =	sle.s32 s6, s1;
	v10 =	vld.idx.msk [tilespmem:v1+s15+$0x0], vm1  }
0x2eb: {  	v11 =	vld [tilespmem:s4+$0x0];
	_ =	sdelay $0x4  }
0x2ec: {  	v10 =	vmax.f32 v10, v11  }
0x2ed: {  	[tilespmem:v1+s15+$0x0] =	vst.idx.msk vm1, v10  }
0x2ee: {  	v10 =	vld.idx.msk [tilespmem:v2+s15+$0x0], vm1  }
0x2ef: {  	v11 =	vld [tilespmem:s3+$0x0];
	_ =	sdelay $0x4  }
0x2f0: {  	v10 =	vmax.f32 v10, v11  }
0x2f1: {  	[tilespmem:v2+s15+$0x0] =	vst.idx.msk vm1, v10  }
0x2f2: {  	v10 =	vld.idx.msk [tilespmem:v3+s15+$0x0], vm1  }
0x2f3: {  	v11 =	vld [tilespmem:s10+$0x0];
	_ =	sdelay $0x4  }
0x2f4: {  	v10 =	vmax.f32 v10, v11  }
0x2f5: {  	[tilespmem:v3+s15+$0x0] =	vst.idx.msk vm1, v10  }
0x2f6: {  	v10 =	vld.idx.msk [tilespmem:v4+s15+$0x0], vm1  }
0x2f7: {  	v11 =	vld [tilespmem:s9+$0x0];
	_ =	sdelay $0x4  }
0x2f8: {  	v10 =	vmax.f32 v10, v11  }
0x2f9: {  	[tilespmem:v4+s15+$0x0] =	vst.idx.msk vm1, v10  }
0x2fa: {  	v10 =	vld.idx.msk [tilespmem:v5+s15+$0x0], vm0  }
0x2fb: {  	v11 =	vld [tilespmem:s5+$0x0];
	_ =	sdelay $0x4  }
0x2fc: {  	v10 =	vmax.f32 v10, v11  }
0x2fd: {  	[tilespmem:v5+s15+$0x0] =	vst.idx.msk vm0, v10  }
0x2fe: {  	v10 =	vld.idx.msk [tilespmem:v6+s15+$0x0], vm0  }
0x2ff: {  	v11 =	vld [tilespmem:s11+$0x0];
	_ =	sdelay $0x4  }
0x300: {  	v10 =	vmax.f32 v10, v11  }
0x301: {  	[tilespmem:v6+s15+$0x0] =	vst.idx.msk vm0, v10  }
0x302: {  	v10 =	vld.idx.msk [tilespmem:v7+s15+$0x0], vm0  }
0x303: {  	v11 =	vld [tilespmem:s0+$0x0];
	_ =	sdelay $0x4  }
0x304: {  	v10 =	vmax.f32 v10, v11  }
0x305: {  	[tilespmem:v7+s15+$0x0] =	vst.idx.msk vm0, v10  }
0x306: {  	v10 =	vld.idx.msk [tilespmem:v9+s15+$0x0], vm0  }
0x307: {  	v11 =	vld [tilespmem:s2+$0x0]  }
.Ltmp27:
0x308: {  	vm1 =	veq.s32 v8, s8;
	(pc) =	sbr.rel @p2 .LBB2_29-.Ltmp27, $2  }
0x309: {  	_ =	sdelay $0x2  }
0x30a: {  	v10 =	vmax.f32 v10, v11  }
.Ltmp28:
0x30b: {  	_ = 	snop;
	(pc) =	sbr.rel .LBB2_30-.Ltmp28, $1  }
0x30c: {  	_ =	sdelay $0x3  }
.LBB2_21:
.Ltmp29:
0x30d: {  	(pc) =	sbr.rel .LBB2_24-.Ltmp29, $2  }
0x30e: {  	_ =	sdelay $0x2  }
0x30f: {  	_ = 	snop  }
.LBB2_33:
0x310: {  	_ =	swait.ge [sflag:s13], $0x280  }
.Ltmp30:
0x311: {  	[sflag:s13] =	ssyncset.done $0x0;
	(pc) =	sbr.rel .LBB2_34-.Ltmp30, $4  }
0x312: {  	[sflag:s13] =	ssyncadd.s32 $0xFFFFFD80  }
0x313: {  	_ =	swait.ge [sflag:s14], $0x1400  }
0x314: {  	[sflag:s14] =	ssyncset.done $0x0  }
0x315: {  	s19 =	simm.s32 $0x0;
	[sflag:s14] =	ssyncadd.s32 $0xFFFFEC00  }
.LBB2_49:
0x316: {  	[bflag:$0x0] =	sbarrier.arrive $0xFFFF;
	s1 =	simm.s32 $0x400;
	s2 =	simm.s32 $0x80  }
0x317: {  	s3 =	simm.s32 $0x16580;
	s4 =	simm.s32 $0x5;
	s0 =	rddreg [dreg:$0x9]  }
0x318: {  	[tilespmem:s3], [sflag:$0x5] =	stream.strided.gather [spmem:s0], $0x3E80, s1, s2, $0x38;
	[tilespmem:$0x1C340] =	vst v63  }
0x319: {  	_ =	swait.ge [sflag:s4], $0x3E80  }
0x31a: {  	[sflag:s4] =	ssyncset.done $0x0  }
0x31b: {  	s0 =	simm.s32 $0x0;
	[sflag:s4] =	ssyncadd.s32 $0xFFFFC180  }
0x31c: {  	s1 =	simm.s32 $0x40;
	v1 =	vld [tilespmem:s0+$0x16580]  }
.LBB2_50:
0x31d: {  	p1 =	sne.s32 s1, $0xF9C0;
	v2 =	vld [tilespmem:s0+$0x2D00];
	_ =	sdelay $0x1  }
.Ltmp31:
0x31e: {  	(pc) =	sbr.rel @p1 .LBB2_50-.Ltmp31, $3  }
0x31f: {  	_ =	sdelay $0x1  }
0x320: {  	s2 =	sshra.s32 s1, $0x2;
	v2 =	vmax.f32 v2, v1  }
0x321: {  	s1 =	sadd.s32 $0x40, s1;
	v1 =	vld [tilespmem:s2+$0x16580];
	[tilespmem:s0+$0x2D00] =	vst v2;
	s0 =	smov.u32 s2  }
0x322: {  	v2 =	vld [tilespmem:s0+$0x2D00];
	_ =	sdelay $0x4  }
0x323: {  	v1 =	vmax.f32 v2, v1  }
0x324: {  	[tilespmem:s0+$0x2D00] =	vst v1  }
0x325: {  	[bflag:$0x0] =	sbarrier.arrive $0xFFFF  }
0x326: {  	s2 =	simm.s32 $0x400;
	[bflag:$0x0] =	sbarrier.arrive $0xFFFF  }
0x327: {  	s3 =	simm.s32 $0x80;
	s0 =	simm.s32 $0x16580;
	s1 =	rddreg [dreg:$0x9]  }
0x328: {  	[tilespmem:s0], [sflag:$0x5] =	stream.strided.gather [spmem:s1], $0x3E80, s2, s3, $0x38;
	[tilespmem:$0x1C340] =	vst v63  }
0x329: {  	_ =	swait.ge [sflag:s4], $0x3E80  }
0x32a: {  	[sflag:s4] =	ssyncset.done $0x0  }
0x32b: {  	s30 =	simm.s32 $0x0;
	[sflag:s4] =	ssyncadd.s32 $0xFFFFC180  }
0x32c: {  	s1 =	sand.u32 $0x3FF0, s30;
	s2 =	simm.s32 $0x10;
	v1 =	vld [tilespmem:s0+$0x0]  }
.LBB2_52:
0x32d: {  	p1 =	sne.s32 s2, $0x3E70;
	v2 =	vld [tilespmem:s1+$0x6B80];
	_ =	sdelay $0x2  }
.Ltmp32:
0x32e: {  	(pc) =	sbr.rel @p1 .LBB2_52-.Ltmp32, $4  }
0x32f: {  	_ = 	snop  }
0x330: {  	v1 =	vmax.f32 v2, v1  }
0x331: {  	s0 =	sadd.s32 $0x10, s0;
	[tilespmem:s1+$0x6B80] =	vst v1  }
0x332: {  	s1 =	sand.u32 $0x3FF0, s2;
	s2 =	sadd.s32 $0x10, s2;
	v1 =	vld [tilespmem:s0+$0x0]  }
0x333: {  	v2 =	vld [tilespmem:s1+$0x6B80];
	_ =	sdelay $0x4  }
0x334: {  	v1 =	vmax.f32 v2, v1  }
0x335: {  	[tilespmem:s1+$0x6B80] =	vst v1  }
0x336: {  	[bflag:$0x0] =	sbarrier.arrive $0xFFFF  }
0x337: {  	s0 =	simm.s32 $0x16580;
	[bflag:$0x0] =	sbarrier.arrive $0xFFFF  }
0x338: {  	s2 =	simm.s32 $0x400;
	s3 =	simm.s32 $0x80;
	s29 =	rddreg [dreg:$0x9]  }
0x339: {  	[tilespmem:s0], [sflag:$0x5] =	stream.strided.gather [spmem:s29], $0x3E80, s2, s3, $0x38;
	[tilespmem:$0x1C340] =	vst v63  }
0x33a: {  	_ =	swait.ge [sflag:s4], $0x3E80  }
0x33b: {  	[sflag:s4] =	ssyncset.done $0x0  }
0x33c: {  	s30 =	simm.s32 $0x0;
	[sflag:s4] =	ssyncadd.s32 $0xFFFFC180  }
0x33d: {  	s1 =	sand.u32 $0x3FF0, s30;
	s2 =	simm.s32 $0x10;
	v1 =	vld [tilespmem:s0+$0x0]  }
.LBB2_54:
0x33e: {  	p1 =	sne.s32 s2, $0x3E70;
	v2 =	vld [tilespmem:s1+$0xAA00];
	_ =	sdelay $0x2  }
.Ltmp33:
0x33f: {  	(pc) =	sbr.rel @p1 .LBB2_54-.Ltmp33, $4  }
0x340: {  	_ = 	snop  }
0x341: {  	v1 =	vmax.f32 v2, v1  }
0x342: {  	s0 =	sadd.s32 $0x10, s0;
	[tilespmem:s1+$0xAA00] =	vst v1  }
0x343: {  	s1 =	sand.u32 $0x3FF0, s2;
	s2 =	sadd.s32 $0x10, s2;
	v1 =	vld [tilespmem:s0+$0x0]  }
0x344: {  	v2 =	vld [tilespmem:s1+$0xAA00];
	_ =	sdelay $0x4  }
0x345: {  	v1 =	vmax.f32 v2, v1  }
0x346: {  	[tilespmem:s1+$0xAA00] =	vst v1  }
0x347: {  	[bflag:$0x0] =	sbarrier.arrive $0xFFFF  }
0x348: {  	s0 =	simm.s32 $0x16580;
	[bflag:$0x0] =	sbarrier.arrive $0xFFFF  }
0x349: {  	s2 =	simm.s32 $0x400;
	s3 =	simm.s32 $0x80;
	s29 =	rddreg [dreg:$0x9]  }
0x34a: {  	[tilespmem:s0], [sflag:$0x5] =	stream.strided.gather [spmem:s29], $0x3E80, s2, s3, $0x38;
	[tilespmem:$0x1C340] =	vst v63  }
0x34b: {  	_ =	swait.ge [sflag:s4], $0x3E80  }
0x34c: {  	[sflag:s4] =	ssyncset.done $0x0  }
0x34d: {  	s30 =	simm.s32 $0x0;
	[sflag:s4] =	ssyncadd.s32 $0xFFFFC180  }
0x34e: {  	s1 =	sand.u32 $0x3FF0, s30;
	s2 =	simm.s32 $0x10;
	v1 =	vld [tilespmem:s0+$0x0]  }
.LBB2_56:
0x34f: {  	p1 =	sne.s32 s2, $0x3E70;
	v2 =	vld [tilespmem:s1+$0xE880];
	_ =	sdelay $0x2  }
.Ltmp34:
0x350: {  	(pc) =	sbr.rel @p1 .LBB2_56-.Ltmp34, $4  }
0x351: {  	_ = 	snop  }
0x352: {  	v1 =	vmax.f32 v2, v1  }
0x353: {  	s0 =	sadd.s32 $0x10, s0;
	[tilespmem:s1+$0xE880] =	vst v1  }
0x354: {  	s1 =	sand.u32 $0x3FF0, s2;
	s2 =	sadd.s32 $0x10, s2;
	v1 =	vld [tilespmem:s0+$0x0]  }
0x355: {  	v2 =	vld [tilespmem:s1+$0xE880];
	_ =	sdelay $0x4  }
0x356: {  	v1 =	vmax.f32 v2, v1  }
0x357: {  	[tilespmem:s1+$0xE880] =	vst v1  }
0x358: {  	[bflag:$0x0] =	sbarrier.arrive $0xFFFF  }
0x359: {  	s0 =	simm.s32 $0x16580;
	[bflag:$0x0] =	sbarrier.arrive $0xFFFF  }
0x35a: {  	s2 =	simm.s32 $0x400;
	s3 =	simm.s32 $0x80;
	s29 =	rddreg [dreg:$0x9]  }
0x35b: {  	[tilespmem:s0], [sflag:$0x5] =	stream.strided.gather [spmem:s29], $0x3E80, s2, s3, $0x38;
	[tilespmem:$0x1C340] =	vst v63  }
0x35c: {  	_ =	swait.ge [sflag:s4], $0x3E80  }
0x35d: {  	[sflag:s4] =	ssyncset.done $0x0  }
0x35e: {  	s30 =	simm.s32 $0x0;
	[sflag:s4] =	ssyncadd.s32 $0xFFFFC180  }
0x35f: {  	s1 =	sand.u32 $0x3FF0, s30;
	s2 =	simm.s32 $0x10;
	v1 =	vld [tilespmem:s0+$0x0]  }
.LBB2_58:
0x360: {  	p1 =	sne.s32 s2, $0x3E70;
	v2 =	vld [tilespmem:s1+$0x12700];
	_ =	sdelay $0x2  }
.Ltmp35:
0x361: {  	(pc) =	sbr.rel @p1 .LBB2_58-.Ltmp35, $4  }
0x362: {  	_ = 	snop  }
0x363: {  	v1 =	vmax.f32 v2, v1  }
0x364: {  	s0 =	sadd.s32 $0x10, s0;
	[tilespmem:s1+$0x12700] =	vst v1  }
0x365: {  	s1 =	sand.u32 $0x3FF0, s2;
	s2 =	sadd.s32 $0x10, s2;
	v1 =	vld [tilespmem:s0+$0x0]  }
0x366: {  	v2 =	vld [tilespmem:s1+$0x12700];
	_ =	sdelay $0x4  }
0x367: {  	v1 =	vmax.f32 v2, v1  }
0x368: {  	[tilespmem:s1+$0x12700] =	vst v1  }
0x369: {  	[bflag:$0x0] =	sbarrier.arrive $0xFFFF  }
0x36a: {  	s0 =	simm.s32 $0x0;
	s12 =	rddreg [dreg:$0xa]  }
0x36b: {  	[hbm4b:s12+s0] =	stream.linear.scatter [tilespmem:s15], [sflag:$0x5], $0x2710, $0x38;
	[tilespmem:$0x1C340] =	vst v63  }
0x36c: {  	_ =	swait.ge [sflag:s4], $0x2710  }
0x36d: {  	[sflag:s4] =	ssyncset.done $0x0  }
0x36e: {  	s2 =	simm.s32 $0x5410;
	s16 =	rddreg [dreg:$0xb];
	[sflag:s4] =	ssyncadd.s32 $0xFFFFD8F0  }
0x36f: {  	[hbm4b:s16+s0] =	stream.linear.scatter [tilespmem:s2], [sflag:$0x5], $0x2710, $0x38;
	[tilespmem:$0x1C340] =	vst v63  }
0x370: {  	_ =	swait.ge [sflag:s4], $0x2710  }
0x371: {  	[sflag:s4] =	ssyncset.done $0x0  }
0x372: {  	s19 =	simm.s32 $0x7B20;
	s18 =	rddreg [dreg:$0xc];
	[sflag:s4] =	ssyncadd.s32 $0xFFFFD8F0  }
0x373: {  	[hbm4b:s18+s0] =	stream.linear.scatter [tilespmem:s19], [sflag:$0x5], $0x2710, $0x38;
	[tilespmem:$0x1C340] =	vst v63  }
0x374: {  	_ =	swait.ge [sflag:s4], $0x2710  }
0x375: {  	[sflag:s4] =	ssyncset.done $0x0  }
0x376: {  	s21 =	simm.s32 $0xA230;
	s20 =	rddreg [dreg:$0xd];
	[sflag:s4] =	ssyncadd.s32 $0xFFFFD8F0  }
0x377: {  	[hbm4b:s20+s0] =	stream.linear.scatter [tilespmem:s21], [sflag:$0x5], $0x2710, $0x38;
	[tilespmem:$0x1C340] =	vst v63  }
0x378: {  	_ =	swait.ge [sflag:s4], $0x2710  }
0x379: {  	[sflag:s4] =	ssyncset.done $0x0  }
0x37a: {  	s23 =	simm.s32 $0xC940;
	s22 =	rddreg [dreg:$0xe];
	[sflag:s4] =	ssyncadd.s32 $0xFFFFD8F0  }
0x37b: {  	[hbm4b:s22+s0] =	stream.linear.scatter [tilespmem:s23], [sflag:$0x5], $0x2710, $0x38;
	[tilespmem:$0x1C340] =	vst v63  }
0x37c: {  	_ =	swait.ge [sflag:s4], $0x2710  }
0x37d: {  	[sflag:s4] =	ssyncset.done $0x0  }
0x37e: {  	s25 =	simm.s32 $0xF050;
	s24 =	rddreg [dreg:$0xf];
	[sflag:s4] =	ssyncadd.s32 $0xFFFFD8F0  }
0x37f: {  	[hbm4b:s24+s0] =	stream.linear.scatter [tilespmem:s25], [sflag:$0x5], $0x2710, $0x38;
	[tilespmem:$0x1C340] =	vst v63  }
0x380: {  	_ =	swait.ge [sflag:s4], $0x2710  }
0x381: {  	[sflag:s4] =	ssyncset.done $0x0  }
0x382: {  	s28 =	simm.s32 $0x11760;
	s26 =	rddreg [dreg:$0x10];
	[sflag:s4] =	ssyncadd.s32 $0xFFFFD8F0  }
0x383: {  	[hbm4b:s26+s0] =	stream.linear.scatter [tilespmem:s28], [sflag:$0x5], $0x2710, $0x38;
	[tilespmem:$0x1C340] =	vst v63  }
0x384: {  	_ =	swait.ge [sflag:s4], $0x2710  }
0x385: {  	s30 =	simm.s32 $0x13E70;
	[sflag:s4] =	ssyncset.done $0x0  }
.Ltmp36:
0x386: {  	s29 =	rddreg [dreg:$0x11];
	[sflag:s4] =	ssyncadd.s32 $0xFFFFD8F0;
	(pc) =	sbr.rel .LBB2_60-.Ltmp36, $4  }
0x387: {  	[hbm4b:s29+s0] =	stream.linear.scatter [tilespmem:s30], [sflag:$0x5], $0x2710, $0x38;
	[tilespmem:$0x1C340] =	vst v63  }
0x388: {  	_ =	swait.ge [sflag:s4], $0x2710  }
0x389: {  	[sflag:s4] =	ssyncset.done $0x0  }
0x38a: {  	s1 =	rddreg [dreg:$0x17];
	[sflag:s4] =	ssyncadd.s32 $0xFFFFD8F0  }
.LBB2_42:
0x38b: {  	_ = 	snop  }
.LBB2_45:
0x38c: {  	_ =	sdelay $0x4  }
0x38d: {  	[tilespmem:v8+s15+$0x0] =	vst.idx.msk @p1 vm0, v10  }
0x38e: {  	v9 =	vld.idx.msk [tilespmem:v1+s15+$0x0], vm1  }
0x38f: {  	v10 =	vld [tilespmem:s2+$0x0];
	_ =	sdelay $0x4  }
0x390: {  	v9 =	vmax.f32 v9, v10  }
0x391: {  	[tilespmem:v1+s15+$0x0] =	vst.idx.msk vm1, v9  }
0x392: {  	v1 =	vld.idx.msk [tilespmem:v2+s15+$0x0], vm1  }
0x393: {  	v9 =	vld [tilespmem:s2+$0x80];
	_ =	sdelay $0x4  }
0x394: {  	v1 =	vmax.f32 v1, v9  }
0x395: {  	[tilespmem:v2+s15+$0x0] =	vst.idx.msk vm1, v1  }
0x396: {  	v1 =	vld.idx.msk [tilespmem:v3+s15+$0x0], vm1  }
0x397: {  	v2 =	vld [tilespmem:s2+$0x100];
	_ =	sdelay $0x4  }
0x398: {  	v1 =	vmax.f32 v1, v2  }
0x399: {  	[tilespmem:v3+s15+$0x0] =	vst.idx.msk vm1, v1  }
0x39a: {  	v1 =	vld.idx.msk [tilespmem:v4+s15+$0x0], vm1  }
0x39b: {  	v2 =	vld [tilespmem:s2+$0x180];
	_ =	sdelay $0x4  }
0x39c: {  	v1 =	vmax.f32 v1, v2  }
0x39d: {  	[tilespmem:v4+s15+$0x0] =	vst.idx.msk vm1, v1  }
0x39e: {  	v1 =	vld.idx.msk [tilespmem:v5+s15+$0x0], vm1  }
0x39f: {  	v2 =	vld [tilespmem:s2+$0x200];
	_ =	sdelay $0x4  }
0x3a0: {  	v1 =	vmax.f32 v1, v2  }
0x3a1: {  	[tilespmem:v5+s15+$0x0] =	vst.idx.msk vm1, v1  }
0x3a2: {  	v1 =	vld.idx.msk [tilespmem:v6+s15+$0x0], vm1  }
0x3a3: {  	v2 =	vld [tilespmem:s2+$0x280];
	_ =	sdelay $0x4  }
0x3a4: {  	v1 =	vmax.f32 v1, v2  }
0x3a5: {  	[tilespmem:v6+s15+$0x0] =	vst.idx.msk vm1, v1  }
0x3a6: {  	v1 =	vld.idx.msk [tilespmem:v7+s15+$0x0], vm1  }
0x3a7: {  	v2 =	vld [tilespmem:s2+$0x300];
	_ =	sdelay $0x4  }
0x3a8: {  	v1 =	vmax.f32 v1, v2  }
0x3a9: {  	[tilespmem:v7+s15+$0x0] =	vst.idx.msk vm1, v1  }
0x3aa: {  	v1 =	vld.idx.msk [tilespmem:v8+s15+$0x0], vm1  }
0x3ab: {  	v2 =	vld [tilespmem:s2+$0x380];
	_ =	sdelay $0x4  }
0x3ac: {  	v1 =	vmax.f32 v1, v2  }
0x3ad: {  	vm15 =	vmmov vm1;
	[tilespmem:v8+s15+$0x0] =	vst.idx.msk vm1, v1  }
.LBB2_46:
0x3ae: {  	s19 =	sadd.s32 $0x1, s19  }
0x3af: {  	p1 =	sne.s32 s19, $0x14  }
.Ltmp37:
0x3b0: {  	_ = 	snop;
	(pc) =	sbr.rel @!p1 .LBB2_47-.Ltmp37, $1  }
0x3b1: {  	_ =	sdelay $0x3  }
.LBB2_34:
0x3b2: {  	s0 =	sshll.u32 s19, $0x8  }
0x3b3: {  	s1 =	sshll.u32 s19, $0x5;
	s0 =	sand.u32 $0x1C00, s0  }
0x3b4: {  	s2 =	sand.u32 $0x60, s1;
	s3 =	sshrl.u32 s0, $0x2  }
0x3b5: {  	s1 =	sor.u32 s2, s3  }
0x3b6: {  	v1 =	vld [tilespmem:s1+$0x0];
	_ =	sdelay $0x4  }
0x3b7: {  	(xrf1) =	vunique.msk.u32 $0xffff, v1;
	_ =	sdelay $0xd  }
0x3b8: {  	_, v9, _ =	vpop (xrf1)  }
0x3b9: {  	vm0 =	veq.s32 v9, $0x1;
	_ =	sdelay $0x2  }
0x3ba: {  	s4 =	sadd.s32 $0x500, s0  }
0x3bb: {  	s5 =	sor.u32 s2, s4  }
0x3bc: {  	v3 =	vld [tilespmem:s5+$0x0]  }
0x3bd: {  	v4 =	vld.idx.msk [tilespmem:v1+s15+$0x0], vm0;
	_ =	sdelay $0x2  }
0x3be: {  	v2 =	vadd.s32 $0x2710, v1;
	_ =	sdelay $0x1  }
0x3bf: {  	v3 =	vmax.f32 v4, v3  }
0x3c0: {  	[tilespmem:v1+s15+$0x0] =	vst.idx.msk vm0, v3  }
0x3c1: {  	v4 =	vld [tilespmem:s5+$0x80]  }
0x3c2: {  	v5 =	vld.idx.msk [tilespmem:v2+s15+$0x0], vm0;
	_ =	sdelay $0x2  }
0x3c3: {  	v3 =	vadd.s32 $0x4E20, v1;
	_ =	sdelay $0x1  }
0x3c4: {  	v4 =	vmax.f32 v5, v4  }
0x3c5: {  	[tilespmem:v2+s15+$0x0] =	vst.idx.msk vm0, v4  }
0x3c6: {  	v5 =	vld [tilespmem:s5+$0x100]  }
0x3c7: {  	v6 =	vld.idx.msk [tilespmem:v3+s15+$0x0], vm0;
	_ =	sdelay $0x2  }
0x3c8: {  	v4 =	vadd.s32 $0x7530, v1;
	_ =	sdelay $0x1  }
0x3c9: {  	v5 =	vmax.f32 v6, v5  }
0x3ca: {  	[tilespmem:v3+s15+$0x0] =	vst.idx.msk vm0, v5  }
0x3cb: {  	v6 =	vld [tilespmem:s5+$0x180]  }
0x3cc: {  	v7 =	vld.idx.msk [tilespmem:v4+s15+$0x0], vm0;
	_ =	sdelay $0x2  }
0x3cd: {  	v5 =	vadd.s32 $0x9C40, v1;
	_ =	sdelay $0x1  }
0x3ce: {  	v6 =	vmax.f32 v7, v6  }
0x3cf: {  	[tilespmem:v4+s15+$0x0] =	vst.idx.msk vm0, v6  }
0x3d0: {  	v7 =	vld [tilespmem:s5+$0x200]  }
0x3d1: {  	v10 =	vxor.u32 $0x80000000, v9;
	v8 =	vld.idx.msk [tilespmem:v5+s15+$0x0], vm0  }
0x3d2: {  	(xrf0) =	vmax.scan.msk.u32 $0xffff, v10;
	_ =	sdelay $0x1  }
0x3d3: {  	v6 =	vadd.s32 $0xC350, v1;
	_ =	sdelay $0x1  }
0x3d4: {  	v7 =	vmax.f32 v8, v7  }
0x3d5: {  	[tilespmem:v5+s15+$0x0] =	vst.idx.msk vm0, v7  }
0x3d6: {  	v11, _, _ =	vpop (xrf0);
	v8 =	vld [tilespmem:s5+$0x280]  }
0x3d7: {  	(v2sf) =	vpush v11, $0xF;
	v10 =	vld.idx.msk [tilespmem:v6+s15+$0x0], vm0;
	_ =	sdelay $0x2  }
0x3d8: {  	v7 =	vadd.s32 $0xEA60, v1;
	_ =	sdelay $0x1  }
0x3d9: {  	v8 =	vmax.f32 v10, v8  }
0x3da: {  	[tilespmem:v6+s15+$0x0] =	vst.idx.msk vm0, v8  }
0x3db: {  	v10 =	vld [tilespmem:s5+$0x300]  }
0x3dc: {  	v11 =	vld.idx.msk [tilespmem:v7+s15+$0x0], vm0;
	_ =	sdelay $0x2  }
0x3dd: {  	v8 =	vadd.s32 $0x11170, v1;
	_ =	sdelay $0x1  }
0x3de: {  	v10 =	vmax.f32 v11, v10  }
0x3df: {  	[tilespmem:v7+s15+$0x0] =	vst.idx.msk vm0, v10  }
0x3e0: {  	s30 =	spop (v2sf);
	v10 =	vld [tilespmem:s5+$0x380]  }
0x3e1: {  	s1 =	sxor.u32 $0x80000000, s30;
	v11 =	vld.idx.msk [tilespmem:v8+s15+$0x0], vm0  }
0x3e2: {  	p1 =	slt.s32 s1, $0x2  }
.Ltmp38:
0x3e3: {  	_ = 	snop;
	(pc) =	sbr.rel @p1 .LBB2_40-.Ltmp38, $3  }
0x3e4: {  	_ =	sdelay $0x1  }
0x3e5: {  	v10 =	vmax.f32 v11, v10  }
0x3e6: {  	s0 =	simm.s32 $0x2;
	[tilespmem:v8+s15+$0x0] =	vst.idx.msk vm0, v10  }
0x3e7: {  	p2 =	sge.s32 s1, $0x3  }
.Ltmp39:
0x3e8: {  	_ = 	snop;
	(pc) =	sbr.rel @!p2 .LBB2_36-.Ltmp39, $2  }
0x3e9: {  	_ =	sdelay $0x2  }
0x3ea: {  	s8 =	simm.s32 $0x3;
	vm1 =	veq.s32 v9, s0;
	p1 =	por $0x0, $0x0  }
0x3eb: {  	_ =	sdelay $0x4  }
0x3ec: {  	v10 =	vld.idx.msk [tilespmem:v1+s15+$0x0], vm1  }
0x3ed: {  	v11 =	vld [tilespmem:s5+$0x0];
	_ =	sdelay $0x4  }
0x3ee: {  	v10 =	vmax.f32 v10, v11  }
0x3ef: {  	[tilespmem:v1+s15+$0x0] =	vst.idx.msk vm1, v10  }
0x3f0: {  	v10 =	vld.idx.msk [tilespmem:v2+s15+$0x0], vm1  }
0x3f1: {  	v11 =	vld [tilespmem:s5+$0x80];
	_ =	sdelay $0x4  }
0x3f2: {  	v10 =	vmax.f32 v10, v11  }
0x3f3: {  	[tilespmem:v2+s15+$0x0] =	vst.idx.msk vm1, v10  }
0x3f4: {  	v10 =	vld.idx.msk [tilespmem:v3+s15+$0x0], vm1  }
0x3f5: {  	v11 =	vld [tilespmem:s5+$0x100];
	_ =	sdelay $0x4  }
0x3f6: {  	v10 =	vmax.f32 v10, v11  }
0x3f7: {  	[tilespmem:v3+s15+$0x0] =	vst.idx.msk vm1, v10  }
0x3f8: {  	v10 =	vld.idx.msk [tilespmem:v4+s15+$0x0], vm1  }
0x3f9: {  	v11 =	vld [tilespmem:s5+$0x180];
	_ =	sdelay $0x4  }
0x3fa: {  	v10 =	vmax.f32 v10, v11  }
0x3fb: {  	[tilespmem:v4+s15+$0x0] =	vst.idx.msk vm1, v10  }
0x3fc: {  	v10 =	vld.idx.msk [tilespmem:v5+s15+$0x0], vm1  }
0x3fd: {  	v11 =	vld [tilespmem:s5+$0x200];
	_ =	sdelay $0x4  }
0x3fe: {  	v10 =	vmax.f32 v10, v11  }
0x3ff: {  	[tilespmem:v5+s15+$0x0] =	vst.idx.msk vm1, v10  }
0x400: {  	v10 =	vld.idx.msk [tilespmem:v6+s15+$0x0], vm1  }
0x401: {  	v11 =	vld [tilespmem:s5+$0x280];
	_ =	sdelay $0x4  }
0x402: {  	v10 =	vmax.f32 v10, v11  }
0x403: {  	[tilespmem:v6+s15+$0x0] =	vst.idx.msk vm1, v10  }
0x404: {  	v10 =	vld.idx.msk [tilespmem:v7+s15+$0x0], vm1  }
0x405: {  	v11 =	vld [tilespmem:s5+$0x300];
	_ =	sdelay $0x4  }
0x406: {  	v10 =	vmax.f32 v10, v11  }
0x407: {  	[tilespmem:v7+s15+$0x0] =	vst.idx.msk vm1, v10  }
0x408: {  	v10 =	vld.idx.msk [tilespmem:v8+s15+$0x0], vm1  }
0x409: {  	vm0 =	vmmov vm1;
	p2 =	sge.s32 s1, $0x4;
	v11 =	vld [tilespmem:s5+$0x380]  }
.Ltmp40:
0x40a: {  	_ = 	snop;
	(pc) =	sbr.rel @!p2 .LBB2_39-.Ltmp40, $2  }
0x40b: {  	_ =	sdelay $0x2  }
0x40c: {  	s6 =	simm.s32 $0x4;
	p1 =	por $0x1, $0x1;
	vm1 =	veq.s32 v9, s8;
	v10 =	vmax.f32 v10, v11  }
.LBB2_38:
0x40d: {  	[tilespmem:v8+s15+$0x0] =	vst.idx.msk vm0, v10;
	vm0 =	vmmov vm1;
	s8 =	smov.u32 s6;
	s6 =	sadd.s32 $0x1, s6  }
0x40e: {  	p2 =	sle.s32 s6, s1;
	v10 =	vld.idx.msk [tilespmem:v1+s15+$0x0], vm1  }
0x40f: {  	v11 =	vld [tilespmem:s5+$0x0];
	_ =	sdelay $0x4  }
0x410: {  	v10 =	vmax.f32 v10, v11  }
0x411: {  	[tilespmem:v1+s15+$0x0] =	vst.idx.msk vm1, v10  }
0x412: {  	v10 =	vld.idx.msk [tilespmem:v2+s15+$0x0], vm1  }
0x413: {  	v11 =	vld [tilespmem:s5+$0x80];
	_ =	sdelay $0x4  }
0x414: {  	v10 =	vmax.f32 v10, v11  }
0x415: {  	[tilespmem:v2+s15+$0x0] =	vst.idx.msk vm1, v10  }
0x416: {  	v10 =	vld.idx.msk [tilespmem:v3+s15+$0x0], vm1  }
0x417: {  	v11 =	vld [tilespmem:s5+$0x100];
	_ =	sdelay $0x4  }
0x418: {  	v10 =	vmax.f32 v10, v11  }
0x419: {  	[tilespmem:v3+s15+$0x0] =	vst.idx.msk vm1, v10  }
0x41a: {  	v10 =	vld.idx.msk [tilespmem:v4+s15+$0x0], vm1  }
0x41b: {  	v11 =	vld [tilespmem:s5+$0x180];
	_ =	sdelay $0x4  }
0x41c: {  	v10 =	vmax.f32 v10, v11  }
0x41d: {  	[tilespmem:v4+s15+$0x0] =	vst.idx.msk vm1, v10  }
0x41e: {  	v10 =	vld.idx.msk [tilespmem:v5+s15+$0x0], vm0  }
0x41f: {  	v11 =	vld [tilespmem:s5+$0x200];
	_ =	sdelay $0x4  }
0x420: {  	v10 =	vmax.f32 v10, v11  }
0x421: {  	[tilespmem:v5+s15+$0x0] =	vst.idx.msk vm0, v10  }
0x422: {  	v10 =	vld.idx.msk [tilespmem:v6+s15+$0x0], vm0  }
0x423: {  	v11 =	vld [tilespmem:s5+$0x280];
	_ =	sdelay $0x4  }
0x424: {  	v10 =	vmax.f32 v10, v11  }
0x425: {  	[tilespmem:v6+s15+$0x0] =	vst.idx.msk vm0, v10  }
0x426: {  	v10 =	vld.idx.msk [tilespmem:v7+s15+$0x0], vm0  }
0x427: {  	v11 =	vld [tilespmem:s5+$0x300];
	_ =	sdelay $0x4  }
0x428: {  	v10 =	vmax.f32 v10, v11  }
0x429: {  	[tilespmem:v7+s15+$0x0] =	vst.idx.msk vm0, v10  }
0x42a: {  	v10 =	vld.idx.msk [tilespmem:v8+s15+$0x0], vm0  }
0x42b: {  	v11 =	vld [tilespmem:s5+$0x380]  }
.Ltmp41:
0x42c: {  	vm1 =	veq.s32 v9, s8;
	(pc) =	sbr.rel @p2 .LBB2_38-.Ltmp41, $2  }
0x42d: {  	_ =	sdelay $0x2  }
0x42e: {  	v10 =	vmax.f32 v10, v11  }
.LBB2_39:
0x42f: {  	_ =	sdelay $0x4  }
0x430: {  	[tilespmem:v8+s15+$0x0] =	vst.idx.msk @p1 vm0, v10  }
0x431: {  	v9 =	vld.idx.msk [tilespmem:v1+s15+$0x0], vm1  }
0x432: {  	v10 =	vld [tilespmem:s5+$0x0];
	_ =	sdelay $0x4  }
0x433: {  	v9 =	vmax.f32 v9, v10  }
0x434: {  	[tilespmem:v1+s15+$0x0] =	vst.idx.msk vm1, v9  }
0x435: {  	v1 =	vld.idx.msk [tilespmem:v2+s15+$0x0], vm1  }
0x436: {  	v9 =	vld [tilespmem:s5+$0x80];
	_ =	sdelay $0x4  }
0x437: {  	v1 =	vmax.f32 v1, v9  }
0x438: {  	[tilespmem:v2+s15+$0x0] =	vst.idx.msk vm1, v1  }
0x439: {  	v1 =	vld.idx.msk [tilespmem:v3+s15+$0x0], vm1  }
0x43a: {  	v2 =	vld [tilespmem:s5+$0x100];
	_ =	sdelay $0x4  }
0x43b: {  	v1 =	vmax.f32 v1, v2  }
0x43c: {  	[tilespmem:v3+s15+$0x0] =	vst.idx.msk vm1, v1  }
0x43d: {  	v1 =	vld.idx.msk [tilespmem:v4+s15+$0x0], vm1  }
0x43e: {  	v2 =	vld [tilespmem:s5+$0x180];
	_ =	sdelay $0x4  }
0x43f: {  	v1 =	vmax.f32 v1, v2  }
0x440: {  	[tilespmem:v4+s15+$0x0] =	vst.idx.msk vm1, v1  }
0x441: {  	v1 =	vld.idx.msk [tilespmem:v5+s15+$0x0], vm1  }
0x442: {  	v2 =	vld [tilespmem:s5+$0x200];
	_ =	sdelay $0x4  }
0x443: {  	v1 =	vmax.f32 v1, v2  }
0x444: {  	[tilespmem:v5+s15+$0x0] =	vst.idx.msk vm1, v1  }
0x445: {  	v1 =	vld.idx.msk [tilespmem:v6+s15+$0x0], vm1  }
0x446: {  	v2 =	vld [tilespmem:s5+$0x280];
	_ =	sdelay $0x4  }
0x447: {  	v1 =	vmax.f32 v1, v2  }
0x448: {  	[tilespmem:v6+s15+$0x0] =	vst.idx.msk vm1, v1  }
0x449: {  	v1 =	vld.idx.msk [tilespmem:v7+s15+$0x0], vm1  }
0x44a: {  	v2 =	vld [tilespmem:s5+$0x300];
	_ =	sdelay $0x4  }
0x44b: {  	v1 =	vmax.f32 v1, v2  }
0x44c: {  	[tilespmem:v7+s15+$0x0] =	vst.idx.msk vm1, v1  }
0x44d: {  	v1 =	vld.idx.msk [tilespmem:v8+s15+$0x0], vm1  }
0x44e: {  	v2 =	vld [tilespmem:s5+$0x380];
	_ =	sdelay $0x4  }
0x44f: {  	v1 =	vmax.f32 v1, v2  }
0x450: {  	vm15 =	vmmov vm1;
	[tilespmem:v8+s15+$0x0] =	vst.idx.msk vm1, v1  }
.LBB2_40:
0x451: {  	s1 =	sor.u32 $0x10, s2  }
0x452: {  	s2 =	sadd.s32 s1, s3  }
0x453: {  	v1 =	vld [tilespmem:s2+$0x0];
	_ =	sdelay $0x4  }
0x454: {  	(xrf1) =	vunique.msk.u32 $0xffff, v1;
	_ =	sdelay $0xd  }
0x455: {  	_, v9, _ =	vpop (xrf1)  }
0x456: {  	vm0 =	veq.s32 v9, $0x1;
	_ =	sdelay $0x3  }
0x457: {  	s2 =	sadd.s32 s1, s4  }
0x458: {  	v3 =	vld [tilespmem:s2+$0x0]  }
0x459: {  	v4 =	vld.idx.msk [tilespmem:v1+s15+$0x0], vm0;
	_ =	sdelay $0x2  }
0x45a: {  	v2 =	vadd.s32 $0x2710, v1;
	_ =	sdelay $0x1  }
0x45b: {  	v3 =	vmax.f32 v4, v3  }
0x45c: {  	[tilespmem:v1+s15+$0x0] =	vst.idx.msk vm0, v3  }
0x45d: {  	v4 =	vld [tilespmem:s2+$0x80]  }
0x45e: {  	v5 =	vld.idx.msk [tilespmem:v2+s15+$0x0], vm0;
	_ =	sdelay $0x2  }
0x45f: {  	v3 =	vadd.s32 $0x4E20, v1;
	_ =	sdelay $0x1  }
0x460: {  	v4 =	vmax.f32 v5, v4  }
0x461: {  	[tilespmem:v2+s15+$0x0] =	vst.idx.msk vm0, v4  }
0x462: {  	v5 =	vld [tilespmem:s2+$0x100]  }
0x463: {  	v6 =	vld.idx.msk [tilespmem:v3+s15+$0x0], vm0;
	_ =	sdelay $0x2  }
0x464: {  	v4 =	vadd.s32 $0x7530, v1;
	_ =	sdelay $0x1  }
0x465: {  	v5 =	vmax.f32 v6, v5  }
0x466: {  	[tilespmem:v3+s15+$0x0] =	vst.idx.msk vm0, v5  }
0x467: {  	v6 =	vld [tilespmem:s2+$0x180]  }
0x468: {  	v7 =	vld.idx.msk [tilespmem:v4+s15+$0x0], vm0;
	_ =	sdelay $0x2  }
0x469: {  	v5 =	vadd.s32 $0x9C40, v1;
	_ =	sdelay $0x1  }
0x46a: {  	v6 =	vmax.f32 v7, v6  }
0x46b: {  	[tilespmem:v4+s15+$0x0] =	vst.idx.msk vm0, v6  }
0x46c: {  	v7 =	vld [tilespmem:s2+$0x200]  }
0x46d: {  	v10 =	vxor.u32 $0x80000000, v9;
	v8 =	vld.idx.msk [tilespmem:v5+s15+$0x0], vm0  }
0x46e: {  	(xrf0) =	vmax.scan.msk.u32 $0xffff, v10;
	_ =	sdelay $0x1  }
0x46f: {  	v6 =	vadd.s32 $0xC350, v1;
	_ =	sdelay $0x1  }
0x470: {  	v7 =	vmax.f32 v8, v7  }
0x471: {  	[tilespmem:v5+s15+$0x0] =	vst.idx.msk vm0, v7  }
0x472: {  	v11, _, _ =	vpop (xrf0);
	v8 =	vld [tilespmem:s2+$0x280]  }
0x473: {  	(v2sf) =	vpush v11, $0xF;
	v10 =	vld.idx.msk [tilespmem:v6+s15+$0x0], vm0;
	_ =	sdelay $0x2  }
0x474: {  	v7 =	vadd.s32 $0xEA60, v1;
	_ =	sdelay $0x1  }
0x475: {  	v8 =	vmax.f32 v10, v8  }
0x476: {  	[tilespmem:v6+s15+$0x0] =	vst.idx.msk vm0, v8  }
0x477: {  	v10 =	vld [tilespmem:s2+$0x300]  }
0x478: {  	v11 =	vld.idx.msk [tilespmem:v7+s15+$0x0], vm0;
	_ =	sdelay $0x2  }
0x479: {  	v8 =	vadd.s32 $0x11170, v1;
	_ =	sdelay $0x1  }
0x47a: {  	v10 =	vmax.f32 v11, v10  }
0x47b: {  	[tilespmem:v7+s15+$0x0] =	vst.idx.msk vm0, v10  }
0x47c: {  	s30 =	spop (v2sf);
	v10 =	vld [tilespmem:s2+$0x380]  }
0x47d: {  	s1 =	sxor.u32 $0x80000000, s30;
	v11 =	vld.idx.msk [tilespmem:v8+s15+$0x0], vm0  }
0x47e: {  	p1 =	slt.s32 s1, $0x2  }
.Ltmp42:
0x47f: {  	_ = 	snop;
	(pc) =	sbr.rel @p1 .LBB2_46-.Ltmp42, $3  }
0x480: {  	_ =	sdelay $0x1  }
0x481: {  	v10 =	vmax.f32 v11, v10  }
0x482: {  	[tilespmem:v8+s15+$0x0] =	vst.idx.msk vm0, v10  }
0x483: {  	p2 =	sge.s32 s1, $0x3  }
.Ltmp43:
0x484: {  	_ = 	snop;
	(pc) =	sbr.rel @!p2 .LBB2_42-.Ltmp43, $2  }
0x485: {  	_ =	sdelay $0x2  }
0x486: {  	s3 =	simm.s32 $0x3;
	vm1 =	veq.s32 v9, s0;
	p1 =	por $0x0, $0x0  }
0x487: {  	_ =	sdelay $0x4  }
0x488: {  	v10 =	vld.idx.msk [tilespmem:v1+s15+$0x0], vm1  }
0x489: {  	v11 =	vld [tilespmem:s2+$0x0];
	_ =	sdelay $0x4  }
0x48a: {  	v10 =	vmax.f32 v10, v11  }
0x48b: {  	[tilespmem:v1+s15+$0x0] =	vst.idx.msk vm1, v10  }
0x48c: {  	v10 =	vld.idx.msk [tilespmem:v2+s15+$0x0], vm1  }
0x48d: {  	v11 =	vld [tilespmem:s2+$0x80];
	_ =	sdelay $0x4  }
0x48e: {  	v10 =	vmax.f32 v10, v11  }
0x48f: {  	[tilespmem:v2+s15+$0x0] =	vst.idx.msk vm1, v10  }
0x490: {  	v10 =	vld.idx.msk [tilespmem:v3+s15+$0x0], vm1  }
0x491: {  	v11 =	vld [tilespmem:s2+$0x100];
	_ =	sdelay $0x4  }
0x492: {  	v10 =	vmax.f32 v10, v11  }
0x493: {  	[tilespmem:v3+s15+$0x0] =	vst.idx.msk vm1, v10  }
0x494: {  	v10 =	vld.idx.msk [tilespmem:v4+s15+$0x0], vm1  }
0x495: {  	v11 =	vld [tilespmem:s2+$0x180];
	_ =	sdelay $0x4  }
0x496: {  	v10 =	vmax.f32 v10, v11  }
0x497: {  	[tilespmem:v4+s15+$0x0] =	vst.idx.msk vm1, v10  }
0x498: {  	v10 =	vld.idx.msk [tilespmem:v5+s15+$0x0], vm1  }
0x499: {  	v11 =	vld [tilespmem:s2+$0x200];
	_ =	sdelay $0x4  }
0x49a: {  	v10 =	vmax.f32 v10, v11  }
0x49b: {  	[tilespmem:v5+s15+$0x0] =	vst.idx.msk vm1, v10  }
0x49c: {  	v10 =	vld.idx.msk [tilespmem:v6+s15+$0x0], vm1  }
0x49d: {  	v11 =	vld [tilespmem:s2+$0x280];
	_ =	sdelay $0x4  }
0x49e: {  	v10 =	vmax.f32 v10, v11  }
0x49f: {  	[tilespmem:v6+s15+$0x0] =	vst.idx.msk vm1, v10  }
0x4a0: {  	v10 =	vld.idx.msk [tilespmem:v7+s15+$0x0], vm1  }
0x4a1: {  	v11 =	vld [tilespmem:s2+$0x300];
	_ =	sdelay $0x4  }
0x4a2: {  	v10 =	vmax.f32 v10, v11  }
0x4a3: {  	[tilespmem:v7+s15+$0x0] =	vst.idx.msk vm1, v10  }
0x4a4: {  	v10 =	vld.idx.msk [tilespmem:v8+s15+$0x0], vm1  }
0x4a5: {  	vm0 =	vmmov vm1;
	p2 =	sge.s32 s1, $0x4;
	v11 =	vld [tilespmem:s2+$0x380]  }
.Ltmp44:
0x4a6: {  	_ = 	snop;
	(pc) =	sbr.rel @!p2 .LBB2_45-.Ltmp44, $2  }
0x4a7: {  	_ =	sdelay $0x2  }
0x4a8: {  	s0 =	simm.s32 $0x4;
	p1 =	por $0x1, $0x1;
	vm1 =	veq.s32 v9, s3;
	v10 =	vmax.f32 v10, v11  }
.LBB2_44:
0x4a9: {  	[tilespmem:v8+s15+$0x0] =	vst.idx.msk vm0, v10;
	vm0 =	vmmov vm1;
	s3 =	smov.u32 s0;
	s0 =	sadd.s32 $0x1, s0  }
0x4aa: {  	p2 =	sle.s32 s0, s1;
	v10 =	vld.idx.msk [tilespmem:v1+s15+$0x0], vm1  }
0x4ab: {  	v11 =	vld [tilespmem:s2+$0x0];
	_ =	sdelay $0x4  }
0x4ac: {  	v10 =	vmax.f32 v10, v11  }
0x4ad: {  	[tilespmem:v1+s15+$0x0] =	vst.idx.msk vm1, v10  }
0x4ae: {  	v10 =	vld.idx.msk [tilespmem:v2+s15+$0x0], vm1  }
0x4af: {  	v11 =	vld [tilespmem:s2+$0x80];
	_ =	sdelay $0x4  }
0x4b0: {  	v10 =	vmax.f32 v10, v11  }
0x4b1: {  	[tilespmem:v2+s15+$0x0] =	vst.idx.msk vm1, v10  }
0x4b2: {  	v10 =	vld.idx.msk [tilespmem:v3+s15+$0x0], vm1  }
0x4b3: {  	v11 =	vld [tilespmem:s2+$0x100];
	_ =	sdelay $0x4  }
0x4b4: {  	v10 =	vmax.f32 v10, v11  }
0x4b5: {  	[tilespmem:v3+s15+$0x0] =	vst.idx.msk vm1, v10  }
0x4b6: {  	v10 =	vld.idx.msk [tilespmem:v4+s15+$0x0], vm1  }
0x4b7: {  	v11 =	vld [tilespmem:s2+$0x180];
	_ =	sdelay $0x4  }
0x4b8: {  	v10 =	vmax.f32 v10, v11  }
0x4b9: {  	[tilespmem:v4+s15+$0x0] =	vst.idx.msk vm1, v10  }
0x4ba: {  	v10 =	vld.idx.msk [tilespmem:v5+s15+$0x0], vm0  }
0x4bb: {  	v11 =	vld [tilespmem:s2+$0x200];
	_ =	sdelay $0x4  }
0x4bc: {  	v10 =	vmax.f32 v10, v11  }
0x4bd: {  	[tilespmem:v5+s15+$0x0] =	vst.idx.msk vm0, v10  }
0x4be: {  	v10 =	vld.idx.msk [tilespmem:v6+s15+$0x0], vm0  }
0x4bf: {  	v11 =	vld [tilespmem:s2+$0x280];
	_ =	sdelay $0x4  }
0x4c0: {  	v10 =	vmax.f32 v10, v11  }
0x4c1: {  	[tilespmem:v6+s15+$0x0] =	vst.idx.msk vm0, v10  }
0x4c2: {  	v10 =	vld.idx.msk [tilespmem:v7+s15+$0x0], vm0  }
0x4c3: {  	v11 =	vld [tilespmem:s2+$0x300];
	_ =	sdelay $0x4  }
0x4c4: {  	v10 =	vmax.f32 v10, v11  }
0x4c5: {  	[tilespmem:v7+s15+$0x0] =	vst.idx.msk vm0, v10  }
0x4c6: {  	v10 =	vld.idx.msk [tilespmem:v8+s15+$0x0], vm0  }
0x4c7: {  	v11 =	vld [tilespmem:s2+$0x380]  }
.Ltmp45:
0x4c8: {  	vm1 =	veq.s32 v9, s3;
	(pc) =	sbr.rel @p2 .LBB2_44-.Ltmp45, $2  }
0x4c9: {  	_ =	sdelay $0x2  }
0x4ca: {  	v10 =	vmax.f32 v10, v11  }
.Ltmp46:
0x4cb: {  	_ = 	snop;
	(pc) =	sbr.rel .LBB2_45-.Ltmp46, $1  }
0x4cc: {  	_ =	sdelay $0x3  }
.LBB2_36:
.Ltmp47:
0x4cd: {  	(pc) =	sbr.rel .LBB2_39-.Ltmp47, $2  }
0x4ce: {  	_ =	sdelay $0x2  }
0x4cf: {  	_ = 	snop  }
.LBB2_61:
0x4d0: {  	_ =	sfence.sel $0x180000  }
0x4d1: {  	[bflag:$0x0] =	sbarrier.arrive $0xFFFF  }
0x4d2: {  	_ =	strace $0x90000047  }
0x4d3: {  	s0 =	stileid.u32;
	[bflag:$0x2] =	sbarrier.arrive $0xFFFF  }
0x4d4: {  	p0 =	sne.s32 s0, $0x0;
	s0 =	rddreg [dreg:$0x3]  }
0x4d5: {  	s0 =	sadd.s32 @!p0 $0x100000, s0  }
0x4d6: {  	[sflag:s0] =	ssyncadd.tile.s32 @!p0 $0x1;
	_ =	shalt  }
.Lfunc_end2:
_tile_overlayer_lowered:
.L_overlay_start_2:
0x4d7: {  	(tag) =	ssettag $0x2  }
0x4d8: {  	s0 =	rddreg [dreg:$0x0];
	s2 =	stileid.u32  }
0x4d9: {  	s1 =	rddreg [dreg:$0x1];
	p0 =	sne.s32 s2, $0x0  }
0x4da: {  	s3 =	rddreg [dreg:$0x2];
	[bflag:$0x3] =	sbarrier.arrive $0xFFFF;
	s2 =	simm.s32 @!p0 $0x1C05  }
0x4db: {  	[timem:s3], [sflag:s2] =	dma.local @!p0 [hbm:s0], s1  }
0x4dc: {  	s0 =	simm.s32 @!p0 $0x5  }
0x4dd: {  	_ =	swait.ge @!p0 [sflag:s0], s1  }
0x4de: {  	s1 =	ssub.s32 @!p0 $0x0, s1;
	[sflag:s0] =	ssyncset.done @!p0 $0x0  }
0x4df: {  	[sflag:s0] =	ssyncadd.s32 @!p0 s1  }
0x4e0: {  	[bflag:$0x3] =	sbarrier.arrive $0xFFFF  }
0x4e1: {  	_ =	shalt  }

</sc_bundles>
